<compile_context>
chip_gen: v7x
topology: tpu7x:2x2x1
jax: 0.10.2.dev20260603
libtpu: 0.0.44.dev20260713+nightly
codegen_flags: <defaults>
</compile_context>

<pallas_src>
import functools

import jax
import jax.numpy as jnp
from jax import lax
from jax.experimental import pallas as pl
from jax.experimental.pallas import tpu as pltpu
from jax.experimental.pallas import tpu_sc as plsc

N = 10000
E = 320000
R = 32
NB = 8
D = 128
E_PER_R = E // R
NBLK_A = 5
BA = N // NBLK_A
NBLK = 10
BN = N // NBLK
CK = 40
EH = E_PER_R // 2
NCH = EH // CK
SRCW = 5008
IBD = 25
NSLOT = 4
NS = 16
RPT = 624
ZROWS = 48


RH = R // 2


def _a_body(att_ref, basis_ref, x_ref, z_ref, w_scr, xb_scr):
    nb = pl.program_id(0)
    rp = pl.program_id(1)

    @pl.when((nb == 0) & (rp == 0))
    def _():
        for rr in range(RH):
            w = att_ref[rr, 0] * basis_ref[0]
            for b in range(1, NB):
                w = w + att_ref[rr, b] * basis_ref[b]
            half = (rr % 2) * D
            w_scr[rr // 2, :, pl.ds(half, D)] = w.astype(jnp.bfloat16)

    @pl.when(rp == 0)
    def _():
        xb_scr[...] = x_ref[...].astype(jnp.bfloat16)

    zz = jnp.dot(xb_scr[...], w_scr[rp], preferred_element_type=jnp.float32)
    z_ref[0] = zz[:, :D]
    z_ref[1] = zz[:, D:]


def _compute_z(att, basis, x):
    return pl.pallas_call(
        _a_body,
        grid=(NBLK_A, RH // 2),
        in_specs=[
            pl.BlockSpec(memory_space=pltpu.SMEM),
            pl.BlockSpec((NB, D, D), lambda nb, rp: (0, 0, 0)),
            pl.BlockSpec((BA, D), lambda nb, rp: (nb, 0)),
        ],
        out_specs=pl.BlockSpec((2, BA, D), lambda nb, rp: (rp, nb, 0)),
        out_shape=jax.ShapeDtypeStruct((RH, N, D), jnp.float32),
        scratch_shapes=[
            pltpu.VMEM((RH // 2, D, 2 * D), jnp.bfloat16),
            pltpu.VMEM((BA, D), jnp.bfloat16),
        ],
    )(att, basis, x)


def _p_body(ei_ref, src_ref, dst_ref):
    src_ref[...] = ei_ref[0]
    dst_ref[...] = ei_ref[1]


def _prep_idx(edge_index):
    return pl.pallas_call(
        _p_body,
        out_shape=[
            jax.ShapeDtypeStruct((E,), jnp.int32),
            jax.ShapeDtypeStruct((E,), jnp.int32),
        ],
    )(edge_index)


def _make_sc_body(r0):
    def _sc_body(zflat, srcf, dst4, out, src_blk, dst_blk,
                 rows_a, rows_b, rows_c, rows_d, acc_sh,
                 sem_a, sem_b, sem_c, sem_d, sem_id):
        cid = lax.axis_index("c")
        sid = lax.axis_index("s")
        rl = sid
        h = cid

        zero16 = jnp.zeros((16,), jnp.float32)

        def _zrow(i, carry):
            for j in range(D // 16):
                rows_a[i, pl.ds(j * 16, 16)] = zero16
            return carry

        lax.fori_loop(0, CK, _zrow, 0)
        row0 = pl.multiple_of(sid * RPT, 8)
        for k in range(RPT // ZROWS):
            pltpu.sync_copy(rows_a.at[pl.ds(0, ZROWS)],
                            acc_sh.at[pl.ds(row0 + k * ZROWS, ZROWS)])

        @pl.when(sid == NS - 1)
        def _():
            pltpu.sync_copy(rows_a.at[pl.ds(0, 16)],
                            acc_sh.at[pl.ds(NS * RPT, N - NS * RPT)])

        plsc.subcore_barrier()

        rbase = rl * N
        ebase = (r0 + rl) * E_PER_R + h * EH
        seg = (r0 + rl) * 2 + h

        pltpu.sync_copy(srcf.at[pl.ds(ebase, EH)], src_blk.at[pl.ds(0, EH)])

        def _radd(k, carry):
            sl = pl.ds(k * 16, 16)
            src_blk[sl] = src_blk[sl] + rbase
            return carry

        lax.fori_loop(0, SRCW // 16, _radd, 0)
        pltpu.sync_copy(dst4.at[seg, 0], dst_blk.at[0])
        pltpu.async_copy(dst4.at[seg, 1], dst_blk.at[1], sem_id)

        def _fire_g(slot, sem, c):
            off = pl.multiple_of(c * CK, 8)
            pltpu.async_copy(zflat.at[src_blk.at[pl.ds(off, CK)]], slot, sem)

        def _fire_s(slot, sem, c):
            pltpu.async_copy(slot,
                             acc_sh.at[dst_blk.at[(c // IBD) % 2, c % IBD]],
                             sem, add=True)

        def _drain_rows(sem, slot):
            pltpu.make_async_copy(zflat.at[pl.ds(0, CK)], slot, sem).wait()

        slots = (rows_a, rows_b, rows_c, rows_d)
        sems = (sem_a, sem_b, sem_c, sem_d)
        _fire_g(rows_a, sem_a, 0)
        _fire_g(rows_b, sem_b, 1)

        def _step(i, k):
            c = 4 * i + k
            s0 = k % NSLOT
            s2 = (k + 2) % NSLOT

            @pl.when(c >= 2)
            def _():
                _drain_rows(sems[s2], slots[s2])

            @pl.when((c % IBD == 1) & (c >= 26) & (c <= NCH - IBD * 2 + 1))
            def _():
                nb2 = c // IBD + 1
                pltpu.async_copy(dst4.at[seg, nb2], dst_blk.at[nb2 % 2],
                                 sem_id)

            @pl.when(((c + 2) % IBD == 0) & (c >= IBD - 2)
                     & (c <= NCH - IBD - 2))
            def _():
                pltpu.make_async_copy(dst4.at[seg, 0], dst_blk.at[0],
                                      sem_id).wait()

            @pl.when(c + 2 < NCH)
            def _():
                _fire_g(slots[s2], sems[s2], c + 2)

            _drain_rows(sems[s0], slots[s0])
            _fire_s(slots[s0], sems[s0], c)

        def _quad(i, carry):
            for k in range(NSLOT):
                _step(i, k)
            return carry

        lax.fori_loop(0, (NCH - 1) // NSLOT, _quad, 0)
        _drain_rows(sems[2], slots[2])
        _drain_rows(sems[0], slots[0])
        _fire_s(slots[0], sems[0], NCH - 1)
        _drain_rows(sems[3], slots[3])
        _drain_rows(sems[0], slots[0])
        plsc.subcore_barrier()

        pltpu.sync_copy(acc_sh.at[pl.ds(row0, RPT)],
                        out.at[cid, pl.ds(row0, RPT)])

        @pl.when(sid == NS - 1)
        def _():
            tail = N - NS * RPT
            pltpu.sync_copy(acc_sh.at[pl.ds(NS * RPT, tail)],
                            out.at[cid, pl.ds(NS * RPT, tail)])

    return _sc_body


def _sc_scatter(zflat, srcf, dst4, r0):
    mesh = plsc.VectorSubcoreMesh(core_axis_name="c", subcore_axis_name="s")
    k = functools.partial(
        pl.kernel,
        out_type=jax.ShapeDtypeStruct((2, N, D), jnp.float32),
        mesh=mesh,
        scratch_types=[
            pltpu.VMEM((SRCW,), jnp.int32),
            pltpu.VMEM((2, IBD, CK), jnp.int32),
            pltpu.VMEM((CK, D), jnp.float32),
            pltpu.VMEM((CK, D), jnp.float32),
            pltpu.VMEM((CK, D), jnp.float32),
            pltpu.VMEM((CK, D), jnp.float32),
            pltpu.VMEM_SHARED((N, D), jnp.float32),
            pltpu.SemaphoreType.DMA,
            pltpu.SemaphoreType.DMA,
            pltpu.SemaphoreType.DMA,
            pltpu.SemaphoreType.DMA,
            pltpu.SemaphoreType.DMA,
        ],
    )(_make_sc_body(r0))
    return k(zflat, srcf, dst4)


def _b_body(p1_ref, p2_ref, x_ref, dest_ref, root_ref, o_ref):
    s = (p1_ref[0] + p1_ref[1]) + (p2_ref[0] + p2_ref[1])
    o_ref[...] = s / dest_ref[...] + jnp.dot(
        x_ref[...], root_ref[...], preferred_element_type=jnp.float32)


def _finish(p1, p2, x, dest, root):
    return pl.pallas_call(
        _b_body,
        grid=(NBLK,),
        in_specs=[
            pl.BlockSpec((2, BN, D), lambda i: (0, i, 0)),
            pl.BlockSpec((2, BN, D), lambda i: (0, i, 0)),
            pl.BlockSpec((BN, D), lambda i: (i, 0)),
            pl.BlockSpec((BN, 1), lambda i: (i, 0)),
            pl.BlockSpec((D, D), lambda i: (0, 0)),
        ],
        out_specs=pl.BlockSpec((BN, D), lambda i: (i, 0)),
        out_shape=jax.ShapeDtypeStruct((N, D), jnp.float32),
    )(p1, p2, x, dest, root)


def kernel(x, edge_index, basis, att, root, dest_dict):
    srcf, dstf = _prep_idx(edge_index)
    dst4 = dstf.reshape(2 * R, NCH // IBD, IBD, CK)
    z1 = _compute_z(att[:RH], basis, x)
    p1 = _sc_scatter(z1.reshape(RH * N, D), srcf, dst4, 0)
    z2 = _compute_z(att[RH:], basis, x)
    p2 = _sc_scatter(z2.reshape(RH * N, D), srcf, dst4, RH)
    return _finish(p1, p2, x, dest_dict, root)

# --- scband reference (transcript-rebuilt; emitter-appended) ---
"""Pipeline reference for scband-se-rgcn-15367392985225 (READ-ONLY COPY).

The authoritative reference and input builder live on the scoring server;
editing this copy changes nothing except your own understanding.
"""

import jax, jax.numpy as jnp
import numpy as np

N = 10000          # nodes ('drug' type)
E = 320000         # total edges across all relations
R = 32             # num_relations
NB = 8             # num_bases
D_IN = 128
D_OUT = 128
E_PER_R = E // R


def setup_inputs(seed: int = 0) -> dict:
    key = jax.random.key(seed)
    ks = jax.random.split(key, 6)
    x = jax.random.normal(ks[0], (N, D_IN), dtype=jnp.float32)
    edge_index = jax.random.randint(ks[1], (2, E), 0, N, dtype=jnp.int32)
    # parameters, initialized per reset_parameters with after_relu=False
    basis = jax.random.normal(ks[2], (NB, D_IN, D_OUT), dtype=jnp.float32) * (1.0 / np.sqrt(D_IN))
    att = jax.random.normal(ks[3], (R, NB), dtype=jnp.float32) * (1.0 / np.sqrt(NB))
    root = jax.random.normal(ks[4], (D_IN, D_OUT), dtype=jnp.float32) * (1.0 / np.sqrt(D_IN))
    # dest_dict: per-node in-degree normalizer (buffer passed to __init__)
    dst = edge_index[1]
    deg = jnp.zeros((N,), dtype=jnp.float32).at[dst].add(1.0)
    dest_dict = jnp.clip(deg, 1.0, None).reshape(N, 1)
    return {"x": x, "edge_index": edge_index, "basis": basis, "att": att, "root": root, "dest_dict": dest_dict}


def reference(x, edge_index, basis, att, root, dest_dict):
    # basis decomposition: w[r] = sum_b att[r,b] * basis[b]
    w = jnp.matmul(att, basis.reshape(NB, D_IN * D_OUT)).reshape(R, D_IN, D_OUT)
    # split edges evenly into R relation-specific edge sets (edge_index_dict)
    ei = edge_index.reshape(2, R, E_PER_R)
    src = ei[0]  # [R, E_PER_R]
    dst = ei[1]  # [R, E_PER_R]
    # per-relation GCN message: x[src] @ w[r], summed over relations (HeteroConv aggr='sum')
    gathered = x[src]                                   # [R, E_PER_R, D_IN]
    msgs = jnp.einsum('rec,rcd->red', gathered, w)      # [R, E_PER_R, D_OUT]
    agg = jnp.zeros((N, D_OUT), dtype=x.dtype).at[dst.reshape(-1)].add(msgs.reshape(-1, D_OUT))
    # divide by dest_dict, add root transform (bias=False)
    averaged = agg / dest_dict
    out = averaged + jnp.matmul(x, root)
    return out

if __name__ == "__main__":
    import jax
    _d = setup_inputs()
    print(jax.jit(kernel)(*tuple(_d.values())))

</pallas_src>

<mosaic_0001>
#map = affine_map<(d0, d1) -> (0, 0)>
#map1 = affine_map<(d0, d1) -> (0)>
#map2 = affine_map<(d0, d1) -> (0, 0, 0, 0)>
#map3 = affine_map<(d0, d1) -> (0, 0, 0)>
module attributes {stable_mosaic.version = 14 : i64} {
  func.func @_sc_body(%arg0: i32, %arg1: i32, %arg2: memref<160000x128xf32, #tpu.memory_space<hbm>>, %arg3: memref<320000xi32, #tpu.memory_space<hbm>>, %arg4: memref<64x5x25x40xi32, #tpu.memory_space<hbm>>, %arg5: memref<2x10000x128xf32, #tpu.memory_space<hbm>>, %arg6: memref<5008xi32, #tpu.memory_space<vmem>>, %arg7: memref<2x25x40xi32, #tpu.memory_space<vmem>>, %arg8: memref<40x128xf32, #tpu.memory_space<vmem>>, %arg9: memref<40x128xf32, #tpu.memory_space<vmem>>, %arg10: memref<40x128xf32, #tpu.memory_space<vmem>>, %arg11: memref<40x128xf32, #tpu.memory_space<vmem>>, %arg12: memref<10000x128xf32, #tpu.memory_space<vmem_shared>>, %arg13: memref<!tpu.dma_semaphore, #tpu.memory_space<semaphore_mem>>, %arg14: memref<!tpu.dma_semaphore, #tpu.memory_space<semaphore_mem>>, %arg15: memref<!tpu.dma_semaphore, #tpu.memory_space<semaphore_mem>>, %arg16: memref<!tpu.dma_semaphore, #tpu.memory_space<semaphore_mem>>, %arg17: memref<!tpu.dma_semaphore, #tpu.memory_space<semaphore_mem>>) attributes {dimension_semantics = [#tpu.dimension_semantics<core_parallel>, #tpu.dimension_semantics<subcore_parallel>], iteration_bounds = array<i64: 2, 16>, scalar_prefetch = 0 : i64, scratch_operands = 12 : i64, tpu.core_type = #tpu.core_type<sc_vector_subcore>, window_params = [{transform_indices = #map}, {transform_indices = #map1}, {transform_indices = #map2}, {transform_indices = #map3}]} {
    %broadcast_in_dim3A = arith.constant 0.000000e+00 : f32
    %broadcast_in_dim3A_0 = vector.broadcast %broadcast_in_dim3A : f32 to vector<16xf32>
    %scan3A = arith.constant 0 : i32
    %scan3A_1 = arith.constant 0 : i32
    %scan3A_2 = arith.constant 40 : i32
    %scan3A_3 = arith.addi %scan3A_1, %scan3A_2 : i32
    %scan3A_4 = arith.constant 1 : i32
    scf.for %scan3A_127 = %scan3A_1 to %scan3A_3 step %scan3A_4  : i32 {
      %swap3A = arith.index_cast %scan3A_127 : i32 to index
      %swap3A_128 = arith.constant 0 : index
      %swap3A_129 = tpu.vector_load %arg8[%swap3A, %swap3A_128] {strides = array<i32>} : memref<40x128xf32, #tpu.memory_space<vmem>>, vector<1x16xf32>,
      %swap3A_130 = vector.shape_cast %swap3A_129 : vector<1x16xf32> to vector<16xf32>
      %swap3A_131 = vector.shape_cast %broadcast_in_dim3A_0 : vector<16xf32> to vector<1x16xf32>
      tpu.vector_store %arg8[%swap3A, %swap3A_128], %swap3A_131 {strides = array<i32>} : memref<40x128xf32, #tpu.memory_space<vmem>>, vector<1x16xf32>,
      %swap3A_132 = arith.index_cast %scan3A_127 : i32 to index
      %swap3A_133 = arith.constant 16 : index
      %swap3A_134 = tpu.vector_load %arg8[%swap3A_132, %swap3A_133] {strides = array<i32>} : memref<40x128xf32, #tpu.memory_space<vmem>>, vector<1x16xf32>,
      %swap3A_135 = vector.shape_cast %swap3A_134 : vector<1x16xf32> to vector<16xf32>
      %swap3A_136 = vector.shape_cast %broadcast_in_dim3A_0 : vector<16xf32> to vector<1x16xf32>
      tpu.vector_store %arg8[%swap3A_132, %swap3A_133], %swap3A_136 {strides = array<i32>} : memref<40x128xf32, #tpu.memory_space<vmem>>, vector<1x16xf32>,
      %swap3A_137 = arith.index_cast %scan3A_127 : i32 to index
      %swap3A_138 = arith.constant 32 : index
      %swap3A_139 = tpu.vector_load %arg8[%swap3A_137, %swap3A_138] {strides = array<i32>} : memref<40x128xf32, #tpu.memory_space<vmem>>, vector<1x16xf32>,
      %swap3A_140 = vector.shape_cast %swap3A_139 : vector<1x16xf32> to vector<16xf32>
      %swap3A_141 = vector.shape_cast %broadcast_in_dim3A_0 : vector<16xf32> to vector<1x16xf32>
      tpu.vector_store %arg8[%swap3A_137, %swap3A_138], %swap3A_141 {strides = array<i32>} : memref<40x128xf32, #tpu.memory_space<vmem>>, vector<1x16xf32>,
      %swap3A_142 = arith.index_cast %scan3A_127 : i32 to index
      %swap3A_143 = arith.constant 48 : index
      %swap3A_144 = tpu.vector_load %arg8[%swap3A_142, %swap3A_143] {strides = array<i32>} : memref<40x128xf32, #tpu.memory_space<vmem>>, vector<1x16xf32>,
      %swap3A_145 = vector.shape_cast %swap3A_144 : vector<1x16xf32> to vector<16xf32>
      %swap3A_146 = vector.shape_cast %broadcast_in_dim3A_0 : vector<16xf32> to vector<1x16xf32>
      tpu.vector_store %arg8[%swap3A_142, %swap3A_143], %swap3A_146 {strides = array<i32>} : memref<40x128xf32, #tpu.memory_space<vmem>>, vector<1x16xf32>,
      %swap3A_147 = arith.index_cast %scan3A_127 : i32 to index
      %swap3A_148 = arith.constant 64 : index
      %swap3A_149 = tpu.vector_load %arg8[%swap3A_147, %swap3A_148] {strides = array<i32>} : memref<40x128xf32, #tpu.memory_space<vmem>>, vector<1x16xf32>,
      %swap3A_150 = vector.shape_cast %swap3A_149 : vector<1x16xf32> to vector<16xf32>
      %swap3A_151 = vector.shape_cast %broadcast_in_dim3A_0 : vector<16xf32> to vector<1x16xf32>
      tpu.vector_store %arg8[%swap3A_147, %swap3A_148], %swap3A_151 {strides = array<i32>} : memref<40x128xf32, #tpu.memory_space<vmem>>, vector<1x16xf32>,
      %swap3A_152 = arith.index_cast %scan3A_127 : i32 to index
      %swap3A_153 = arith.constant 80 : index
      %swap3A_154 = tpu.vector_load %arg8[%swap3A_152, %swap3A_153] {strides = array<i32>} : memref<40x128xf32, #tpu.memory_space<vmem>>, vector<1x16xf32>,
      %swap3A_155 = vector.shape_cast %swap3A_154 : vector<1x16xf32> to vector<16xf32>
      %swap3A_156 = vector.shape_cast %broadcast_in_dim3A_0 : vector<16xf32> to vector<1x16xf32>
      tpu.vector_store %arg8[%swap3A_152, %swap3A_153], %swap3A_156 {strides = array<i32>} : memref<40x128xf32, #tpu.memory_space<vmem>>, vector<1x16xf32>,
      %swap3A_157 = arith.index_cast %scan3A_127 : i32 to index
      %swap3A_158 = arith.constant 96 : index
      %swap3A_159 = tpu.vector_load %arg8[%swap3A_157, %swap3A_158] {strides = array<i32>} : memref<40x128xf32, #tpu.memory_space<vmem>>, vector<1x16xf32>,
      %swap3A_160 = vector.shape_cast %swap3A_159 : vector<1x16xf32> to vector<16xf32>
      %swap3A_161 = vector.shape_cast %broadcast_in_dim3A_0 : vector<16xf32> to vector<1x16xf32>
      tpu.vector_store %arg8[%swap3A_157, %swap3A_158], %swap3A_161 {strides = array<i32>} : memref<40x128xf32, #tpu.memory_space<vmem>>, vector<1x16xf32>,
      %swap3A_162 = arith.index_cast %scan3A_127 : i32 to index
      %swap3A_163 = arith.constant 112 : index
      %swap3A_164 = tpu.vector_load %arg8[%swap3A_162, %swap3A_163] {strides = array<i32>} : memref<40x128xf32, #tpu.memory_space<vmem>>, vector<1x16xf32>,
      %swap3A_165 = vector.shape_cast %swap3A_164 : vector<1x16xf32> to vector<16xf32>
      %swap3A_166 = vector.shape_cast %broadcast_in_dim3A_0 : vector<16xf32> to vector<1x16xf32>
      tpu.vector_store %arg8[%swap3A_162, %swap3A_163], %swap3A_166 {strides = array<i32>} : memref<40x128xf32, #tpu.memory_space<vmem>>, vector<1x16xf32>,
    }
    %scan3A_5 = arith.constant 40 : i32
    %mul3A = arith.constant 624 : i32
    %mul3A_6 = arith.muli %arg1, %mul3A : i32
    %multiple_of3A = tpu.assume_multiple %mul3A_6, 8 : i32
    %add3A = arith.constant 0 : i32
    %add3A_7 = arith.addi %multiple_of3A, %add3A : i32
    "tpu.region"() ({
      %run_scoped3A_127 = tpu.sem_alloc : memref<!tpu.dma_semaphore, #tpu.memory_space<semaphore_mem>>
      %dma_start3A_128 = arith.constant 0 : i32
      %dma_start3A_129 = arith.constant 0 : i32
      %dma_start3A_130 = tpu.memref_slice %arg8[%dma_start3A_128, %dma_start3A_129] : memref<40x128xf32, #tpu.memory_space<vmem>> -> memref<48x128xf32, #tpu.memory_space<vmem>>
      %dma_start3A_131 = arith.constant 0 : i32
      %dma_start3A_132 = tpu.memref_slice %arg12[%add3A_7, %dma_start3A_131] : memref<10000x128xf32, #tpu.memory_space<vmem_shared>> -> memref<48x128xf32, #tpu.memory_space<vmem_shared>>
      %dma_start3A_133 = arith.constant 0 : i32
      %dma_start3A_134 = tpu.memref_slice %arg12[%add3A_7, %dma_start3A_133] : memref<10000x128xf32, #tpu.memory_space<vmem_shared>> -> memref<48x128xf32, #tpu.memory_space<vmem_shared>>
      %dma_start3A_135 = arith.constant 0 : i32
      %dma_start3A_136 = arith.constant 0 : i32
      %dma_start3A_137 = tpu.memref_slice %arg8[%dma_start3A_135, %dma_start3A_136] : memref<40x128xf32, #tpu.memory_space<vmem>> -> memref<48x128xf32, #tpu.memory_space<vmem>>
      tpu.enqueue_dma source(%dma_start3A_137 : memref<48x128xf32, #tpu.memory_space<vmem>>) target(%dma_start3A_134 : memref<48x128xf32, #tpu.memory_space<vmem_shared>>) target_semaphore(%run_scoped3A_127 : memref<!tpu.dma_semaphore, #tpu.memory_space<semaphore_mem>>)
      %dma_wait3A_138 = arith.constant 0 : i32
      %dma_wait3A_139 = arith.constant 0 : i32
      %dma_wait3A_140 = tpu.memref_slice %arg8[%dma_wait3A_138, %dma_wait3A_139] : memref<40x128xf32, #tpu.memory_space<vmem>> -> memref<48x128xf32, #tpu.memory_space<vmem>>
      %dma_wait3A_141 = arith.constant 0 : i32
      %dma_wait3A_142 = tpu.memref_slice %arg12[%add3A_7, %dma_wait3A_141] : memref<10000x128xf32, #tpu.memory_space<vmem_shared>> -> memref<48x128xf32, #tpu.memory_space<vmem_shared>>
      %dma_wait3A_143 = arith.constant 0 : i32
      %dma_wait3A_144 = tpu.memref_slice %arg12[%add3A_7, %dma_wait3A_143] : memref<10000x128xf32, #tpu.memory_space<vmem_shared>> -> memref<48x128xf32, #tpu.memory_space<vmem_shared>>
      %dma_wait3A_145 = arith.constant 0 : i32
      %dma_wait3A_146 = arith.constant 0 : i32
      %dma_wait3A_147 = tpu.memref_slice %arg8[%dma_wait3A_145, %dma_wait3A_146] : memref<40x128xf32, #tpu.memory_space<vmem>> -> memref<48x128xf32, #tpu.memory_space<vmem>>
      tpu.wait_dma2 semaphore(%run_scoped3A_127 : memref<!tpu.dma_semaphore, #tpu.memory_space<semaphore_mem>>) src(%dma_wait3A_147 : memref<48x128xf32, #tpu.memory_space<vmem>>) dst(%dma_wait3A_144 : memref<48x128xf32, #tpu.memory_space<vmem_shared>>)
      tpu.yield
    }) : () -> ()
    %add3A_8 = arith.constant 48 : i32
    %add3A_9 = arith.addi %multiple_of3A, %add3A_8 : i32
    "tpu.region"() ({
      %run_scoped3A_127 = tpu.sem_alloc : memref<!tpu.dma_semaphore, #tpu.memory_space<semaphore_mem>>
      %dma_start3A_128 = arith.constant 0 : i32
      %dma_start3A_129 = arith.constant 0 : i32
      %dma_start3A_130 = tpu.memref_slice %arg8[%dma_start3A_128, %dma_start3A_129] : memref<40x128xf32, #tpu.memory_space<vmem>> -> memref<48x128xf32, #tpu.memory_space<vmem>>
      %dma_start3A_131 = arith.constant 0 : i32
      %dma_start3A_132 = tpu.memref_slice %arg12[%add3A_9, %dma_start3A_131] : memref<10000x128xf32, #tpu.memory_space<vmem_shared>> -> memref<48x128xf32, #tpu.memory_space<vmem_shared>>
      %dma_start3A_133 = arith.constant 0 : i32
      %dma_start3A_134 = tpu.memref_slice %arg12[%add3A_9, %dma_start3A_133] : memref<10000x128xf32, #tpu.memory_space<vmem_shared>> -> memref<48x128xf32, #tpu.memory_space<vmem_shared>>
      %dma_start3A_135 = arith.constant 0 : i32
      %dma_start3A_136 = arith.constant 0 : i32
      %dma_start3A_137 = tpu.memref_slice %arg8[%dma_start3A_135, %dma_start3A_136] : memref<40x128xf32, #tpu.memory_space<vmem>> -> memref<48x128xf32, #tpu.memory_space<vmem>>
      tpu.enqueue_dma source(%dma_start3A_137 : memref<48x128xf32, #tpu.memory_space<vmem>>) target(%dma_start3A_134 : memref<48x128xf32, #tpu.memory_space<vmem_shared>>) target_semaphore(%run_scoped3A_127 : memref<!tpu.dma_semaphore, #tpu.memory_space<semaphore_mem>>)
      %dma_wait3A_138 = arith.constant 0 : i32
      %dma_wait3A_139 = arith.constant 0 : i32
      %dma_wait3A_140 = tpu.memref_slice %arg8[%dma_wait3A_138, %dma_wait3A_139] : memref<40x128xf32, #tpu.memory_space<vmem>> -> memref<48x128xf32, #tpu.memory_space<vmem>>
      %dma_wait3A_141 = arith.constant 0 : i32
      %dma_wait3A_142 = tpu.memref_slice %arg12[%add3A_9, %dma_wait3A_141] : memref<10000x128xf32, #tpu.memory_space<vmem_shared>> -> memref<48x128xf32, #tpu.memory_space<vmem_shared>>
      %dma_wait3A_143 = arith.constant 0 : i32
      %dma_wait3A_144 = tpu.memref_slice %arg12[%add3A_9, %dma_wait3A_143] : memref<10000x128xf32, #tpu.memory_space<vmem_shared>> -> memref<48x128xf32, #tpu.memory_space<vmem_shared>>
      %dma_wait3A_145 = arith.constant 0 : i32
      %dma_wait3A_146 = arith.constant 0 : i32
      %dma_wait3A_147 = tpu.memref_slice %arg8[%dma_wait3A_145, %dma_wait3A_146] : memref<40x128xf32, #tpu.memory_space<vmem>> -> memref<48x128xf32, #tpu.memory_space<vmem>>
      tpu.wait_dma2 semaphore(%run_scoped3A_127 : memref<!tpu.dma_semaphore, #tpu.memory_space<semaphore_mem>>) src(%dma_wait3A_147 : memref<48x128xf32, #tpu.memory_space<vmem>>) dst(%dma_wait3A_144 : memref<48x128xf32, #tpu.memory_space<vmem_shared>>)
      tpu.yield
    }) : () -> ()
    %add3A_10 = arith.constant 96 : i32
    %add3A_11 = arith.addi %multiple_of3A, %add3A_10 : i32
    "tpu.region"() ({
      %run_scoped3A_127 = tpu.sem_alloc : memref<!tpu.dma_semaphore, #tpu.memory_space<semaphore_mem>>
      %dma_start3A_128 = arith.constant 0 : i32
      %dma_start3A_129 = arith.constant 0 : i32
      %dma_start3A_130 = tpu.memref_slice %arg8[%dma_start3A_128, %dma_start3A_129] : memref<40x128xf32, #tpu.memory_space<vmem>> -> memref<48x128xf32, #tpu.memory_space<vmem>>
      %dma_start3A_131 = arith.constant 0 : i32
      %dma_start3A_132 = tpu.memref_slice %arg12[%add3A_11, %dma_start3A_131] : memref<10000x128xf32, #tpu.memory_space<vmem_shared>> -> memref<48x128xf32, #tpu.memory_space<vmem_shared>>
      %dma_start3A_133 = arith.constant 0 : i32
      %dma_start3A_134 = tpu.memref_slice %arg12[%add3A_11, %dma_start3A_133] : memref<10000x128xf32, #tpu.memory_space<vmem_shared>> -> memref<48x128xf32, #tpu.memory_space<vmem_shared>>
      %dma_start3A_135 = arith.constant 0 : i32
      %dma_start3A_136 = arith.constant 0 : i32
      %dma_start3A_137 = tpu.memref_slice %arg8[%dma_start3A_135, %dma_start3A_136] : memref<40x128xf32, #tpu.memory_space<vmem>> -> memref<48x128xf32, #tpu.memory_space<vmem>>
      tpu.enqueue_dma source(%dma_start3A_137 : memref<48x128xf32, #tpu.memory_space<vmem>>) target(%dma_start3A_134 : memref<48x128xf32, #tpu.memory_space<vmem_shared>>) target_semaphore(%run_scoped3A_127 : memref<!tpu.dma_semaphore, #tpu.memory_space<semaphore_mem>>)
      %dma_wait3A_138 = arith.constant 0 : i32
      %dma_wait3A_139 = arith.constant 0 : i32
      %dma_wait3A_140 = tpu.memref_slice %arg8[%dma_wait3A_138, %dma_wait3A_139] : memref<40x128xf32, #tpu.memory_space<vmem>> -> memref<48x128xf32, #tpu.memory_space<vmem>>
      %dma_wait3A_141 = arith.constant 0 : i32
      %dma_wait3A_142 = tpu.memref_slice %arg12[%add3A_11, %dma_wait3A_141] : memref<10000x128xf32, #tpu.memory_space<vmem_shared>> -> memref<48x128xf32, #tpu.memory_space<vmem_shared>>
      %dma_wait3A_143 = arith.constant 0 : i32
      %dma_wait3A_144 = tpu.memref_slice %arg12[%add3A_11, %dma_wait3A_143] : memref<10000x128xf32, #tpu.memory_space<vmem_shared>> -> memref<48x128xf32, #tpu.memory_space<vmem_shared>>
      %dma_wait3A_145 = arith.constant 0 : i32
      %dma_wait3A_146 = arith.constant 0 : i32
      %dma_wait3A_147 = tpu.memref_slice %arg8[%dma_wait3A_145, %dma_wait3A_146] : memref<40x128xf32, #tpu.memory_space<vmem>> -> memref<48x128xf32, #tpu.memory_space<vmem>>
      tpu.wait_dma2 semaphore(%run_scoped3A_127 : memref<!tpu.dma_semaphore, #tpu.memory_space<semaphore_mem>>) src(%dma_wait3A_147 : memref<48x128xf32, #tpu.memory_space<vmem>>) dst(%dma_wait3A_144 : memref<48x128xf32, #tpu.memory_space<vmem_shared>>)
      tpu.yield
    }) : () -> ()
    %add3A_12 = arith.constant 144 : i32
    %add3A_13 = arith.addi %multiple_of3A, %add3A_12 : i32
    "tpu.region"() ({
      %run_scoped3A_127 = tpu.sem_alloc : memref<!tpu.dma_semaphore, #tpu.memory_space<semaphore_mem>>
      %dma_start3A_128 = arith.constant 0 : i32
      %dma_start3A_129 = arith.constant 0 : i32
      %dma_start3A_130 = tpu.memref_slice %arg8[%dma_start3A_128, %dma_start3A_129] : memref<40x128xf32, #tpu.memory_space<vmem>> -> memref<48x128xf32, #tpu.memory_space<vmem>>
      %dma_start3A_131 = arith.constant 0 : i32
      %dma_start3A_132 = tpu.memref_slice %arg12[%add3A_13, %dma_start3A_131] : memref<10000x128xf32, #tpu.memory_space<vmem_shared>> -> memref<48x128xf32, #tpu.memory_space<vmem_shared>>
      %dma_start3A_133 = arith.constant 0 : i32
      %dma_start3A_134 = tpu.memref_slice %arg12[%add3A_13, %dma_start3A_133] : memref<10000x128xf32, #tpu.memory_space<vmem_shared>> -> memref<48x128xf32, #tpu.memory_space<vmem_shared>>
      %dma_start3A_135 = arith.constant 0 : i32
      %dma_start3A_136 = arith.constant 0 : i32
      %dma_start3A_137 = tpu.memref_slice %arg8[%dma_start3A_135, %dma_start3A_136] : memref<40x128xf32, #tpu.memory_space<vmem>> -> memref<48x128xf32, #tpu.memory_space<vmem>>
      tpu.enqueue_dma source(%dma_start3A_137 : memref<48x128xf32, #tpu.memory_space<vmem>>) target(%dma_start3A_134 : memref<48x128xf32, #tpu.memory_space<vmem_shared>>) target_semaphore(%run_scoped3A_127 : memref<!tpu.dma_semaphore, #tpu.memory_space<semaphore_mem>>)
      %dma_wait3A_138 = arith.constant 0 : i32
      %dma_wait3A_139 = arith.constant 0 : i32
      %dma_wait3A_140 = tpu.memref_slice %arg8[%dma_wait3A_138, %dma_wait3A_139] : memref<40x128xf32, #tpu.memory_space<vmem>> -> memref<48x128xf32, #tpu.memory_space<vmem>>
      %dma_wait3A_141 = arith.constant 0 : i32
      %dma_wait3A_142 = tpu.memref_slice %arg12[%add3A_13, %dma_wait3A_141] : memref<10000x128xf32, #tpu.memory_space<vmem_shared>> -> memref<48x128xf32, #tpu.memory_space<vmem_shared>>
      %dma_wait3A_143 = arith.constant 0 : i32
      %dma_wait3A_144 = tpu.memref_slice %arg12[%add3A_13, %dma_wait3A_143] : memref<10000x128xf32, #tpu.memory_space<vmem_shared>> -> memref<48x128xf32, #tpu.memory_space<vmem_shared>>
      %dma_wait3A_145 = arith.constant 0 : i32
      %dma_wait3A_146 = arith.constant 0 : i32
      %dma_wait3A_147 = tpu.memref_slice %arg8[%dma_wait3A_145, %dma_wait3A_146] : memref<40x128xf32, #tpu.memory_space<vmem>> -> memref<48x128xf32, #tpu.memory_space<vmem>>
      tpu.wait_dma2 semaphore(%run_scoped3A_127 : memref<!tpu.dma_semaphore, #tpu.memory_space<semaphore_mem>>) src(%dma_wait3A_147 : memref<48x128xf32, #tpu.memory_space<vmem>>) dst(%dma_wait3A_144 : memref<48x128xf32, #tpu.memory_space<vmem_shared>>)
      tpu.yield
    }) : () -> ()
    %add3A_14 = arith.constant 192 : i32
    %add3A_15 = arith.addi %multiple_of3A, %add3A_14 : i32
    "tpu.region"() ({
      %run_scoped3A_127 = tpu.sem_alloc : memref<!tpu.dma_semaphore, #tpu.memory_space<semaphore_mem>>
      %dma_start3A_128 = arith.constant 0 : i32
      %dma_start3A_129 = arith.constant 0 : i32
      %dma_start3A_130 = tpu.memref_slice %arg8[%dma_start3A_128, %dma_start3A_129] : memref<40x128xf32, #tpu.memory_space<vmem>> -> memref<48x128xf32, #tpu.memory_space<vmem>>
      %dma_start3A_131 = arith.constant 0 : i32
      %dma_start3A_132 = tpu.memref_slice %arg12[%add3A_15, %dma_start3A_131] : memref<10000x128xf32, #tpu.memory_space<vmem_shared>> -> memref<48x128xf32, #tpu.memory_space<vmem_shared>>
      %dma_start3A_133 = arith.constant 0 : i32
      %dma_start3A_134 = tpu.memref_slice %arg12[%add3A_15, %dma_start3A_133] : memref<10000x128xf32, #tpu.memory_space<vmem_shared>> -> memref<48x128xf32, #tpu.memory_space<vmem_shared>>
      %dma_start3A_135 = arith.constant 0 : i32
      %dma_start3A_136 = arith.constant 0 : i32
      %dma_start3A_137 = tpu.memref_slice %arg8[%dma_start3A_135, %dma_start3A_136] : memref<40x128xf32, #tpu.memory_space<vmem>> -> memref<48x128xf32, #tpu.memory_space<vmem>>
      tpu.enqueue_dma source(%dma_start3A_137 : memref<48x128xf32, #tpu.memory_space<vmem>>) target(%dma_start3A_134 : memref<48x128xf32, #tpu.memory_space<vmem_shared>>) target_semaphore(%run_scoped3A_127 : memref<!tpu.dma_semaphore, #tpu.memory_space<semaphore_mem>>)
      %dma_wait3A_138 = arith.constant 0 : i32
      %dma_wait3A_139 = arith.constant 0 : i32
      %dma_wait3A_140 = tpu.memref_slice %arg8[%dma_wait3A_138, %dma_wait3A_139] : memref<40x128xf32, #tpu.memory_space<vmem>> -> memref<48x128xf32, #tpu.memory_space<vmem>>
      %dma_wait3A_141 = arith.constant 0 : i32
      %dma_wait3A_142 = tpu.memref_slice %arg12[%add3A_15, %dma_wait3A_141] : memref<10000x128xf32, #tpu.memory_space<vmem_shared>> -> memref<48x128xf32, #tpu.memory_space<vmem_shared>>
      %dma_wait3A_143 = arith.constant 0 : i32
      %dma_wait3A_144 = tpu.memref_slice %arg12[%add3A_15, %dma_wait3A_143] : memref<10000x128xf32, #tpu.memory_space<vmem_shared>> -> memref<48x128xf32, #tpu.memory_space<vmem_shared>>
      %dma_wait3A_145 = arith.constant 0 : i32
      %dma_wait3A_146 = arith.constant 0 : i32
      %dma_wait3A_147 = tpu.memref_slice %arg8[%dma_wait3A_145, %dma_wait3A_146] : memref<40x128xf32, #tpu.memory_space<vmem>> -> memref<48x128xf32, #tpu.memory_space<vmem>>
      tpu.wait_dma2 semaphore(%run_scoped3A_127 : memref<!tpu.dma_semaphore, #tpu.memory_space<semaphore_mem>>) src(%dma_wait3A_147 : memref<48x128xf32, #tpu.memory_space<vmem>>) dst(%dma_wait3A_144 : memref<48x128xf32, #tpu.memory_space<vmem_shared>>)
      tpu.yield
    }) : () -> ()
    %add3A_16 = arith.constant 240 : i32
    %add3A_17 = arith.addi %multiple_of3A, %add3A_16 : i32
    "tpu.region"() ({
      %run_scoped3A_127 = tpu.sem_alloc : memref<!tpu.dma_semaphore, #tpu.memory_space<semaphore_mem>>
      %dma_start3A_128 = arith.constant 0 : i32
      %dma_start3A_129 = arith.constant 0 : i32
      %dma_start3A_130 = tpu.memref_slice %arg8[%dma_start3A_128, %dma_start3A_129] : memref<40x128xf32, #tpu.memory_space<vmem>> -> memref<48x128xf32, #tpu.memory_space<vmem>>
      %dma_start3A_131 = arith.constant 0 : i32
      %dma_start3A_132 = tpu.memref_slice %arg12[%add3A_17, %dma_start3A_131] : memref<10000x128xf32, #tpu.memory_space<vmem_shared>> -> memref<48x128xf32, #tpu.memory_space<vmem_shared>>
      %dma_start3A_133 = arith.constant 0 : i32
      %dma_start3A_134 = tpu.memref_slice %arg12[%add3A_17, %dma_start3A_133] : memref<10000x128xf32, #tpu.memory_space<vmem_shared>> -> memref<48x128xf32, #tpu.memory_space<vmem_shared>>
      %dma_start3A_135 = arith.constant 0 : i32
      %dma_start3A_136 = arith.constant 0 : i32
      %dma_start3A_137 = tpu.memref_slice %arg8[%dma_start3A_135, %dma_start3A_136] : memref<40x128xf32, #tpu.memory_space<vmem>> -> memref<48x128xf32, #tpu.memory_space<vmem>>
      tpu.enqueue_dma source(%dma_start3A_137 : memref<48x128xf32, #tpu.memory_space<vmem>>) target(%dma_start3A_134 : memref<48x128xf32, #tpu.memory_space<vmem_shared>>) target_semaphore(%run_scoped3A_127 : memref<!tpu.dma_semaphore, #tpu.memory_space<semaphore_mem>>)
      %dma_wait3A_138 = arith.constant 0 : i32
      %dma_wait3A_139 = arith.constant 0 : i32
      %dma_wait3A_140 = tpu.memref_slice %arg8[%dma_wait3A_138, %dma_wait3A_139] : memref<40x128xf32, #tpu.memory_space<vmem>> -> memref<48x128xf32, #tpu.memory_space<vmem>>
      %dma_wait3A_141 = arith.constant 0 : i32
      %dma_wait3A_142 = tpu.memref_slice %arg12[%add3A_17, %dma_wait3A_141] : memref<10000x128xf32, #tpu.memory_space<vmem_shared>> -> memref<48x128xf32, #tpu.memory_space<vmem_shared>>
      %dma_wait3A_143 = arith.constant 0 : i32
      %dma_wait3A_144 = tpu.memref_slice %arg12[%add3A_17, %dma_wait3A_143] : memref<10000x128xf32, #tpu.memory_space<vmem_shared>> -> memref<48x128xf32, #tpu.memory_space<vmem_shared>>
      %dma_wait3A_145 = arith.constant 0 : i32
      %dma_wait3A_146 = arith.constant 0 : i32
      %dma_wait3A_147 = tpu.memref_slice %arg8[%dma_wait3A_145, %dma_wait3A_146] : memref<40x128xf32, #tpu.memory_space<vmem>> -> memref<48x128xf32, #tpu.memory_space<vmem>>
      tpu.wait_dma2 semaphore(%run_scoped3A_127 : memref<!tpu.dma_semaphore, #tpu.memory_space<semaphore_mem>>) src(%dma_wait3A_147 : memref<48x128xf32, #tpu.memory_space<vmem>>) dst(%dma_wait3A_144 : memref<48x128xf32, #tpu.memory_space<vmem_shared>>)
      tpu.yield
    }) : () -> ()
    %add3A_18 = arith.constant 288 : i32
    %add3A_19 = arith.addi %multiple_of3A, %add3A_18 : i32
    "tpu.region"() ({
      %run_scoped3A_127 = tpu.sem_alloc : memref<!tpu.dma_semaphore, #tpu.memory_space<semaphore_mem>>
      %dma_start3A_128 = arith.constant 0 : i32
      %dma_start3A_129 = arith.constant 0 : i32
      %dma_start3A_130 = tpu.memref_slice %arg8[%dma_start3A_128, %dma_start3A_129] : memref<40x128xf32, #tpu.memory_space<vmem>> -> memref<48x128xf32, #tpu.memory_space<vmem>>
      %dma_start3A_131 = arith.constant 0 : i32
      %dma_start3A_132 = tpu.memref_slice %arg12[%add3A_19, %dma_start3A_131] : memref<10000x128xf32, #tpu.memory_space<vmem_shared>> -> memref<48x128xf32, #tpu.memory_space<vmem_shared>>
      %dma_start3A_133 = arith.constant 0 : i32
      %dma_start3A_134 = tpu.memref_slice %arg12[%add3A_19, %dma_start3A_133] : memref<10000x128xf32, #tpu.memory_space<vmem_shared>> -> memref<48x128xf32, #tpu.memory_space<vmem_shared>>
      %dma_start3A_135 = arith.constant 0 : i32
      %dma_start3A_136 = arith.constant 0 : i32
      %dma_start3A_137 = tpu.memref_slice %arg8[%dma_start3A_135, %dma_start3A_136] : memref<40x128xf32, #tpu.memory_space<vmem>> -> memref<48x128xf32, #tpu.memory_space<vmem>>
      tpu.enqueue_dma source(%dma_start3A_137 : memref<48x128xf32, #tpu.memory_space<vmem>>) target(%dma_start3A_134 : memref<48x128xf32, #tpu.memory_space<vmem_shared>>) target_semaphore(%run_scoped3A_127 : memref<!tpu.dma_semaphore, #tpu.memory_space<semaphore_mem>>)
      %dma_wait3A_138 = arith.constant 0 : i32
      %dma_wait3A_139 = arith.constant 0 : i32
      %dma_wait3A_140 = tpu.memref_slice %arg8[%dma_wait3A_138, %dma_wait3A_139] : memref<40x128xf32, #tpu.memory_space<vmem>> -> memref<48x128xf32, #tpu.memory_space<vmem>>
      %dma_wait3A_141 = arith.constant 0 : i32
      %dma_wait3A_142 = tpu.memref_slice %arg12[%add3A_19, %dma_wait3A_141] : memref<10000x128xf32, #tpu.memory_space<vmem_shared>> -> memref<48x128xf32, #tpu.memory_space<vmem_shared>>
      %dma_wait3A_143 = arith.constant 0 : i32
      %dma_wait3A_144 = tpu.memref_slice %arg12[%add3A_19, %dma_wait3A_143] : memref<10000x128xf32, #tpu.memory_space<vmem_shared>> -> memref<48x128xf32, #tpu.memory_space<vmem_shared>>
      %dma_wait3A_145 = arith.constant 0 : i32
      %dma_wait3A_146 = arith.constant 0 : i32
      %dma_wait3A_147 = tpu.memref_slice %arg8[%dma_wait3A_145, %dma_wait3A_146] : memref<40x128xf32, #tpu.memory_space<vmem>> -> memref<48x128xf32, #tpu.memory_space<vmem>>
      tpu.wait_dma2 semaphore(%run_scoped3A_127 : memref<!tpu.dma_semaphore, #tpu.memory_space<semaphore_mem>>) src(%dma_wait3A_147 : memref<48x128xf32, #tpu.memory_space<vmem>>) dst(%dma_wait3A_144 : memref<48x128xf32, #tpu.memory_space<vmem_shared>>)
      tpu.yield
    }) : () -> ()
    %add3A_20 = arith.constant 336 : i32
    %add3A_21 = arith.addi %multiple_of3A, %add3A_20 : i32
    "tpu.region"() ({
      %run_scoped3A_127 = tpu.sem_alloc : memref<!tpu.dma_semaphore, #tpu.memory_space<semaphore_mem>>
      %dma_start3A_128 = arith.constant 0 : i32
      %dma_start3A_129 = arith.constant 0 : i32
      %dma_start3A_130 = tpu.memref_slice %arg8[%dma_start3A_128, %dma_start3A_129] : memref<40x128xf32, #tpu.memory_space<vmem>> -> memref<48x128xf32, #tpu.memory_space<vmem>>
      %dma_start3A_131 = arith.constant 0 : i32
      %dma_start3A_132 = tpu.memref_slice %arg12[%add3A_21, %dma_start3A_131] : memref<10000x128xf32, #tpu.memory_space<vmem_shared>> -> memref<48x128xf32, #tpu.memory_space<vmem_shared>>
      %dma_start3A_133 = arith.constant 0 : i32
      %dma_start3A_134 = tpu.memref_slice %arg12[%add3A_21, %dma_start3A_133] : memref<10000x128xf32, #tpu.memory_space<vmem_shared>> -> memref<48x128xf32, #tpu.memory_space<vmem_shared>>
      %dma_start3A_135 = arith.constant 0 : i32
      %dma_start3A_136 = arith.constant 0 : i32
      %dma_start3A_137 = tpu.memref_slice %arg8[%dma_start3A_135, %dma_start3A_136] : memref<40x128xf32, #tpu.memory_space<vmem>> -> memref<48x128xf32, #tpu.memory_space<vmem>>
      tpu.enqueue_dma source(%dma_start3A_137 : memref<48x128xf32, #tpu.memory_space<vmem>>) target(%dma_start3A_134 : memref<48x128xf32, #tpu.memory_space<vmem_shared>>) target_semaphore(%run_scoped3A_127 : memref<!tpu.dma_semaphore, #tpu.memory_space<semaphore_mem>>)
      %dma_wait3A_138 = arith.constant 0 : i32
      %dma_wait3A_139 = arith.constant 0 : i32
      %dma_wait3A_140 = tpu.memref_slice %arg8[%dma_wait3A_138, %dma_wait3A_139] : memref<40x128xf32, #tpu.memory_space<vmem>> -> memref<48x128xf32, #tpu.memory_space<vmem>>
      %dma_wait3A_141 = arith.constant 0 : i32
      %dma_wait3A_142 = tpu.memref_slice %arg12[%add3A_21, %dma_wait3A_141] : memref<10000x128xf32, #tpu.memory_space<vmem_shared>> -> memref<48x128xf32, #tpu.memory_space<vmem_shared>>
      %dma_wait3A_143 = arith.constant 0 : i32
      %dma_wait3A_144 = tpu.memref_slice %arg12[%add3A_21, %dma_wait3A_143] : memref<10000x128xf32, #tpu.memory_space<vmem_shared>> -> memref<48x128xf32, #tpu.memory_space<vmem_shared>>
      %dma_wait3A_145 = arith.constant 0 : i32
      %dma_wait3A_146 = arith.constant 0 : i32
      %dma_wait3A_147 = tpu.memref_slice %arg8[%dma_wait3A_145, %dma_wait3A_146] : memref<40x128xf32, #tpu.memory_space<vmem>> -> memref<48x128xf32, #tpu.memory_space<vmem>>
      tpu.wait_dma2 semaphore(%run_scoped3A_127 : memref<!tpu.dma_semaphore, #tpu.memory_space<semaphore_mem>>) src(%dma_wait3A_147 : memref<48x128xf32, #tpu.memory_space<vmem>>) dst(%dma_wait3A_144 : memref<48x128xf32, #tpu.memory_space<vmem_shared>>)
      tpu.yield
    }) : () -> ()
    %add3A_22 = arith.constant 384 : i32
    %add3A_23 = arith.addi %multiple_of3A, %add3A_22 : i32
    "tpu.region"() ({
      %run_scoped3A_127 = tpu.sem_alloc : memref<!tpu.dma_semaphore, #tpu.memory_space<semaphore_mem>>
      %dma_start3A_128 = arith.constant 0 : i32
      %dma_start3A_129 = arith.constant 0 : i32
      %dma_start3A_130 = tpu.memref_slice %arg8[%dma_start3A_128, %dma_start3A_129] : memref<40x128xf32, #tpu.memory_space<vmem>> -> memref<48x128xf32, #tpu.memory_space<vmem>>
      %dma_start3A_131 = arith.constant 0 : i32
      %dma_start3A_132 = tpu.memref_slice %arg12[%add3A_23, %dma_start3A_131] : memref<10000x128xf32, #tpu.memory_space<vmem_shared>> -> memref<48x128xf32, #tpu.memory_space<vmem_shared>>
      %dma_start3A_133 = arith.constant 0 : i32
      %dma_start3A_134 = tpu.memref_slice %arg12[%add3A_23, %dma_start3A_133] : memref<10000x128xf32, #tpu.memory_space<vmem_shared>> -> memref<48x128xf32, #tpu.memory_space<vmem_shared>>
      %dma_start3A_135 = arith.constant 0 : i32
      %dma_start3A_136 = arith.constant 0 : i32
      %dma_start3A_137 = tpu.memref_slice %arg8[%dma_start3A_135, %dma_start3A_136] : memref<40x128xf32, #tpu.memory_space<vmem>> -> memref<48x128xf32, #tpu.memory_space<vmem>>
      tpu.enqueue_dma source(%dma_start3A_137 : memref<48x128xf32, #tpu.memory_space<vmem>>) target(%dma_start3A_134 : memref<48x128xf32, #tpu.memory_space<vmem_shared>>) target_semaphore(%run_scoped3A_127 : memref<!tpu.dma_semaphore, #tpu.memory_space<semaphore_mem>>)
      %dma_wait3A_138 = arith.constant 0 : i32
      %dma_wait3A_139 = arith.constant 0 : i32
      %dma_wait3A_140 = tpu.memref_slice %arg8[%dma_wait3A_138, %dma_wait3A_139] : memref<40x128xf32, #tpu.memory_space<vmem>> -> memref<48x128xf32, #tpu.memory_space<vmem>>
      %dma_wait3A_141 = arith.constant 0 : i32
      %dma_wait3A_142 = tpu.memref_slice %arg12[%add3A_23, %dma_wait3A_141] : memref<10000x128xf32, #tpu.memory_space<vmem_shared>> -> memref<48x128xf32, #tpu.memory_space<vmem_shared>>
      %dma_wait3A_143 = arith.constant 0 : i32
      %dma_wait3A_144 = tpu.memref_slice %arg12[%add3A_23, %dma_wait3A_143] : memref<10000x128xf32, #tpu.memory_space<vmem_shared>> -> memref<48x128xf32, #tpu.memory_space<vmem_shared>>
      %dma_wait3A_145 = arith.constant 0 : i32
      %dma_wait3A_146 = arith.constant 0 : i32
      %dma_wait3A_147 = tpu.memref_slice %arg8[%dma_wait3A_145, %dma_wait3A_146] : memref<40x128xf32, #tpu.memory_space<vmem>> -> memref<48x128xf32, #tpu.memory_space<vmem>>
      tpu.wait_dma2 semaphore(%run_scoped3A_127 : memref<!tpu.dma_semaphore, #tpu.memory_space<semaphore_mem>>) src(%dma_wait3A_147 : memref<48x128xf32, #tpu.memory_space<vmem>>) dst(%dma_wait3A_144 : memref<48x128xf32, #tpu.memory_space<vmem_shared>>)
      tpu.yield
    }) : () -> ()
    %add3A_24 = arith.constant 432 : i32
    %add3A_25 = arith.addi %multiple_of3A, %add3A_24 : i32
    "tpu.region"() ({
      %run_scoped3A_127 = tpu.sem_alloc : memref<!tpu.dma_semaphore, #tpu.memory_space<semaphore_mem>>
      %dma_start3A_128 = arith.constant 0 : i32
      %dma_start3A_129 = arith.constant 0 : i32
      %dma_start3A_130 = tpu.memref_slice %arg8[%dma_start3A_128, %dma_start3A_129] : memref<40x128xf32, #tpu.memory_space<vmem>> -> memref<48x128xf32, #tpu.memory_space<vmem>>
      %dma_start3A_131 = arith.constant 0 : i32
      %dma_start3A_132 = tpu.memref_slice %arg12[%add3A_25, %dma_start3A_131] : memref<10000x128xf32, #tpu.memory_space<vmem_shared>> -> memref<48x128xf32, #tpu.memory_space<vmem_shared>>
      %dma_start3A_133 = arith.constant 0 : i32
      %dma_start3A_134 = tpu.memref_slice %arg12[%add3A_25, %dma_start3A_133] : memref<10000x128xf32, #tpu.memory_space<vmem_shared>> -> memref<48x128xf32, #tpu.memory_space<vmem_shared>>
      %dma_start3A_135 = arith.constant 0 : i32
      %dma_start3A_136 = arith.constant 0 : i32
      %dma_start3A_137 = tpu.memref_slice %arg8[%dma_start3A_135, %dma_start3A_136] : memref<40x128xf32, #tpu.memory_space<vmem>> -> memref<48x128xf32, #tpu.memory_space<vmem>>
      tpu.enqueue_dma source(%dma_start3A_137 : memref<48x128xf32, #tpu.memory_space<vmem>>) target(%dma_start3A_134 : memref<48x128xf32, #tpu.memory_space<vmem_shared>>) target_semaphore(%run_scoped3A_127 : memref<!tpu.dma_semaphore, #tpu.memory_space<semaphore_mem>>)
      %dma_wait3A_138 = arith.constant 0 : i32
      %dma_wait3A_139 = arith.constant 0 : i32
      %dma_wait3A_140 = tpu.memref_slice %arg8[%dma_wait3A_138, %dma_wait3A_139] : memref<40x128xf32, #tpu.memory_space<vmem>> -> memref<48x128xf32, #tpu.memory_space<vmem>>
      %dma_wait3A_141 = arith.constant 0 : i32
      %dma_wait3A_142 = tpu.memref_slice %arg12[%add3A_25, %dma_wait3A_141] : memref<10000x128xf32, #tpu.memory_space<vmem_shared>> -> memref<48x128xf32, #tpu.memory_space<vmem_shared>>
      %dma_wait3A_143 = arith.constant 0 : i32
      %dma_wait3A_144 = tpu.memref_slice %arg12[%add3A_25, %dma_wait3A_143] : memref<10000x128xf32, #tpu.memory_space<vmem_shared>> -> memref<48x128xf32, #tpu.memory_space<vmem_shared>>
      %dma_wait3A_145 = arith.constant 0 : i32
      %dma_wait3A_146 = arith.constant 0 : i32
      %dma_wait3A_147 = tpu.memref_slice %arg8[%dma_wait3A_145, %dma_wait3A_146] : memref<40x128xf32, #tpu.memory_space<vmem>> -> memref<48x128xf32, #tpu.memory_space<vmem>>
      tpu.wait_dma2 semaphore(%run_scoped3A_127 : memref<!tpu.dma_semaphore, #tpu.memory_space<semaphore_mem>>) src(%dma_wait3A_147 : memref<48x128xf32, #tpu.memory_space<vmem>>) dst(%dma_wait3A_144 : memref<48x128xf32, #tpu.memory_space<vmem_shared>>)
      tpu.yield
    }) : () -> ()
    %add3A_26 = arith.constant 480 : i32
    %add3A_27 = arith.addi %multiple_of3A, %add3A_26 : i32
    "tpu.region"() ({
      %run_scoped3A_127 = tpu.sem_alloc : memref<!tpu.dma_semaphore, #tpu.memory_space<semaphore_mem>>
      %dma_start3A_128 = arith.constant 0 : i32
      %dma_start3A_129 = arith.constant 0 : i32
      %dma_start3A_130 = tpu.memref_slice %arg8[%dma_start3A_128, %dma_start3A_129] : memref<40x128xf32, #tpu.memory_space<vmem>> -> memref<48x128xf32, #tpu.memory_space<vmem>>
      %dma_start3A_131 = arith.constant 0 : i32
      %dma_start3A_132 = tpu.memref_slice %arg12[%add3A_27, %dma_start3A_131] : memref<10000x128xf32, #tpu.memory_space<vmem_shared>> -> memref<48x128xf32, #tpu.memory_space<vmem_shared>>
      %dma_start3A_133 = arith.constant 0 : i32
      %dma_start3A_134 = tpu.memref_slice %arg12[%add3A_27, %dma_start3A_133] : memref<10000x128xf32, #tpu.memory_space<vmem_shared>> -> memref<48x128xf32, #tpu.memory_space<vmem_shared>>
      %dma_start3A_135 = arith.constant 0 : i32
      %dma_start3A_136 = arith.constant 0 : i32
      %dma_start3A_137 = tpu.memref_slice %arg8[%dma_start3A_135, %dma_start3A_136] : memref<40x128xf32, #tpu.memory_space<vmem>> -> memref<48x128xf32, #tpu.memory_space<vmem>>
      tpu.enqueue_dma source(%dma_start3A_137 : memref<48x128xf32, #tpu.memory_space<vmem>>) target(%dma_start3A_134 : memref<48x128xf32, #tpu.memory_space<vmem_shared>>) target_semaphore(%run_scoped3A_127 : memref<!tpu.dma_semaphore, #tpu.memory_space<semaphore_mem>>)
      %dma_wait3A_138 = arith.constant 0 : i32
      %dma_wait3A_139 = arith.constant 0 : i32
      %dma_wait3A_140 = tpu.memref_slice %arg8[%dma_wait3A_138, %dma_wait3A_139] : memref<40x128xf32, #tpu.memory_space<vmem>> -> memref<48x128xf32, #tpu.memory_space<vmem>>
      %dma_wait3A_141 = arith.constant 0 : i32
      %dma_wait3A_142 = tpu.memref_slice %arg12[%add3A_27, %dma_wait3A_141] : memref<10000x128xf32, #tpu.memory_space<vmem_shared>> -> memref<48x128xf32, #tpu.memory_space<vmem_shared>>
      %dma_wait3A_143 = arith.constant 0 : i32
      %dma_wait3A_144 = tpu.memref_slice %arg12[%add3A_27, %dma_wait3A_143] : memref<10000x128xf32, #tpu.memory_space<vmem_shared>> -> memref<48x128xf32, #tpu.memory_space<vmem_shared>>
      %dma_wait3A_145 = arith.constant 0 : i32
      %dma_wait3A_146 = arith.constant 0 : i32
      %dma_wait3A_147 = tpu.memref_slice %arg8[%dma_wait3A_145, %dma_wait3A_146] : memref<40x128xf32, #tpu.memory_space<vmem>> -> memref<48x128xf32, #tpu.memory_space<vmem>>
      tpu.wait_dma2 semaphore(%run_scoped3A_127 : memref<!tpu.dma_semaphore, #tpu.memory_space<semaphore_mem>>) src(%dma_wait3A_147 : memref<48x128xf32, #tpu.memory_space<vmem>>) dst(%dma_wait3A_144 : memref<48x128xf32, #tpu.memory_space<vmem_shared>>)
      tpu.yield
    }) : () -> ()
    %add3A_28 = arith.constant 528 : i32
    %add3A_29 = arith.addi %multiple_of3A, %add3A_28 : i32
    "tpu.region"() ({
      %run_scoped3A_127 = tpu.sem_alloc : memref<!tpu.dma_semaphore, #tpu.memory_space<semaphore_mem>>
      %dma_start3A_128 = arith.constant 0 : i32
      %dma_start3A_129 = arith.constant 0 : i32
      %dma_start3A_130 = tpu.memref_slice %arg8[%dma_start3A_128, %dma_start3A_129] : memref<40x128xf32, #tpu.memory_space<vmem>> -> memref<48x128xf32, #tpu.memory_space<vmem>>
      %dma_start3A_131 = arith.constant 0 : i32
      %dma_start3A_132 = tpu.memref_slice %arg12[%add3A_29, %dma_start3A_131] : memref<10000x128xf32, #tpu.memory_space<vmem_shared>> -> memref<48x128xf32, #tpu.memory_space<vmem_shared>>
      %dma_start3A_133 = arith.constant 0 : i32
      %dma_start3A_134 = tpu.memref_slice %arg12[%add3A_29, %dma_start3A_133] : memref<10000x128xf32, #tpu.memory_space<vmem_shared>> -> memref<48x128xf32, #tpu.memory_space<vmem_shared>>
      %dma_start3A_135 = arith.constant 0 : i32
      %dma_start3A_136 = arith.constant 0 : i32
      %dma_start3A_137 = tpu.memref_slice %arg8[%dma_start3A_135, %dma_start3A_136] : memref<40x128xf32, #tpu.memory_space<vmem>> -> memref<48x128xf32, #tpu.memory_space<vmem>>
      tpu.enqueue_dma source(%dma_start3A_137 : memref<48x128xf32, #tpu.memory_space<vmem>>) target(%dma_start3A_134 : memref<48x128xf32, #tpu.memory_space<vmem_shared>>) target_semaphore(%run_scoped3A_127 : memref<!tpu.dma_semaphore, #tpu.memory_space<semaphore_mem>>)
      %dma_wait3A_138 = arith.constant 0 : i32
      %dma_wait3A_139 = arith.constant 0 : i32
      %dma_wait3A_140 = tpu.memref_slice %arg8[%dma_wait3A_138, %dma_wait3A_139] : memref<40x128xf32, #tpu.memory_space<vmem>> -> memref<48x128xf32, #tpu.memory_space<vmem>>
      %dma_wait3A_141 = arith.constant 0 : i32
      %dma_wait3A_142 = tpu.memref_slice %arg12[%add3A_29, %dma_wait3A_141] : memref<10000x128xf32, #tpu.memory_space<vmem_shared>> -> memref<48x128xf32, #tpu.memory_space<vmem_shared>>
      %dma_wait3A_143 = arith.constant 0 : i32
      %dma_wait3A_144 = tpu.memref_slice %arg12[%add3A_29, %dma_wait3A_143] : memref<10000x128xf32, #tpu.memory_space<vmem_shared>> -> memref<48x128xf32, #tpu.memory_space<vmem_shared>>
      %dma_wait3A_145 = arith.constant 0 : i32
      %dma_wait3A_146 = arith.constant 0 : i32
      %dma_wait3A_147 = tpu.memref_slice %arg8[%dma_wait3A_145, %dma_wait3A_146] : memref<40x128xf32, #tpu.memory_space<vmem>> -> memref<48x128xf32, #tpu.memory_space<vmem>>
      tpu.wait_dma2 semaphore(%run_scoped3A_127 : memref<!tpu.dma_semaphore, #tpu.memory_space<semaphore_mem>>) src(%dma_wait3A_147 : memref<48x128xf32, #tpu.memory_space<vmem>>) dst(%dma_wait3A_144 : memref<48x128xf32, #tpu.memory_space<vmem_shared>>)
      tpu.yield
    }) : () -> ()
    %add3A_30 = arith.constant 576 : i32
    %add3A_31 = arith.addi %multiple_of3A, %add3A_30 : i32
    "tpu.region"() ({
      %run_scoped3A_127 = tpu.sem_alloc : memref<!tpu.dma_semaphore, #tpu.memory_space<semaphore_mem>>
      %dma_start3A_128 = arith.constant 0 : i32
      %dma_start3A_129 = arith.constant 0 : i32
      %dma_start3A_130 = tpu.memref_slice %arg8[%dma_start3A_128, %dma_start3A_129] : memref<40x128xf32, #tpu.memory_space<vmem>> -> memref<48x128xf32, #tpu.memory_space<vmem>>
      %dma_start3A_131 = arith.constant 0 : i32
      %dma_start3A_132 = tpu.memref_slice %arg12[%add3A_31, %dma_start3A_131] : memref<10000x128xf32, #tpu.memory_space<vmem_shared>> -> memref<48x128xf32, #tpu.memory_space<vmem_shared>>
      %dma_start3A_133 = arith.constant 0 : i32
      %dma_start3A_134 = tpu.memref_slice %arg12[%add3A_31, %dma_start3A_133] : memref<10000x128xf32, #tpu.memory_space<vmem_shared>> -> memref<48x128xf32, #tpu.memory_space<vmem_shared>>
      %dma_start3A_135 = arith.constant 0 : i32
      %dma_start3A_136 = arith.constant 0 : i32
      %dma_start3A_137 = tpu.memref_slice %arg8[%dma_start3A_135, %dma_start3A_136] : memref<40x128xf32, #tpu.memory_space<vmem>> -> memref<48x128xf32, #tpu.memory_space<vmem>>
      tpu.enqueue_dma source(%dma_start3A_137 : memref<48x128xf32, #tpu.memory_space<vmem>>) target(%dma_start3A_134 : memref<48x128xf32, #tpu.memory_space<vmem_shared>>) target_semaphore(%run_scoped3A_127 : memref<!tpu.dma_semaphore, #tpu.memory_space<semaphore_mem>>)
      %dma_wait3A_138 = arith.constant 0 : i32
      %dma_wait3A_139 = arith.constant 0 : i32
      %dma_wait3A_140 = tpu.memref_slice %arg8[%dma_wait3A_138, %dma_wait3A_139] : memref<40x128xf32, #tpu.memory_space<vmem>> -> memref<48x128xf32, #tpu.memory_space<vmem>>
      %dma_wait3A_141 = arith.constant 0 : i32
      %dma_wait3A_142 = tpu.memref_slice %arg12[%add3A_31, %dma_wait3A_141] : memref<10000x128xf32, #tpu.memory_space<vmem_shared>> -> memref<48x128xf32, #tpu.memory_space<vmem_shared>>
      %dma_wait3A_143 = arith.constant 0 : i32
      %dma_wait3A_144 = tpu.memref_slice %arg12[%add3A_31, %dma_wait3A_143] : memref<10000x128xf32, #tpu.memory_space<vmem_shared>> -> memref<48x128xf32, #tpu.memory_space<vmem_shared>>
      %dma_wait3A_145 = arith.constant 0 : i32
      %dma_wait3A_146 = arith.constant 0 : i32
      %dma_wait3A_147 = tpu.memref_slice %arg8[%dma_wait3A_145, %dma_wait3A_146] : memref<40x128xf32, #tpu.memory_space<vmem>> -> memref<48x128xf32, #tpu.memory_space<vmem>>
      tpu.wait_dma2 semaphore(%run_scoped3A_127 : memref<!tpu.dma_semaphore, #tpu.memory_space<semaphore_mem>>) src(%dma_wait3A_147 : memref<48x128xf32, #tpu.memory_space<vmem>>) dst(%dma_wait3A_144 : memref<48x128xf32, #tpu.memory_space<vmem_shared>>)
      tpu.yield
    }) : () -> ()
    %eq3A = arith.constant 15 : i32
    %eq3A_32 = arith.cmpi eq, %arg1, %eq3A : i32
    %convert_element_type3A = arith.extui %eq3A_32 : i1 to i32
    %cond3A = arith.constant 0 : i32
    %cond3A_33 = arith.cmpi ne, %convert_element_type3A, %cond3A : i32
    scf.if %cond3A_33 {
      "tpu.region"() ({
        %run_scoped3A_127 = tpu.sem_alloc : memref<!tpu.dma_semaphore, #tpu.memory_space<semaphore_mem>>
        %dma_start3A_128 = arith.constant 0 : i32
        %dma_start3A_129 = arith.constant 0 : i32
        %dma_start3A_130 = tpu.memref_slice %arg8[%dma_start3A_128, %dma_start3A_129] : memref<40x128xf32, #tpu.memory_space<vmem>> -> memref<16x128xf32, #tpu.memory_space<vmem>>
        %dma_start3A_131 = arith.constant 9984 : i32
        %dma_start3A_132 = arith.constant 0 : i32
        %dma_start3A_133 = tpu.memref_slice %arg12[%dma_start3A_131, %dma_start3A_132] : memref<10000x128xf32, #tpu.memory_space<vmem_shared>> -> memref<16x128xf32, #tpu.memory_space<vmem_shared>>
        %dma_start3A_134 = arith.constant 9984 : i32
        %dma_start3A_135 = arith.constant 0 : i32
        %dma_start3A_136 = tpu.memref_slice %arg12[%dma_start3A_134, %dma_start3A_135] : memref<10000x128xf32, #tpu.memory_space<vmem_shared>> -> memref<16x128xf32, #tpu.memory_space<vmem_shared>>
        %dma_start3A_137 = arith.constant 0 : i32
        %dma_start3A_138 = arith.constant 0 : i32
        %dma_start3A_139 = tpu.memref_slice %arg8[%dma_start3A_137, %dma_start3A_138] : memref<40x128xf32, #tpu.memory_space<vmem>> -> memref<16x128xf32, #tpu.memory_space<vmem>>
        tpu.enqueue_dma source(%dma_start3A_139 : memref<16x128xf32, #tpu.memory_space<vmem>>) target(%dma_start3A_136 : memref<16x128xf32, #tpu.memory_space<vmem_shared>>) target_semaphore(%run_scoped3A_127 : memref<!tpu.dma_semaphore, #tpu.memory_space<semaphore_mem>>)
        %dma_wait3A_140 = arith.constant 0 : i32
        %dma_wait3A_141 = arith.constant 0 : i32
        %dma_wait3A_142 = tpu.memref_slice %arg8[%dma_wait3A_140, %dma_wait3A_141] : memref<40x128xf32, #tpu.memory_space<vmem>> -> memref<16x128xf32, #tpu.memory_space<vmem>>
        %dma_wait3A_143 = arith.constant 9984 : i32
        %dma_wait3A_144 = arith.constant 0 : i32
        %dma_wait3A_145 = tpu.memref_slice %arg12[%dma_wait3A_143, %dma_wait3A_144] : memref<10000x128xf32, #tpu.memory_space<vmem_shared>> -> memref<16x128xf32, #tpu.memory_space<vmem_shared>>
        %dma_wait3A_146 = arith.constant 9984 : i32
        %dma_wait3A_147 = arith.constant 0 : i32
        %dma_wait3A_148 = tpu.memref_slice %arg12[%dma_wait3A_146, %dma_wait3A_147] : memref<10000x128xf32, #tpu.memory_space<vmem_shared>> -> memref<16x128xf32, #tpu.memory_space<vmem_shared>>
        %dma_wait3A_149 = arith.constant 0 : i32
        %dma_wait3A_150 = arith.constant 0 : i32
        %dma_wait3A_151 = tpu.memref_slice %arg8[%dma_wait3A_149, %dma_wait3A_150] : memref<40x128xf32, #tpu.memory_space<vmem>> -> memref<16x128xf32, #tpu.memory_space<vmem>>
        tpu.wait_dma2 semaphore(%run_scoped3A_127 : memref<!tpu.dma_semaphore, #tpu.memory_space<semaphore_mem>>) src(%dma_wait3A_151 : memref<16x128xf32, #tpu.memory_space<vmem>>) dst(%dma_wait3A_148 : memref<16x128xf32, #tpu.memory_space<vmem_shared>>)
        tpu.yield
      }) : () -> ()
    } else {
    }
    %barrier3A = arith.constant 0 : index
    tpu.barrier barrier_id(%barrier3A)
    %mul3A_34 = arith.constant 10000 : i32
    %mul3A_35 = arith.muli %arg1, %mul3A_34 : i32
    %add3A_36 = arith.constant 16 : i32
    %add3A_37 = arith.addi %add3A_36, %arg1 : i32
    %mul3A_38 = arith.constant 10000 : i32
    %mul3A_39 = arith.muli %add3A_37, %mul3A_38 : i32
    %mul3A_40 = arith.constant 5000 : i32
    %mul3A_41 = arith.muli %arg0, %mul3A_40 : i32
    %add3A_42 = arith.addi %mul3A_39, %mul3A_41 : i32
    %add3A_43 = arith.constant 16 : i32
    %add3A_44 = arith.addi %add3A_43, %arg1 : i32
    %mul3A_45 = arith.constant 2 : i32
    %mul3A_46 = arith.muli %add3A_44, %mul3A_45 : i32
    %add3A_47 = arith.addi %mul3A_46, %arg0 : i32
    "tpu.region"() ({
      %run_scoped3A_127 = tpu.sem_alloc : memref<!tpu.dma_semaphore, #tpu.memory_space<semaphore_mem>>
      %dma_start3A_128 = arith.constant 0 : i32
      %dma_start3A_129 = tpu.memref_slice %arg6[%dma_start3A_128] : memref<5008xi32, #tpu.memory_space<vmem>> -> memref<5000xi32, #tpu.memory_space<vmem>>
      %dma_start3A_130 = tpu.memref_slice %arg3[%add3A_42] : memref<320000xi32, #tpu.memory_space<hbm>> -> memref<5000xi32, #tpu.memory_space<hbm>>
      %dma_start3A_131 = arith.constant 0 : i32
      %dma_start3A_132 = tpu.memref_slice %arg6[%dma_start3A_131] : memref<5008xi32, #tpu.memory_space<vmem>> -> memref<5000xi32, #tpu.memory_space<vmem>>
      %dma_start3A_133 = tpu.memref_slice %arg3[%add3A_42] : memref<320000xi32, #tpu.memory_space<hbm>> -> memref<5000xi32, #tpu.memory_space<hbm>>
      tpu.enqueue_dma source(%dma_start3A_133 : memref<5000xi32, #tpu.memory_space<hbm>>) target(%dma_start3A_132 : memref<5000xi32, #tpu.memory_space<vmem>>) target_semaphore(%run_scoped3A_127 : memref<!tpu.dma_semaphore, #tpu.memory_space<semaphore_mem>>)
      %dma_wait3A_134 = arith.constant 0 : i32
      %dma_wait3A_135 = tpu.memref_slice %arg6[%dma_wait3A_134] : memref<5008xi32, #tpu.memory_space<vmem>> -> memref<5000xi32, #tpu.memory_space<vmem>>
      %dma_wait3A_136 = tpu.memref_slice %arg3[%add3A_42] : memref<320000xi32, #tpu.memory_space<hbm>> -> memref<5000xi32, #tpu.memory_space<hbm>>
      %dma_wait3A_137 = arith.constant 0 : i32
      %dma_wait3A_138 = tpu.memref_slice %arg6[%dma_wait3A_137] : memref<5008xi32, #tpu.memory_space<vmem>> -> memref<5000xi32, #tpu.memory_space<vmem>>
      %dma_wait3A_139 = tpu.memref_slice %arg3[%add3A_42] : memref<320000xi32, #tpu.memory_space<hbm>> -> memref<5000xi32, #tpu.memory_space<hbm>>
      tpu.wait_dma2 semaphore(%run_scoped3A_127 : memref<!tpu.dma_semaphore, #tpu.memory_space<semaphore_mem>>) src(%dma_wait3A_139 : memref<5000xi32, #tpu.memory_space<hbm>>) dst(%dma_wait3A_138 : memref<5000xi32, #tpu.memory_space<vmem>>)
      tpu.yield
    }) : () -> ()
    %scan3A_48 = arith.constant 0 : i32
    %scan3A_49 = arith.constant 0 : i32
    %scan3A_50 = arith.constant 313 : i32
    %scan3A_51 = arith.addi %scan3A_49, %scan3A_50 : i32
    %scan3A_52 = arith.constant 1 : i32
    scf.for %scan3A_127 = %scan3A_49 to %scan3A_51 step %scan3A_52  : i32 {
      %mul3A_128 = arith.constant 16 : i32
      %mul3A_129 = arith.muli %scan3A_127, %mul3A_128 : i32
      %get3A = arith.index_cast %mul3A_129 : i32 to index
      %get3A_130 = tpu.vector_load %arg6[%get3A] {strides = array<i32>} : memref<5008xi32, #tpu.memory_space<vmem>>, vector<16xi32>,
      %get3A_131 = vector.shape_cast %get3A_130 : vector<16xi32> to vector<16xi32>
      %add3A_132 = vector.broadcast %mul3A_35 : i32 to vector<16xi32>
      %add3A_133 = arith.addi %get3A_131, %add3A_132 : vector<16xi32>
      %swap3A = arith.index_cast %mul3A_129 : i32 to index
      %swap3A_134 = tpu.vector_load %arg6[%swap3A] {strides = array<i32>} : memref<5008xi32, #tpu.memory_space<vmem>>, vector<16xi32>,
      %swap3A_135 = vector.shape_cast %swap3A_134 : vector<16xi32> to vector<16xi32>
      %swap3A_136 = vector.shape_cast %add3A_133 : vector<16xi32> to vector<16xi32>
      tpu.vector_store %arg6[%swap3A], %swap3A_136 {strides = array<i32>} : memref<5008xi32, #tpu.memory_space<vmem>>, vector<16xi32>,
    }
    %scan3A_53 = arith.constant 313 : i32
    %run_scoped3A = arith.constant 0 : i32
    %run_scoped3A_54 = arith.constant 0 : i32
    "tpu.region"() ({
      %run_scoped3A_127 = tpu.sem_alloc : memref<!tpu.dma_semaphore, #tpu.memory_space<semaphore_mem>>
      %dma_start3A_128 = arith.constant 0 : i32
      %dma_start3A_129 = arith.constant 0 : i32
      %dma_start3A_130 = tpu.memref_slice %arg7[%run_scoped3A_54, %dma_start3A_128, %dma_start3A_129] : memref<2x25x40xi32, #tpu.memory_space<vmem>> -> memref<1x25x40xi32, #tpu.memory_space<vmem>>
      %dma_start3A_131 = tpu.memref_squeeze %dma_start3A_130 : memref<1x25x40xi32, #tpu.memory_space<vmem>> -> memref<25x40xi32, #tpu.memory_space<vmem>>
      %dma_start3A_132 = arith.constant 0 : i32
      %dma_start3A_133 = arith.constant 0 : i32
      %dma_start3A_134 = tpu.memref_slice %arg4[%add3A_47, %run_scoped3A, %dma_start3A_132, %dma_start3A_133] : memref<64x5x25x40xi32, #tpu.memory_space<hbm>> -> memref<1x1x25x40xi32, #tpu.memory_space<hbm>>
      %dma_start3A_135 = tpu.memref_squeeze %dma_start3A_134 : memref<1x1x25x40xi32, #tpu.memory_space<hbm>> -> memref<25x40xi32, #tpu.memory_space<hbm>>
      %dma_start3A_136 = arith.constant 0 : i32
      %dma_start3A_137 = arith.constant 0 : i32
      %dma_start3A_138 = tpu.memref_slice %arg7[%run_scoped3A_54, %dma_start3A_136, %dma_start3A_137] : memref<2x25x40xi32, #tpu.memory_space<vmem>> -> memref<1x25x40xi32, #tpu.memory_space<vmem>>
      %dma_start3A_139 = tpu.memref_squeeze %dma_start3A_138 : memref<1x25x40xi32, #tpu.memory_space<vmem>> -> memref<25x40xi32, #tpu.memory_space<vmem>>
      %dma_start3A_140 = arith.constant 0 : i32
      %dma_start3A_141 = arith.constant 0 : i32
      %dma_start3A_142 = tpu.memref_slice %arg4[%add3A_47, %run_scoped3A, %dma_start3A_140, %dma_start3A_141] : memref<64x5x25x40xi32, #tpu.memory_space<hbm>> -> memref<1x1x25x40xi32, #tpu.memory_space<hbm>>
      %dma_start3A_143 = tpu.memref_squeeze %dma_start3A_142 : memref<1x1x25x40xi32, #tpu.memory_space<hbm>> -> memref<25x40xi32, #tpu.memory_space<hbm>>
      tpu.enqueue_dma source(%dma_start3A_143 : memref<25x40xi32, #tpu.memory_space<hbm>>) target(%dma_start3A_139 : memref<25x40xi32, #tpu.memory_space<vmem>>) target_semaphore(%run_scoped3A_127 : memref<!tpu.dma_semaphore, #tpu.memory_space<semaphore_mem>>)
      %dma_wait3A_144 = arith.constant 0 : i32
      %dma_wait3A_145 = arith.constant 0 : i32
      %dma_wait3A_146 = tpu.memref_slice %arg7[%run_scoped3A_54, %dma_wait3A_144, %dma_wait3A_145] : memref<2x25x40xi32, #tpu.memory_space<vmem>> -> memref<1x25x40xi32, #tpu.memory_space<vmem>>
      %dma_wait3A_147 = tpu.memref_squeeze %dma_wait3A_146 : memref<1x25x40xi32, #tpu.memory_space<vmem>> -> memref<25x40xi32, #tpu.memory_space<vmem>>
      %dma_wait3A_148 = arith.constant 0 : i32
      %dma_wait3A_149 = arith.constant 0 : i32
      %dma_wait3A_150 = tpu.memref_slice %arg4[%add3A_47, %run_scoped3A, %dma_wait3A_148, %dma_wait3A_149] : memref<64x5x25x40xi32, #tpu.memory_space<hbm>> -> memref<1x1x25x40xi32, #tpu.memory_space<hbm>>
      %dma_wait3A_151 = tpu.memref_squeeze %dma_wait3A_150 : memref<1x1x25x40xi32, #tpu.memory_space<hbm>> -> memref<25x40xi32, #tpu.memory_space<hbm>>
      %dma_wait3A_152 = arith.constant 0 : i32
      %dma_wait3A_153 = arith.constant 0 : i32
      %dma_wait3A_154 = tpu.memref_slice %arg7[%run_scoped3A_54, %dma_wait3A_152, %dma_wait3A_153] : memref<2x25x40xi32, #tpu.memory_space<vmem>> -> memref<1x25x40xi32, #tpu.memory_space<vmem>>
      %dma_wait3A_155 = tpu.memref_squeeze %dma_wait3A_154 : memref<1x25x40xi32, #tpu.memory_space<vmem>> -> memref<25x40xi32, #tpu.memory_space<vmem>>
      %dma_wait3A_156 = arith.constant 0 : i32
      %dma_wait3A_157 = arith.constant 0 : i32
      %dma_wait3A_158 = tpu.memref_slice %arg4[%add3A_47, %run_scoped3A, %dma_wait3A_156, %dma_wait3A_157] : memref<64x5x25x40xi32, #tpu.memory_space<hbm>> -> memref<1x1x25x40xi32, #tpu.memory_space<hbm>>
      %dma_wait3A_159 = tpu.memref_squeeze %dma_wait3A_158 : memref<1x1x25x40xi32, #tpu.memory_space<hbm>> -> memref<25x40xi32, #tpu.memory_space<hbm>>
      tpu.wait_dma2 semaphore(%run_scoped3A_127 : memref<!tpu.dma_semaphore, #tpu.memory_space<semaphore_mem>>) src(%dma_wait3A_159 : memref<25x40xi32, #tpu.memory_space<hbm>>) dst(%dma_wait3A_155 : memref<25x40xi32, #tpu.memory_space<vmem>>)
      tpu.yield
    }) : () -> ()
    %dma_start3A = arith.constant 1 : i32
    %dma_start3A_55 = arith.constant 1 : i32
    %dma_start3A_56 = arith.constant 0 : i32
    %dma_start3A_57 = arith.constant 0 : i32
    %dma_start3A_58 = tpu.memref_slice %arg7[%dma_start3A_55, %dma_start3A_56, %dma_start3A_57] : memref<2x25x40xi32, #tpu.memory_space<vmem>> -> memref<1x25x40xi32, #tpu.memory_space<vmem>>
    %dma_start3A_59 = tpu.memref_squeeze %dma_start3A_58 : memref<1x25x40xi32, #tpu.memory_space<vmem>> -> memref<25x40xi32, #tpu.memory_space<vmem>>
    %dma_start3A_60 = arith.constant 0 : i32
    %dma_start3A_61 = arith.constant 0 : i32
    %dma_start3A_62 = tpu.memref_slice %arg4[%add3A_47, %dma_start3A, %dma_start3A_60, %dma_start3A_61] : memref<64x5x25x40xi32, #tpu.memory_space<hbm>> -> memref<1x1x25x40xi32, #tpu.memory_space<hbm>>
    %dma_start3A_63 = tpu.memref_squeeze %dma_start3A_62 : memref<1x1x25x40xi32, #tpu.memory_space<hbm>> -> memref<25x40xi32, #tpu.memory_space<hbm>>
    %dma_start3A_64 = arith.constant 0 : i32
    %dma_start3A_65 = arith.constant 0 : i32
    %dma_start3A_66 = tpu.memref_slice %arg7[%dma_start3A_55, %dma_start3A_64, %dma_start3A_65] : memref<2x25x40xi32, #tpu.memory_space<vmem>> -> memref<1x25x40xi32, #tpu.memory_space<vmem>>
    %dma_start3A_67 = tpu.memref_squeeze %dma_start3A_66 : memref<1x25x40xi32, #tpu.memory_space<vmem>> -> memref<25x40xi32, #tpu.memory_space<vmem>>
    %dma_start3A_68 = arith.constant 0 : i32
    %dma_start3A_69 = arith.constant 0 : i32
    %dma_start3A_70 = tpu.memref_slice %arg4[%add3A_47, %dma_start3A, %dma_start3A_68, %dma_start3A_69] : memref<64x5x25x40xi32, #tpu.memory_space<hbm>> -> memref<1x1x25x40xi32, #tpu.memory_space<hbm>>
    %dma_start3A_71 = tpu.memref_squeeze %dma_start3A_70 : memref<1x1x25x40xi32, #tpu.memory_space<hbm>> -> memref<25x40xi32, #tpu.memory_space<hbm>>
    tpu.enqueue_dma source(%dma_start3A_71 : memref<25x40xi32, #tpu.memory_space<hbm>>) target(%dma_start3A_67 : memref<25x40xi32, #tpu.memory_space<vmem>>) target_semaphore(%arg17 : memref<!tpu.dma_semaphore, #tpu.memory_space<semaphore_mem>>)
    %multiple_of3A_72 = arith.constant 0 : i32
    %multiple_of3A_73 = tpu.assume_multiple %multiple_of3A_72, 8 : i32
    %dma_start3A_74 = tpu.memref_slice %arg6[%multiple_of3A_73] : memref<5008xi32, #tpu.memory_space<vmem>> -> memref<40xi32, #tpu.memory_space<vmem>>
    %dma_start3A_75 = arith.constant 0 : i32
    %dma_start3A_76 = arith.constant 0 : i32
    %dma_start3A_77 = tpu.memref_slice %arg2[%dma_start3A_75, %dma_start3A_76] : memref<160000x128xf32, #tpu.memory_space<hbm>> -> memref<160000x128xf32, #tpu.memory_space<hbm>>
    tpu.enqueue_indirect_dma source(%dma_start3A_77 : memref<160000x128xf32, #tpu.memory_space<hbm>>) target(%arg8 : memref<40x128xf32, #tpu.memory_space<vmem>>) offsets(%dma_start3A_74 : memref<40xi32, #tpu.memory_space<vmem>>) semaphore(%arg13 : memref<!tpu.dma_semaphore, #tpu.memory_space<semaphore_mem>>)
    %multiple_of3A_78 = arith.constant 40 : i32
    %multiple_of3A_79 = tpu.assume_multiple %multiple_of3A_78, 8 : i32
    %dma_start3A_80 = tpu.memref_slice %arg6[%multiple_of3A_79] : memref<5008xi32, #tpu.memory_space<vmem>> -> memref<40xi32, #tpu.memory_space<vmem>>
    %dma_start3A_81 = arith.constant 0 : i32
    %dma_start3A_82 = arith.constant 0 : i32
    %dma_start3A_83 = tpu.memref_slice %arg2[%dma_start3A_81, %dma_start3A_82] : memref<160000x128xf32, #tpu.memory_space<hbm>> -> memref<160000x128xf32, #tpu.memory_space<hbm>>
    tpu.enqueue_indirect_dma source(%dma_start3A_83 : memref<160000x128xf32, #tpu.memory_space<hbm>>) target(%arg9 : memref<40x128xf32, #tpu.memory_space<vmem>>) offsets(%dma_start3A_80 : memref<40xi32, #tpu.memory_space<vmem>>) semaphore(%arg14 : memref<!tpu.dma_semaphore, #tpu.memory_space<semaphore_mem>>)
    %scan3A_84 = arith.constant 0 : i32
    %scan3A_85 = arith.constant 0 : i32
    %scan3A_86 = arith.constant 31 : i32
    %scan3A_87 = arith.addi %scan3A_85, %scan3A_86 : i32
    %scan3A_88 = arith.constant 1 : i32
    scf.for %scan3A_127 = %scan3A_85 to %scan3A_87 step %scan3A_88  : i32 {
      %mul3A_128 = arith.constant 4 : i32
      %mul3A_129 = arith.muli %mul3A_128, %scan3A_127 : i32
      %add3A_130 = arith.constant 0 : i32
      %add3A_131 = arith.addi %mul3A_129, %add3A_130 : i32
      %ge3A = arith.constant 2 : i32
      %ge3A_132 = arith.cmpi sge, %add3A_131, %ge3A : i32
      %convert_element_type3A_133 = arith.extui %ge3A_132 : i1 to i32
      %cond3A_134 = arith.constant 0 : i32
      %cond3A_135 = arith.cmpi ne, %convert_element_type3A_133, %cond3A_134 : i32
      scf.if %cond3A_135 {
        %dma_wait3A_677 = arith.constant 0 : i32
        %dma_wait3A_678 = arith.constant 0 : i32
        %dma_wait3A_679 = tpu.memref_slice %arg2[%dma_wait3A_677, %dma_wait3A_678] : memref<160000x128xf32, #tpu.memory_space<hbm>> -> memref<40x128xf32, #tpu.memory_space<hbm>>
        %dma_wait3A_680 = arith.constant 0 : i32
        %dma_wait3A_681 = arith.constant 0 : i32
        %dma_wait3A_682 = tpu.memref_slice %arg2[%dma_wait3A_680, %dma_wait3A_681] : memref<160000x128xf32, #tpu.memory_space<hbm>> -> memref<40x128xf32, #tpu.memory_space<hbm>>
        tpu.wait_dma2 semaphore(%arg15 : memref<!tpu.dma_semaphore, #tpu.memory_space<semaphore_mem>>) src(%dma_wait3A_682 : memref<40x128xf32, #tpu.memory_space<hbm>>) dst(%arg10 : memref<40x128xf32, #tpu.memory_space<vmem>>)
      } else {
      }
      %jit3A = arith.constant 25 : i32
      %eq3A_136 = arith.constant 0 : i32
      %eq3A_137 = arith.cmpi eq, %jit3A, %eq3A_136 : i32
      %jit3A_138 = arith.constant 1 : i32
      %select_n3A = arith.select %eq3A_137, %jit3A_138, %jit3A : i32
      %rem3A = arith.remsi %add3A_131, %select_n3A : i32
      %ne3A = arith.constant 0 : i32
      %ne3A_139 = arith.cmpi ne, %rem3A, %ne3A : i32
      %lt3A = arith.constant 0 : i32
      %lt3A_140 = arith.cmpi slt, %rem3A, %lt3A : i32
      %lt3A_141 = arith.constant 0 : i32
      %lt3A_142 = arith.cmpi slt, %select_n3A, %lt3A_141 : i32
      %ne3A_143 = arith.xori %lt3A_140, %lt3A_142 : i1
      %and3A = arith.andi %ne3A_143, %ne3A_139 : i1
      %add3A_144 = arith.addi %rem3A, %select_n3A : i32
      %select_n3A_145 = arith.select %and3A, %add3A_144, %rem3A : i32
      %eq3A_146 = arith.constant 1 : i32
      %eq3A_147 = arith.cmpi eq, %select_n3A_145, %eq3A_146 : i32
      %ge3A_148 = arith.constant 26 : i32
      %ge3A_149 = arith.cmpi sge, %add3A_131, %ge3A_148 : i32
      %and3A_150 = arith.andi %eq3A_147, %ge3A_149 : i1
      %le3A = arith.constant 76 : i32
      %le3A_151 = arith.cmpi sle, %add3A_131, %le3A : i32
      %and3A_152 = arith.andi %and3A_150, %le3A_151 : i1
      %convert_element_type3A_153 = arith.extui %and3A_152 : i1 to i32
      %cond3A_154 = arith.constant 0 : i32
      %cond3A_155 = arith.cmpi ne, %convert_element_type3A_153, %cond3A_154 : i32
      scf.if %cond3A_155 {
        %jit3A_677 = arith.constant 25 : i32
        %div3A_678 = arith.divsi %add3A_131, %jit3A_677 : i32
        %sign3A_679 = arith.constant 0 : i32
        %sign3A_680 = arith.cmpi sgt, %add3A_131, %sign3A_679 : i32
        %sign3A_681 = arith.extui %sign3A_680 : i1 to i32
        %sign3A_682 = arith.constant 0 : i32
        %sign3A_683 = arith.cmpi slt, %add3A_131, %sign3A_682 : i32
        %sign3A_684 = arith.extui %sign3A_683 : i1 to i32
        %sign3A_685 = arith.subi %sign3A_681, %sign3A_684 : i32
        %sign3A_686 = arith.constant 0 : i32
        %sign3A_687 = arith.cmpi sgt, %jit3A_677, %sign3A_686 : i32
        %sign3A_688 = arith.extui %sign3A_687 : i1 to i32
        %sign3A_689 = arith.constant 0 : i32
        %sign3A_690 = arith.cmpi slt, %jit3A_677, %sign3A_689 : i32
        %sign3A_691 = arith.extui %sign3A_690 : i1 to i32
        %sign3A_692 = arith.subi %sign3A_688, %sign3A_691 : i32
        %ne3A_693 = arith.cmpi ne, %sign3A_685, %sign3A_692 : i32
        %rem3A_694 = arith.remsi %add3A_131, %jit3A_677 : i32
        %ne3A_695 = arith.constant 0 : i32
        %ne3A_696 = arith.cmpi ne, %rem3A_694, %ne3A_695 : i32
        %and3A_697 = arith.andi %ne3A_693, %ne3A_696 : i1
        %sub3A_698 = arith.constant 1 : i32
        %sub3A_699 = arith.subi %div3A_678, %sub3A_698 : i32
        %select_n3A_700 = arith.select %and3A_697, %sub3A_699, %div3A_678 : i32
        %add3A_701 = arith.constant 1 : i32
        %add3A_702 = arith.addi %select_n3A_700, %add3A_701 : i32
        %jit3A_703 = arith.constant 2 : i32
        %eq3A_704 = arith.constant 0 : i32
        %eq3A_705 = arith.cmpi eq, %jit3A_703, %eq3A_704 : i32
        %jit3A_706 = arith.constant 1 : i32
        %select_n3A_707 = arith.select %eq3A_705, %jit3A_706, %jit3A_703 : i32
        %rem3A_708 = arith.remsi %add3A_702, %select_n3A_707 : i32
        %ne3A_709 = arith.constant 0 : i32
        %ne3A_710 = arith.cmpi ne, %rem3A_708, %ne3A_709 : i32
        %lt3A_711 = arith.constant 0 : i32
        %lt3A_712 = arith.cmpi slt, %rem3A_708, %lt3A_711 : i32
        %lt3A_713 = arith.constant 0 : i32
        %lt3A_714 = arith.cmpi slt, %select_n3A_707, %lt3A_713 : i32
        %ne3A_715 = arith.xori %lt3A_712, %lt3A_714 : i1
        %and3A_716 = arith.andi %ne3A_715, %ne3A_710 : i1
        %add3A_717 = arith.addi %rem3A_708, %select_n3A_707 : i32
        %select_n3A_718 = arith.select %and3A_716, %add3A_717, %rem3A_708 : i32
        %dma_start3A_719 = arith.constant 0 : i32
        %dma_start3A_720 = arith.constant 0 : i32
        %dma_start3A_721 = tpu.memref_slice %arg7[%select_n3A_718, %dma_start3A_719, %dma_start3A_720] : memref<2x25x40xi32, #tpu.memory_space<vmem>> -> memref<1x25x40xi32, #tpu.memory_space<vmem>>
        %dma_start3A_722 = tpu.memref_squeeze %dma_start3A_721 : memref<1x25x40xi32, #tpu.memory_space<vmem>> -> memref<25x40xi32, #tpu.memory_space<vmem>>
        %dma_start3A_723 = arith.constant 0 : i32
        %dma_start3A_724 = arith.constant 0 : i32
        %dma_start3A_725 = tpu.memref_slice %arg4[%add3A_47, %add3A_702, %dma_start3A_723, %dma_start3A_724] : memref<64x5x25x40xi32, #tpu.memory_space<hbm>> -> memref<1x1x25x40xi32, #tpu.memory_space<hbm>>
        %dma_start3A_726 = tpu.memref_squeeze %dma_start3A_725 : memref<1x1x25x40xi32, #tpu.memory_space<hbm>> -> memref<25x40xi32, #tpu.memory_space<hbm>>
        %dma_start3A_727 = arith.constant 0 : i32
        %dma_start3A_728 = arith.constant 0 : i32
        %dma_start3A_729 = tpu.memref_slice %arg7[%select_n3A_718, %dma_start3A_727, %dma_start3A_728] : memref<2x25x40xi32, #tpu.memory_space<vmem>> -> memref<1x25x40xi32, #tpu.memory_space<vmem>>
        %dma_start3A_730 = tpu.memref_squeeze %dma_start3A_729 : memref<1x25x40xi32, #tpu.memory_space<vmem>> -> memref<25x40xi32, #tpu.memory_space<vmem>>
        %dma_start3A_731 = arith.constant 0 : i32
        %dma_start3A_732 = arith.constant 0 : i32
        %dma_start3A_733 = tpu.memref_slice %arg4[%add3A_47, %add3A_702, %dma_start3A_731, %dma_start3A_732] : memref<64x5x25x40xi32, #tpu.memory_space<hbm>> -> memref<1x1x25x40xi32, #tpu.memory_space<hbm>>
        %dma_start3A_734 = tpu.memref_squeeze %dma_start3A_733 : memref<1x1x25x40xi32, #tpu.memory_space<hbm>> -> memref<25x40xi32, #tpu.memory_space<hbm>>
        tpu.enqueue_dma source(%dma_start3A_734 : memref<25x40xi32, #tpu.memory_space<hbm>>) target(%dma_start3A_730 : memref<25x40xi32, #tpu.memory_space<vmem>>) target_semaphore(%arg17 : memref<!tpu.dma_semaphore, #tpu.memory_space<semaphore_mem>>)
      } else {
      }
      %add3A_156 = arith.constant 2 : i32
      %add3A_157 = arith.addi %add3A_131, %add3A_156 : i32
      %jit3A_158 = arith.constant 25 : i32
      %eq3A_159 = arith.constant 0 : i32
      %eq3A_160 = arith.cmpi eq, %jit3A_158, %eq3A_159 : i32
      %jit3A_161 = arith.constant 1 : i32
      %select_n3A_162 = arith.select %eq3A_160, %jit3A_161, %jit3A_158 : i32
      %rem3A_163 = arith.remsi %add3A_157, %select_n3A_162 : i32
      %ne3A_164 = arith.constant 0 : i32
      %ne3A_165 = arith.cmpi ne, %rem3A_163, %ne3A_164 : i32
      %lt3A_166 = arith.constant 0 : i32
      %lt3A_167 = arith.cmpi slt, %rem3A_163, %lt3A_166 : i32
      %lt3A_168 = arith.constant 0 : i32
      %lt3A_169 = arith.cmpi slt, %select_n3A_162, %lt3A_168 : i32
      %ne3A_170 = arith.xori %lt3A_167, %lt3A_169 : i1
      %and3A_171 = arith.andi %ne3A_170, %ne3A_165 : i1
      %add3A_172 = arith.addi %rem3A_163, %select_n3A_162 : i32
      %select_n3A_173 = arith.select %and3A_171, %add3A_172, %rem3A_163 : i32
      %eq3A_174 = arith.constant 0 : i32
      %eq3A_175 = arith.cmpi eq, %select_n3A_173, %eq3A_174 : i32
      %ge3A_176 = arith.constant 23 : i32
      %ge3A_177 = arith.cmpi sge, %add3A_131, %ge3A_176 : i32
      %and3A_178 = arith.andi %eq3A_175, %ge3A_177 : i1
      %le3A_179 = arith.constant 98 : i32
      %le3A_180 = arith.cmpi sle, %add3A_131, %le3A_179 : i32
      %and3A_181 = arith.andi %and3A_178, %le3A_180 : i1
      %convert_element_type3A_182 = arith.extui %and3A_181 : i1 to i32
      %cond3A_183 = arith.constant 0 : i32
      %cond3A_184 = arith.cmpi ne, %convert_element_type3A_182, %cond3A_183 : i32
      scf.if %cond3A_184 {
        %dma_wait3A_677 = arith.constant 0 : i32
        %dma_wait3A_678 = arith.constant 0 : i32
        %dma_wait3A_679 = arith.constant 0 : i32
        %dma_wait3A_680 = arith.constant 0 : i32
        %dma_wait3A_681 = tpu.memref_slice %arg7[%dma_wait3A_678, %dma_wait3A_679, %dma_wait3A_680] : memref<2x25x40xi32, #tpu.memory_space<vmem>> -> memref<1x25x40xi32, #tpu.memory_space<vmem>>
        %dma_wait3A_682 = tpu.memref_squeeze %dma_wait3A_681 : memref<1x25x40xi32, #tpu.memory_space<vmem>> -> memref<25x40xi32, #tpu.memory_space<vmem>>
        %dma_wait3A_683 = arith.constant 0 : i32
        %dma_wait3A_684 = arith.constant 0 : i32
        %dma_wait3A_685 = tpu.memref_slice %arg4[%add3A_47, %dma_wait3A_677, %dma_wait3A_683, %dma_wait3A_684] : memref<64x5x25x40xi32, #tpu.memory_space<hbm>> -> memref<1x1x25x40xi32, #tpu.memory_space<hbm>>
        %dma_wait3A_686 = tpu.memref_squeeze %dma_wait3A_685 : memref<1x1x25x40xi32, #tpu.memory_space<hbm>> -> memref<25x40xi32, #tpu.memory_space<hbm>>
        %dma_wait3A_687 = arith.constant 0 : i32
        %dma_wait3A_688 = arith.constant 0 : i32
        %dma_wait3A_689 = tpu.memref_slice %arg7[%dma_wait3A_678, %dma_wait3A_687, %dma_wait3A_688] : memref<2x25x40xi32, #tpu.memory_space<vmem>> -> memref<1x25x40xi32, #tpu.memory_space<vmem>>
        %dma_wait3A_690 = tpu.memref_squeeze %dma_wait3A_689 : memref<1x25x40xi32, #tpu.memory_space<vmem>> -> memref<25x40xi32, #tpu.memory_space<vmem>>
        %dma_wait3A_691 = arith.constant 0 : i32
        %dma_wait3A_692 = arith.constant 0 : i32
        %dma_wait3A_693 = tpu.memref_slice %arg4[%add3A_47, %dma_wait3A_677, %dma_wait3A_691, %dma_wait3A_692] : memref<64x5x25x40xi32, #tpu.memory_space<hbm>> -> memref<1x1x25x40xi32, #tpu.memory_space<hbm>>
        %dma_wait3A_694 = tpu.memref_squeeze %dma_wait3A_693 : memref<1x1x25x40xi32, #tpu.memory_space<hbm>> -> memref<25x40xi32, #tpu.memory_space<hbm>>
        tpu.wait_dma2 semaphore(%arg17 : memref<!tpu.dma_semaphore, #tpu.memory_space<semaphore_mem>>) src(%dma_wait3A_694 : memref<25x40xi32, #tpu.memory_space<hbm>>) dst(%dma_wait3A_690 : memref<25x40xi32, #tpu.memory_space<vmem>>)
      } else {
      }
      %add3A_185 = arith.constant 2 : i32
      %add3A_186 = arith.addi %add3A_131, %add3A_185 : i32
      %lt3A_187 = arith.constant 125 : i32
      %lt3A_188 = arith.cmpi slt, %add3A_186, %lt3A_187 : i32
      %convert_element_type3A_189 = arith.extui %lt3A_188 : i1 to i32
      %cond3A_190 = arith.constant 0 : i32
      %cond3A_191 = arith.cmpi ne, %convert_element_type3A_189, %cond3A_190 : i32
      scf.if %cond3A_191 {
        %add3A_677 = arith.constant 2 : i32
        %add3A_678 = arith.addi %add3A_131, %add3A_677 : i32
        %mul3A_679 = arith.constant 40 : i32
        %mul3A_680 = arith.muli %add3A_678, %mul3A_679 : i32
        %multiple_of3A_681 = tpu.assume_multiple %mul3A_680, 8 : i32
        %dma_start3A_682 = tpu.memref_slice %arg6[%multiple_of3A_681] : memref<5008xi32, #tpu.memory_space<vmem>> -> memref<40xi32, #tpu.memory_space<vmem>>
        %dma_start3A_683 = arith.constant 0 : i32
        %dma_start3A_684 = arith.constant 0 : i32
        %dma_start3A_685 = tpu.memref_slice %arg2[%dma_start3A_683, %dma_start3A_684] : memref<160000x128xf32, #tpu.memory_space<hbm>> -> memref<160000x128xf32, #tpu.memory_space<hbm>>
        tpu.enqueue_indirect_dma source(%dma_start3A_685 : memref<160000x128xf32, #tpu.memory_space<hbm>>) target(%arg10 : memref<40x128xf32, #tpu.memory_space<vmem>>) offsets(%dma_start3A_682 : memref<40xi32, #tpu.memory_space<vmem>>) semaphore(%arg15 : memref<!tpu.dma_semaphore, #tpu.memory_space<semaphore_mem>>)
      } else {
      }
      %dma_wait3A_192 = arith.constant 0 : i32
      %dma_wait3A_193 = arith.constant 0 : i32
      %dma_wait3A_194 = tpu.memref_slice %arg2[%dma_wait3A_192, %dma_wait3A_193] : memref<160000x128xf32, #tpu.memory_space<hbm>> -> memref<40x128xf32, #tpu.memory_space<hbm>>
      %dma_wait3A_195 = arith.constant 0 : i32
      %dma_wait3A_196 = arith.constant 0 : i32
      %dma_wait3A_197 = tpu.memref_slice %arg2[%dma_wait3A_195, %dma_wait3A_196] : memref<160000x128xf32, #tpu.memory_space<hbm>> -> memref<40x128xf32, #tpu.memory_space<hbm>>
      tpu.wait_dma2 semaphore(%arg13 : memref<!tpu.dma_semaphore, #tpu.memory_space<semaphore_mem>>) src(%dma_wait3A_197 : memref<40x128xf32, #tpu.memory_space<hbm>>) dst(%arg8 : memref<40x128xf32, #tpu.memory_space<vmem>>)
      %jit3A_198 = arith.constant 25 : i32
      %div3A = arith.divsi %add3A_131, %jit3A_198 : i32
      %sign3A = arith.constant 0 : i32
      %sign3A_199 = arith.cmpi sgt, %add3A_131, %sign3A : i32
      %sign3A_200 = arith.extui %sign3A_199 : i1 to i32
      %sign3A_201 = arith.constant 0 : i32
      %sign3A_202 = arith.cmpi slt, %add3A_131, %sign3A_201 : i32
      %sign3A_203 = arith.extui %sign3A_202 : i1 to i32
      %sign3A_204 = arith.subi %sign3A_200, %sign3A_203 : i32
      %sign3A_205 = arith.constant 0 : i32
      %sign3A_206 = arith.cmpi sgt, %jit3A_198, %sign3A_205 : i32
      %sign3A_207 = arith.extui %sign3A_206 : i1 to i32
      %sign3A_208 = arith.constant 0 : i32
      %sign3A_209 = arith.cmpi slt, %jit3A_198, %sign3A_208 : i32
      %sign3A_210 = arith.extui %sign3A_209 : i1 to i32
      %sign3A_211 = arith.subi %sign3A_207, %sign3A_210 : i32
      %ne3A_212 = arith.cmpi ne, %sign3A_204, %sign3A_211 : i32
      %rem3A_213 = arith.remsi %add3A_131, %jit3A_198 : i32
      %ne3A_214 = arith.constant 0 : i32
      %ne3A_215 = arith.cmpi ne, %rem3A_213, %ne3A_214 : i32
      %and3A_216 = arith.andi %ne3A_212, %ne3A_215 : i1
      %sub3A = arith.constant 1 : i32
      %sub3A_217 = arith.subi %div3A, %sub3A : i32
      %select_n3A_218 = arith.select %and3A_216, %sub3A_217, %div3A : i32
      %jit3A_219 = arith.constant 2 : i32
      %eq3A_220 = arith.constant 0 : i32
      %eq3A_221 = arith.cmpi eq, %jit3A_219, %eq3A_220 : i32
      %jit3A_222 = arith.constant 1 : i32
      %select_n3A_223 = arith.select %eq3A_221, %jit3A_222, %jit3A_219 : i32
      %rem3A_224 = arith.remsi %select_n3A_218, %select_n3A_223 : i32
      %ne3A_225 = arith.constant 0 : i32
      %ne3A_226 = arith.cmpi ne, %rem3A_224, %ne3A_225 : i32
      %lt3A_227 = arith.constant 0 : i32
      %lt3A_228 = arith.cmpi slt, %rem3A_224, %lt3A_227 : i32
      %lt3A_229 = arith.constant 0 : i32
      %lt3A_230 = arith.cmpi slt, %select_n3A_223, %lt3A_229 : i32
      %ne3A_231 = arith.xori %lt3A_228, %lt3A_230 : i1
      %and3A_232 = arith.andi %ne3A_231, %ne3A_226 : i1
      %add3A_233 = arith.addi %rem3A_224, %select_n3A_223 : i32
      %select_n3A_234 = arith.select %and3A_232, %add3A_233, %rem3A_224 : i32
      %jit3A_235 = arith.constant 25 : i32
      %eq3A_236 = arith.constant 0 : i32
      %eq3A_237 = arith.cmpi eq, %jit3A_235, %eq3A_236 : i32
      %jit3A_238 = arith.constant 1 : i32
      %select_n3A_239 = arith.select %eq3A_237, %jit3A_238, %jit3A_235 : i32
      %rem3A_240 = arith.remsi %add3A_131, %select_n3A_239 : i32
      %ne3A_241 = arith.constant 0 : i32
      %ne3A_242 = arith.cmpi ne, %rem3A_240, %ne3A_241 : i32
      %lt3A_243 = arith.constant 0 : i32
      %lt3A_244 = arith.cmpi slt, %rem3A_240, %lt3A_243 : i32
      %lt3A_245 = arith.constant 0 : i32
      %lt3A_246 = arith.cmpi slt, %select_n3A_239, %lt3A_245 : i32
      %ne3A_247 = arith.xori %lt3A_244, %lt3A_246 : i1
      %and3A_248 = arith.andi %ne3A_247, %ne3A_242 : i1
      %add3A_249 = arith.addi %rem3A_240, %select_n3A_239 : i32
      %select_n3A_250 = arith.select %and3A_248, %add3A_249, %rem3A_240 : i32
      %dma_start3A_251 = arith.constant 0 : i32
      %dma_start3A_252 = tpu.memref_slice %arg7[%select_n3A_234, %select_n3A_250, %dma_start3A_251] : memref<2x25x40xi32, #tpu.memory_space<vmem>> -> memref<1x1x40xi32, #tpu.memory_space<vmem>>
      %dma_start3A_253 = tpu.memref_squeeze %dma_start3A_252 : memref<1x1x40xi32, #tpu.memory_space<vmem>> -> memref<40xi32, #tpu.memory_space<vmem>>
      %dma_start3A_254 = arith.constant 0 : i32
      %dma_start3A_255 = arith.constant 0 : i32
      %dma_start3A_256 = tpu.memref_slice %arg12[%dma_start3A_254, %dma_start3A_255] : memref<10000x128xf32, #tpu.memory_space<vmem_shared>> -> memref<10000x128xf32, #tpu.memory_space<vmem_shared>>
      tpu.enqueue_indirect_dma source(%arg8 : memref<40x128xf32, #tpu.memory_space<vmem>>) target(%dma_start3A_256 : memref<10000x128xf32, #tpu.memory_space<vmem_shared>>) offsets(%dma_start3A_253 : memref<40xi32, #tpu.memory_space<vmem>>) semaphore(%arg13 : memref<!tpu.dma_semaphore, #tpu.memory_space<semaphore_mem>>) {add = true}
      %mul3A_257 = arith.constant 4 : i32
      %mul3A_258 = arith.muli %mul3A_257, %scan3A_127 : i32
      %add3A_259 = arith.constant 1 : i32
      %add3A_260 = arith.addi %mul3A_258, %add3A_259 : i32
      %ge3A_261 = arith.constant 2 : i32
      %ge3A_262 = arith.cmpi sge, %add3A_260, %ge3A_261 : i32
      %convert_element_type3A_263 = arith.extui %ge3A_262 : i1 to i32
      %cond3A_264 = arith.constant 0 : i32
      %cond3A_265 = arith.cmpi ne, %convert_element_type3A_263, %cond3A_264 : i32
      scf.if %cond3A_265 {
        %dma_wait3A_677 = arith.constant 0 : i32
        %dma_wait3A_678 = arith.constant 0 : i32
        %dma_wait3A_679 = tpu.memref_slice %arg2[%dma_wait3A_677, %dma_wait3A_678] : memref<160000x128xf32, #tpu.memory_space<hbm>> -> memref<40x128xf32, #tpu.memory_space<hbm>>
        %dma_wait3A_680 = arith.constant 0 : i32
        %dma_wait3A_681 = arith.constant 0 : i32
        %dma_wait3A_682 = tpu.memref_slice %arg2[%dma_wait3A_680, %dma_wait3A_681] : memref<160000x128xf32, #tpu.memory_space<hbm>> -> memref<40x128xf32, #tpu.memory_space<hbm>>
        tpu.wait_dma2 semaphore(%arg16 : memref<!tpu.dma_semaphore, #tpu.memory_space<semaphore_mem>>) src(%dma_wait3A_682 : memref<40x128xf32, #tpu.memory_space<hbm>>) dst(%arg11 : memref<40x128xf32, #tpu.memory_space<vmem>>)
      } else {
      }
      %jit3A_266 = arith.constant 25 : i32
      %eq3A_267 = arith.constant 0 : i32
      %eq3A_268 = arith.cmpi eq, %jit3A_266, %eq3A_267 : i32
      %jit3A_269 = arith.constant 1 : i32
      %select_n3A_270 = arith.select %eq3A_268, %jit3A_269, %jit3A_266 : i32
      %rem3A_271 = arith.remsi %add3A_260, %select_n3A_270 : i32
      %ne3A_272 = arith.constant 0 : i32
      %ne3A_273 = arith.cmpi ne, %rem3A_271, %ne3A_272 : i32
      %lt3A_274 = arith.constant 0 : i32
      %lt3A_275 = arith.cmpi slt, %rem3A_271, %lt3A_274 : i32
      %lt3A_276 = arith.constant 0 : i32
      %lt3A_277 = arith.cmpi slt, %select_n3A_270, %lt3A_276 : i32
      %ne3A_278 = arith.xori %lt3A_275, %lt3A_277 : i1
      %and3A_279 = arith.andi %ne3A_278, %ne3A_273 : i1
      %add3A_280 = arith.addi %rem3A_271, %select_n3A_270 : i32
      %select_n3A_281 = arith.select %and3A_279, %add3A_280, %rem3A_271 : i32
      %eq3A_282 = arith.constant 1 : i32
      %eq3A_283 = arith.cmpi eq, %select_n3A_281, %eq3A_282 : i32
      %ge3A_284 = arith.constant 26 : i32
      %ge3A_285 = arith.cmpi sge, %add3A_260, %ge3A_284 : i32
      %and3A_286 = arith.andi %eq3A_283, %ge3A_285 : i1
      %le3A_287 = arith.constant 76 : i32
      %le3A_288 = arith.cmpi sle, %add3A_260, %le3A_287 : i32
      %and3A_289 = arith.andi %and3A_286, %le3A_288 : i1
      %convert_element_type3A_290 = arith.extui %and3A_289 : i1 to i32
      %cond3A_291 = arith.constant 0 : i32
      %cond3A_292 = arith.cmpi ne, %convert_element_type3A_290, %cond3A_291 : i32
      scf.if %cond3A_292 {
        %jit3A_677 = arith.constant 25 : i32
        %div3A_678 = arith.divsi %add3A_260, %jit3A_677 : i32
        %sign3A_679 = arith.constant 0 : i32
        %sign3A_680 = arith.cmpi sgt, %add3A_260, %sign3A_679 : i32
        %sign3A_681 = arith.extui %sign3A_680 : i1 to i32
        %sign3A_682 = arith.constant 0 : i32
        %sign3A_683 = arith.cmpi slt, %add3A_260, %sign3A_682 : i32
        %sign3A_684 = arith.extui %sign3A_683 : i1 to i32
        %sign3A_685 = arith.subi %sign3A_681, %sign3A_684 : i32
        %sign3A_686 = arith.constant 0 : i32
        %sign3A_687 = arith.cmpi sgt, %jit3A_677, %sign3A_686 : i32
        %sign3A_688 = arith.extui %sign3A_687 : i1 to i32
        %sign3A_689 = arith.constant 0 : i32
        %sign3A_690 = arith.cmpi slt, %jit3A_677, %sign3A_689 : i32
        %sign3A_691 = arith.extui %sign3A_690 : i1 to i32
        %sign3A_692 = arith.subi %sign3A_688, %sign3A_691 : i32
        %ne3A_693 = arith.cmpi ne, %sign3A_685, %sign3A_692 : i32
        %rem3A_694 = arith.remsi %add3A_260, %jit3A_677 : i32
        %ne3A_695 = arith.constant 0 : i32
        %ne3A_696 = arith.cmpi ne, %rem3A_694, %ne3A_695 : i32
        %and3A_697 = arith.andi %ne3A_693, %ne3A_696 : i1
        %sub3A_698 = arith.constant 1 : i32
        %sub3A_699 = arith.subi %div3A_678, %sub3A_698 : i32
        %select_n3A_700 = arith.select %and3A_697, %sub3A_699, %div3A_678 : i32
        %add3A_701 = arith.constant 1 : i32
        %add3A_702 = arith.addi %select_n3A_700, %add3A_701 : i32
        %jit3A_703 = arith.constant 2 : i32
        %eq3A_704 = arith.constant 0 : i32
        %eq3A_705 = arith.cmpi eq, %jit3A_703, %eq3A_704 : i32
        %jit3A_706 = arith.constant 1 : i32
        %select_n3A_707 = arith.select %eq3A_705, %jit3A_706, %jit3A_703 : i32
        %rem3A_708 = arith.remsi %add3A_702, %select_n3A_707 : i32
        %ne3A_709 = arith.constant 0 : i32
        %ne3A_710 = arith.cmpi ne, %rem3A_708, %ne3A_709 : i32
        %lt3A_711 = arith.constant 0 : i32
        %lt3A_712 = arith.cmpi slt, %rem3A_708, %lt3A_711 : i32
        %lt3A_713 = arith.constant 0 : i32
        %lt3A_714 = arith.cmpi slt, %select_n3A_707, %lt3A_713 : i32
        %ne3A_715 = arith.xori %lt3A_712, %lt3A_714 : i1
        %and3A_716 = arith.andi %ne3A_715, %ne3A_710 : i1
        %add3A_717 = arith.addi %rem3A_708, %select_n3A_707 : i32
        %select_n3A_718 = arith.select %and3A_716, %add3A_717, %rem3A_708 : i32
        %dma_start3A_719 = arith.constant 0 : i32
        %dma_start3A_720 = arith.constant 0 : i32
        %dma_start3A_721 = tpu.memref_slice %arg7[%select_n3A_718, %dma_start3A_719, %dma_start3A_720] : memref<2x25x40xi32, #tpu.memory_space<vmem>> -> memref<1x25x40xi32, #tpu.memory_space<vmem>>
        %dma_start3A_722 = tpu.memref_squeeze %dma_start3A_721 : memref<1x25x40xi32, #tpu.memory_space<vmem>> -> memref<25x40xi32, #tpu.memory_space<vmem>>
        %dma_start3A_723 = arith.constant 0 : i32
        %dma_start3A_724 = arith.constant 0 : i32
        %dma_start3A_725 = tpu.memref_slice %arg4[%add3A_47, %add3A_702, %dma_start3A_723, %dma_start3A_724] : memref<64x5x25x40xi32, #tpu.memory_space<hbm>> -> memref<1x1x25x40xi32, #tpu.memory_space<hbm>>
        %dma_start3A_726 = tpu.memref_squeeze %dma_start3A_725 : memref<1x1x25x40xi32, #tpu.memory_space<hbm>> -> memref<25x40xi32, #tpu.memory_space<hbm>>
        %dma_start3A_727 = arith.constant 0 : i32
        %dma_start3A_728 = arith.constant 0 : i32
        %dma_start3A_729 = tpu.memref_slice %arg7[%select_n3A_718, %dma_start3A_727, %dma_start3A_728] : memref<2x25x40xi32, #tpu.memory_space<vmem>> -> memref<1x25x40xi32, #tpu.memory_space<vmem>>
        %dma_start3A_730 = tpu.memref_squeeze %dma_start3A_729 : memref<1x25x40xi32, #tpu.memory_space<vmem>> -> memref<25x40xi32, #tpu.memory_space<vmem>>
        %dma_start3A_731 = arith.constant 0 : i32
        %dma_start3A_732 = arith.constant 0 : i32
        %dma_start3A_733 = tpu.memref_slice %arg4[%add3A_47, %add3A_702, %dma_start3A_731, %dma_start3A_732] : memref<64x5x25x40xi32, #tpu.memory_space<hbm>> -> memref<1x1x25x40xi32, #tpu.memory_space<hbm>>
        %dma_start3A_734 = tpu.memref_squeeze %dma_start3A_733 : memref<1x1x25x40xi32, #tpu.memory_space<hbm>> -> memref<25x40xi32, #tpu.memory_space<hbm>>
        tpu.enqueue_dma source(%dma_start3A_734 : memref<25x40xi32, #tpu.memory_space<hbm>>) target(%dma_start3A_730 : memref<25x40xi32, #tpu.memory_space<vmem>>) target_semaphore(%arg17 : memref<!tpu.dma_semaphore, #tpu.memory_space<semaphore_mem>>)
      } else {
      }
      %add3A_293 = arith.constant 2 : i32
      %add3A_294 = arith.addi %add3A_260, %add3A_293 : i32
      %jit3A_295 = arith.constant 25 : i32
      %eq3A_296 = arith.constant 0 : i32
      %eq3A_297 = arith.cmpi eq, %jit3A_295, %eq3A_296 : i32
      %jit3A_298 = arith.constant 1 : i32
      %select_n3A_299 = arith.select %eq3A_297, %jit3A_298, %jit3A_295 : i32
      %rem3A_300 = arith.remsi %add3A_294, %select_n3A_299 : i32
      %ne3A_301 = arith.constant 0 : i32
      %ne3A_302 = arith.cmpi ne, %rem3A_300, %ne3A_301 : i32
      %lt3A_303 = arith.constant 0 : i32
      %lt3A_304 = arith.cmpi slt, %rem3A_300, %lt3A_303 : i32
      %lt3A_305 = arith.constant 0 : i32
      %lt3A_306 = arith.cmpi slt, %select_n3A_299, %lt3A_305 : i32
      %ne3A_307 = arith.xori %lt3A_304, %lt3A_306 : i1
      %and3A_308 = arith.andi %ne3A_307, %ne3A_302 : i1
      %add3A_309 = arith.addi %rem3A_300, %select_n3A_299 : i32
      %select_n3A_310 = arith.select %and3A_308, %add3A_309, %rem3A_300 : i32
      %eq3A_311 = arith.constant 0 : i32
      %eq3A_312 = arith.cmpi eq, %select_n3A_310, %eq3A_311 : i32
      %ge3A_313 = arith.constant 23 : i32
      %ge3A_314 = arith.cmpi sge, %add3A_260, %ge3A_313 : i32
      %and3A_315 = arith.andi %eq3A_312, %ge3A_314 : i1
      %le3A_316 = arith.constant 98 : i32
      %le3A_317 = arith.cmpi sle, %add3A_260, %le3A_316 : i32
      %and3A_318 = arith.andi %and3A_315, %le3A_317 : i1
      %convert_element_type3A_319 = arith.extui %and3A_318 : i1 to i32
      %cond3A_320 = arith.constant 0 : i32
      %cond3A_321 = arith.cmpi ne, %convert_element_type3A_319, %cond3A_320 : i32
      scf.if %cond3A_321 {
        %dma_wait3A_677 = arith.constant 0 : i32
        %dma_wait3A_678 = arith.constant 0 : i32
        %dma_wait3A_679 = arith.constant 0 : i32
        %dma_wait3A_680 = arith.constant 0 : i32
        %dma_wait3A_681 = tpu.memref_slice %arg7[%dma_wait3A_678, %dma_wait3A_679, %dma_wait3A_680] : memref<2x25x40xi32, #tpu.memory_space<vmem>> -> memref<1x25x40xi32, #tpu.memory_space<vmem>>
        %dma_wait3A_682 = tpu.memref_squeeze %dma_wait3A_681 : memref<1x25x40xi32, #tpu.memory_space<vmem>> -> memref<25x40xi32, #tpu.memory_space<vmem>>
        %dma_wait3A_683 = arith.constant 0 : i32
        %dma_wait3A_684 = arith.constant 0 : i32
        %dma_wait3A_685 = tpu.memref_slice %arg4[%add3A_47, %dma_wait3A_677, %dma_wait3A_683, %dma_wait3A_684] : memref<64x5x25x40xi32, #tpu.memory_space<hbm>> -> memref<1x1x25x40xi32, #tpu.memory_space<hbm>>
        %dma_wait3A_686 = tpu.memref_squeeze %dma_wait3A_685 : memref<1x1x25x40xi32, #tpu.memory_space<hbm>> -> memref<25x40xi32, #tpu.memory_space<hbm>>
        %dma_wait3A_687 = arith.constant 0 : i32
        %dma_wait3A_688 = arith.constant 0 : i32
        %dma_wait3A_689 = tpu.memref_slice %arg7[%dma_wait3A_678, %dma_wait3A_687, %dma_wait3A_688] : memref<2x25x40xi32, #tpu.memory_space<vmem>> -> memref<1x25x40xi32, #tpu.memory_space<vmem>>
        %dma_wait3A_690 = tpu.memref_squeeze %dma_wait3A_689 : memref<1x25x40xi32, #tpu.memory_space<vmem>> -> memref<25x40xi32, #tpu.memory_space<vmem>>
        %dma_wait3A_691 = arith.constant 0 : i32
        %dma_wait3A_692 = arith.constant 0 : i32
        %dma_wait3A_693 = tpu.memref_slice %arg4[%add3A_47, %dma_wait3A_677, %dma_wait3A_691, %dma_wait3A_692] : memref<64x5x25x40xi32, #tpu.memory_space<hbm>> -> memref<1x1x25x40xi32, #tpu.memory_space<hbm>>
        %dma_wait3A_694 = tpu.memref_squeeze %dma_wait3A_693 : memref<1x1x25x40xi32, #tpu.memory_space<hbm>> -> memref<25x40xi32, #tpu.memory_space<hbm>>
        tpu.wait_dma2 semaphore(%arg17 : memref<!tpu.dma_semaphore, #tpu.memory_space<semaphore_mem>>) src(%dma_wait3A_694 : memref<25x40xi32, #tpu.memory_space<hbm>>) dst(%dma_wait3A_690 : memref<25x40xi32, #tpu.memory_space<vmem>>)
      } else {
      }
      %add3A_322 = arith.constant 2 : i32
      %add3A_323 = arith.addi %add3A_260, %add3A_322 : i32
      %lt3A_324 = arith.constant 125 : i32
      %lt3A_325 = arith.cmpi slt, %add3A_323, %lt3A_324 : i32
      %convert_element_type3A_326 = arith.extui %lt3A_325 : i1 to i32
      %cond3A_327 = arith.constant 0 : i32
      %cond3A_328 = arith.cmpi ne, %convert_element_type3A_326, %cond3A_327 : i32
      scf.if %cond3A_328 {
        %add3A_677 = arith.constant 2 : i32
        %add3A_678 = arith.addi %add3A_260, %add3A_677 : i32
        %mul3A_679 = arith.constant 40 : i32
        %mul3A_680 = arith.muli %add3A_678, %mul3A_679 : i32
        %multiple_of3A_681 = tpu.assume_multiple %mul3A_680, 8 : i32
        %dma_start3A_682 = tpu.memref_slice %arg6[%multiple_of3A_681] : memref<5008xi32, #tpu.memory_space<vmem>> -> memref<40xi32, #tpu.memory_space<vmem>>
        %dma_start3A_683 = arith.constant 0 : i32
        %dma_start3A_684 = arith.constant 0 : i32
        %dma_start3A_685 = tpu.memref_slice %arg2[%dma_start3A_683, %dma_start3A_684] : memref<160000x128xf32, #tpu.memory_space<hbm>> -> memref<160000x128xf32, #tpu.memory_space<hbm>>
        tpu.enqueue_indirect_dma source(%dma_start3A_685 : memref<160000x128xf32, #tpu.memory_space<hbm>>) target(%arg11 : memref<40x128xf32, #tpu.memory_space<vmem>>) offsets(%dma_start3A_682 : memref<40xi32, #tpu.memory_space<vmem>>) semaphore(%arg16 : memref<!tpu.dma_semaphore, #tpu.memory_space<semaphore_mem>>)
      } else {
      }
      %dma_wait3A_329 = arith.constant 0 : i32
      %dma_wait3A_330 = arith.constant 0 : i32
      %dma_wait3A_331 = tpu.memref_slice %arg2[%dma_wait3A_329, %dma_wait3A_330] : memref<160000x128xf32, #tpu.memory_space<hbm>> -> memref<40x128xf32, #tpu.memory_space<hbm>>
      %dma_wait3A_332 = arith.constant 0 : i32
      %dma_wait3A_333 = arith.constant 0 : i32
      %dma_wait3A_334 = tpu.memref_slice %arg2[%dma_wait3A_332, %dma_wait3A_333] : memref<160000x128xf32, #tpu.memory_space<hbm>> -> memref<40x128xf32, #tpu.memory_space<hbm>>
      tpu.wait_dma2 semaphore(%arg14 : memref<!tpu.dma_semaphore, #tpu.memory_space<semaphore_mem>>) src(%dma_wait3A_334 : memref<40x128xf32, #tpu.memory_space<hbm>>) dst(%arg9 : memref<40x128xf32, #tpu.memory_space<vmem>>)
      %jit3A_335 = arith.constant 25 : i32
      %div3A_336 = arith.divsi %add3A_260, %jit3A_335 : i32
      %sign3A_337 = arith.constant 0 : i32
      %sign3A_338 = arith.cmpi sgt, %add3A_260, %sign3A_337 : i32
      %sign3A_339 = arith.extui %sign3A_338 : i1 to i32
      %sign3A_340 = arith.constant 0 : i32
      %sign3A_341 = arith.cmpi slt, %add3A_260, %sign3A_340 : i32
      %sign3A_342 = arith.extui %sign3A_341 : i1 to i32
      %sign3A_343 = arith.subi %sign3A_339, %sign3A_342 : i32
      %sign3A_344 = arith.constant 0 : i32
      %sign3A_345 = arith.cmpi sgt, %jit3A_335, %sign3A_344 : i32
      %sign3A_346 = arith.extui %sign3A_345 : i1 to i32
      %sign3A_347 = arith.constant 0 : i32
      %sign3A_348 = arith.cmpi slt, %jit3A_335, %sign3A_347 : i32
      %sign3A_349 = arith.extui %sign3A_348 : i1 to i32
      %sign3A_350 = arith.subi %sign3A_346, %sign3A_349 : i32
      %ne3A_351 = arith.cmpi ne, %sign3A_343, %sign3A_350 : i32
      %rem3A_352 = arith.remsi %add3A_260, %jit3A_335 : i32
      %ne3A_353 = arith.constant 0 : i32
      %ne3A_354 = arith.cmpi ne, %rem3A_352, %ne3A_353 : i32
      %and3A_355 = arith.andi %ne3A_351, %ne3A_354 : i1
      %sub3A_356 = arith.constant 1 : i32
      %sub3A_357 = arith.subi %div3A_336, %sub3A_356 : i32
      %select_n3A_358 = arith.select %and3A_355, %sub3A_357, %div3A_336 : i32
      %jit3A_359 = arith.constant 2 : i32
      %eq3A_360 = arith.constant 0 : i32
      %eq3A_361 = arith.cmpi eq, %jit3A_359, %eq3A_360 : i32
      %jit3A_362 = arith.constant 1 : i32
      %select_n3A_363 = arith.select %eq3A_361, %jit3A_362, %jit3A_359 : i32
      %rem3A_364 = arith.remsi %select_n3A_358, %select_n3A_363 : i32
      %ne3A_365 = arith.constant 0 : i32
      %ne3A_366 = arith.cmpi ne, %rem3A_364, %ne3A_365 : i32
      %lt3A_367 = arith.constant 0 : i32
      %lt3A_368 = arith.cmpi slt, %rem3A_364, %lt3A_367 : i32
      %lt3A_369 = arith.constant 0 : i32
      %lt3A_370 = arith.cmpi slt, %select_n3A_363, %lt3A_369 : i32
      %ne3A_371 = arith.xori %lt3A_368, %lt3A_370 : i1
      %and3A_372 = arith.andi %ne3A_371, %ne3A_366 : i1
      %add3A_373 = arith.addi %rem3A_364, %select_n3A_363 : i32
      %select_n3A_374 = arith.select %and3A_372, %add3A_373, %rem3A_364 : i32
      %jit3A_375 = arith.constant 25 : i32
      %eq3A_376 = arith.constant 0 : i32
      %eq3A_377 = arith.cmpi eq, %jit3A_375, %eq3A_376 : i32
      %jit3A_378 = arith.constant 1 : i32
      %select_n3A_379 = arith.select %eq3A_377, %jit3A_378, %jit3A_375 : i32
      %rem3A_380 = arith.remsi %add3A_260, %select_n3A_379 : i32
      %ne3A_381 = arith.constant 0 : i32
      %ne3A_382 = arith.cmpi ne, %rem3A_380, %ne3A_381 : i32
      %lt3A_383 = arith.constant 0 : i32
      %lt3A_384 = arith.cmpi slt, %rem3A_380, %lt3A_383 : i32
      %lt3A_385 = arith.constant 0 : i32
      %lt3A_386 = arith.cmpi slt, %select_n3A_379, %lt3A_385 : i32
      %ne3A_387 = arith.xori %lt3A_384, %lt3A_386 : i1
      %and3A_388 = arith.andi %ne3A_387, %ne3A_382 : i1
      %add3A_389 = arith.addi %rem3A_380, %select_n3A_379 : i32
      %select_n3A_390 = arith.select %and3A_388, %add3A_389, %rem3A_380 : i32
      %dma_start3A_391 = arith.constant 0 : i32
      %dma_start3A_392 = tpu.memref_slice %arg7[%select_n3A_374, %select_n3A_390, %dma_start3A_391] : memref<2x25x40xi32, #tpu.memory_space<vmem>> -> memref<1x1x40xi32, #tpu.memory_space<vmem>>
      %dma_start3A_393 = tpu.memref_squeeze %dma_start3A_392 : memref<1x1x40xi32, #tpu.memory_space<vmem>> -> memref<40xi32, #tpu.memory_space<vmem>>
      %dma_start3A_394 = arith.constant 0 : i32
      %dma_start3A_395 = arith.constant 0 : i32
      %dma_start3A_396 = tpu.memref_slice %arg12[%dma_start3A_394, %dma_start3A_395] : memref<10000x128xf32, #tpu.memory_space<vmem_shared>> -> memref<10000x128xf32, #tpu.memory_space<vmem_shared>>
      tpu.enqueue_indirect_dma source(%arg9 : memref<40x128xf32, #tpu.memory_space<vmem>>) target(%dma_start3A_396 : memref<10000x128xf32, #tpu.memory_space<vmem_shared>>) offsets(%dma_start3A_393 : memref<40xi32, #tpu.memory_space<vmem>>) semaphore(%arg14 : memref<!tpu.dma_semaphore, #tpu.memory_space<semaphore_mem>>) {add = true}
      %mul3A_397 = arith.constant 4 : i32
      %mul3A_398 = arith.muli %mul3A_397, %scan3A_127 : i32
      %add3A_399 = arith.constant 2 : i32
      %add3A_400 = arith.addi %mul3A_398, %add3A_399 : i32
      %ge3A_401 = arith.constant 2 : i32
      %ge3A_402 = arith.cmpi sge, %add3A_400, %ge3A_401 : i32
      %convert_element_type3A_403 = arith.extui %ge3A_402 : i1 to i32
      %cond3A_404 = arith.constant 0 : i32
      %cond3A_405 = arith.cmpi ne, %convert_element_type3A_403, %cond3A_404 : i32
      scf.if %cond3A_405 {
        %dma_wait3A_677 = arith.constant 0 : i32
        %dma_wait3A_678 = arith.constant 0 : i32
        %dma_wait3A_679 = tpu.memref_slice %arg2[%dma_wait3A_677, %dma_wait3A_678] : memref<160000x128xf32, #tpu.memory_space<hbm>> -> memref<40x128xf32, #tpu.memory_space<hbm>>
        %dma_wait3A_680 = arith.constant 0 : i32
        %dma_wait3A_681 = arith.constant 0 : i32
        %dma_wait3A_682 = tpu.memref_slice %arg2[%dma_wait3A_680, %dma_wait3A_681] : memref<160000x128xf32, #tpu.memory_space<hbm>> -> memref<40x128xf32, #tpu.memory_space<hbm>>
        tpu.wait_dma2 semaphore(%arg13 : memref<!tpu.dma_semaphore, #tpu.memory_space<semaphore_mem>>) src(%dma_wait3A_682 : memref<40x128xf32, #tpu.memory_space<hbm>>) dst(%arg8 : memref<40x128xf32, #tpu.memory_space<vmem>>)
      } else {
      }
      %jit3A_406 = arith.constant 25 : i32
      %eq3A_407 = arith.constant 0 : i32
      %eq3A_408 = arith.cmpi eq, %jit3A_406, %eq3A_407 : i32
      %jit3A_409 = arith.constant 1 : i32
      %select_n3A_410 = arith.select %eq3A_408, %jit3A_409, %jit3A_406 : i32
      %rem3A_411 = arith.remsi %add3A_400, %select_n3A_410 : i32
      %ne3A_412 = arith.constant 0 : i32
      %ne3A_413 = arith.cmpi ne, %rem3A_411, %ne3A_412 : i32
      %lt3A_414 = arith.constant 0 : i32
      %lt3A_415 = arith.cmpi slt, %rem3A_411, %lt3A_414 : i32
      %lt3A_416 = arith.constant 0 : i32
      %lt3A_417 = arith.cmpi slt, %select_n3A_410, %lt3A_416 : i32
      %ne3A_418 = arith.xori %lt3A_415, %lt3A_417 : i1
      %and3A_419 = arith.andi %ne3A_418, %ne3A_413 : i1
      %add3A_420 = arith.addi %rem3A_411, %select_n3A_410 : i32
      %select_n3A_421 = arith.select %and3A_419, %add3A_420, %rem3A_411 : i32
      %eq3A_422 = arith.constant 1 : i32
      %eq3A_423 = arith.cmpi eq, %select_n3A_421, %eq3A_422 : i32
      %ge3A_424 = arith.constant 26 : i32
      %ge3A_425 = arith.cmpi sge, %add3A_400, %ge3A_424 : i32
      %and3A_426 = arith.andi %eq3A_423, %ge3A_425 : i1
      %le3A_427 = arith.constant 76 : i32
      %le3A_428 = arith.cmpi sle, %add3A_400, %le3A_427 : i32
      %and3A_429 = arith.andi %and3A_426, %le3A_428 : i1
      %convert_element_type3A_430 = arith.extui %and3A_429 : i1 to i32
      %cond3A_431 = arith.constant 0 : i32
      %cond3A_432 = arith.cmpi ne, %convert_element_type3A_430, %cond3A_431 : i32
      scf.if %cond3A_432 {
        %jit3A_677 = arith.constant 25 : i32
        %div3A_678 = arith.divsi %add3A_400, %jit3A_677 : i32
        %sign3A_679 = arith.constant 0 : i32
        %sign3A_680 = arith.cmpi sgt, %add3A_400, %sign3A_679 : i32
        %sign3A_681 = arith.extui %sign3A_680 : i1 to i32
        %sign3A_682 = arith.constant 0 : i32
        %sign3A_683 = arith.cmpi slt, %add3A_400, %sign3A_682 : i32
        %sign3A_684 = arith.extui %sign3A_683 : i1 to i32
        %sign3A_685 = arith.subi %sign3A_681, %sign3A_684 : i32
        %sign3A_686 = arith.constant 0 : i32
        %sign3A_687 = arith.cmpi sgt, %jit3A_677, %sign3A_686 : i32
        %sign3A_688 = arith.extui %sign3A_687 : i1 to i32
        %sign3A_689 = arith.constant 0 : i32
        %sign3A_690 = arith.cmpi slt, %jit3A_677, %sign3A_689 : i32
        %sign3A_691 = arith.extui %sign3A_690 : i1 to i32
        %sign3A_692 = arith.subi %sign3A_688, %sign3A_691 : i32
        %ne3A_693 = arith.cmpi ne, %sign3A_685, %sign3A_692 : i32
        %rem3A_694 = arith.remsi %add3A_400, %jit3A_677 : i32
        %ne3A_695 = arith.constant 0 : i32
        %ne3A_696 = arith.cmpi ne, %rem3A_694, %ne3A_695 : i32
        %and3A_697 = arith.andi %ne3A_693, %ne3A_696 : i1
        %sub3A_698 = arith.constant 1 : i32
        %sub3A_699 = arith.subi %div3A_678, %sub3A_698 : i32
        %select_n3A_700 = arith.select %and3A_697, %sub3A_699, %div3A_678 : i32
        %add3A_701 = arith.constant 1 : i32
        %add3A_702 = arith.addi %select_n3A_700, %add3A_701 : i32
        %jit3A_703 = arith.constant 2 : i32
        %eq3A_704 = arith.constant 0 : i32
        %eq3A_705 = arith.cmpi eq, %jit3A_703, %eq3A_704 : i32
        %jit3A_706 = arith.constant 1 : i32
        %select_n3A_707 = arith.select %eq3A_705, %jit3A_706, %jit3A_703 : i32
        %rem3A_708 = arith.remsi %add3A_702, %select_n3A_707 : i32
        %ne3A_709 = arith.constant 0 : i32
        %ne3A_710 = arith.cmpi ne, %rem3A_708, %ne3A_709 : i32
        %lt3A_711 = arith.constant 0 : i32
        %lt3A_712 = arith.cmpi slt, %rem3A_708, %lt3A_711 : i32
        %lt3A_713 = arith.constant 0 : i32
        %lt3A_714 = arith.cmpi slt, %select_n3A_707, %lt3A_713 : i32
        %ne3A_715 = arith.xori %lt3A_712, %lt3A_714 : i1
        %and3A_716 = arith.andi %ne3A_715, %ne3A_710 : i1
        %add3A_717 = arith.addi %rem3A_708, %select_n3A_707 : i32
        %select_n3A_718 = arith.select %and3A_716, %add3A_717, %rem3A_708 : i32
        %dma_start3A_719 = arith.constant 0 : i32
        %dma_start3A_720 = arith.constant 0 : i32
        %dma_start3A_721 = tpu.memref_slice %arg7[%select_n3A_718, %dma_start3A_719, %dma_start3A_720] : memref<2x25x40xi32, #tpu.memory_space<vmem>> -> memref<1x25x40xi32, #tpu.memory_space<vmem>>
        %dma_start3A_722 = tpu.memref_squeeze %dma_start3A_721 : memref<1x25x40xi32, #tpu.memory_space<vmem>> -> memref<25x40xi32, #tpu.memory_space<vmem>>
        %dma_start3A_723 = arith.constant 0 : i32
        %dma_start3A_724 = arith.constant 0 : i32
        %dma_start3A_725 = tpu.memref_slice %arg4[%add3A_47, %add3A_702, %dma_start3A_723, %dma_start3A_724] : memref<64x5x25x40xi32, #tpu.memory_space<hbm>> -> memref<1x1x25x40xi32, #tpu.memory_space<hbm>>
        %dma_start3A_726 = tpu.memref_squeeze %dma_start3A_725 : memref<1x1x25x40xi32, #tpu.memory_space<hbm>> -> memref<25x40xi32, #tpu.memory_space<hbm>>
        %dma_start3A_727 = arith.constant 0 : i32
        %dma_start3A_728 = arith.constant 0 : i32
        %dma_start3A_729 = tpu.memref_slice %arg7[%select_n3A_718, %dma_start3A_727, %dma_start3A_728] : memref<2x25x40xi32, #tpu.memory_space<vmem>> -> memref<1x25x40xi32, #tpu.memory_space<vmem>>
        %dma_start3A_730 = tpu.memref_squeeze %dma_start3A_729 : memref<1x25x40xi32, #tpu.memory_space<vmem>> -> memref<25x40xi32, #tpu.memory_space<vmem>>
        %dma_start3A_731 = arith.constant 0 : i32
        %dma_start3A_732 = arith.constant 0 : i32
        %dma_start3A_733 = tpu.memref_slice %arg4[%add3A_47, %add3A_702, %dma_start3A_731, %dma_start3A_732] : memref<64x5x25x40xi32, #tpu.memory_space<hbm>> -> memref<1x1x25x40xi32, #tpu.memory_space<hbm>>
        %dma_start3A_734 = tpu.memref_squeeze %dma_start3A_733 : memref<1x1x25x40xi32, #tpu.memory_space<hbm>> -> memref<25x40xi32, #tpu.memory_space<hbm>>
        tpu.enqueue_dma source(%dma_start3A_734 : memref<25x40xi32, #tpu.memory_space<hbm>>) target(%dma_start3A_730 : memref<25x40xi32, #tpu.memory_space<vmem>>) target_semaphore(%arg17 : memref<!tpu.dma_semaphore, #tpu.memory_space<semaphore_mem>>)
      } else {
      }
      %add3A_433 = arith.constant 2 : i32
      %add3A_434 = arith.addi %add3A_400, %add3A_433 : i32
      %jit3A_435 = arith.constant 25 : i32
      %eq3A_436 = arith.constant 0 : i32
      %eq3A_437 = arith.cmpi eq, %jit3A_435, %eq3A_436 : i32
      %jit3A_438 = arith.constant 1 : i32
      %select_n3A_439 = arith.select %eq3A_437, %jit3A_438, %jit3A_435 : i32
      %rem3A_440 = arith.remsi %add3A_434, %select_n3A_439 : i32
      %ne3A_441 = arith.constant 0 : i32
      %ne3A_442 = arith.cmpi ne, %rem3A_440, %ne3A_441 : i32
      %lt3A_443 = arith.constant 0 : i32
      %lt3A_444 = arith.cmpi slt, %rem3A_440, %lt3A_443 : i32
      %lt3A_445 = arith.constant 0 : i32
      %lt3A_446 = arith.cmpi slt, %select_n3A_439, %lt3A_445 : i32
      %ne3A_447 = arith.xori %lt3A_444, %lt3A_446 : i1
      %and3A_448 = arith.andi %ne3A_447, %ne3A_442 : i1
      %add3A_449 = arith.addi %rem3A_440, %select_n3A_439 : i32
      %select_n3A_450 = arith.select %and3A_448, %add3A_449, %rem3A_440 : i32
      %eq3A_451 = arith.constant 0 : i32
      %eq3A_452 = arith.cmpi eq, %select_n3A_450, %eq3A_451 : i32
      %ge3A_453 = arith.constant 23 : i32
      %ge3A_454 = arith.cmpi sge, %add3A_400, %ge3A_453 : i32
      %and3A_455 = arith.andi %eq3A_452, %ge3A_454 : i1
      %le3A_456 = arith.constant 98 : i32
      %le3A_457 = arith.cmpi sle, %add3A_400, %le3A_456 : i32
      %and3A_458 = arith.andi %and3A_455, %le3A_457 : i1
      %convert_element_type3A_459 = arith.extui %and3A_458 : i1 to i32
      %cond3A_460 = arith.constant 0 : i32
      %cond3A_461 = arith.cmpi ne, %convert_element_type3A_459, %cond3A_460 : i32
      scf.if %cond3A_461 {
        %dma_wait3A_677 = arith.constant 0 : i32
        %dma_wait3A_678 = arith.constant 0 : i32
        %dma_wait3A_679 = arith.constant 0 : i32
        %dma_wait3A_680 = arith.constant 0 : i32
        %dma_wait3A_681 = tpu.memref_slice %arg7[%dma_wait3A_678, %dma_wait3A_679, %dma_wait3A_680] : memref<2x25x40xi32, #tpu.memory_space<vmem>> -> memref<1x25x40xi32, #tpu.memory_space<vmem>>
        %dma_wait3A_682 = tpu.memref_squeeze %dma_wait3A_681 : memref<1x25x40xi32, #tpu.memory_space<vmem>> -> memref<25x40xi32, #tpu.memory_space<vmem>>
        %dma_wait3A_683 = arith.constant 0 : i32
        %dma_wait3A_684 = arith.constant 0 : i32
        %dma_wait3A_685 = tpu.memref_slice %arg4[%add3A_47, %dma_wait3A_677, %dma_wait3A_683, %dma_wait3A_684] : memref<64x5x25x40xi32, #tpu.memory_space<hbm>> -> memref<1x1x25x40xi32, #tpu.memory_space<hbm>>
        %dma_wait3A_686 = tpu.memref_squeeze %dma_wait3A_685 : memref<1x1x25x40xi32, #tpu.memory_space<hbm>> -> memref<25x40xi32, #tpu.memory_space<hbm>>
        %dma_wait3A_687 = arith.constant 0 : i32
        %dma_wait3A_688 = arith.constant 0 : i32
        %dma_wait3A_689 = tpu.memref_slice %arg7[%dma_wait3A_678, %dma_wait3A_687, %dma_wait3A_688] : memref<2x25x40xi32, #tpu.memory_space<vmem>> -> memref<1x25x40xi32, #tpu.memory_space<vmem>>
        %dma_wait3A_690 = tpu.memref_squeeze %dma_wait3A_689 : memref<1x25x40xi32, #tpu.memory_space<vmem>> -> memref<25x40xi32, #tpu.memory_space<vmem>>
        %dma_wait3A_691 = arith.constant 0 : i32
        %dma_wait3A_692 = arith.constant 0 : i32
        %dma_wait3A_693 = tpu.memref_slice %arg4[%add3A_47, %dma_wait3A_677, %dma_wait3A_691, %dma_wait3A_692] : memref<64x5x25x40xi32, #tpu.memory_space<hbm>> -> memref<1x1x25x40xi32, #tpu.memory_space<hbm>>
        %dma_wait3A_694 = tpu.memref_squeeze %dma_wait3A_693 : memref<1x1x25x40xi32, #tpu.memory_space<hbm>> -> memref<25x40xi32, #tpu.memory_space<hbm>>
        tpu.wait_dma2 semaphore(%arg17 : memref<!tpu.dma_semaphore, #tpu.memory_space<semaphore_mem>>) src(%dma_wait3A_694 : memref<25x40xi32, #tpu.memory_space<hbm>>) dst(%dma_wait3A_690 : memref<25x40xi32, #tpu.memory_space<vmem>>)
      } else {
      }
      %add3A_462 = arith.constant 2 : i32
      %add3A_463 = arith.addi %add3A_400, %add3A_462 : i32
      %lt3A_464 = arith.constant 125 : i32
      %lt3A_465 = arith.cmpi slt, %add3A_463, %lt3A_464 : i32
      %convert_element_type3A_466 = arith.extui %lt3A_465 : i1 to i32
      %cond3A_467 = arith.constant 0 : i32
      %cond3A_468 = arith.cmpi ne, %convert_element_type3A_466, %cond3A_467 : i32
      scf.if %cond3A_468 {
        %add3A_677 = arith.constant 2 : i32
        %add3A_678 = arith.addi %add3A_400, %add3A_677 : i32
        %mul3A_679 = arith.constant 40 : i32
        %mul3A_680 = arith.muli %add3A_678, %mul3A_679 : i32
        %multiple_of3A_681 = tpu.assume_multiple %mul3A_680, 8 : i32
        %dma_start3A_682 = tpu.memref_slice %arg6[%multiple_of3A_681] : memref<5008xi32, #tpu.memory_space<vmem>> -> memref<40xi32, #tpu.memory_space<vmem>>
        %dma_start3A_683 = arith.constant 0 : i32
        %dma_start3A_684 = arith.constant 0 : i32
        %dma_start3A_685 = tpu.memref_slice %arg2[%dma_start3A_683, %dma_start3A_684] : memref<160000x128xf32, #tpu.memory_space<hbm>> -> memref<160000x128xf32, #tpu.memory_space<hbm>>
        tpu.enqueue_indirect_dma source(%dma_start3A_685 : memref<160000x128xf32, #tpu.memory_space<hbm>>) target(%arg8 : memref<40x128xf32, #tpu.memory_space<vmem>>) offsets(%dma_start3A_682 : memref<40xi32, #tpu.memory_space<vmem>>) semaphore(%arg13 : memref<!tpu.dma_semaphore, #tpu.memory_space<semaphore_mem>>)
      } else {
      }
      %dma_wait3A_469 = arith.constant 0 : i32
      %dma_wait3A_470 = arith.constant 0 : i32
      %dma_wait3A_471 = tpu.memref_slice %arg2[%dma_wait3A_469, %dma_wait3A_470] : memref<160000x128xf32, #tpu.memory_space<hbm>> -> memref<40x128xf32, #tpu.memory_space<hbm>>
      %dma_wait3A_472 = arith.constant 0 : i32
      %dma_wait3A_473 = arith.constant 0 : i32
      %dma_wait3A_474 = tpu.memref_slice %arg2[%dma_wait3A_472, %dma_wait3A_473] : memref<160000x128xf32, #tpu.memory_space<hbm>> -> memref<40x128xf32, #tpu.memory_space<hbm>>
      tpu.wait_dma2 semaphore(%arg15 : memref<!tpu.dma_semaphore, #tpu.memory_space<semaphore_mem>>) src(%dma_wait3A_474 : memref<40x128xf32, #tpu.memory_space<hbm>>) dst(%arg10 : memref<40x128xf32, #tpu.memory_space<vmem>>)
      %jit3A_475 = arith.constant 25 : i32
      %div3A_476 = arith.divsi %add3A_400, %jit3A_475 : i32
      %sign3A_477 = arith.constant 0 : i32
      %sign3A_478 = arith.cmpi sgt, %add3A_400, %sign3A_477 : i32
      %sign3A_479 = arith.extui %sign3A_478 : i1 to i32
      %sign3A_480 = arith.constant 0 : i32
      %sign3A_481 = arith.cmpi slt, %add3A_400, %sign3A_480 : i32
      %sign3A_482 = arith.extui %sign3A_481 : i1 to i32
      %sign3A_483 = arith.subi %sign3A_479, %sign3A_482 : i32
      %sign3A_484 = arith.constant 0 : i32
      %sign3A_485 = arith.cmpi sgt, %jit3A_475, %sign3A_484 : i32
      %sign3A_486 = arith.extui %sign3A_485 : i1 to i32
      %sign3A_487 = arith.constant 0 : i32
      %sign3A_488 = arith.cmpi slt, %jit3A_475, %sign3A_487 : i32
      %sign3A_489 = arith.extui %sign3A_488 : i1 to i32
      %sign3A_490 = arith.subi %sign3A_486, %sign3A_489 : i32
      %ne3A_491 = arith.cmpi ne, %sign3A_483, %sign3A_490 : i32
      %rem3A_492 = arith.remsi %add3A_400, %jit3A_475 : i32
      %ne3A_493 = arith.constant 0 : i32
      %ne3A_494 = arith.cmpi ne, %rem3A_492, %ne3A_493 : i32
      %and3A_495 = arith.andi %ne3A_491, %ne3A_494 : i1
      %sub3A_496 = arith.constant 1 : i32
      %sub3A_497 = arith.subi %div3A_476, %sub3A_496 : i32
      %select_n3A_498 = arith.select %and3A_495, %sub3A_497, %div3A_476 : i32
      %jit3A_499 = arith.constant 2 : i32
      %eq3A_500 = arith.constant 0 : i32
      %eq3A_501 = arith.cmpi eq, %jit3A_499, %eq3A_500 : i32
      %jit3A_502 = arith.constant 1 : i32
      %select_n3A_503 = arith.select %eq3A_501, %jit3A_502, %jit3A_499 : i32
      %rem3A_504 = arith.remsi %select_n3A_498, %select_n3A_503 : i32
      %ne3A_505 = arith.constant 0 : i32
      %ne3A_506 = arith.cmpi ne, %rem3A_504, %ne3A_505 : i32
      %lt3A_507 = arith.constant 0 : i32
      %lt3A_508 = arith.cmpi slt, %rem3A_504, %lt3A_507 : i32
      %lt3A_509 = arith.constant 0 : i32
      %lt3A_510 = arith.cmpi slt, %select_n3A_503, %lt3A_509 : i32
      %ne3A_511 = arith.xori %lt3A_508, %lt3A_510 : i1
      %and3A_512 = arith.andi %ne3A_511, %ne3A_506 : i1
      %add3A_513 = arith.addi %rem3A_504, %select_n3A_503 : i32
      %select_n3A_514 = arith.select %and3A_512, %add3A_513, %rem3A_504 : i32
      %jit3A_515 = arith.constant 25 : i32
      %eq3A_516 = arith.constant 0 : i32
      %eq3A_517 = arith.cmpi eq, %jit3A_515, %eq3A_516 : i32
      %jit3A_518 = arith.constant 1 : i32
      %select_n3A_519 = arith.select %eq3A_517, %jit3A_518, %jit3A_515 : i32
      %rem3A_520 = arith.remsi %add3A_400, %select_n3A_519 : i32
      %ne3A_521 = arith.constant 0 : i32
      %ne3A_522 = arith.cmpi ne, %rem3A_520, %ne3A_521 : i32
      %lt3A_523 = arith.constant 0 : i32
      %lt3A_524 = arith.cmpi slt, %rem3A_520, %lt3A_523 : i32
      %lt3A_525 = arith.constant 0 : i32
      %lt3A_526 = arith.cmpi slt, %select_n3A_519, %lt3A_525 : i32
      %ne3A_527 = arith.xori %lt3A_524, %lt3A_526 : i1
      %and3A_528 = arith.andi %ne3A_527, %ne3A_522 : i1
      %add3A_529 = arith.addi %rem3A_520, %select_n3A_519 : i32
      %select_n3A_530 = arith.select %and3A_528, %add3A_529, %rem3A_520 : i32
      %dma_start3A_531 = arith.constant 0 : i32
      %dma_start3A_532 = tpu.memref_slice %arg7[%select_n3A_514, %select_n3A_530, %dma_start3A_531] : memref<2x25x40xi32, #tpu.memory_space<vmem>> -> memref<1x1x40xi32, #tpu.memory_space<vmem>>
      %dma_start3A_533 = tpu.memref_squeeze %dma_start3A_532 : memref<1x1x40xi32, #tpu.memory_space<vmem>> -> memref<40xi32, #tpu.memory_space<vmem>>
      %dma_start3A_534 = arith.constant 0 : i32
      %dma_start3A_535 = arith.constant 0 : i32
      %dma_start3A_536 = tpu.memref_slice %arg12[%dma_start3A_534, %dma_start3A_535] : memref<10000x128xf32, #tpu.memory_space<vmem_shared>> -> memref<10000x128xf32, #tpu.memory_space<vmem_shared>>
      tpu.enqueue_indirect_dma source(%arg10 : memref<40x128xf32, #tpu.memory_space<vmem>>) target(%dma_start3A_536 : memref<10000x128xf32, #tpu.memory_space<vmem_shared>>) offsets(%dma_start3A_533 : memref<40xi32, #tpu.memory_space<vmem>>) semaphore(%arg15 : memref<!tpu.dma_semaphore, #tpu.memory_space<semaphore_mem>>) {add = true}
      %mul3A_537 = arith.constant 4 : i32
      %mul3A_538 = arith.muli %mul3A_537, %scan3A_127 : i32
      %add3A_539 = arith.constant 3 : i32
      %add3A_540 = arith.addi %mul3A_538, %add3A_539 : i32
      %ge3A_541 = arith.constant 2 : i32
      %ge3A_542 = arith.cmpi sge, %add3A_540, %ge3A_541 : i32
      %convert_element_type3A_543 = arith.extui %ge3A_542 : i1 to i32
      %cond3A_544 = arith.constant 0 : i32
      %cond3A_545 = arith.cmpi ne, %convert_element_type3A_543, %cond3A_544 : i32
      scf.if %cond3A_545 {
        %dma_wait3A_677 = arith.constant 0 : i32
        %dma_wait3A_678 = arith.constant 0 : i32
        %dma_wait3A_679 = tpu.memref_slice %arg2[%dma_wait3A_677, %dma_wait3A_678] : memref<160000x128xf32, #tpu.memory_space<hbm>> -> memref<40x128xf32, #tpu.memory_space<hbm>>
        %dma_wait3A_680 = arith.constant 0 : i32
        %dma_wait3A_681 = arith.constant 0 : i32
        %dma_wait3A_682 = tpu.memref_slice %arg2[%dma_wait3A_680, %dma_wait3A_681] : memref<160000x128xf32, #tpu.memory_space<hbm>> -> memref<40x128xf32, #tpu.memory_space<hbm>>
        tpu.wait_dma2 semaphore(%arg14 : memref<!tpu.dma_semaphore, #tpu.memory_space<semaphore_mem>>) src(%dma_wait3A_682 : memref<40x128xf32, #tpu.memory_space<hbm>>) dst(%arg9 : memref<40x128xf32, #tpu.memory_space<vmem>>)
      } else {
      }
      %jit3A_546 = arith.constant 25 : i32
      %eq3A_547 = arith.constant 0 : i32
      %eq3A_548 = arith.cmpi eq, %jit3A_546, %eq3A_547 : i32
      %jit3A_549 = arith.constant 1 : i32
      %select_n3A_550 = arith.select %eq3A_548, %jit3A_549, %jit3A_546 : i32
      %rem3A_551 = arith.remsi %add3A_540, %select_n3A_550 : i32
      %ne3A_552 = arith.constant 0 : i32
      %ne3A_553 = arith.cmpi ne, %rem3A_551, %ne3A_552 : i32
      %lt3A_554 = arith.constant 0 : i32
      %lt3A_555 = arith.cmpi slt, %rem3A_551, %lt3A_554 : i32
      %lt3A_556 = arith.constant 0 : i32
      %lt3A_557 = arith.cmpi slt, %select_n3A_550, %lt3A_556 : i32
      %ne3A_558 = arith.xori %lt3A_555, %lt3A_557 : i1
      %and3A_559 = arith.andi %ne3A_558, %ne3A_553 : i1
      %add3A_560 = arith.addi %rem3A_551, %select_n3A_550 : i32
      %select_n3A_561 = arith.select %and3A_559, %add3A_560, %rem3A_551 : i32
      %eq3A_562 = arith.constant 1 : i32
      %eq3A_563 = arith.cmpi eq, %select_n3A_561, %eq3A_562 : i32
      %ge3A_564 = arith.constant 26 : i32
      %ge3A_565 = arith.cmpi sge, %add3A_540, %ge3A_564 : i32
      %and3A_566 = arith.andi %eq3A_563, %ge3A_565 : i1
      %le3A_567 = arith.constant 76 : i32
      %le3A_568 = arith.cmpi sle, %add3A_540, %le3A_567 : i32
      %and3A_569 = arith.andi %and3A_566, %le3A_568 : i1
      %convert_element_type3A_570 = arith.extui %and3A_569 : i1 to i32
      %cond3A_571 = arith.constant 0 : i32
      %cond3A_572 = arith.cmpi ne, %convert_element_type3A_570, %cond3A_571 : i32
      scf.if %cond3A_572 {
        %jit3A_677 = arith.constant 25 : i32
        %div3A_678 = arith.divsi %add3A_540, %jit3A_677 : i32
        %sign3A_679 = arith.constant 0 : i32
        %sign3A_680 = arith.cmpi sgt, %add3A_540, %sign3A_679 : i32
        %sign3A_681 = arith.extui %sign3A_680 : i1 to i32
        %sign3A_682 = arith.constant 0 : i32
        %sign3A_683 = arith.cmpi slt, %add3A_540, %sign3A_682 : i32
        %sign3A_684 = arith.extui %sign3A_683 : i1 to i32
        %sign3A_685 = arith.subi %sign3A_681, %sign3A_684 : i32
        %sign3A_686 = arith.constant 0 : i32
        %sign3A_687 = arith.cmpi sgt, %jit3A_677, %sign3A_686 : i32
        %sign3A_688 = arith.extui %sign3A_687 : i1 to i32
        %sign3A_689 = arith.constant 0 : i32
        %sign3A_690 = arith.cmpi slt, %jit3A_677, %sign3A_689 : i32
        %sign3A_691 = arith.extui %sign3A_690 : i1 to i32
        %sign3A_692 = arith.subi %sign3A_688, %sign3A_691 : i32
        %ne3A_693 = arith.cmpi ne, %sign3A_685, %sign3A_692 : i32
        %rem3A_694 = arith.remsi %add3A_540, %jit3A_677 : i32
        %ne3A_695 = arith.constant 0 : i32
        %ne3A_696 = arith.cmpi ne, %rem3A_694, %ne3A_695 : i32
        %and3A_697 = arith.andi %ne3A_693, %ne3A_696 : i1
        %sub3A_698 = arith.constant 1 : i32
        %sub3A_699 = arith.subi %div3A_678, %sub3A_698 : i32
        %select_n3A_700 = arith.select %and3A_697, %sub3A_699, %div3A_678 : i32
        %add3A_701 = arith.constant 1 : i32
        %add3A_702 = arith.addi %select_n3A_700, %add3A_701 : i32
        %jit3A_703 = arith.constant 2 : i32
        %eq3A_704 = arith.constant 0 : i32
        %eq3A_705 = arith.cmpi eq, %jit3A_703, %eq3A_704 : i32
        %jit3A_706 = arith.constant 1 : i32
        %select_n3A_707 = arith.select %eq3A_705, %jit3A_706, %jit3A_703 : i32
        %rem3A_708 = arith.remsi %add3A_702, %select_n3A_707 : i32
        %ne3A_709 = arith.constant 0 : i32
        %ne3A_710 = arith.cmpi ne, %rem3A_708, %ne3A_709 : i32
        %lt3A_711 = arith.constant 0 : i32
        %lt3A_712 = arith.cmpi slt, %rem3A_708, %lt3A_711 : i32
        %lt3A_713 = arith.constant 0 : i32
        %lt3A_714 = arith.cmpi slt, %select_n3A_707, %lt3A_713 : i32
        %ne3A_715 = arith.xori %lt3A_712, %lt3A_714 : i1
        %and3A_716 = arith.andi %ne3A_715, %ne3A_710 : i1
        %add3A_717 = arith.addi %rem3A_708, %select_n3A_707 : i32
        %select_n3A_718 = arith.select %and3A_716, %add3A_717, %rem3A_708 : i32
        %dma_start3A_719 = arith.constant 0 : i32
        %dma_start3A_720 = arith.constant 0 : i32
        %dma_start3A_721 = tpu.memref_slice %arg7[%select_n3A_718, %dma_start3A_719, %dma_start3A_720] : memref<2x25x40xi32, #tpu.memory_space<vmem>> -> memref<1x25x40xi32, #tpu.memory_space<vmem>>
        %dma_start3A_722 = tpu.memref_squeeze %dma_start3A_721 : memref<1x25x40xi32, #tpu.memory_space<vmem>> -> memref<25x40xi32, #tpu.memory_space<vmem>>
        %dma_start3A_723 = arith.constant 0 : i32
        %dma_start3A_724 = arith.constant 0 : i32
        %dma_start3A_725 = tpu.memref_slice %arg4[%add3A_47, %add3A_702, %dma_start3A_723, %dma_start3A_724] : memref<64x5x25x40xi32, #tpu.memory_space<hbm>> -> memref<1x1x25x40xi32, #tpu.memory_space<hbm>>
        %dma_start3A_726 = tpu.memref_squeeze %dma_start3A_725 : memref<1x1x25x40xi32, #tpu.memory_space<hbm>> -> memref<25x40xi32, #tpu.memory_space<hbm>>
        %dma_start3A_727 = arith.constant 0 : i32
        %dma_start3A_728 = arith.constant 0 : i32
        %dma_start3A_729 = tpu.memref_slice %arg7[%select_n3A_718, %dma_start3A_727, %dma_start3A_728] : memref<2x25x40xi32, #tpu.memory_space<vmem>> -> memref<1x25x40xi32, #tpu.memory_space<vmem>>
        %dma_start3A_730 = tpu.memref_squeeze %dma_start3A_729 : memref<1x25x40xi32, #tpu.memory_space<vmem>> -> memref<25x40xi32, #tpu.memory_space<vmem>>
        %dma_start3A_731 = arith.constant 0 : i32
        %dma_start3A_732 = arith.constant 0 : i32
        %dma_start3A_733 = tpu.memref_slice %arg4[%add3A_47, %add3A_702, %dma_start3A_731, %dma_start3A_732] : memref<64x5x25x40xi32, #tpu.memory_space<hbm>> -> memref<1x1x25x40xi32, #tpu.memory_space<hbm>>
        %dma_start3A_734 = tpu.memref_squeeze %dma_start3A_733 : memref<1x1x25x40xi32, #tpu.memory_space<hbm>> -> memref<25x40xi32, #tpu.memory_space<hbm>>
        tpu.enqueue_dma source(%dma_start3A_734 : memref<25x40xi32, #tpu.memory_space<hbm>>) target(%dma_start3A_730 : memref<25x40xi32, #tpu.memory_space<vmem>>) target_semaphore(%arg17 : memref<!tpu.dma_semaphore, #tpu.memory_space<semaphore_mem>>)
      } else {
      }
      %add3A_573 = arith.constant 2 : i32
      %add3A_574 = arith.addi %add3A_540, %add3A_573 : i32
      %jit3A_575 = arith.constant 25 : i32
      %eq3A_576 = arith.constant 0 : i32
      %eq3A_577 = arith.cmpi eq, %jit3A_575, %eq3A_576 : i32
      %jit3A_578 = arith.constant 1 : i32
      %select_n3A_579 = arith.select %eq3A_577, %jit3A_578, %jit3A_575 : i32
      %rem3A_580 = arith.remsi %add3A_574, %select_n3A_579 : i32
      %ne3A_581 = arith.constant 0 : i32
      %ne3A_582 = arith.cmpi ne, %rem3A_580, %ne3A_581 : i32
      %lt3A_583 = arith.constant 0 : i32
      %lt3A_584 = arith.cmpi slt, %rem3A_580, %lt3A_583 : i32
      %lt3A_585 = arith.constant 0 : i32
      %lt3A_586 = arith.cmpi slt, %select_n3A_579, %lt3A_585 : i32
      %ne3A_587 = arith.xori %lt3A_584, %lt3A_586 : i1
      %and3A_588 = arith.andi %ne3A_587, %ne3A_582 : i1
      %add3A_589 = arith.addi %rem3A_580, %select_n3A_579 : i32
      %select_n3A_590 = arith.select %and3A_588, %add3A_589, %rem3A_580 : i32
      %eq3A_591 = arith.constant 0 : i32
      %eq3A_592 = arith.cmpi eq, %select_n3A_590, %eq3A_591 : i32
      %ge3A_593 = arith.constant 23 : i32
      %ge3A_594 = arith.cmpi sge, %add3A_540, %ge3A_593 : i32
      %and3A_595 = arith.andi %eq3A_592, %ge3A_594 : i1
      %le3A_596 = arith.constant 98 : i32
      %le3A_597 = arith.cmpi sle, %add3A_540, %le3A_596 : i32
      %and3A_598 = arith.andi %and3A_595, %le3A_597 : i1
      %convert_element_type3A_599 = arith.extui %and3A_598 : i1 to i32
      %cond3A_600 = arith.constant 0 : i32
      %cond3A_601 = arith.cmpi ne, %convert_element_type3A_599, %cond3A_600 : i32
      scf.if %cond3A_601 {
        %dma_wait3A_677 = arith.constant 0 : i32
        %dma_wait3A_678 = arith.constant 0 : i32
        %dma_wait3A_679 = arith.constant 0 : i32
        %dma_wait3A_680 = arith.constant 0 : i32
        %dma_wait3A_681 = tpu.memref_slice %arg7[%dma_wait3A_678, %dma_wait3A_679, %dma_wait3A_680] : memref<2x25x40xi32, #tpu.memory_space<vmem>> -> memref<1x25x40xi32, #tpu.memory_space<vmem>>
        %dma_wait3A_682 = tpu.memref_squeeze %dma_wait3A_681 : memref<1x25x40xi32, #tpu.memory_space<vmem>> -> memref<25x40xi32, #tpu.memory_space<vmem>>
        %dma_wait3A_683 = arith.constant 0 : i32
        %dma_wait3A_684 = arith.constant 0 : i32
        %dma_wait3A_685 = tpu.memref_slice %arg4[%add3A_47, %dma_wait3A_677, %dma_wait3A_683, %dma_wait3A_684] : memref<64x5x25x40xi32, #tpu.memory_space<hbm>> -> memref<1x1x25x40xi32, #tpu.memory_space<hbm>>
        %dma_wait3A_686 = tpu.memref_squeeze %dma_wait3A_685 : memref<1x1x25x40xi32, #tpu.memory_space<hbm>> -> memref<25x40xi32, #tpu.memory_space<hbm>>
        %dma_wait3A_687 = arith.constant 0 : i32
        %dma_wait3A_688 = arith.constant 0 : i32
        %dma_wait3A_689 = tpu.memref_slice %arg7[%dma_wait3A_678, %dma_wait3A_687, %dma_wait3A_688] : memref<2x25x40xi32, #tpu.memory_space<vmem>> -> memref<1x25x40xi32, #tpu.memory_space<vmem>>
        %dma_wait3A_690 = tpu.memref_squeeze %dma_wait3A_689 : memref<1x25x40xi32, #tpu.memory_space<vmem>> -> memref<25x40xi32, #tpu.memory_space<vmem>>
        %dma_wait3A_691 = arith.constant 0 : i32
        %dma_wait3A_692 = arith.constant 0 : i32
        %dma_wait3A_693 = tpu.memref_slice %arg4[%add3A_47, %dma_wait3A_677, %dma_wait3A_691, %dma_wait3A_692] : memref<64x5x25x40xi32, #tpu.memory_space<hbm>> -> memref<1x1x25x40xi32, #tpu.memory_space<hbm>>
        %dma_wait3A_694 = tpu.memref_squeeze %dma_wait3A_693 : memref<1x1x25x40xi32, #tpu.memory_space<hbm>> -> memref<25x40xi32, #tpu.memory_space<hbm>>
        tpu.wait_dma2 semaphore(%arg17 : memref<!tpu.dma_semaphore, #tpu.memory_space<semaphore_mem>>) src(%dma_wait3A_694 : memref<25x40xi32, #tpu.memory_space<hbm>>) dst(%dma_wait3A_690 : memref<25x40xi32, #tpu.memory_space<vmem>>)
      } else {
      }
      %add3A_602 = arith.constant 2 : i32
      %add3A_603 = arith.addi %add3A_540, %add3A_602 : i32
      %lt3A_604 = arith.constant 125 : i32
      %lt3A_605 = arith.cmpi slt, %add3A_603, %lt3A_604 : i32
      %convert_element_type3A_606 = arith.extui %lt3A_605 : i1 to i32
      %cond3A_607 = arith.constant 0 : i32
      %cond3A_608 = arith.cmpi ne, %convert_element_type3A_606, %cond3A_607 : i32
      scf.if %cond3A_608 {
        %add3A_677 = arith.constant 2 : i32
        %add3A_678 = arith.addi %add3A_540, %add3A_677 : i32
        %mul3A_679 = arith.constant 40 : i32
        %mul3A_680 = arith.muli %add3A_678, %mul3A_679 : i32
        %multiple_of3A_681 = tpu.assume_multiple %mul3A_680, 8 : i32
        %dma_start3A_682 = tpu.memref_slice %arg6[%multiple_of3A_681] : memref<5008xi32, #tpu.memory_space<vmem>> -> memref<40xi32, #tpu.memory_space<vmem>>
        %dma_start3A_683 = arith.constant 0 : i32
        %dma_start3A_684 = arith.constant 0 : i32
        %dma_start3A_685 = tpu.memref_slice %arg2[%dma_start3A_683, %dma_start3A_684] : memref<160000x128xf32, #tpu.memory_space<hbm>> -> memref<160000x128xf32, #tpu.memory_space<hbm>>
        tpu.enqueue_indirect_dma source(%dma_start3A_685 : memref<160000x128xf32, #tpu.memory_space<hbm>>) target(%arg9 : memref<40x128xf32, #tpu.memory_space<vmem>>) offsets(%dma_start3A_682 : memref<40xi32, #tpu.memory_space<vmem>>) semaphore(%arg14 : memref<!tpu.dma_semaphore, #tpu.memory_space<semaphore_mem>>)
      } else {
      }
      %dma_wait3A_609 = arith.constant 0 : i32
      %dma_wait3A_610 = arith.constant 0 : i32
      %dma_wait3A_611 = tpu.memref_slice %arg2[%dma_wait3A_609, %dma_wait3A_610] : memref<160000x128xf32, #tpu.memory_space<hbm>> -> memref<40x128xf32, #tpu.memory_space<hbm>>
      %dma_wait3A_612 = arith.constant 0 : i32
      %dma_wait3A_613 = arith.constant 0 : i32
      %dma_wait3A_614 = tpu.memref_slice %arg2[%dma_wait3A_612, %dma_wait3A_613] : memref<160000x128xf32, #tpu.memory_space<hbm>> -> memref<40x128xf32, #tpu.memory_space<hbm>>
      tpu.wait_dma2 semaphore(%arg16 : memref<!tpu.dma_semaphore, #tpu.memory_space<semaphore_mem>>) src(%dma_wait3A_614 : memref<40x128xf32, #tpu.memory_space<hbm>>) dst(%arg11 : memref<40x128xf32, #tpu.memory_space<vmem>>)
      %jit3A_615 = arith.constant 25 : i32
      %div3A_616 = arith.divsi %add3A_540, %jit3A_615 : i32
      %sign3A_617 = arith.constant 0 : i32
      %sign3A_618 = arith.cmpi sgt, %add3A_540, %sign3A_617 : i32
      %sign3A_619 = arith.extui %sign3A_618 : i1 to i32
      %sign3A_620 = arith.constant 0 : i32
      %sign3A_621 = arith.cmpi slt, %add3A_540, %sign3A_620 : i32
      %sign3A_622 = arith.extui %sign3A_621 : i1 to i32
      %sign3A_623 = arith.subi %sign3A_619, %sign3A_622 : i32
      %sign3A_624 = arith.constant 0 : i32
      %sign3A_625 = arith.cmpi sgt, %jit3A_615, %sign3A_624 : i32
      %sign3A_626 = arith.extui %sign3A_625 : i1 to i32
      %sign3A_627 = arith.constant 0 : i32
      %sign3A_628 = arith.cmpi slt, %jit3A_615, %sign3A_627 : i32
      %sign3A_629 = arith.extui %sign3A_628 : i1 to i32
      %sign3A_630 = arith.subi %sign3A_626, %sign3A_629 : i32
      %ne3A_631 = arith.cmpi ne, %sign3A_623, %sign3A_630 : i32
      %rem3A_632 = arith.remsi %add3A_540, %jit3A_615 : i32
      %ne3A_633 = arith.constant 0 : i32
      %ne3A_634 = arith.cmpi ne, %rem3A_632, %ne3A_633 : i32
      %and3A_635 = arith.andi %ne3A_631, %ne3A_634 : i1
      %sub3A_636 = arith.constant 1 : i32
      %sub3A_637 = arith.subi %div3A_616, %sub3A_636 : i32
      %select_n3A_638 = arith.select %and3A_635, %sub3A_637, %div3A_616 : i32
      %jit3A_639 = arith.constant 2 : i32
      %eq3A_640 = arith.constant 0 : i32
      %eq3A_641 = arith.cmpi eq, %jit3A_639, %eq3A_640 : i32
      %jit3A_642 = arith.constant 1 : i32
      %select_n3A_643 = arith.select %eq3A_641, %jit3A_642, %jit3A_639 : i32
      %rem3A_644 = arith.remsi %select_n3A_638, %select_n3A_643 : i32
      %ne3A_645 = arith.constant 0 : i32
      %ne3A_646 = arith.cmpi ne, %rem3A_644, %ne3A_645 : i32
      %lt3A_647 = arith.constant 0 : i32
      %lt3A_648 = arith.cmpi slt, %rem3A_644, %lt3A_647 : i32
      %lt3A_649 = arith.constant 0 : i32
      %lt3A_650 = arith.cmpi slt, %select_n3A_643, %lt3A_649 : i32
      %ne3A_651 = arith.xori %lt3A_648, %lt3A_650 : i1
      %and3A_652 = arith.andi %ne3A_651, %ne3A_646 : i1
      %add3A_653 = arith.addi %rem3A_644, %select_n3A_643 : i32
      %select_n3A_654 = arith.select %and3A_652, %add3A_653, %rem3A_644 : i32
      %jit3A_655 = arith.constant 25 : i32
      %eq3A_656 = arith.constant 0 : i32
      %eq3A_657 = arith.cmpi eq, %jit3A_655, %eq3A_656 : i32
      %jit3A_658 = arith.constant 1 : i32
      %select_n3A_659 = arith.select %eq3A_657, %jit3A_658, %jit3A_655 : i32
      %rem3A_660 = arith.remsi %add3A_540, %select_n3A_659 : i32
      %ne3A_661 = arith.constant 0 : i32
      %ne3A_662 = arith.cmpi ne, %rem3A_660, %ne3A_661 : i32
      %lt3A_663 = arith.constant 0 : i32
      %lt3A_664 = arith.cmpi slt, %rem3A_660, %lt3A_663 : i32
      %lt3A_665 = arith.constant 0 : i32
      %lt3A_666 = arith.cmpi slt, %select_n3A_659, %lt3A_665 : i32
      %ne3A_667 = arith.xori %lt3A_664, %lt3A_666 : i1
      %and3A_668 = arith.andi %ne3A_667, %ne3A_662 : i1
      %add3A_669 = arith.addi %rem3A_660, %select_n3A_659 : i32
      %select_n3A_670 = arith.select %and3A_668, %add3A_669, %rem3A_660 : i32
      %dma_start3A_671 = arith.constant 0 : i32
      %dma_start3A_672 = tpu.memref_slice %arg7[%select_n3A_654, %select_n3A_670, %dma_start3A_671] : memref<2x25x40xi32, #tpu.memory_space<vmem>> -> memref<1x1x40xi32, #tpu.memory_space<vmem>>
      %dma_start3A_673 = tpu.memref_squeeze %dma_start3A_672 : memref<1x1x40xi32, #tpu.memory_space<vmem>> -> memref<40xi32, #tpu.memory_space<vmem>>
      %dma_start3A_674 = arith.constant 0 : i32
      %dma_start3A_675 = arith.constant 0 : i32
      %dma_start3A_676 = tpu.memref_slice %arg12[%dma_start3A_674, %dma_start3A_675] : memref<10000x128xf32, #tpu.memory_space<vmem_shared>> -> memref<10000x128xf32, #tpu.memory_space<vmem_shared>>
      tpu.enqueue_indirect_dma source(%arg11 : memref<40x128xf32, #tpu.memory_space<vmem>>) target(%dma_start3A_676 : memref<10000x128xf32, #tpu.memory_space<vmem_shared>>) offsets(%dma_start3A_673 : memref<40xi32, #tpu.memory_space<vmem>>) semaphore(%arg16 : memref<!tpu.dma_semaphore, #tpu.memory_space<semaphore_mem>>) {add = true}
    }
    %scan3A_89 = arith.constant 31 : i32
    %dma_wait3A = arith.constant 0 : i32
    %dma_wait3A_90 = arith.constant 0 : i32
    %dma_wait3A_91 = tpu.memref_slice %arg2[%dma_wait3A, %dma_wait3A_90] : memref<160000x128xf32, #tpu.memory_space<hbm>> -> memref<40x128xf32, #tpu.memory_space<hbm>>
    %dma_wait3A_92 = arith.constant 0 : i32
    %dma_wait3A_93 = arith.constant 0 : i32
    %dma_wait3A_94 = tpu.memref_slice %arg2[%dma_wait3A_92, %dma_wait3A_93] : memref<160000x128xf32, #tpu.memory_space<hbm>> -> memref<40x128xf32, #tpu.memory_space<hbm>>
    tpu.wait_dma2 semaphore(%arg15 : memref<!tpu.dma_semaphore, #tpu.memory_space<semaphore_mem>>) src(%dma_wait3A_94 : memref<40x128xf32, #tpu.memory_space<hbm>>) dst(%arg10 : memref<40x128xf32, #tpu.memory_space<vmem>>)
    %dma_wait3A_95 = arith.constant 0 : i32
    %dma_wait3A_96 = arith.constant 0 : i32
    %dma_wait3A_97 = tpu.memref_slice %arg2[%dma_wait3A_95, %dma_wait3A_96] : memref<160000x128xf32, #tpu.memory_space<hbm>> -> memref<40x128xf32, #tpu.memory_space<hbm>>
    %dma_wait3A_98 = arith.constant 0 : i32
    %dma_wait3A_99 = arith.constant 0 : i32
    %dma_wait3A_100 = tpu.memref_slice %arg2[%dma_wait3A_98, %dma_wait3A_99] : memref<160000x128xf32, #tpu.memory_space<hbm>> -> memref<40x128xf32, #tpu.memory_space<hbm>>
    tpu.wait_dma2 semaphore(%arg13 : memref<!tpu.dma_semaphore, #tpu.memory_space<semaphore_mem>>) src(%dma_wait3A_100 : memref<40x128xf32, #tpu.memory_space<hbm>>) dst(%arg8 : memref<40x128xf32, #tpu.memory_space<vmem>>)
    %dma_start3A_101 = arith.constant 0 : i32
    %dma_start3A_102 = arith.constant 24 : i32
    %dma_start3A_103 = arith.constant 0 : i32
    %dma_start3A_104 = tpu.memref_slice %arg7[%dma_start3A_101, %dma_start3A_102, %dma_start3A_103] : memref<2x25x40xi32, #tpu.memory_space<vmem>> -> memref<1x1x40xi32, #tpu.memory_space<vmem>>
    %dma_start3A_105 = tpu.memref_squeeze %dma_start3A_104 : memref<1x1x40xi32, #tpu.memory_space<vmem>> -> memref<40xi32, #tpu.memory_space<vmem>>
    %dma_start3A_106 = arith.constant 0 : i32
    %dma_start3A_107 = arith.constant 0 : i32
    %dma_start3A_108 = tpu.memref_slice %arg12[%dma_start3A_106, %dma_start3A_107] : memref<10000x128xf32, #tpu.memory_space<vmem_shared>> -> memref<10000x128xf32, #tpu.memory_space<vmem_shared>>
    tpu.enqueue_indirect_dma source(%arg8 : memref<40x128xf32, #tpu.memory_space<vmem>>) target(%dma_start3A_108 : memref<10000x128xf32, #tpu.memory_space<vmem_shared>>) offsets(%dma_start3A_105 : memref<40xi32, #tpu.memory_space<vmem>>) semaphore(%arg13 : memref<!tpu.dma_semaphore, #tpu.memory_space<semaphore_mem>>) {add = true}
    %dma_wait3A_109 = arith.constant 0 : i32
    %dma_wait3A_110 = arith.constant 0 : i32
    %dma_wait3A_111 = tpu.memref_slice %arg2[%dma_wait3A_109, %dma_wait3A_110] : memref<160000x128xf32, #tpu.memory_space<hbm>> -> memref<40x128xf32, #tpu.memory_space<hbm>>
    %dma_wait3A_112 = arith.constant 0 : i32
    %dma_wait3A_113 = arith.constant 0 : i32
    %dma_wait3A_114 = tpu.memref_slice %arg2[%dma_wait3A_112, %dma_wait3A_113] : memref<160000x128xf32, #tpu.memory_space<hbm>> -> memref<40x128xf32, #tpu.memory_space<hbm>>
    tpu.wait_dma2 semaphore(%arg16 : memref<!tpu.dma_semaphore, #tpu.memory_space<semaphore_mem>>) src(%dma_wait3A_114 : memref<40x128xf32, #tpu.memory_space<hbm>>) dst(%arg11 : memref<40x128xf32, #tpu.memory_space<vmem>>)
    %dma_wait3A_115 = arith.constant 0 : i32
    %dma_wait3A_116 = arith.constant 0 : i32
    %dma_wait3A_117 = tpu.memref_slice %arg2[%dma_wait3A_115, %dma_wait3A_116] : memref<160000x128xf32, #tpu.memory_space<hbm>> -> memref<40x128xf32, #tpu.memory_space<hbm>>
    %dma_wait3A_118 = arith.constant 0 : i32
    %dma_wait3A_119 = arith.constant 0 : i32
    %dma_wait3A_120 = tpu.memref_slice %arg2[%dma_wait3A_118, %dma_wait3A_119] : memref<160000x128xf32, #tpu.memory_space<hbm>> -> memref<40x128xf32, #tpu.memory_space<hbm>>
    tpu.wait_dma2 semaphore(%arg13 : memref<!tpu.dma_semaphore, #tpu.memory_space<semaphore_mem>>) src(%dma_wait3A_120 : memref<40x128xf32, #tpu.memory_space<hbm>>) dst(%arg8 : memref<40x128xf32, #tpu.memory_space<vmem>>)
    %barrier3A_121 = arith.constant 0 : index
    tpu.barrier barrier_id(%barrier3A_121)
    "tpu.region"() ({
      %run_scoped3A_127 = tpu.sem_alloc : memref<!tpu.dma_semaphore, #tpu.memory_space<semaphore_mem>>
      %dma_start3A_128 = arith.constant 0 : i32
      %dma_start3A_129 = tpu.memref_slice %arg5[%arg0, %multiple_of3A, %dma_start3A_128] : memref<2x10000x128xf32, #tpu.memory_space<hbm>> -> memref<1x624x128xf32, #tpu.memory_space<hbm>>
      %dma_start3A_130 = tpu.memref_squeeze %dma_start3A_129 : memref<1x624x128xf32, #tpu.memory_space<hbm>> -> memref<624x128xf32, #tpu.memory_space<hbm>>
      %dma_start3A_131 = arith.constant 0 : i32
      %dma_start3A_132 = tpu.memref_slice %arg12[%multiple_of3A, %dma_start3A_131] : memref<10000x128xf32, #tpu.memory_space<vmem_shared>> -> memref<624x128xf32, #tpu.memory_space<vmem_shared>>
      tpu.enqueue_dma source(%dma_start3A_132 : memref<624x128xf32, #tpu.memory_space<vmem_shared>>) target(%dma_start3A_130 : memref<624x128xf32, #tpu.memory_space<hbm>>) target_semaphore(%run_scoped3A_127 : memref<!tpu.dma_semaphore, #tpu.memory_space<semaphore_mem>>)
      %dma_wait3A_133 = arith.constant 0 : i32
      %dma_wait3A_134 = tpu.memref_slice %arg5[%arg0, %multiple_of3A, %dma_wait3A_133] : memref<2x10000x128xf32, #tpu.memory_space<hbm>> -> memref<1x624x128xf32, #tpu.memory_space<hbm>>
      %dma_wait3A_135 = tpu.memref_squeeze %dma_wait3A_134 : memref<1x624x128xf32, #tpu.memory_space<hbm>> -> memref<624x128xf32, #tpu.memory_space<hbm>>
      %dma_wait3A_136 = arith.constant 0 : i32
      %dma_wait3A_137 = tpu.memref_slice %arg12[%multiple_of3A, %dma_wait3A_136] : memref<10000x128xf32, #tpu.memory_space<vmem_shared>> -> memref<624x128xf32, #tpu.memory_space<vmem_shared>>
      tpu.wait_dma2 semaphore(%run_scoped3A_127 : memref<!tpu.dma_semaphore, #tpu.memory_space<semaphore_mem>>) src(%dma_wait3A_137 : memref<624x128xf32, #tpu.memory_space<vmem_shared>>) dst(%dma_wait3A_135 : memref<624x128xf32, #tpu.memory_space<hbm>>)
      tpu.yield
    }) : () -> ()
    %eq3A_122 = arith.constant 15 : i32
    %eq3A_123 = arith.cmpi eq, %arg1, %eq3A_122 : i32
    %convert_element_type3A_124 = arith.extui %eq3A_123 : i1 to i32
    %cond3A_125 = arith.constant 0 : i32
    %cond3A_126 = arith.cmpi ne, %convert_element_type3A_124, %cond3A_125 : i32
    scf.if %cond3A_126 {
      "tpu.region"() ({
        %run_scoped3A_127 = tpu.sem_alloc : memref<!tpu.dma_semaphore, #tpu.memory_space<semaphore_mem>>
        %dma_start3A_128 = arith.constant 9984 : i32
        %dma_start3A_129 = arith.constant 0 : i32
        %dma_start3A_130 = tpu.memref_slice %arg5[%arg0, %dma_start3A_128, %dma_start3A_129] : memref<2x10000x128xf32, #tpu.memory_space<hbm>> -> memref<1x16x128xf32, #tpu.memory_space<hbm>>
        %dma_start3A_131 = tpu.memref_squeeze %dma_start3A_130 : memref<1x16x128xf32, #tpu.memory_space<hbm>> -> memref<16x128xf32, #tpu.memory_space<hbm>>
        %dma_start3A_132 = arith.constant 9984 : i32
        %dma_start3A_133 = arith.constant 0 : i32
        %dma_start3A_134 = tpu.memref_slice %arg12[%dma_start3A_132, %dma_start3A_133] : memref<10000x128xf32, #tpu.memory_space<vmem_shared>> -> memref<16x128xf32, #tpu.memory_space<vmem_shared>>
        tpu.enqueue_dma source(%dma_start3A_134 : memref<16x128xf32, #tpu.memory_space<vmem_shared>>) target(%dma_start3A_131 : memref<16x128xf32, #tpu.memory_space<hbm>>) target_semaphore(%run_scoped3A_127 : memref<!tpu.dma_semaphore, #tpu.memory_space<semaphore_mem>>)
        %dma_wait3A_135 = arith.constant 9984 : i32
        %dma_wait3A_136 = arith.constant 0 : i32
        %dma_wait3A_137 = tpu.memref_slice %arg5[%arg0, %dma_wait3A_135, %dma_wait3A_136] : memref<2x10000x128xf32, #tpu.memory_space<hbm>> -> memref<1x16x128xf32, #tpu.memory_space<hbm>>
        %dma_wait3A_138 = tpu.memref_squeeze %dma_wait3A_137 : memref<1x16x128xf32, #tpu.memory_space<hbm>> -> memref<16x128xf32, #tpu.memory_space<hbm>>
        %dma_wait3A_139 = arith.constant 9984 : i32
        %dma_wait3A_140 = arith.constant 0 : i32
        %dma_wait3A_141 = tpu.memref_slice %arg12[%dma_wait3A_139, %dma_wait3A_140] : memref<10000x128xf32, #tpu.memory_space<vmem_shared>> -> memref<16x128xf32, #tpu.memory_space<vmem_shared>>
        tpu.wait_dma2 semaphore(%run_scoped3A_127 : memref<!tpu.dma_semaphore, #tpu.memory_space<semaphore_mem>>) src(%dma_wait3A_141 : memref<16x128xf32, #tpu.memory_space<vmem_shared>>) dst(%dma_wait3A_138 : memref<16x128xf32, #tpu.memory_space<hbm>>)
        tpu.yield
      }) : () -> ()
    } else {
    }
    return
  }
}

#map = affine_map<(d0, d1) -> (0, 0)>
#map1 = affine_map<(d0, d1) -> (0)>
#map2 = affine_map<(d0, d1) -> (0, 0, 0, 0)>
#map3 = affine_map<(d0, d1) -> (0, 0, 0)>
module attributes {stable_mosaic.version = 14 : i64} {
  func.func @_sc_body(%arg0: i32, %arg1: i32, %arg2: memref<160000x128xf32, #tpu.memory_space<hbm>>, %arg3: memref<320000xi32, #tpu.memory_space<hbm>>, %arg4: memref<64x5x25x40xi32, #tpu.memory_space<hbm>>, %arg5: memref<2x10000x128xf32, #tpu.memory_space<hbm>>, %arg6: memref<5008xi32, #tpu.memory_space<vmem>>, %arg7: memref<2x25x40xi32, #tpu.memory_space<vmem>>, %arg8: memref<40x128xf32, #tpu.memory_space<vmem>>, %arg9: memref<40x128xf32, #tpu.memory_space<vmem>>, %arg10: memref<40x128xf32, #tpu.memory_space<vmem>>, %arg11: memref<40x128xf32, #tpu.memory_space<vmem>>, %arg12: memref<10000x128xf32, #tpu.memory_space<vmem_shared>>, %arg13: memref<!tpu.dma_semaphore, #tpu.memory_space<semaphore_mem>>, %arg14: memref<!tpu.dma_semaphore, #tpu.memory_space<semaphore_mem>>, %arg15: memref<!tpu.dma_semaphore, #tpu.memory_space<semaphore_mem>>, %arg16: memref<!tpu.dma_semaphore, #tpu.memory_space<semaphore_mem>>, %arg17: memref<!tpu.dma_semaphore, #tpu.memory_space<semaphore_mem>>) attributes {dimension_semantics = [#tpu.dimension_semantics<core_parallel>, #tpu.dimension_semantics<subcore_parallel>], iteration_bounds = array<i64: 2, 16>, scalar_prefetch = 0 : i64, scratch_operands = 12 : i64, tpu.core_type = #tpu.core_type<sc_vector_subcore>, window_params = [{transform_indices = #map}, {transform_indices = #map1}, {transform_indices = #map2}, {transform_indices = #map3}]} {
    %broadcast_in_dim3A = arith.constant 0.000000e+00 : f32
    %broadcast_in_dim3A_0 = vector.broadcast %broadcast_in_dim3A : f32 to vector<16xf32>
    %scan3A = arith.constant 0 : i32
    %scan3A_1 = arith.constant 0 : i32
    %scan3A_2 = arith.constant 40 : i32
    %scan3A_3 = arith.addi %scan3A_1, %scan3A_2 : i32
    %scan3A_4 = arith.constant 1 : i32
    scf.for %scan3A_127 = %scan3A_1 to %scan3A_3 step %scan3A_4  : i32 {
      %swap3A = arith.index_cast %scan3A_127 : i32 to index
      %swap3A_128 = arith.constant 0 : index
      %swap3A_129 = tpu.vector_load %arg8[%swap3A, %swap3A_128] {strides = array<i32>} : memref<40x128xf32, #tpu.memory_space<vmem>>, vector<1x16xf32>,
      %swap3A_130 = vector.shape_cast %swap3A_129 : vector<1x16xf32> to vector<16xf32>
      %swap3A_131 = vector.shape_cast %broadcast_in_dim3A_0 : vector<16xf32> to vector<1x16xf32>
      tpu.vector_store %arg8[%swap3A, %swap3A_128], %swap3A_131 {strides = array<i32>} : memref<40x128xf32, #tpu.memory_space<vmem>>, vector<1x16xf32>,
      %swap3A_132 = arith.index_cast %scan3A_127 : i32 to index
      %swap3A_133 = arith.constant 16 : index
      %swap3A_134 = tpu.vector_load %arg8[%swap3A_132, %swap3A_133] {strides = array<i32>} : memref<40x128xf32, #tpu.memory_space<vmem>>, vector<1x16xf32>,
      %swap3A_135 = vector.shape_cast %swap3A_134 : vector<1x16xf32> to vector<16xf32>
      %swap3A_136 = vector.shape_cast %broadcast_in_dim3A_0 : vector<16xf32> to vector<1x16xf32>
      tpu.vector_store %arg8[%swap3A_132, %swap3A_133], %swap3A_136 {strides = array<i32>} : memref<40x128xf32, #tpu.memory_space<vmem>>, vector<1x16xf32>,
      %swap3A_137 = arith.index_cast %scan3A_127 : i32 to index
      %swap3A_138 = arith.constant 32 : index
      %swap3A_139 = tpu.vector_load %arg8[%swap3A_137, %swap3A_138] {strides = array<i32>} : memref<40x128xf32, #tpu.memory_space<vmem>>, vector<1x16xf32>,
      %swap3A_140 = vector.shape_cast %swap3A_139 : vector<1x16xf32> to vector<16xf32>
      %swap3A_141 = vector.shape_cast %broadcast_in_dim3A_0 : vector<16xf32> to vector<1x16xf32>
      tpu.vector_store %arg8[%swap3A_137, %swap3A_138], %swap3A_141 {strides = array<i32>} : memref<40x128xf32, #tpu.memory_space<vmem>>, vector<1x16xf32>,
      %swap3A_142 = arith.index_cast %scan3A_127 : i32 to index
      %swap3A_143 = arith.constant 48 : index
      %swap3A_144 = tpu.vector_load %arg8[%swap3A_142, %swap3A_143] {strides = array<i32>} : memref<40x128xf32, #tpu.memory_space<vmem>>, vector<1x16xf32>,
      %swap3A_145 = vector.shape_cast %swap3A_144 : vector<1x16xf32> to vector<16xf32>
      %swap3A_146 = vector.shape_cast %broadcast_in_dim3A_0 : vector<16xf32> to vector<1x16xf32>
      tpu.vector_store %arg8[%swap3A_142, %swap3A_143], %swap3A_146 {strides = array<i32>} : memref<40x128xf32, #tpu.memory_space<vmem>>, vector<1x16xf32>,
      %swap3A_147 = arith.index_cast %scan3A_127 : i32 to index
      %swap3A_148 = arith.constant 64 : index
      %swap3A_149 = tpu.vector_load %arg8[%swap3A_147, %swap3A_148] {strides = array<i32>} : memref<40x128xf32, #tpu.memory_space<vmem>>, vector<1x16xf32>,
      %swap3A_150 = vector.shape_cast %swap3A_149 : vector<1x16xf32> to vector<16xf32>
      %swap3A_151 = vector.shape_cast %broadcast_in_dim3A_0 : vector<16xf32> to vector<1x16xf32>
      tpu.vector_store %arg8[%swap3A_147, %swap3A_148], %swap3A_151 {strides = array<i32>} : memref<40x128xf32, #tpu.memory_space<vmem>>, vector<1x16xf32>,
      %swap3A_152 = arith.index_cast %scan3A_127 : i32 to index
      %swap3A_153 = arith.constant 80 : index
      %swap3A_154 = tpu.vector_load %arg8[%swap3A_152, %swap3A_153] {strides = array<i32>} : memref<40x128xf32, #tpu.memory_space<vmem>>, vector<1x16xf32>,
      %swap3A_155 = vector.shape_cast %swap3A_154 : vector<1x16xf32> to vector<16xf32>
      %swap3A_156 = vector.shape_cast %broadcast_in_dim3A_0 : vector<16xf32> to vector<1x16xf32>
      tpu.vector_store %arg8[%swap3A_152, %swap3A_153], %swap3A_156 {strides = array<i32>} : memref<40x128xf32, #tpu.memory_space<vmem>>, vector<1x16xf32>,
      %swap3A_157 = arith.index_cast %scan3A_127 : i32 to index
      %swap3A_158 = arith.constant 96 : index
      %swap3A_159 = tpu.vector_load %arg8[%swap3A_157, %swap3A_158] {strides = array<i32>} : memref<40x128xf32, #tpu.memory_space<vmem>>, vector<1x16xf32>,
      %swap3A_160 = vector.shape_cast %swap3A_159 : vector<1x16xf32> to vector<16xf32>
      %swap3A_161 = vector.shape_cast %broadcast_in_dim3A_0 : vector<16xf32> to vector<1x16xf32>
      tpu.vector_store %arg8[%swap3A_157, %swap3A_158], %swap3A_161 {strides = array<i32>} : memref<40x128xf32, #tpu.memory_space<vmem>>, vector<1x16xf32>,
      %swap3A_162 = arith.index_cast %scan3A_127 : i32 to index
      %swap3A_163 = arith.constant 112 : index
      %swap3A_164 = tpu.vector_load %arg8[%swap3A_162, %swap3A_163] {strides = array<i32>} : memref<40x128xf32, #tpu.memory_space<vmem>>, vector<1x16xf32>,
      %swap3A_165 = vector.shape_cast %swap3A_164 : vector<1x16xf32> to vector<16xf32>
      %swap3A_166 = vector.shape_cast %broadcast_in_dim3A_0 : vector<16xf32> to vector<1x16xf32>
      tpu.vector_store %arg8[%swap3A_162, %swap3A_163], %swap3A_166 {strides = array<i32>} : memref<40x128xf32, #tpu.memory_space<vmem>>, vector<1x16xf32>,
    }
    %scan3A_5 = arith.constant 40 : i32
    %mul3A = arith.constant 624 : i32
    %mul3A_6 = arith.muli %arg1, %mul3A : i32
    %multiple_of3A = tpu.assume_multiple %mul3A_6, 8 : i32
    %add3A = arith.constant 0 : i32
    %add3A_7 = arith.addi %multiple_of3A, %add3A : i32
    "tpu.region"() ({
      %run_scoped3A_127 = tpu.sem_alloc : memref<!tpu.dma_semaphore, #tpu.memory_space<semaphore_mem>>
      %dma_start3A_128 = arith.constant 0 : i32
      %dma_start3A_129 = arith.constant 0 : i32
      %dma_start3A_130 = tpu.memref_slice %arg8[%dma_start3A_128, %dma_start3A_129] : memref<40x128xf32, #tpu.memory_space<vmem>> -> memref<48x128xf32, #tpu.memory_space<vmem>>
      %dma_start3A_131 = arith.constant 0 : i32
      %dma_start3A_132 = tpu.memref_slice %arg12[%add3A_7, %dma_start3A_131] : memref<10000x128xf32, #tpu.memory_space<vmem_shared>> -> memref<48x128xf32, #tpu.memory_space<vmem_shared>>
      %dma_start3A_133 = arith.constant 0 : i32
      %dma_start3A_134 = tpu.memref_slice %arg12[%add3A_7, %dma_start3A_133] : memref<10000x128xf32, #tpu.memory_space<vmem_shared>> -> memref<48x128xf32, #tpu.memory_space<vmem_shared>>
      %dma_start3A_135 = arith.constant 0 : i32
      %dma_start3A_136 = arith.constant 0 : i32
      %dma_start3A_137 = tpu.memref_slice %arg8[%dma_start3A_135, %dma_start3A_136] : memref<40x128xf32, #tpu.memory_space<vmem>> -> memref<48x128xf32, #tpu.memory_space<vmem>>
      tpu.enqueue_dma source(%dma_start3A_137 : memref<48x128xf32, #tpu.memory_space<vmem>>) target(%dma_start3A_134 : memref<48x128xf32, #tpu.memory_space<vmem_shared>>) target_semaphore(%run_scoped3A_127 : memref<!tpu.dma_semaphore, #tpu.memory_space<semaphore_mem>>)
      %dma_wait3A_138 = arith.constant 0 : i32
      %dma_wait3A_139 = arith.constant 0 : i32
      %dma_wait3A_140 = tpu.memref_slice %arg8[%dma_wait3A_138, %dma_wait3A_139] : memref<40x128xf32, #tpu.memory_space<vmem>> -> memref<48x128xf32, #tpu.memory_space<vmem>>
      %dma_wait3A_141 = arith.constant 0 : i32
      %dma_wait3A_142 = tpu.memref_slice %arg12[%add3A_7, %dma_wait3A_141] : memref<10000x128xf32, #tpu.memory_space<vmem_shared>> -> memref<48x128xf32, #tpu.memory_space<vmem_shared>>
      %dma_wait3A_143 = arith.constant 0 : i32
      %dma_wait3A_144 = tpu.memref_slice %arg12[%add3A_7, %dma_wait3A_143] : memref<10000x128xf32, #tpu.memory_space<vmem_shared>> -> memref<48x128xf32, #tpu.memory_space<vmem_shared>>
      %dma_wait3A_145 = arith.constant 0 : i32
      %dma_wait3A_146 = arith.constant 0 : i32
      %dma_wait3A_147 = tpu.memref_slice %arg8[%dma_wait3A_145, %dma_wait3A_146] : memref<40x128xf32, #tpu.memory_space<vmem>> -> memref<48x128xf32, #tpu.memory_space<vmem>>
      tpu.wait_dma2 semaphore(%run_scoped3A_127 : memref<!tpu.dma_semaphore, #tpu.memory_space<semaphore_mem>>) src(%dma_wait3A_147 : memref<48x128xf32, #tpu.memory_space<vmem>>) dst(%dma_wait3A_144 : memref<48x128xf32, #tpu.memory_space<vmem_shared>>)
      tpu.yield
    }) : () -> ()
    %add3A_8 = arith.constant 48 : i32
    %add3A_9 = arith.addi %multiple_of3A, %add3A_8 : i32
    "tpu.region"() ({
      %run_scoped3A_127 = tpu.sem_alloc : memref<!tpu.dma_semaphore, #tpu.memory_space<semaphore_mem>>
      %dma_start3A_128 = arith.constant 0 : i32
      %dma_start3A_129 = arith.constant 0 : i32
      %dma_start3A_130 = tpu.memref_slice %arg8[%dma_start3A_128, %dma_start3A_129] : memref<40x128xf32, #tpu.memory_space<vmem>> -> memref<48x128xf32, #tpu.memory_space<vmem>>
      %dma_start3A_131 = arith.constant 0 : i32
      %dma_start3A_132 = tpu.memref_slice %arg12[%add3A_9, %dma_start3A_131] : memref<10000x128xf32, #tpu.memory_space<vmem_shared>> -> memref<48x128xf32, #tpu.memory_space<vmem_shared>>
      %dma_start3A_133 = arith.constant 0 : i32
      %dma_start3A_134 = tpu.memref_slice %arg12[%add3A_9, %dma_start3A_133] : memref<10000x128xf32, #tpu.memory_space<vmem_shared>> -> memref<48x128xf32, #tpu.memory_space<vmem_shared>>
      %dma_start3A_135 = arith.constant 0 : i32
      %dma_start3A_136 = arith.constant 0 : i32
      %dma_start3A_137 = tpu.memref_slice %arg8[%dma_start3A_135, %dma_start3A_136] : memref<40x128xf32, #tpu.memory_space<vmem>> -> memref<48x128xf32, #tpu.memory_space<vmem>>
      tpu.enqueue_dma source(%dma_start3A_137 : memref<48x128xf32, #tpu.memory_space<vmem>>) target(%dma_start3A_134 : memref<48x128xf32, #tpu.memory_space<vmem_shared>>) target_semaphore(%run_scoped3A_127 : memref<!tpu.dma_semaphore, #tpu.memory_space<semaphore_mem>>)
      %dma_wait3A_138 = arith.constant 0 : i32
      %dma_wait3A_139 = arith.constant 0 : i32
      %dma_wait3A_140 = tpu.memref_slice %arg8[%dma_wait3A_138, %dma_wait3A_139] : memref<40x128xf32, #tpu.memory_space<vmem>> -> memref<48x128xf32, #tpu.memory_space<vmem>>
      %dma_wait3A_141 = arith.constant 0 : i32
      %dma_wait3A_142 = tpu.memref_slice %arg12[%add3A_9, %dma_wait3A_141] : memref<10000x128xf32, #tpu.memory_space<vmem_shared>> -> memref<48x128xf32, #tpu.memory_space<vmem_shared>>
      %dma_wait3A_143 = arith.constant 0 : i32
      %dma_wait3A_144 = tpu.memref_slice %arg12[%add3A_9, %dma_wait3A_143] : memref<10000x128xf32, #tpu.memory_space<vmem_shared>> -> memref<48x128xf32, #tpu.memory_space<vmem_shared>>
      %dma_wait3A_145 = arith.constant 0 : i32
      %dma_wait3A_146 = arith.constant 0 : i32
      %dma_wait3A_147 = tpu.memref_slice %arg8[%dma_wait3A_145, %dma_wait3A_146] : memref<40x128xf32, #tpu.memory_space<vmem>> -> memref<48x128xf32, #tpu.memory_space<vmem>>
      tpu.wait_dma2 semaphore(%run_scoped3A_127 : memref<!tpu.dma_semaphore, #tpu.memory_space<semaphore_mem>>) src(%dma_wait3A_147 : memref<48x128xf32, #tpu.memory_space<vmem>>) dst(%dma_wait3A_144 : memref<48x128xf32, #tpu.memory_space<vmem_shared>>)
      tpu.yield
    }) : () -> ()
    %add3A_10 = arith.constant 96 : i32
    %add3A_11 = arith.addi %multiple_of3A, %add3A_10 : i32
    "tpu.region"() ({
      %run_scoped3A_127 = tpu.sem_alloc : memref<!tpu.dma_semaphore, #tpu.memory_space<semaphore_mem>>
      %dma_start3A_128 = arith.constant 0 : i32
      %dma_start3A_129 = arith.constant 0 : i32
      %dma_start3A_130 = tpu.memref_slice %arg8[%dma_start3A_128, %dma_start3A_129] : memref<40x128xf32, #tpu.memory_space<vmem>> -> memref<48x128xf32, #tpu.memory_space<vmem>>
      %dma_start3A_131 = arith.constant 0 : i32
      %dma_start3A_132 = tpu.memref_slice %arg12[%add3A_11, %dma_start3A_131] : memref<10000x128xf32, #tpu.memory_space<vmem_shared>> -> memref<48x128xf32, #tpu.memory_space<vmem_shared>>
      %dma_start3A_133 = arith.constant 0 : i32
      %dma_start3A_134 = tpu.memref_slice %arg12[%add3A_11, %dma_start3A_133] : memref<10000x128xf32, #tpu.memory_space<vmem_shared>> -> memref<48x128xf32, #tpu.memory_space<vmem_shared>>
      %dma_start3A_135 = arith.constant 0 : i32
      %dma_start3A_136 = arith.constant 0 : i32
      %dma_start3A_137 = tpu.memref_slice %arg8[%dma_start3A_135, %dma_start3A_136] : memref<40x128xf32, #tpu.memory_space<vmem>> -> memref<48x128xf32, #tpu.memory_space<vmem>>
      tpu.enqueue_dma source(%dma_start3A_137 : memref<48x128xf32, #tpu.memory_space<vmem>>) target(%dma_start3A_134 : memref<48x128xf32, #tpu.memory_space<vmem_shared>>) target_semaphore(%run_scoped3A_127 : memref<!tpu.dma_semaphore, #tpu.memory_space<semaphore_mem>>)
      %dma_wait3A_138 = arith.constant 0 : i32
      %dma_wait3A_139 = arith.constant 0 : i32
      %dma_wait3A_140 = tpu.memref_slice %arg8[%dma_wait3A_138, %dma_wait3A_139] : memref<40x128xf32, #tpu.memory_space<vmem>> -> memref<48x128xf32, #tpu.memory_space<vmem>>
      %dma_wait3A_141 = arith.constant 0 : i32
      %dma_wait3A_142 = tpu.memref_slice %arg12[%add3A_11, %dma_wait3A_141] : memref<10000x128xf32, #tpu.memory_space<vmem_shared>> -> memref<48x128xf32, #tpu.memory_space<vmem_shared>>
      %dma_wait3A_143 = arith.constant 0 : i32
      %dma_wait3A_144 = tpu.memref_slice %arg12[%add3A_11, %dma_wait3A_143] : memref<10000x128xf32, #tpu.memory_space<vmem_shared>> -> memref<48x128xf32, #tpu.memory_space<vmem_shared>>
      %dma_wait3A_145 = arith.constant 0 : i32
      %dma_wait3A_146 = arith.constant 0 : i32
      %dma_wait3A_147 = tpu.memref_slice %arg8[%dma_wait3A_145, %dma_wait3A_146] : memref<40x128xf32, #tpu.memory_space<vmem>> -> memref<48x128xf32, #tpu.memory_space<vmem>>
      tpu.wait_dma2 semaphore(%run_scoped3A_127 : memref<!tpu.dma_semaphore, #tpu.memory_space<semaphore_mem>>) src(%dma_wait3A_147 : memref<48x128xf32, #tpu.memory_space<vmem>>) dst(%dma_wait3A_144 : memref<48x128xf32, #tpu.memory_space<vmem_shared>>)
      tpu.yield
    }) : () -> ()
    %add3A_12 = arith.constant 144 : i32
    %add3A_13 = arith.addi %multiple_of3A, %add3A_12 : i32
    "tpu.region"() ({
      %run_scoped3A_127 = tpu.sem_alloc : memref<!tpu.dma_semaphore, #tpu.memory_space<semaphore_mem>>
      %dma_start3A_128 = arith.constant 0 : i32
      %dma_start3A_129 = arith.constant 0 : i32
      %dma_start3A_130 = tpu.memref_slice %arg8[%dma_start3A_128, %dma_start3A_129] : memref<40x128xf32, #tpu.memory_space<vmem>> -> memref<48x128xf32, #tpu.memory_space<vmem>>
      %dma_start3A_131 = arith.constant 0 : i32
      %dma_start3A_132 = tpu.memref_slice %arg12[%add3A_13, %dma_start3A_131] : memref<10000x128xf32, #tpu.memory_space<vmem_shared>> -> memref<48x128xf32, #tpu.memory_space<vmem_shared>>
      %dma_start3A_133 = arith.constant 0 : i32
      %dma_start3A_134 = tpu.memref_slice %arg12[%add3A_13, %dma_start3A_133] : memref<10000x128xf32, #tpu.memory_space<vmem_shared>> -> memref<48x128xf32, #tpu.memory_space<vmem_shared>>
      %dma_start3A_135 = arith.constant 0 : i32
      %dma_start3A_136 = arith.constant 0 : i32
      %dma_start3A_137 = tpu.memref_slice %arg8[%dma_start3A_135, %dma_start3A_136] : memref<40x128xf32, #tpu.memory_space<vmem>> -> memref<48x128xf32, #tpu.memory_space<vmem>>
      tpu.enqueue_dma source(%dma_start3A_137 : memref<48x128xf32, #tpu.memory_space<vmem>>) target(%dma_start3A_134 : memref<48x128xf32, #tpu.memory_space<vmem_shared>>) target_semaphore(%run_scoped3A_127 : memref<!tpu.dma_semaphore, #tpu.memory_space<semaphore_mem>>)
      %dma_wait3A_138 = arith.constant 0 : i32
      %dma_wait3A_139 = arith.constant 0 : i32
      %dma_wait3A_140 = tpu.memref_slice %arg8[%dma_wait3A_138, %dma_wait3A_139] : memref<40x128xf32, #tpu.memory_space<vmem>> -> memref<48x128xf32, #tpu.memory_space<vmem>>
      %dma_wait3A_141 = arith.constant 0 : i32
      %dma_wait3A_142 = tpu.memref_slice %arg12[%add3A_13, %dma_wait3A_141] : memref<10000x128xf32, #tpu.memory_space<vmem_shared>> -> memref<48x128xf32, #tpu.memory_space<vmem_shared>>
      %dma_wait3A_143 = arith.constant 0 : i32
      %dma_wait3A_144 = tpu.memref_slice %arg12[%add3A_13, %dma_wait3A_143] : memref<10000x128xf32, #tpu.memory_space<vmem_shared>> -> memref<48x128xf32, #tpu.memory_space<vmem_shared>>
      %dma_wait3A_145 = arith.constant 0 : i32
      %dma_wait3A_146 = arith.constant 0 : i32
      %dma_wait3A_147 = tpu.memref_slice %arg8[%dma_wait3A_145, %dma_wait3A_146] : memref<40x128xf32, #tpu.memory_space<vmem>> -> memref<48x128xf32, #tpu.memory_space<vmem>>
      tpu.wait_dma2 semaphore(%run_scoped3A_127 : memref<!tpu.dma_semaphore, #tpu.memory_space<semaphore_mem>>) src(%dma_wait3A_147 : memref<48x128xf32, #tpu.memory_space<vmem>>) dst(%dma_wait3A_144 : memref<48x128xf32, #tpu.memory_space<vmem_shared>>)
      tpu.yield
    }) : () -> ()
    %add3A_14 = arith.constant 192 : i32
    %add3A_15 = arith.addi %multiple_of3A, %add3A_14 : i32
    "tpu.region"() ({
      %run_scoped3A_127 = tpu.sem_alloc : memref<!tpu.dma_semaphore, #tpu.memory_space<semaphore_mem>>
      %dma_start3A_128 = arith.constant 0 : i32
      %dma_start3A_129 = arith.constant 0 : i32
      %dma_start3A_130 = tpu.memref_slice %arg8[%dma_start3A_128, %dma_start3A_129] : memref<40x128xf32, #tpu.memory_space<vmem>> -> memref<48x128xf32, #tpu.memory_space<vmem>>
      %dma_start3A_131 = arith.constant 0 : i32
      %dma_start3A_132 = tpu.memref_slice %arg12[%add3A_15, %dma_start3A_131] : memref<10000x128xf32, #tpu.memory_space<vmem_shared>> -> memref<48x128xf32, #tpu.memory_space<vmem_shared>>
      %dma_start3A_133 = arith.constant 0 : i32
      %dma_start3A_134 = tpu.memref_slice %arg12[%add3A_15, %dma_start3A_133] : memref<10000x128xf32, #tpu.memory_space<vmem_shared>> -> memref<48x128xf32, #tpu.memory_space<vmem_shared>>
      %dma_start3A_135 = arith.constant 0 : i32
      %dma_start3A_136 = arith.constant 0 : i32
      %dma_start3A_137 = tpu.memref_slice %arg8[%dma_start3A_135, %dma_start3A_136] : memref<40x128xf32, #tpu.memory_space<vmem>> -> memref<48x128xf32, #tpu.memory_space<vmem>>
      tpu.enqueue_dma source(%dma_start3A_137 : memref<48x128xf32, #tpu.memory_space<vmem>>) target(%dma_start3A_134 : memref<48x128xf32, #tpu.memory_space<vmem_shared>>) target_semaphore(%run_scoped3A_127 : memref<!tpu.dma_semaphore, #tpu.memory_space<semaphore_mem>>)
      %dma_wait3A_138 = arith.constant 0 : i32
      %dma_wait3A_139 = arith.constant 0 : i32
      %dma_wait3A_140 = tpu.memref_slice %arg8[%dma_wait3A_138, %dma_wait3A_139] : memref<40x128xf32, #tpu.memory_space<vmem>> -> memref<48x128xf32, #tpu.memory_space<vmem>>
      %dma_wait3A_141 = arith.constant 0 : i32
      %dma_wait3A_142 = tpu.memref_slice %arg12[%add3A_15, %dma_wait3A_141] : memref<10000x128xf32, #tpu.memory_space<vmem_shared>> -> memref<48x128xf32, #tpu.memory_space<vmem_shared>>
      %dma_wait3A_143 = arith.constant 0 : i32
      %dma_wait3A_144 = tpu.memref_slice %arg12[%add3A_15, %dma_wait3A_143] : memref<10000x128xf32, #tpu.memory_space<vmem_shared>> -> memref<48x128xf32, #tpu.memory_space<vmem_shared>>
      %dma_wait3A_145 = arith.constant 0 : i32
      %dma_wait3A_146 = arith.constant 0 : i32
      %dma_wait3A_147 = tpu.memref_slice %arg8[%dma_wait3A_145, %dma_wait3A_146] : memref<40x128xf32, #tpu.memory_space<vmem>> -> memref<48x128xf32, #tpu.memory_space<vmem>>
      tpu.wait_dma2 semaphore(%run_scoped3A_127 : memref<!tpu.dma_semaphore, #tpu.memory_space<semaphore_mem>>) src(%dma_wait3A_147 : memref<48x128xf32, #tpu.memory_space<vmem>>) dst(%dma_wait3A_144 : memref<48x128xf32, #tpu.memory_space<vmem_shared>>)
      tpu.yield
    }) : () -> ()
    %add3A_16 = arith.constant 240 : i32
    %add3A_17 = arith.addi %multiple_of3A, %add3A_16 : i32
    "tpu.region"() ({
      %run_scoped3A_127 = tpu.sem_alloc : memref<!tpu.dma_semaphore, #tpu.memory_space<semaphore_mem>>
      %dma_start3A_128 = arith.constant 0 : i32
      %dma_start3A_129 = arith.constant 0 : i32
      %dma_start3A_130 = tpu.memref_slice %arg8[%dma_start3A_128, %dma_start3A_129] : memref<40x128xf32, #tpu.memory_space<vmem>> -> memref<48x128xf32, #tpu.memory_space<vmem>>
      %dma_start3A_131 = arith.constant 0 : i32
      %dma_start3A_132 = tpu.memref_slice %arg12[%add3A_17, %dma_start3A_131] : memref<10000x128xf32, #tpu.memory_space<vmem_shared>> -> memref<48x128xf32, #tpu.memory_space<vmem_shared>>
      %dma_start3A_133 = arith.constant 0 : i32
      %dma_start3A_134 = tpu.memref_slice %arg12[%add3A_17, %dma_start3A_133] : memref<10000x128xf32, #tpu.memory_space<vmem_shared>> -> memref<48x128xf32, #tpu.memory_space<vmem_shared>>
      %dma_start3A_135 = arith.constant 0 : i32
      %dma_start3A_136 = arith.constant 0 : i32
      %dma_start3A_137 = tpu.memref_slice %arg8[%dma_start3A_135, %dma_start3A_136] : memref<40x128xf32, #tpu.memory_space<vmem>> -> memref<48x128xf32, #tpu.memory_space<vmem>>
      tpu.enqueue_dma source(%dma_start3A_137 : memref<48x128xf32, #tpu.memory_space<vmem>>) target(%dma_start3A_134 : memref<48x128xf32, #tpu.memory_space<vmem_shared>>) target_semaphore(%run_scoped3A_127 : memref<!tpu.dma_semaphore, #tpu.memory_space<semaphore_mem>>)
      %dma_wait3A_138 = arith.constant 0 : i32
      %dma_wait3A_139 = arith.constant 0 : i32
      %dma_wait3A_140 = tpu.memref_slice %arg8[%dma_wait3A_138, %dma_wait3A_139] : memref<40x128xf32, #tpu.memory_space<vmem>> -> memref<48x128xf32, #tpu.memory_space<vmem>>
      %dma_wait3A_141 = arith.constant 0 : i32
      %dma_wait3A_142 = tpu.memref_slice %arg12[%add3A_17, %dma_wait3A_141] : memref<10000x128xf32, #tpu.memory_space<vmem_shared>> -> memref<48x128xf32, #tpu.memory_space<vmem_shared>>
      %dma_wait3A_143 = arith.constant 0 : i32
      %dma_wait3A_144 = tpu.memref_slice %arg12[%add3A_17, %dma_wait3A_143] : memref<10000x128xf32, #tpu.memory_space<vmem_shared>> -> memref<48x128xf32, #tpu.memory_space<vmem_shared>>
      %dma_wait3A_145 = arith.constant 0 : i32
      %dma_wait3A_146 = arith.constant 0 : i32
      %dma_wait3A_147 = tpu.memref_slice %arg8[%dma_wait3A_145, %dma_wait3A_146] : memref<40x128xf32, #tpu.memory_space<vmem>> -> memref<48x128xf32, #tpu.memory_space<vmem>>
      tpu.wait_dma2 semaphore(%run_scoped3A_127 : memref<!tpu.dma_semaphore, #tpu.memory_space<semaphore_mem>>) src(%dma_wait3A_147 : memref<48x128xf32, #tpu.memory_space<vmem>>) dst(%dma_wait3A_144 : memref<48x128xf32, #tpu.memory_space<vmem_shared>>)
      tpu.yield
    }) : () -> ()
    %add3A_18 = arith.constant 288 : i32
    %add3A_19 = arith.addi %multiple_of3A, %add3A_18 : i32
    "tpu.region"() ({
      %run_scoped3A_127 = tpu.sem_alloc : memref<!tpu.dma_semaphore, #tpu.memory_space<semaphore_mem>>
      %dma_start3A_128 = arith.constant 0 : i32
      %dma_start3A_129 = arith.constant 0 : i32
      %dma_start3A_130 = tpu.memref_slice %arg8[%dma_start3A_128, %dma_start3A_129] : memref<40x128xf32, #tpu.memory_space<vmem>> -> memref<48x128xf32, #tpu.memory_space<vmem>>
      %dma_start3A_131 = arith.constant 0 : i32
      %dma_start3A_132 = tpu.memref_slice %arg12[%add3A_19, %dma_start3A_131] : memref<10000x128xf32, #tpu.memory_space<vmem_shared>> -> memref<48x128xf32, #tpu.memory_space<vmem_shared>>
      %dma_start3A_133 = arith.constant 0 : i32
      %dma_start3A_134 = tpu.memref_slice %arg12[%add3A_19, %dma_start3A_133] : memref<10000x128xf32, #tpu.memory_space<vmem_shared>> -> memref<48x128xf32, #tpu.memory_space<vmem_shared>>
      %dma_start3A_135 = arith.constant 0 : i32
      %dma_start3A_136 = arith.constant 0 : i32
      %dma_start3A_137 = tpu.memref_slice %arg8[%dma_start3A_135, %dma_start3A_136] : memref<40x128xf32, #tpu.memory_space<vmem>> -> memref<48x128xf32, #tpu.memory_space<vmem>>
      tpu.enqueue_dma source(%dma_start3A_137 : memref<48x128xf32, #tpu.memory_space<vmem>>) target(%dma_start3A_134 : memref<48x128xf32, #tpu.memory_space<vmem_shared>>) target_semaphore(%run_scoped3A_127 : memref<!tpu.dma_semaphore, #tpu.memory_space<semaphore_mem>>)
      %dma_wait3A_138 = arith.constant 0 : i32
      %dma_wait3A_139 = arith.constant 0 : i32
      %dma_wait3A_140 = tpu.memref_slice %arg8[%dma_wait3A_138, %dma_wait3A_139] : memref<40x128xf32, #tpu.memory_space<vmem>> -> memref<48x128xf32, #tpu.memory_space<vmem>>
      %dma_wait3A_141 = arith.constant 0 : i32
      %dma_wait3A_142 = tpu.memref_slice %arg12[%add3A_19, %dma_wait3A_141] : memref<10000x128xf32, #tpu.memory_space<vmem_shared>> -> memref<48x128xf32, #tpu.memory_space<vmem_shared>>
      %dma_wait3A_143 = arith.constant 0 : i32
      %dma_wait3A_144 = tpu.memref_slice %arg12[%add3A_19, %dma_wait3A_143] : memref<10000x128xf32, #tpu.memory_space<vmem_shared>> -> memref<48x128xf32, #tpu.memory_space<vmem_shared>>
      %dma_wait3A_145 = arith.constant 0 : i32
      %dma_wait3A_146 = arith.constant 0 : i32
      %dma_wait3A_147 = tpu.memref_slice %arg8[%dma_wait3A_145, %dma_wait3A_146] : memref<40x128xf32, #tpu.memory_space<vmem>> -> memref<48x128xf32, #tpu.memory_space<vmem>>
      tpu.wait_dma2 semaphore(%run_scoped3A_127 : memref<!tpu.dma_semaphore, #tpu.memory_space<semaphore_mem>>) src(%dma_wait3A_147 : memref<48x128xf32, #tpu.memory_space<vmem>>) dst(%dma_wait3A_144 : memref<48x128xf32, #tpu.memory_space<vmem_shared>>)
      tpu.yield
    }) : () -> ()
    %add3A_20 = arith.constant 336 : i32
    %add3A_21 = arith.addi %multiple_of3A, %add3A_20 : i32
    "tpu.region"() ({
      %run_scoped3A_127 = tpu.sem_alloc : memref<!tpu.dma_semaphore, #tpu.memory_space<semaphore_mem>>
      %dma_start3A_128 = arith.constant 0 : i32
      %dma_start3A_129 = arith.constant 0 : i32
      %dma_start3A_130 = tpu.memref_slice %arg8[%dma_start3A_128, %dma_start3A_129] : memref<40x128xf32, #tpu.memory_space<vmem>> -> memref<48x128xf32, #tpu.memory_space<vmem>>
      %dma_start3A_131 = arith.constant 0 : i32
      %dma_start3A_132 = tpu.memref_slice %arg12[%add3A_21, %dma_start3A_131] : memref<10000x128xf32, #tpu.memory_space<vmem_shared>> -> memref<48x128xf32, #tpu.memory_space<vmem_shared>>
      %dma_start3A_133 = arith.constant 0 : i32
      %dma_start3A_134 = tpu.memref_slice %arg12[%add3A_21, %dma_start3A_133] : memref<10000x128xf32, #tpu.memory_space<vmem_shared>> -> memref<48x128xf32, #tpu.memory_space<vmem_shared>>
      %dma_start3A_135 = arith.constant 0 : i32
      %dma_start3A_136 = arith.constant 0 : i32
      %dma_start3A_137 = tpu.memref_slice %arg8[%dma_start3A_135, %dma_start3A_136] : memref<40x128xf32, #tpu.memory_space<vmem>> -> memref<48x128xf32, #tpu.memory_space<vmem>>
      tpu.enqueue_dma source(%dma_start3A_137 : memref<48x128xf32, #tpu.memory_space<vmem>>) target(%dma_start3A_134 : memref<48x128xf32, #tpu.memory_space<vmem_shared>>) target_semaphore(%run_scoped3A_127 : memref<!tpu.dma_semaphore, #tpu.memory_space<semaphore_mem>>)
      %dma_wait3A_138 = arith.constant 0 : i32
      %dma_wait3A_139 = arith.constant 0 : i32
      %dma_wait3A_140 = tpu.memref_slice %arg8[%dma_wait3A_138, %dma_wait3A_139] : memref<40x128xf32, #tpu.memory_space<vmem>> -> memref<48x128xf32, #tpu.memory_space<vmem>>
      %dma_wait3A_141 = arith.constant 0 : i32
      %dma_wait3A_142 = tpu.memref_slice %arg12[%add3A_21, %dma_wait3A_141] : memref<10000x128xf32, #tpu.memory_space<vmem_shared>> -> memref<48x128xf32, #tpu.memory_space<vmem_shared>>
      %dma_wait3A_143 = arith.constant 0 : i32
      %dma_wait3A_144 = tpu.memref_slice %arg12[%add3A_21, %dma_wait3A_143] : memref<10000x128xf32, #tpu.memory_space<vmem_shared>> -> memref<48x128xf32, #tpu.memory_space<vmem_shared>>
      %dma_wait3A_145 = arith.constant 0 : i32
      %dma_wait3A_146 = arith.constant 0 : i32
      %dma_wait3A_147 = tpu.memref_slice %arg8[%dma_wait3A_145, %dma_wait3A_146] : memref<40x128xf32, #tpu.memory_space<vmem>> -> memref<48x128xf32, #tpu.memory_space<vmem>>
      tpu.wait_dma2 semaphore(%run_scoped3A_127 : memref<!tpu.dma_semaphore, #tpu.memory_space<semaphore_mem>>) src(%dma_wait3A_147 : memref<48x128xf32, #tpu.memory_space<vmem>>) dst(%dma_wait3A_144 : memref<48x128xf32, #tpu.memory_space<vmem_shared>>)
      tpu.yield
    }) : () -> ()
    %add3A_22 = arith.constant 384 : i32
    %add3A_23 = arith.addi %multiple_of3A, %add3A_22 : i32
    "tpu.region"() ({
      %run_scoped3A_127 = tpu.sem_alloc : memref<!tpu.dma_semaphore, #tpu.memory_space<semaphore_mem>>
      %dma_start3A_128 = arith.constant 0 : i32
      %dma_start3A_129 = arith.constant 0 : i32
      %dma_start3A_130 = tpu.memref_slice %arg8[%dma_start3A_128, %dma_start3A_129] : memref<40x128xf32, #tpu.memory_space<vmem>> -> memref<48x128xf32, #tpu.memory_space<vmem>>
      %dma_start3A_131 = arith.constant 0 : i32
      %dma_start3A_132 = tpu.memref_slice %arg12[%add3A_23, %dma_start3A_131] : memref<10000x128xf32, #tpu.memory_space<vmem_shared>> -> memref<48x128xf32, #tpu.memory_space<vmem_shared>>
      %dma_start3A_133 = arith.constant 0 : i32
      %dma_start3A_134 = tpu.memref_slice %arg12[%add3A_23, %dma_start3A_133] : memref<10000x128xf32, #tpu.memory_space<vmem_shared>> -> memref<48x128xf32, #tpu.memory_space<vmem_shared>>
      %dma_start3A_135 = arith.constant 0 : i32
      %dma_start3A_136 = arith.constant 0 : i32
      %dma_start3A_137 = tpu.memref_slice %arg8[%dma_start3A_135, %dma_start3A_136] : memref<40x128xf32, #tpu.memory_space<vmem>> -> memref<48x128xf32, #tpu.memory_space<vmem>>
      tpu.enqueue_dma source(%dma_start3A_137 : memref<48x128xf32, #tpu.memory_space<vmem>>) target(%dma_start3A_134 : memref<48x128xf32, #tpu.memory_space<vmem_shared>>) target_semaphore(%run_scoped3A_127 : memref<!tpu.dma_semaphore, #tpu.memory_space<semaphore_mem>>)
      %dma_wait3A_138 = arith.constant 0 : i32
      %dma_wait3A_139 = arith.constant 0 : i32
      %dma_wait3A_140 = tpu.memref_slice %arg8[%dma_wait3A_138, %dma_wait3A_139] : memref<40x128xf32, #tpu.memory_space<vmem>> -> memref<48x128xf32, #tpu.memory_space<vmem>>
      %dma_wait3A_141 = arith.constant 0 : i32
      %dma_wait3A_142 = tpu.memref_slice %arg12[%add3A_23, %dma_wait3A_141] : memref<10000x128xf32, #tpu.memory_space<vmem_shared>> -> memref<48x128xf32, #tpu.memory_space<vmem_shared>>
      %dma_wait3A_143 = arith.constant 0 : i32
      %dma_wait3A_144 = tpu.memref_slice %arg12[%add3A_23, %dma_wait3A_143] : memref<10000x128xf32, #tpu.memory_space<vmem_shared>> -> memref<48x128xf32, #tpu.memory_space<vmem_shared>>
      %dma_wait3A_145 = arith.constant 0 : i32
      %dma_wait3A_146 = arith.constant 0 : i32
      %dma_wait3A_147 = tpu.memref_slice %arg8[%dma_wait3A_145, %dma_wait3A_146] : memref<40x128xf32, #tpu.memory_space<vmem>> -> memref<48x128xf32, #tpu.memory_space<vmem>>
      tpu.wait_dma2 semaphore(%run_scoped3A_127 : memref<!tpu.dma_semaphore, #tpu.memory_space<semaphore_mem>>) src(%dma_wait3A_147 : memref<48x128xf32, #tpu.memory_space<vmem>>) dst(%dma_wait3A_144 : memref<48x128xf32, #tpu.memory_space<vmem_shared>>)
      tpu.yield
    }) : () -> ()
    %add3A_24 = arith.constant 432 : i32
    %add3A_25 = arith.addi %multiple_of3A, %add3A_24 : i32
    "tpu.region"() ({
      %run_scoped3A_127 = tpu.sem_alloc : memref<!tpu.dma_semaphore, #tpu.memory_space<semaphore_mem>>
      %dma_start3A_128 = arith.constant 0 : i32
      %dma_start3A_129 = arith.constant 0 : i32
      %dma_start3A_130 = tpu.memref_slice %arg8[%dma_start3A_128, %dma_start3A_129] : memref<40x128xf32, #tpu.memory_space<vmem>> -> memref<48x128xf32, #tpu.memory_space<vmem>>
      %dma_start3A_131 = arith.constant 0 : i32
      %dma_start3A_132 = tpu.memref_slice %arg12[%add3A_25, %dma_start3A_131] : memref<10000x128xf32, #tpu.memory_space<vmem_shared>> -> memref<48x128xf32, #tpu.memory_space<vmem_shared>>
      %dma_start3A_133 = arith.constant 0 : i32
      %dma_start3A_134 = tpu.memref_slice %arg12[%add3A_25, %dma_start3A_133] : memref<10000x128xf32, #tpu.memory_space<vmem_shared>> -> memref<48x128xf32, #tpu.memory_space<vmem_shared>>
      %dma_start3A_135 = arith.constant 0 : i32
      %dma_start3A_136 = arith.constant 0 : i32
      %dma_start3A_137 = tpu.memref_slice %arg8[%dma_start3A_135, %dma_start3A_136] : memref<40x128xf32, #tpu.memory_space<vmem>> -> memref<48x128xf32, #tpu.memory_space<vmem>>
      tpu.enqueue_dma source(%dma_start3A_137 : memref<48x128xf32, #tpu.memory_space<vmem>>) target(%dma_start3A_134 : memref<48x128xf32, #tpu.memory_space<vmem_shared>>) target_semaphore(%run_scoped3A_127 : memref<!tpu.dma_semaphore, #tpu.memory_space<semaphore_mem>>)
      %dma_wait3A_138 = arith.constant 0 : i32
      %dma_wait3A_139 = arith.constant 0 : i32
      %dma_wait3A_140 = tpu.memref_slice %arg8[%dma_wait3A_138, %dma_wait3A_139] : memref<40x128xf32, #tpu.memory_space<vmem>> -> memref<48x128xf32, #tpu.memory_space<vmem>>
      %dma_wait3A_141 = arith.constant 0 : i32
      %dma_wait3A_142 = tpu.memref_slice %arg12[%add3A_25, %dma_wait3A_141] : memref<10000x128xf32, #tpu.memory_space<vmem_shared>> -> memref<48x128xf32, #tpu.memory_space<vmem_shared>>
      %dma_wait3A_143 = arith.constant 0 : i32
      %dma_wait3A_144 = tpu.memref_slice %arg12[%add3A_25, %dma_wait3A_143] : memref<10000x128xf32, #tpu.memory_space<vmem_shared>> -> memref<48x128xf32, #tpu.memory_space<vmem_shared>>
      %dma_wait3A_145 = arith.constant 0 : i32
      %dma_wait3A_146 = arith.constant 0 : i32
      %dma_wait3A_147 = tpu.memref_slice %arg8[%dma_wait3A_145, %dma_wait3A_146] : memref<40x128xf32, #tpu.memory_space<vmem>> -> memref<48x128xf32, #tpu.memory_space<vmem>>
      tpu.wait_dma2 semaphore(%run_scoped3A_127 : memref<!tpu.dma_semaphore, #tpu.memory_space<semaphore_mem>>) src(%dma_wait3A_147 : memref<48x128xf32, #tpu.memory_space<vmem>>) dst(%dma_wait3A_144 : memref<48x128xf32, #tpu.memory_space<vmem_shared>>)
      tpu.yield
    }) : () -> ()
    %add3A_26 = arith.constant 480 : i32
    %add3A_27 = arith.addi %multiple_of3A, %add3A_26 : i32
    "tpu.region"() ({
      %run_scoped3A_127 = tpu.sem_alloc : memref<!tpu.dma_semaphore, #tpu.memory_space<semaphore_mem>>
      %dma_start3A_128 = arith.constant 0 : i32
      %dma_start3A_129 = arith.constant 0 : i32
      %dma_start3A_130 = tpu.memref_slice %arg8[%dma_start3A_128, %dma_start3A_129] : memref<40x128xf32, #tpu.memory_space<vmem>> -> memref<48x128xf32, #tpu.memory_space<vmem>>
      %dma_start3A_131 = arith.constant 0 : i32
      %dma_start3A_132 = tpu.memref_slice %arg12[%add3A_27, %dma_start3A_131] : memref<10000x128xf32, #tpu.memory_space<vmem_shared>> -> memref<48x128xf32, #tpu.memory_space<vmem_shared>>
      %dma_start3A_133 = arith.constant 0 : i32
      %dma_start3A_134 = tpu.memref_slice %arg12[%add3A_27, %dma_start3A_133] : memref<10000x128xf32, #tpu.memory_space<vmem_shared>> -> memref<48x128xf32, #tpu.memory_space<vmem_shared>>
      %dma_start3A_135 = arith.constant 0 : i32
      %dma_start3A_136 = arith.constant 0 : i32
      %dma_start3A_137 = tpu.memref_slice %arg8[%dma_start3A_135, %dma_start3A_136] : memref<40x128xf32, #tpu.memory_space<vmem>> -> memref<48x128xf32, #tpu.memory_space<vmem>>
      tpu.enqueue_dma source(%dma_start3A_137 : memref<48x128xf32, #tpu.memory_space<vmem>>) target(%dma_start3A_134 : memref<48x128xf32, #tpu.memory_space<vmem_shared>>) target_semaphore(%run_scoped3A_127 : memref<!tpu.dma_semaphore, #tpu.memory_space<semaphore_mem>>)
      %dma_wait3A_138 = arith.constant 0 : i32
      %dma_wait3A_139 = arith.constant 0 : i32
      %dma_wait3A_140 = tpu.memref_slice %arg8[%dma_wait3A_138, %dma_wait3A_139] : memref<40x128xf32, #tpu.memory_space<vmem>> -> memref<48x128xf32, #tpu.memory_space<vmem>>
      %dma_wait3A_141 = arith.constant 0 : i32
      %dma_wait3A_142 = tpu.memref_slice %arg12[%add3A_27, %dma_wait3A_141] : memref<10000x128xf32, #tpu.memory_space<vmem_shared>> -> memref<48x128xf32, #tpu.memory_space<vmem_shared>>
      %dma_wait3A_143 = arith.constant 0 : i32
      %dma_wait3A_144 = tpu.memref_slice %arg12[%add3A_27, %dma_wait3A_143] : memref<10000x128xf32, #tpu.memory_space<vmem_shared>> -> memref<48x128xf32, #tpu.memory_space<vmem_shared>>
      %dma_wait3A_145 = arith.constant 0 : i32
      %dma_wait3A_146 = arith.constant 0 : i32
      %dma_wait3A_147 = tpu.memref_slice %arg8[%dma_wait3A_145, %dma_wait3A_146] : memref<40x128xf32, #tpu.memory_space<vmem>> -> memref<48x128xf32, #tpu.memory_space<vmem>>
      tpu.wait_dma2 semaphore(%run_scoped3A_127 : memref<!tpu.dma_semaphore, #tpu.memory_space<semaphore_mem>>) src(%dma_wait3A_147 : memref<48x128xf32, #tpu.memory_space<vmem>>) dst(%dma_wait3A_144 : memref<48x128xf32, #tpu.memory_space<vmem_shared>>)
      tpu.yield
    }) : () -> ()
    %add3A_28 = arith.constant 528 : i32
    %add3A_29 = arith.addi %multiple_of3A, %add3A_28 : i32
    "tpu.region"() ({
      %run_scoped3A_127 = tpu.sem_alloc : memref<!tpu.dma_semaphore, #tpu.memory_space<semaphore_mem>>
      %dma_start3A_128 = arith.constant 0 : i32
      %dma_start3A_129 = arith.constant 0 : i32
      %dma_start3A_130 = tpu.memref_slice %arg8[%dma_start3A_128, %dma_start3A_129] : memref<40x128xf32, #tpu.memory_space<vmem>> -> memref<48x128xf32, #tpu.memory_space<vmem>>
      %dma_start3A_131 = arith.constant 0 : i32
      %dma_start3A_132 = tpu.memref_slice %arg12[%add3A_29, %dma_start3A_131] : memref<10000x128xf32, #tpu.memory_space<vmem_shared>> -> memref<48x128xf32, #tpu.memory_space<vmem_shared>>
      %dma_start3A_133 = arith.constant 0 : i32
      %dma_start3A_134 = tpu.memref_slice %arg12[%add3A_29, %dma_start3A_133] : memref<10000x128xf32, #tpu.memory_space<vmem_shared>> -> memref<48x128xf32, #tpu.memory_space<vmem_shared>>
      %dma_start3A_135 = arith.constant 0 : i32
      %dma_start3A_136 = arith.constant 0 : i32
      %dma_start3A_137 = tpu.memref_slice %arg8[%dma_start3A_135, %dma_start3A_136] : memref<40x128xf32, #tpu.memory_space<vmem>> -> memref<48x128xf32, #tpu.memory_space<vmem>>
      tpu.enqueue_dma source(%dma_start3A_137 : memref<48x128xf32, #tpu.memory_space<vmem>>) target(%dma_start3A_134 : memref<48x128xf32, #tpu.memory_space<vmem_shared>>) target_semaphore(%run_scoped3A_127 : memref<!tpu.dma_semaphore, #tpu.memory_space<semaphore_mem>>)
      %dma_wait3A_138 = arith.constant 0 : i32
      %dma_wait3A_139 = arith.constant 0 : i32
      %dma_wait3A_140 = tpu.memref_slice %arg8[%dma_wait3A_138, %dma_wait3A_139] : memref<40x128xf32, #tpu.memory_space<vmem>> -> memref<48x128xf32, #tpu.memory_space<vmem>>
      %dma_wait3A_141 = arith.constant 0 : i32
      %dma_wait3A_142 = tpu.memref_slice %arg12[%add3A_29, %dma_wait3A_141] : memref<10000x128xf32, #tpu.memory_space<vmem_shared>> -> memref<48x128xf32, #tpu.memory_space<vmem_shared>>
      %dma_wait3A_143 = arith.constant 0 : i32
      %dma_wait3A_144 = tpu.memref_slice %arg12[%add3A_29, %dma_wait3A_143] : memref<10000x128xf32, #tpu.memory_space<vmem_shared>> -> memref<48x128xf32, #tpu.memory_space<vmem_shared>>
      %dma_wait3A_145 = arith.constant 0 : i32
      %dma_wait3A_146 = arith.constant 0 : i32
      %dma_wait3A_147 = tpu.memref_slice %arg8[%dma_wait3A_145, %dma_wait3A_146] : memref<40x128xf32, #tpu.memory_space<vmem>> -> memref<48x128xf32, #tpu.memory_space<vmem>>
      tpu.wait_dma2 semaphore(%run_scoped3A_127 : memref<!tpu.dma_semaphore, #tpu.memory_space<semaphore_mem>>) src(%dma_wait3A_147 : memref<48x128xf32, #tpu.memory_space<vmem>>) dst(%dma_wait3A_144 : memref<48x128xf32, #tpu.memory_space<vmem_shared>>)
      tpu.yield
    }) : () -> ()
    %add3A_30 = arith.constant 576 : i32
    %add3A_31 = arith.addi %multiple_of3A, %add3A_30 : i32
    "tpu.region"() ({
      %run_scoped3A_127 = tpu.sem_alloc : memref<!tpu.dma_semaphore, #tpu.memory_space<semaphore_mem>>
      %dma_start3A_128 = arith.constant 0 : i32
      %dma_start3A_129 = arith.constant 0 : i32
      %dma_start3A_130 = tpu.memref_slice %arg8[%dma_start3A_128, %dma_start3A_129] : memref<40x128xf32, #tpu.memory_space<vmem>> -> memref<48x128xf32, #tpu.memory_space<vmem>>
      %dma_start3A_131 = arith.constant 0 : i32
      %dma_start3A_132 = tpu.memref_slice %arg12[%add3A_31, %dma_start3A_131] : memref<10000x128xf32, #tpu.memory_space<vmem_shared>> -> memref<48x128xf32, #tpu.memory_space<vmem_shared>>
      %dma_start3A_133 = arith.constant 0 : i32
      %dma_start3A_134 = tpu.memref_slice %arg12[%add3A_31, %dma_start3A_133] : memref<10000x128xf32, #tpu.memory_space<vmem_shared>> -> memref<48x128xf32, #tpu.memory_space<vmem_shared>>
      %dma_start3A_135 = arith.constant 0 : i32
      %dma_start3A_136 = arith.constant 0 : i32
      %dma_start3A_137 = tpu.memref_slice %arg8[%dma_start3A_135, %dma_start3A_136] : memref<40x128xf32, #tpu.memory_space<vmem>> -> memref<48x128xf32, #tpu.memory_space<vmem>>
      tpu.enqueue_dma source(%dma_start3A_137 : memref<48x128xf32, #tpu.memory_space<vmem>>) target(%dma_start3A_134 : memref<48x128xf32, #tpu.memory_space<vmem_shared>>) target_semaphore(%run_scoped3A_127 : memref<!tpu.dma_semaphore, #tpu.memory_space<semaphore_mem>>)
      %dma_wait3A_138 = arith.constant 0 : i32
      %dma_wait3A_139 = arith.constant 0 : i32
      %dma_wait3A_140 = tpu.memref_slice %arg8[%dma_wait3A_138, %dma_wait3A_139] : memref<40x128xf32, #tpu.memory_space<vmem>> -> memref<48x128xf32, #tpu.memory_space<vmem>>
      %dma_wait3A_141 = arith.constant 0 : i32
      %dma_wait3A_142 = tpu.memref_slice %arg12[%add3A_31, %dma_wait3A_141] : memref<10000x128xf32, #tpu.memory_space<vmem_shared>> -> memref<48x128xf32, #tpu.memory_space<vmem_shared>>
      %dma_wait3A_143 = arith.constant 0 : i32
      %dma_wait3A_144 = tpu.memref_slice %arg12[%add3A_31, %dma_wait3A_143] : memref<10000x128xf32, #tpu.memory_space<vmem_shared>> -> memref<48x128xf32, #tpu.memory_space<vmem_shared>>
      %dma_wait3A_145 = arith.constant 0 : i32
      %dma_wait3A_146 = arith.constant 0 : i32
      %dma_wait3A_147 = tpu.memref_slice %arg8[%dma_wait3A_145, %dma_wait3A_146] : memref<40x128xf32, #tpu.memory_space<vmem>> -> memref<48x128xf32, #tpu.memory_space<vmem>>
      tpu.wait_dma2 semaphore(%run_scoped3A_127 : memref<!tpu.dma_semaphore, #tpu.memory_space<semaphore_mem>>) src(%dma_wait3A_147 : memref<48x128xf32, #tpu.memory_space<vmem>>) dst(%dma_wait3A_144 : memref<48x128xf32, #tpu.memory_space<vmem_shared>>)
      tpu.yield
    }) : () -> ()
    %eq3A = arith.constant 15 : i32
    %eq3A_32 = arith.cmpi eq, %arg1, %eq3A : i32
    %convert_element_type3A = arith.extui %eq3A_32 : i1 to i32
    %cond3A = arith.constant 0 : i32
    %cond3A_33 = arith.cmpi ne, %convert_element_type3A, %cond3A : i32
    scf.if %cond3A_33 {
      "tpu.region"() ({
        %run_scoped3A_127 = tpu.sem_alloc : memref<!tpu.dma_semaphore, #tpu.memory_space<semaphore_mem>>
        %dma_start3A_128 = arith.constant 0 : i32
        %dma_start3A_129 = arith.constant 0 : i32
        %dma_start3A_130 = tpu.memref_slice %arg8[%dma_start3A_128, %dma_start3A_129] : memref<40x128xf32, #tpu.memory_space<vmem>> -> memref<16x128xf32, #tpu.memory_space<vmem>>
        %dma_start3A_131 = arith.constant 9984 : i32
        %dma_start3A_132 = arith.constant 0 : i32
        %dma_start3A_133 = tpu.memref_slice %arg12[%dma_start3A_131, %dma_start3A_132] : memref<10000x128xf32, #tpu.memory_space<vmem_shared>> -> memref<16x128xf32, #tpu.memory_space<vmem_shared>>
        %dma_start3A_134 = arith.constant 9984 : i32
        %dma_start3A_135 = arith.constant 0 : i32
        %dma_start3A_136 = tpu.memref_slice %arg12[%dma_start3A_134, %dma_start3A_135] : memref<10000x128xf32, #tpu.memory_space<vmem_shared>> -> memref<16x128xf32, #tpu.memory_space<vmem_shared>>
        %dma_start3A_137 = arith.constant 0 : i32
        %dma_start3A_138 = arith.constant 0 : i32
        %dma_start3A_139 = tpu.memref_slice %arg8[%dma_start3A_137, %dma_start3A_138] : memref<40x128xf32, #tpu.memory_space<vmem>> -> memref<16x128xf32, #tpu.memory_space<vmem>>
        tpu.enqueue_dma source(%dma_start3A_139 : memref<16x128xf32, #tpu.memory_space<vmem>>) target(%dma_start3A_136 : memref<16x128xf32, #tpu.memory_space<vmem_shared>>) target_semaphore(%run_scoped3A_127 : memref<!tpu.dma_semaphore, #tpu.memory_space<semaphore_mem>>)
        %dma_wait3A_140 = arith.constant 0 : i32
        %dma_wait3A_141 = arith.constant 0 : i32
        %dma_wait3A_142 = tpu.memref_slice %arg8[%dma_wait3A_140, %dma_wait3A_141] : memref<40x128xf32, #tpu.memory_space<vmem>> -> memref<16x128xf32, #tpu.memory_space<vmem>>
        %dma_wait3A_143 = arith.constant 9984 : i32
        %dma_wait3A_144 = arith.constant 0 : i32
        %dma_wait3A_145 = tpu.memref_slice %arg12[%dma_wait3A_143, %dma_wait3A_144] : memref<10000x128xf32, #tpu.memory_space<vmem_shared>> -> memref<16x128xf32, #tpu.memory_space<vmem_shared>>
        %dma_wait3A_146 = arith.constant 9984 : i32
        %dma_wait3A_147 = arith.constant 0 : i32
        %dma_wait3A_148 = tpu.memref_slice %arg12[%dma_wait3A_146, %dma_wait3A_147] : memref<10000x128xf32, #tpu.memory_space<vmem_shared>> -> memref<16x128xf32, #tpu.memory_space<vmem_shared>>
        %dma_wait3A_149 = arith.constant 0 : i32
        %dma_wait3A_150 = arith.constant 0 : i32
        %dma_wait3A_151 = tpu.memref_slice %arg8[%dma_wait3A_149, %dma_wait3A_150] : memref<40x128xf32, #tpu.memory_space<vmem>> -> memref<16x128xf32, #tpu.memory_space<vmem>>
        tpu.wait_dma2 semaphore(%run_scoped3A_127 : memref<!tpu.dma_semaphore, #tpu.memory_space<semaphore_mem>>) src(%dma_wait3A_151 : memref<16x128xf32, #tpu.memory_space<vmem>>) dst(%dma_wait3A_148 : memref<16x128xf32, #tpu.memory_space<vmem_shared>>)
        tpu.yield
      }) : () -> ()
    } else {
    }
    %barrier3A = arith.constant 0 : index
    tpu.barrier barrier_id(%barrier3A)
    %mul3A_34 = arith.constant 10000 : i32
    %mul3A_35 = arith.muli %arg1, %mul3A_34 : i32
    %add3A_36 = arith.constant 0 : i32
    %add3A_37 = arith.addi %add3A_36, %arg1 : i32
    %mul3A_38 = arith.constant 10000 : i32
    %mul3A_39 = arith.muli %add3A_37, %mul3A_38 : i32
    %mul3A_40 = arith.constant 5000 : i32
    %mul3A_41 = arith.muli %arg0, %mul3A_40 : i32
    %add3A_42 = arith.addi %mul3A_39, %mul3A_41 : i32
    %add3A_43 = arith.constant 0 : i32
    %add3A_44 = arith.addi %add3A_43, %arg1 : i32
    %mul3A_45 = arith.constant 2 : i32
    %mul3A_46 = arith.muli %add3A_44, %mul3A_45 : i32
    %add3A_47 = arith.addi %mul3A_46, %arg0 : i32
    "tpu.region"() ({
      %run_scoped3A_127 = tpu.sem_alloc : memref<!tpu.dma_semaphore, #tpu.memory_space<semaphore_mem>>
      %dma_start3A_128 = arith.constant 0 : i32
      %dma_start3A_129 = tpu.memref_slice %arg6[%dma_start3A_128] : memref<5008xi32, #tpu.memory_space<vmem>> -> memref<5000xi32, #tpu.memory_space<vmem>>
      %dma_start3A_130 = tpu.memref_slice %arg3[%add3A_42] : memref<320000xi32, #tpu.memory_space<hbm>> -> memref<5000xi32, #tpu.memory_space<hbm>>
      %dma_start3A_131 = arith.constant 0 : i32
      %dma_start3A_132 = tpu.memref_slice %arg6[%dma_start3A_131] : memref<5008xi32, #tpu.memory_space<vmem>> -> memref<5000xi32, #tpu.memory_space<vmem>>
      %dma_start3A_133 = tpu.memref_slice %arg3[%add3A_42] : memref<320000xi32, #tpu.memory_space<hbm>> -> memref<5000xi32, #tpu.memory_space<hbm>>
      tpu.enqueue_dma source(%dma_start3A_133 : memref<5000xi32, #tpu.memory_space<hbm>>) target(%dma_start3A_132 : memref<5000xi32, #tpu.memory_space<vmem>>) target_semaphore(%run_scoped3A_127 : memref<!tpu.dma_semaphore, #tpu.memory_space<semaphore_mem>>)
      %dma_wait3A_134 = arith.constant 0 : i32
      %dma_wait3A_135 = tpu.memref_slice %arg6[%dma_wait3A_134] : memref<5008xi32, #tpu.memory_space<vmem>> -> memref<5000xi32, #tpu.memory_space<vmem>>
      %dma_wait3A_136 = tpu.memref_slice %arg3[%add3A_42] : memref<320000xi32, #tpu.memory_space<hbm>> -> memref<5000xi32, #tpu.memory_space<hbm>>
      %dma_wait3A_137 = arith.constant 0 : i32
      %dma_wait3A_138 = tpu.memref_slice %arg6[%dma_wait3A_137] : memref<5008xi32, #tpu.memory_space<vmem>> -> memref<5000xi32, #tpu.memory_space<vmem>>
      %dma_wait3A_139 = tpu.memref_slice %arg3[%add3A_42] : memref<320000xi32, #tpu.memory_space<hbm>> -> memref<5000xi32, #tpu.memory_space<hbm>>
      tpu.wait_dma2 semaphore(%run_scoped3A_127 : memref<!tpu.dma_semaphore, #tpu.memory_space<semaphore_mem>>) src(%dma_wait3A_139 : memref<5000xi32, #tpu.memory_space<hbm>>) dst(%dma_wait3A_138 : memref<5000xi32, #tpu.memory_space<vmem>>)
      tpu.yield
    }) : () -> ()
    %scan3A_48 = arith.constant 0 : i32
    %scan3A_49 = arith.constant 0 : i32
    %scan3A_50 = arith.constant 313 : i32
    %scan3A_51 = arith.addi %scan3A_49, %scan3A_50 : i32
    %scan3A_52 = arith.constant 1 : i32
    scf.for %scan3A_127 = %scan3A_49 to %scan3A_51 step %scan3A_52  : i32 {
      %mul3A_128 = arith.constant 16 : i32
      %mul3A_129 = arith.muli %scan3A_127, %mul3A_128 : i32
      %get3A = arith.index_cast %mul3A_129 : i32 to index
      %get3A_130 = tpu.vector_load %arg6[%get3A] {strides = array<i32>} : memref<5008xi32, #tpu.memory_space<vmem>>, vector<16xi32>,
      %get3A_131 = vector.shape_cast %get3A_130 : vector<16xi32> to vector<16xi32>
      %add3A_132 = vector.broadcast %mul3A_35 : i32 to vector<16xi32>
      %add3A_133 = arith.addi %get3A_131, %add3A_132 : vector<16xi32>
      %swap3A = arith.index_cast %mul3A_129 : i32 to index
      %swap3A_134 = tpu.vector_load %arg6[%swap3A] {strides = array<i32>} : memref<5008xi32, #tpu.memory_space<vmem>>, vector<16xi32>,
      %swap3A_135 = vector.shape_cast %swap3A_134 : vector<16xi32> to vector<16xi32>
      %swap3A_136 = vector.shape_cast %add3A_133 : vector<16xi32> to vector<16xi32>
      tpu.vector_store %arg6[%swap3A], %swap3A_136 {strides = array<i32>} : memref<5008xi32, #tpu.memory_space<vmem>>, vector<16xi32>,
    }
    %scan3A_53 = arith.constant 313 : i32
    %run_scoped3A = arith.constant 0 : i32
    %run_scoped3A_54 = arith.constant 0 : i32
    "tpu.region"() ({
      %run_scoped3A_127 = tpu.sem_alloc : memref<!tpu.dma_semaphore, #tpu.memory_space<semaphore_mem>>
      %dma_start3A_128 = arith.constant 0 : i32
      %dma_start3A_129 = arith.constant 0 : i32
      %dma_start3A_130 = tpu.memref_slice %arg7[%run_scoped3A_54, %dma_start3A_128, %dma_start3A_129] : memref<2x25x40xi32, #tpu.memory_space<vmem>> -> memref<1x25x40xi32, #tpu.memory_space<vmem>>
      %dma_start3A_131 = tpu.memref_squeeze %dma_start3A_130 : memref<1x25x40xi32, #tpu.memory_space<vmem>> -> memref<25x40xi32, #tpu.memory_space<vmem>>
      %dma_start3A_132 = arith.constant 0 : i32
      %dma_start3A_133 = arith.constant 0 : i32
      %dma_start3A_134 = tpu.memref_slice %arg4[%add3A_47, %run_scoped3A, %dma_start3A_132, %dma_start3A_133] : memref<64x5x25x40xi32, #tpu.memory_space<hbm>> -> memref<1x1x25x40xi32, #tpu.memory_space<hbm>>
      %dma_start3A_135 = tpu.memref_squeeze %dma_start3A_134 : memref<1x1x25x40xi32, #tpu.memory_space<hbm>> -> memref<25x40xi32, #tpu.memory_space<hbm>>
      %dma_start3A_136 = arith.constant 0 : i32
      %dma_start3A_137 = arith.constant 0 : i32
      %dma_start3A_138 = tpu.memref_slice %arg7[%run_scoped3A_54, %dma_start3A_136, %dma_start3A_137] : memref<2x25x40xi32, #tpu.memory_space<vmem>> -> memref<1x25x40xi32, #tpu.memory_space<vmem>>
      %dma_start3A_139 = tpu.memref_squeeze %dma_start3A_138 : memref<1x25x40xi32, #tpu.memory_space<vmem>> -> memref<25x40xi32, #tpu.memory_space<vmem>>
      %dma_start3A_140 = arith.constant 0 : i32
      %dma_start3A_141 = arith.constant 0 : i32
      %dma_start3A_142 = tpu.memref_slice %arg4[%add3A_47, %run_scoped3A, %dma_start3A_140, %dma_start3A_141] : memref<64x5x25x40xi32, #tpu.memory_space<hbm>> -> memref<1x1x25x40xi32, #tpu.memory_space<hbm>>
      %dma_start3A_143 = tpu.memref_squeeze %dma_start3A_142 : memref<1x1x25x40xi32, #tpu.memory_space<hbm>> -> memref<25x40xi32, #tpu.memory_space<hbm>>
      tpu.enqueue_dma source(%dma_start3A_143 : memref<25x40xi32, #tpu.memory_space<hbm>>) target(%dma_start3A_139 : memref<25x40xi32, #tpu.memory_space<vmem>>) target_semaphore(%run_scoped3A_127 : memref<!tpu.dma_semaphore, #tpu.memory_space<semaphore_mem>>)
      %dma_wait3A_144 = arith.constant 0 : i32
      %dma_wait3A_145 = arith.constant 0 : i32
      %dma_wait3A_146 = tpu.memref_slice %arg7[%run_scoped3A_54, %dma_wait3A_144, %dma_wait3A_145] : memref<2x25x40xi32, #tpu.memory_space<vmem>> -> memref<1x25x40xi32, #tpu.memory_space<vmem>>
      %dma_wait3A_147 = tpu.memref_squeeze %dma_wait3A_146 : memref<1x25x40xi32, #tpu.memory_space<vmem>> -> memref<25x40xi32, #tpu.memory_space<vmem>>
      %dma_wait3A_148 = arith.constant 0 : i32
      %dma_wait3A_149 = arith.constant 0 : i32
      %dma_wait3A_150 = tpu.memref_slice %arg4[%add3A_47, %run_scoped3A, %dma_wait3A_148, %dma_wait3A_149] : memref<64x5x25x40xi32, #tpu.memory_space<hbm>> -> memref<1x1x25x40xi32, #tpu.memory_space<hbm>>
      %dma_wait3A_151 = tpu.memref_squeeze %dma_wait3A_150 : memref<1x1x25x40xi32, #tpu.memory_space<hbm>> -> memref<25x40xi32, #tpu.memory_space<hbm>>
      %dma_wait3A_152 = arith.constant 0 : i32
      %dma_wait3A_153 = arith.constant 0 : i32
      %dma_wait3A_154 = tpu.memref_slice %arg7[%run_scoped3A_54, %dma_wait3A_152, %dma_wait3A_153] : memref<2x25x40xi32, #tpu.memory_space<vmem>> -> memref<1x25x40xi32, #tpu.memory_space<vmem>>
      %dma_wait3A_155 = tpu.memref_squeeze %dma_wait3A_154 : memref<1x25x40xi32, #tpu.memory_space<vmem>> -> memref<25x40xi32, #tpu.memory_space<vmem>>
      %dma_wait3A_156 = arith.constant 0 : i32
      %dma_wait3A_157 = arith.constant 0 : i32
      %dma_wait3A_158 = tpu.memref_slice %arg4[%add3A_47, %run_scoped3A, %dma_wait3A_156, %dma_wait3A_157] : memref<64x5x25x40xi32, #tpu.memory_space<hbm>> -> memref<1x1x25x40xi32, #tpu.memory_space<hbm>>
      %dma_wait3A_159 = tpu.memref_squeeze %dma_wait3A_158 : memref<1x1x25x40xi32, #tpu.memory_space<hbm>> -> memref<25x40xi32, #tpu.memory_space<hbm>>
      tpu.wait_dma2 semaphore(%run_scoped3A_127 : memref<!tpu.dma_semaphore, #tpu.memory_space<semaphore_mem>>) src(%dma_wait3A_159 : memref<25x40xi32, #tpu.memory_space<hbm>>) dst(%dma_wait3A_155 : memref<25x40xi32, #tpu.memory_space<vmem>>)
      tpu.yield
    }) : () -> ()
    %dma_start3A = arith.constant 1 : i32
    %dma_start3A_55 = arith.constant 1 : i32
    %dma_start3A_56 = arith.constant 0 : i32
    %dma_start3A_57 = arith.constant 0 : i32
    %dma_start3A_58 = tpu.memref_slice %arg7[%dma_start3A_55, %dma_start3A_56, %dma_start3A_57] : memref<2x25x40xi32, #tpu.memory_space<vmem>> -> memref<1x25x40xi32, #tpu.memory_space<vmem>>
    %dma_start3A_59 = tpu.memref_squeeze %dma_start3A_58 : memref<1x25x40xi32, #tpu.memory_space<vmem>> -> memref<25x40xi32, #tpu.memory_space<vmem>>
    %dma_start3A_60 = arith.constant 0 : i32
    %dma_start3A_61 = arith.constant 0 : i32
    %dma_start3A_62 = tpu.memref_slice %arg4[%add3A_47, %dma_start3A, %dma_start3A_60, %dma_start3A_61] : memref<64x5x25x40xi32, #tpu.memory_space<hbm>> -> memref<1x1x25x40xi32, #tpu.memory_space<hbm>>
    %dma_start3A_63 = tpu.memref_squeeze %dma_start3A_62 : memref<1x1x25x40xi32, #tpu.memory_space<hbm>> -> memref<25x40xi32, #tpu.memory_space<hbm>>
    %dma_start3A_64 = arith.constant 0 : i32
    %dma_start3A_65 = arith.constant 0 : i32
    %dma_start3A_66 = tpu.memref_slice %arg7[%dma_start3A_55, %dma_start3A_64, %dma_start3A_65] : memref<2x25x40xi32, #tpu.memory_space<vmem>> -> memref<1x25x40xi32, #tpu.memory_space<vmem>>
    %dma_start3A_67 = tpu.memref_squeeze %dma_start3A_66 : memref<1x25x40xi32, #tpu.memory_space<vmem>> -> memref<25x40xi32, #tpu.memory_space<vmem>>
    %dma_start3A_68 = arith.constant 0 : i32
    %dma_start3A_69 = arith.constant 0 : i32
    %dma_start3A_70 = tpu.memref_slice %arg4[%add3A_47, %dma_start3A, %dma_start3A_68, %dma_start3A_69] : memref<64x5x25x40xi32, #tpu.memory_space<hbm>> -> memref<1x1x25x40xi32, #tpu.memory_space<hbm>>
    %dma_start3A_71 = tpu.memref_squeeze %dma_start3A_70 : memref<1x1x25x40xi32, #tpu.memory_space<hbm>> -> memref<25x40xi32, #tpu.memory_space<hbm>>
    tpu.enqueue_dma source(%dma_start3A_71 : memref<25x40xi32, #tpu.memory_space<hbm>>) target(%dma_start3A_67 : memref<25x40xi32, #tpu.memory_space<vmem>>) target_semaphore(%arg17 : memref<!tpu.dma_semaphore, #tpu.memory_space<semaphore_mem>>)
    %multiple_of3A_72 = arith.constant 0 : i32
    %multiple_of3A_73 = tpu.assume_multiple %multiple_of3A_72, 8 : i32
    %dma_start3A_74 = tpu.memref_slice %arg6[%multiple_of3A_73] : memref<5008xi32, #tpu.memory_space<vmem>> -> memref<40xi32, #tpu.memory_space<vmem>>
    %dma_start3A_75 = arith.constant 0 : i32
    %dma_start3A_76 = arith.constant 0 : i32
    %dma_start3A_77 = tpu.memref_slice %arg2[%dma_start3A_75, %dma_start3A_76] : memref<160000x128xf32, #tpu.memory_space<hbm>> -> memref<160000x128xf32, #tpu.memory_space<hbm>>
    tpu.enqueue_indirect_dma source(%dma_start3A_77 : memref<160000x128xf32, #tpu.memory_space<hbm>>) target(%arg8 : memref<40x128xf32, #tpu.memory_space<vmem>>) offsets(%dma_start3A_74 : memref<40xi32, #tpu.memory_space<vmem>>) semaphore(%arg13 : memref<!tpu.dma_semaphore, #tpu.memory_space<semaphore_mem>>)
    %multiple_of3A_78 = arith.constant 40 : i32
    %multiple_of3A_79 = tpu.assume_multiple %multiple_of3A_78, 8 : i32
    %dma_start3A_80 = tpu.memref_slice %arg6[%multiple_of3A_79] : memref<5008xi32, #tpu.memory_space<vmem>> -> memref<40xi32, #tpu.memory_space<vmem>>
    %dma_start3A_81 = arith.constant 0 : i32
    %dma_start3A_82 = arith.constant 0 : i32
    %dma_start3A_83 = tpu.memref_slice %arg2[%dma_start3A_81, %dma_start3A_82] : memref<160000x128xf32, #tpu.memory_space<hbm>> -> memref<160000x128xf32, #tpu.memory_space<hbm>>
    tpu.enqueue_indirect_dma source(%dma_start3A_83 : memref<160000x128xf32, #tpu.memory_space<hbm>>) target(%arg9 : memref<40x128xf32, #tpu.memory_space<vmem>>) offsets(%dma_start3A_80 : memref<40xi32, #tpu.memory_space<vmem>>) semaphore(%arg14 : memref<!tpu.dma_semaphore, #tpu.memory_space<semaphore_mem>>)
    %scan3A_84 = arith.constant 0 : i32
    %scan3A_85 = arith.constant 0 : i32
    %scan3A_86 = arith.constant 31 : i32
    %scan3A_87 = arith.addi %scan3A_85, %scan3A_86 : i32
    %scan3A_88 = arith.constant 1 : i32
    scf.for %scan3A_127 = %scan3A_85 to %scan3A_87 step %scan3A_88  : i32 {
      %mul3A_128 = arith.constant 4 : i32
      %mul3A_129 = arith.muli %mul3A_128, %scan3A_127 : i32
      %add3A_130 = arith.constant 0 : i32
      %add3A_131 = arith.addi %mul3A_129, %add3A_130 : i32
      %ge3A = arith.constant 2 : i32
      %ge3A_132 = arith.cmpi sge, %add3A_131, %ge3A : i32
      %convert_element_type3A_133 = arith.extui %ge3A_132 : i1 to i32
      %cond3A_134 = arith.constant 0 : i32
      %cond3A_135 = arith.cmpi ne, %convert_element_type3A_133, %cond3A_134 : i32
      scf.if %cond3A_135 {
        %dma_wait3A_677 = arith.constant 0 : i32
        %dma_wait3A_678 = arith.constant 0 : i32
        %dma_wait3A_679 = tpu.memref_slice %arg2[%dma_wait3A_677, %dma_wait3A_678] : memref<160000x128xf32, #tpu.memory_space<hbm>> -> memref<40x128xf32, #tpu.memory_space<hbm>>
        %dma_wait3A_680 = arith.constant 0 : i32
        %dma_wait3A_681 = arith.constant 0 : i32
        %dma_wait3A_682 = tpu.memref_slice %arg2[%dma_wait3A_680, %dma_wait3A_681] : memref<160000x128xf32, #tpu.memory_space<hbm>> -> memref<40x128xf32, #tpu.memory_space<hbm>>
        tpu.wait_dma2 semaphore(%arg15 : memref<!tpu.dma_semaphore, #tpu.memory_space<semaphore_mem>>) src(%dma_wait3A_682 : memref<40x128xf32, #tpu.memory_space<hbm>>) dst(%arg10 : memref<40x128xf32, #tpu.memory_space<vmem>>)
      } else {
      }
      %jit3A = arith.constant 25 : i32
      %eq3A_136 = arith.constant 0 : i32
      %eq3A_137 = arith.cmpi eq, %jit3A, %eq3A_136 : i32
      %jit3A_138 = arith.constant 1 : i32
      %select_n3A = arith.select %eq3A_137, %jit3A_138, %jit3A : i32
      %rem3A = arith.remsi %add3A_131, %select_n3A : i32
      %ne3A = arith.constant 0 : i32
      %ne3A_139 = arith.cmpi ne, %rem3A, %ne3A : i32
      %lt3A = arith.constant 0 : i32
      %lt3A_140 = arith.cmpi slt, %rem3A, %lt3A : i32
      %lt3A_141 = arith.constant 0 : i32
      %lt3A_142 = arith.cmpi slt, %select_n3A, %lt3A_141 : i32
      %ne3A_143 = arith.xori %lt3A_140, %lt3A_142 : i1
      %and3A = arith.andi %ne3A_143, %ne3A_139 : i1
      %add3A_144 = arith.addi %rem3A, %select_n3A : i32
      %select_n3A_145 = arith.select %and3A, %add3A_144, %rem3A : i32
      %eq3A_146 = arith.constant 1 : i32
      %eq3A_147 = arith.cmpi eq, %select_n3A_145, %eq3A_146 : i32
      %ge3A_148 = arith.constant 26 : i32
      %ge3A_149 = arith.cmpi sge, %add3A_131, %ge3A_148 : i32
      %and3A_150 = arith.andi %eq3A_147, %ge3A_149 : i1
      %le3A = arith.constant 76 : i32
      %le3A_151 = arith.cmpi sle, %add3A_131, %le3A : i32
      %and3A_152 = arith.andi %and3A_150, %le3A_151 : i1
      %convert_element_type3A_153 = arith.extui %and3A_152 : i1 to i32
      %cond3A_154 = arith.constant 0 : i32
      %cond3A_155 = arith.cmpi ne, %convert_element_type3A_153, %cond3A_154 : i32
      scf.if %cond3A_155 {
        %jit3A_677 = arith.constant 25 : i32
        %div3A_678 = arith.divsi %add3A_131, %jit3A_677 : i32
        %sign3A_679 = arith.constant 0 : i32
        %sign3A_680 = arith.cmpi sgt, %add3A_131, %sign3A_679 : i32
        %sign3A_681 = arith.extui %sign3A_680 : i1 to i32
        %sign3A_682 = arith.constant 0 : i32
        %sign3A_683 = arith.cmpi slt, %add3A_131, %sign3A_682 : i32
        %sign3A_684 = arith.extui %sign3A_683 : i1 to i32
        %sign3A_685 = arith.subi %sign3A_681, %sign3A_684 : i32
        %sign3A_686 = arith.constant 0 : i32
        %sign3A_687 = arith.cmpi sgt, %jit3A_677, %sign3A_686 : i32
        %sign3A_688 = arith.extui %sign3A_687 : i1 to i32
        %sign3A_689 = arith.constant 0 : i32
        %sign3A_690 = arith.cmpi slt, %jit3A_677, %sign3A_689 : i32
        %sign3A_691 = arith.extui %sign3A_690 : i1 to i32
        %sign3A_692 = arith.subi %sign3A_688, %sign3A_691 : i32
        %ne3A_693 = arith.cmpi ne, %sign3A_685, %sign3A_692 : i32
        %rem3A_694 = arith.remsi %add3A_131, %jit3A_677 : i32
        %ne3A_695 = arith.constant 0 : i32
        %ne3A_696 = arith.cmpi ne, %rem3A_694, %ne3A_695 : i32
        %and3A_697 = arith.andi %ne3A_693, %ne3A_696 : i1
        %sub3A_698 = arith.constant 1 : i32
        %sub3A_699 = arith.subi %div3A_678, %sub3A_698 : i32
        %select_n3A_700 = arith.select %and3A_697, %sub3A_699, %div3A_678 : i32
        %add3A_701 = arith.constant 1 : i32
        %add3A_702 = arith.addi %select_n3A_700, %add3A_701 : i32
        %jit3A_703 = arith.constant 2 : i32
        %eq3A_704 = arith.constant 0 : i32
        %eq3A_705 = arith.cmpi eq, %jit3A_703, %eq3A_704 : i32
        %jit3A_706 = arith.constant 1 : i32
        %select_n3A_707 = arith.select %eq3A_705, %jit3A_706, %jit3A_703 : i32
        %rem3A_708 = arith.remsi %add3A_702, %select_n3A_707 : i32
        %ne3A_709 = arith.constant 0 : i32
        %ne3A_710 = arith.cmpi ne, %rem3A_708, %ne3A_709 : i32
        %lt3A_711 = arith.constant 0 : i32
        %lt3A_712 = arith.cmpi slt, %rem3A_708, %lt3A_711 : i32
        %lt3A_713 = arith.constant 0 : i32
        %lt3A_714 = arith.cmpi slt, %select_n3A_707, %lt3A_713 : i32
        %ne3A_715 = arith.xori %lt3A_712, %lt3A_714 : i1
        %and3A_716 = arith.andi %ne3A_715, %ne3A_710 : i1
        %add3A_717 = arith.addi %rem3A_708, %select_n3A_707 : i32
        %select_n3A_718 = arith.select %and3A_716, %add3A_717, %rem3A_708 : i32
        %dma_start3A_719 = arith.constant 0 : i32
        %dma_start3A_720 = arith.constant 0 : i32
        %dma_start3A_721 = tpu.memref_slice %arg7[%select_n3A_718, %dma_start3A_719, %dma_start3A_720] : memref<2x25x40xi32, #tpu.memory_space<vmem>> -> memref<1x25x40xi32, #tpu.memory_space<vmem>>
        %dma_start3A_722 = tpu.memref_squeeze %dma_start3A_721 : memref<1x25x40xi32, #tpu.memory_space<vmem>> -> memref<25x40xi32, #tpu.memory_space<vmem>>
        %dma_start3A_723 = arith.constant 0 : i32
        %dma_start3A_724 = arith.constant 0 : i32
        %dma_start3A_725 = tpu.memref_slice %arg4[%add3A_47, %add3A_702, %dma_start3A_723, %dma_start3A_724] : memref<64x5x25x40xi32, #tpu.memory_space<hbm>> -> memref<1x1x25x40xi32, #tpu.memory_space<hbm>>
        %dma_start3A_726 = tpu.memref_squeeze %dma_start3A_725 : memref<1x1x25x40xi32, #tpu.memory_space<hbm>> -> memref<25x40xi32, #tpu.memory_space<hbm>>
        %dma_start3A_727 = arith.constant 0 : i32
        %dma_start3A_728 = arith.constant 0 : i32
        %dma_start3A_729 = tpu.memref_slice %arg7[%select_n3A_718, %dma_start3A_727, %dma_start3A_728] : memref<2x25x40xi32, #tpu.memory_space<vmem>> -> memref<1x25x40xi32, #tpu.memory_space<vmem>>
        %dma_start3A_730 = tpu.memref_squeeze %dma_start3A_729 : memref<1x25x40xi32, #tpu.memory_space<vmem>> -> memref<25x40xi32, #tpu.memory_space<vmem>>
        %dma_start3A_731 = arith.constant 0 : i32
        %dma_start3A_732 = arith.constant 0 : i32
        %dma_start3A_733 = tpu.memref_slice %arg4[%add3A_47, %add3A_702, %dma_start3A_731, %dma_start3A_732] : memref<64x5x25x40xi32, #tpu.memory_space<hbm>> -> memref<1x1x25x40xi32, #tpu.memory_space<hbm>>
        %dma_start3A_734 = tpu.memref_squeeze %dma_start3A_733 : memref<1x1x25x40xi32, #tpu.memory_space<hbm>> -> memref<25x40xi32, #tpu.memory_space<hbm>>
        tpu.enqueue_dma source(%dma_start3A_734 : memref<25x40xi32, #tpu.memory_space<hbm>>) target(%dma_start3A_730 : memref<25x40xi32, #tpu.memory_space<vmem>>) target_semaphore(%arg17 : memref<!tpu.dma_semaphore, #tpu.memory_space<semaphore_mem>>)
      } else {
      }
      %add3A_156 = arith.constant 2 : i32
      %add3A_157 = arith.addi %add3A_131, %add3A_156 : i32
      %jit3A_158 = arith.constant 25 : i32
      %eq3A_159 = arith.constant 0 : i32
      %eq3A_160 = arith.cmpi eq, %jit3A_158, %eq3A_159 : i32
      %jit3A_161 = arith.constant 1 : i32
      %select_n3A_162 = arith.select %eq3A_160, %jit3A_161, %jit3A_158 : i32
      %rem3A_163 = arith.remsi %add3A_157, %select_n3A_162 : i32
      %ne3A_164 = arith.constant 0 : i32
      %ne3A_165 = arith.cmpi ne, %rem3A_163, %ne3A_164 : i32
      %lt3A_166 = arith.constant 0 : i32
      %lt3A_167 = arith.cmpi slt, %rem3A_163, %lt3A_166 : i32
      %lt3A_168 = arith.constant 0 : i32
      %lt3A_169 = arith.cmpi slt, %select_n3A_162, %lt3A_168 : i32
      %ne3A_170 = arith.xori %lt3A_167, %lt3A_169 : i1
      %and3A_171 = arith.andi %ne3A_170, %ne3A_165 : i1
      %add3A_172 = arith.addi %rem3A_163, %select_n3A_162 : i32
      %select_n3A_173 = arith.select %and3A_171, %add3A_172, %rem3A_163 : i32
      %eq3A_174 = arith.constant 0 : i32
      %eq3A_175 = arith.cmpi eq, %select_n3A_173, %eq3A_174 : i32
      %ge3A_176 = arith.constant 23 : i32
      %ge3A_177 = arith.cmpi sge, %add3A_131, %ge3A_176 : i32
      %and3A_178 = arith.andi %eq3A_175, %ge3A_177 : i1
      %le3A_179 = arith.constant 98 : i32
      %le3A_180 = arith.cmpi sle, %add3A_131, %le3A_179 : i32
      %and3A_181 = arith.andi %and3A_178, %le3A_180 : i1
      %convert_element_type3A_182 = arith.extui %and3A_181 : i1 to i32
      %cond3A_183 = arith.constant 0 : i32
      %cond3A_184 = arith.cmpi ne, %convert_element_type3A_182, %cond3A_183 : i32
      scf.if %cond3A_184 {
        %dma_wait3A_677 = arith.constant 0 : i32
        %dma_wait3A_678 = arith.constant 0 : i32
        %dma_wait3A_679 = arith.constant 0 : i32
        %dma_wait3A_680 = arith.constant 0 : i32
        %dma_wait3A_681 = tpu.memref_slice %arg7[%dma_wait3A_678, %dma_wait3A_679, %dma_wait3A_680] : memref<2x25x40xi32, #tpu.memory_space<vmem>> -> memref<1x25x40xi32, #tpu.memory_space<vmem>>
        %dma_wait3A_682 = tpu.memref_squeeze %dma_wait3A_681 : memref<1x25x40xi32, #tpu.memory_space<vmem>> -> memref<25x40xi32, #tpu.memory_space<vmem>>
        %dma_wait3A_683 = arith.constant 0 : i32
        %dma_wait3A_684 = arith.constant 0 : i32
        %dma_wait3A_685 = tpu.memref_slice %arg4[%add3A_47, %dma_wait3A_677, %dma_wait3A_683, %dma_wait3A_684] : memref<64x5x25x40xi32, #tpu.memory_space<hbm>> -> memref<1x1x25x40xi32, #tpu.memory_space<hbm>>
        %dma_wait3A_686 = tpu.memref_squeeze %dma_wait3A_685 : memref<1x1x25x40xi32, #tpu.memory_space<hbm>> -> memref<25x40xi32, #tpu.memory_space<hbm>>
        %dma_wait3A_687 = arith.constant 0 : i32
        %dma_wait3A_688 = arith.constant 0 : i32
        %dma_wait3A_689 = tpu.memref_slice %arg7[%dma_wait3A_678, %dma_wait3A_687, %dma_wait3A_688] : memref<2x25x40xi32, #tpu.memory_space<vmem>> -> memref<1x25x40xi32, #tpu.memory_space<vmem>>
        %dma_wait3A_690 = tpu.memref_squeeze %dma_wait3A_689 : memref<1x25x40xi32, #tpu.memory_space<vmem>> -> memref<25x40xi32, #tpu.memory_space<vmem>>
        %dma_wait3A_691 = arith.constant 0 : i32
        %dma_wait3A_692 = arith.constant 0 : i32
        %dma_wait3A_693 = tpu.memref_slice %arg4[%add3A_47, %dma_wait3A_677, %dma_wait3A_691, %dma_wait3A_692] : memref<64x5x25x40xi32, #tpu.memory_space<hbm>> -> memref<1x1x25x40xi32, #tpu.memory_space<hbm>>
        %dma_wait3A_694 = tpu.memref_squeeze %dma_wait3A_693 : memref<1x1x25x40xi32, #tpu.memory_space<hbm>> -> memref<25x40xi32, #tpu.memory_space<hbm>>
        tpu.wait_dma2 semaphore(%arg17 : memref<!tpu.dma_semaphore, #tpu.memory_space<semaphore_mem>>) src(%dma_wait3A_694 : memref<25x40xi32, #tpu.memory_space<hbm>>) dst(%dma_wait3A_690 : memref<25x40xi32, #tpu.memory_space<vmem>>)
      } else {
      }
      %add3A_185 = arith.constant 2 : i32
      %add3A_186 = arith.addi %add3A_131, %add3A_185 : i32
      %lt3A_187 = arith.constant 125 : i32
      %lt3A_188 = arith.cmpi slt, %add3A_186, %lt3A_187 : i32
      %convert_element_type3A_189 = arith.extui %lt3A_188 : i1 to i32
      %cond3A_190 = arith.constant 0 : i32
      %cond3A_191 = arith.cmpi ne, %convert_element_type3A_189, %cond3A_190 : i32
      scf.if %cond3A_191 {
        %add3A_677 = arith.constant 2 : i32
        %add3A_678 = arith.addi %add3A_131, %add3A_677 : i32
        %mul3A_679 = arith.constant 40 : i32
        %mul3A_680 = arith.muli %add3A_678, %mul3A_679 : i32
        %multiple_of3A_681 = tpu.assume_multiple %mul3A_680, 8 : i32
        %dma_start3A_682 = tpu.memref_slice %arg6[%multiple_of3A_681] : memref<5008xi32, #tpu.memory_space<vmem>> -> memref<40xi32, #tpu.memory_space<vmem>>
        %dma_start3A_683 = arith.constant 0 : i32
        %dma_start3A_684 = arith.constant 0 : i32
        %dma_start3A_685 = tpu.memref_slice %arg2[%dma_start3A_683, %dma_start3A_684] : memref<160000x128xf32, #tpu.memory_space<hbm>> -> memref<160000x128xf32, #tpu.memory_space<hbm>>
        tpu.enqueue_indirect_dma source(%dma_start3A_685 : memref<160000x128xf32, #tpu.memory_space<hbm>>) target(%arg10 : memref<40x128xf32, #tpu.memory_space<vmem>>) offsets(%dma_start3A_682 : memref<40xi32, #tpu.memory_space<vmem>>) semaphore(%arg15 : memref<!tpu.dma_semaphore, #tpu.memory_space<semaphore_mem>>)
      } else {
      }
      %dma_wait3A_192 = arith.constant 0 : i32
      %dma_wait3A_193 = arith.constant 0 : i32
      %dma_wait3A_194 = tpu.memref_slice %arg2[%dma_wait3A_192, %dma_wait3A_193] : memref<160000x128xf32, #tpu.memory_space<hbm>> -> memref<40x128xf32, #tpu.memory_space<hbm>>
      %dma_wait3A_195 = arith.constant 0 : i32
      %dma_wait3A_196 = arith.constant 0 : i32
      %dma_wait3A_197 = tpu.memref_slice %arg2[%dma_wait3A_195, %dma_wait3A_196] : memref<160000x128xf32, #tpu.memory_space<hbm>> -> memref<40x128xf32, #tpu.memory_space<hbm>>
      tpu.wait_dma2 semaphore(%arg13 : memref<!tpu.dma_semaphore, #tpu.memory_space<semaphore_mem>>) src(%dma_wait3A_197 : memref<40x128xf32, #tpu.memory_space<hbm>>) dst(%arg8 : memref<40x128xf32, #tpu.memory_space<vmem>>)
      %jit3A_198 = arith.constant 25 : i32
      %div3A = arith.divsi %add3A_131, %jit3A_198 : i32
      %sign3A = arith.constant 0 : i32
      %sign3A_199 = arith.cmpi sgt, %add3A_131, %sign3A : i32
      %sign3A_200 = arith.extui %sign3A_199 : i1 to i32
      %sign3A_201 = arith.constant 0 : i32
      %sign3A_202 = arith.cmpi slt, %add3A_131, %sign3A_201 : i32
      %sign3A_203 = arith.extui %sign3A_202 : i1 to i32
      %sign3A_204 = arith.subi %sign3A_200, %sign3A_203 : i32
      %sign3A_205 = arith.constant 0 : i32
      %sign3A_206 = arith.cmpi sgt, %jit3A_198, %sign3A_205 : i32
      %sign3A_207 = arith.extui %sign3A_206 : i1 to i32
      %sign3A_208 = arith.constant 0 : i32
      %sign3A_209 = arith.cmpi slt, %jit3A_198, %sign3A_208 : i32
      %sign3A_210 = arith.extui %sign3A_209 : i1 to i32
      %sign3A_211 = arith.subi %sign3A_207, %sign3A_210 : i32
      %ne3A_212 = arith.cmpi ne, %sign3A_204, %sign3A_211 : i32
      %rem3A_213 = arith.remsi %add3A_131, %jit3A_198 : i32
      %ne3A_214 = arith.constant 0 : i32
      %ne3A_215 = arith.cmpi ne, %rem3A_213, %ne3A_214 : i32
      %and3A_216 = arith.andi %ne3A_212, %ne3A_215 : i1
      %sub3A = arith.constant 1 : i32
      %sub3A_217 = arith.subi %div3A, %sub3A : i32
      %select_n3A_218 = arith.select %and3A_216, %sub3A_217, %div3A : i32
      %jit3A_219 = arith.constant 2 : i32
      %eq3A_220 = arith.constant 0 : i32
      %eq3A_221 = arith.cmpi eq, %jit3A_219, %eq3A_220 : i32
      %jit3A_222 = arith.constant 1 : i32
      %select_n3A_223 = arith.select %eq3A_221, %jit3A_222, %jit3A_219 : i32
      %rem3A_224 = arith.remsi %select_n3A_218, %select_n3A_223 : i32
      %ne3A_225 = arith.constant 0 : i32
      %ne3A_226 = arith.cmpi ne, %rem3A_224, %ne3A_225 : i32
      %lt3A_227 = arith.constant 0 : i32
      %lt3A_228 = arith.cmpi slt, %rem3A_224, %lt3A_227 : i32
      %lt3A_229 = arith.constant 0 : i32
      %lt3A_230 = arith.cmpi slt, %select_n3A_223, %lt3A_229 : i32
      %ne3A_231 = arith.xori %lt3A_228, %lt3A_230 : i1
      %and3A_232 = arith.andi %ne3A_231, %ne3A_226 : i1
      %add3A_233 = arith.addi %rem3A_224, %select_n3A_223 : i32
      %select_n3A_234 = arith.select %and3A_232, %add3A_233, %rem3A_224 : i32
      %jit3A_235 = arith.constant 25 : i32
      %eq3A_236 = arith.constant 0 : i32
      %eq3A_237 = arith.cmpi eq, %jit3A_235, %eq3A_236 : i32
      %jit3A_238 = arith.constant 1 : i32
      %select_n3A_239 = arith.select %eq3A_237, %jit3A_238, %jit3A_235 : i32
      %rem3A_240 = arith.remsi %add3A_131, %select_n3A_239 : i32
      %ne3A_241 = arith.constant 0 : i32
      %ne3A_242 = arith.cmpi ne, %rem3A_240, %ne3A_241 : i32
      %lt3A_243 = arith.constant 0 : i32
      %lt3A_244 = arith.cmpi slt, %rem3A_240, %lt3A_243 : i32
      %lt3A_245 = arith.constant 0 : i32
      %lt3A_246 = arith.cmpi slt, %select_n3A_239, %lt3A_245 : i32
      %ne3A_247 = arith.xori %lt3A_244, %lt3A_246 : i1
      %and3A_248 = arith.andi %ne3A_247, %ne3A_242 : i1
      %add3A_249 = arith.addi %rem3A_240, %select_n3A_239 : i32
      %select_n3A_250 = arith.select %and3A_248, %add3A_249, %rem3A_240 : i32
      %dma_start3A_251 = arith.constant 0 : i32
      %dma_start3A_252 = tpu.memref_slice %arg7[%select_n3A_234, %select_n3A_250, %dma_start3A_251] : memref<2x25x40xi32, #tpu.memory_space<vmem>> -> memref<1x1x40xi32, #tpu.memory_space<vmem>>
      %dma_start3A_253 = tpu.memref_squeeze %dma_start3A_252 : memref<1x1x40xi32, #tpu.memory_space<vmem>> -> memref<40xi32, #tpu.memory_space<vmem>>
      %dma_start3A_254 = arith.constant 0 : i32
      %dma_start3A_255 = arith.constant 0 : i32
      %dma_start3A_256 = tpu.memref_slice %arg12[%dma_start3A_254, %dma_start3A_255] : memref<10000x128xf32, #tpu.memory_space<vmem_shared>> -> memref<10000x128xf32, #tpu.memory_space<vmem_shared>>
      tpu.enqueue_indirect_dma source(%arg8 : memref<40x128xf32, #tpu.memory_space<vmem>>) target(%dma_start3A_256 : memref<10000x128xf32, #tpu.memory_space<vmem_shared>>) offsets(%dma_start3A_253 : memref<40xi32, #tpu.memory_space<vmem>>) semaphore(%arg13 : memref<!tpu.dma_semaphore, #tpu.memory_space<semaphore_mem>>) {add = true}
      %mul3A_257 = arith.constant 4 : i32
      %mul3A_258 = arith.muli %mul3A_257, %scan3A_127 : i32
      %add3A_259 = arith.constant 1 : i32
      %add3A_260 = arith.addi %mul3A_258, %add3A_259 : i32
      %ge3A_261 = arith.constant 2 : i32
      %ge3A_262 = arith.cmpi sge, %add3A_260, %ge3A_261 : i32
      %convert_element_type3A_263 = arith.extui %ge3A_262 : i1 to i32
      %cond3A_264 = arith.constant 0 : i32
      %cond3A_265 = arith.cmpi ne, %convert_element_type3A_263, %cond3A_264 : i32
      scf.if %cond3A_265 {
        %dma_wait3A_677 = arith.constant 0 : i32
        %dma_wait3A_678 = arith.constant 0 : i32
        %dma_wait3A_679 = tpu.memref_slice %arg2[%dma_wait3A_677, %dma_wait3A_678] : memref<160000x128xf32, #tpu.memory_space<hbm>> -> memref<40x128xf32, #tpu.memory_space<hbm>>
        %dma_wait3A_680 = arith.constant 0 : i32
        %dma_wait3A_681 = arith.constant 0 : i32
        %dma_wait3A_682 = tpu.memref_slice %arg2[%dma_wait3A_680, %dma_wait3A_681] : memref<160000x128xf32, #tpu.memory_space<hbm>> -> memref<40x128xf32, #tpu.memory_space<hbm>>
        tpu.wait_dma2 semaphore(%arg16 : memref<!tpu.dma_semaphore, #tpu.memory_space<semaphore_mem>>) src(%dma_wait3A_682 : memref<40x128xf32, #tpu.memory_space<hbm>>) dst(%arg11 : memref<40x128xf32, #tpu.memory_space<vmem>>)
      } else {
      }
      %jit3A_266 = arith.constant 25 : i32
      %eq3A_267 = arith.constant 0 : i32
      %eq3A_268 = arith.cmpi eq, %jit3A_266, %eq3A_267 : i32
      %jit3A_269 = arith.constant 1 : i32
      %select_n3A_270 = arith.select %eq3A_268, %jit3A_269, %jit3A_266 : i32
      %rem3A_271 = arith.remsi %add3A_260, %select_n3A_270 : i32
      %ne3A_272 = arith.constant 0 : i32
      %ne3A_273 = arith.cmpi ne, %rem3A_271, %ne3A_272 : i32
      %lt3A_274 = arith.constant 0 : i32
      %lt3A_275 = arith.cmpi slt, %rem3A_271, %lt3A_274 : i32
      %lt3A_276 = arith.constant 0 : i32
      %lt3A_277 = arith.cmpi slt, %select_n3A_270, %lt3A_276 : i32
      %ne3A_278 = arith.xori %lt3A_275, %lt3A_277 : i1
      %and3A_279 = arith.andi %ne3A_278, %ne3A_273 : i1
      %add3A_280 = arith.addi %rem3A_271, %select_n3A_270 : i32
      %select_n3A_281 = arith.select %and3A_279, %add3A_280, %rem3A_271 : i32
      %eq3A_282 = arith.constant 1 : i32
      %eq3A_283 = arith.cmpi eq, %select_n3A_281, %eq3A_282 : i32
      %ge3A_284 = arith.constant 26 : i32
      %ge3A_285 = arith.cmpi sge, %add3A_260, %ge3A_284 : i32
      %and3A_286 = arith.andi %eq3A_283, %ge3A_285 : i1
      %le3A_287 = arith.constant 76 : i32
      %le3A_288 = arith.cmpi sle, %add3A_260, %le3A_287 : i32
      %and3A_289 = arith.andi %and3A_286, %le3A_288 : i1
      %convert_element_type3A_290 = arith.extui %and3A_289 : i1 to i32
      %cond3A_291 = arith.constant 0 : i32
      %cond3A_292 = arith.cmpi ne, %convert_element_type3A_290, %cond3A_291 : i32
      scf.if %cond3A_292 {
        %jit3A_677 = arith.constant 25 : i32
        %div3A_678 = arith.divsi %add3A_260, %jit3A_677 : i32
        %sign3A_679 = arith.constant 0 : i32
        %sign3A_680 = arith.cmpi sgt, %add3A_260, %sign3A_679 : i32
        %sign3A_681 = arith.extui %sign3A_680 : i1 to i32
        %sign3A_682 = arith.constant 0 : i32
        %sign3A_683 = arith.cmpi slt, %add3A_260, %sign3A_682 : i32
        %sign3A_684 = arith.extui %sign3A_683 : i1 to i32
        %sign3A_685 = arith.subi %sign3A_681, %sign3A_684 : i32
        %sign3A_686 = arith.constant 0 : i32
        %sign3A_687 = arith.cmpi sgt, %jit3A_677, %sign3A_686 : i32
        %sign3A_688 = arith.extui %sign3A_687 : i1 to i32
        %sign3A_689 = arith.constant 0 : i32
        %sign3A_690 = arith.cmpi slt, %jit3A_677, %sign3A_689 : i32
        %sign3A_691 = arith.extui %sign3A_690 : i1 to i32
        %sign3A_692 = arith.subi %sign3A_688, %sign3A_691 : i32
        %ne3A_693 = arith.cmpi ne, %sign3A_685, %sign3A_692 : i32
        %rem3A_694 = arith.remsi %add3A_260, %jit3A_677 : i32
        %ne3A_695 = arith.constant 0 : i32
        %ne3A_696 = arith.cmpi ne, %rem3A_694, %ne3A_695 : i32
        %and3A_697 = arith.andi %ne3A_693, %ne3A_696 : i1
        %sub3A_698 = arith.constant 1 : i32
        %sub3A_699 = arith.subi %div3A_678, %sub3A_698 : i32
        %select_n3A_700 = arith.select %and3A_697, %sub3A_699, %div3A_678 : i32
        %add3A_701 = arith.constant 1 : i32
        %add3A_702 = arith.addi %select_n3A_700, %add3A_701 : i32
        %jit3A_703 = arith.constant 2 : i32
        %eq3A_704 = arith.constant 0 : i32
        %eq3A_705 = arith.cmpi eq, %jit3A_703, %eq3A_704 : i32
        %jit3A_706 = arith.constant 1 : i32
        %select_n3A_707 = arith.select %eq3A_705, %jit3A_706, %jit3A_703 : i32
        %rem3A_708 = arith.remsi %add3A_702, %select_n3A_707 : i32
        %ne3A_709 = arith.constant 0 : i32
        %ne3A_710 = arith.cmpi ne, %rem3A_708, %ne3A_709 : i32
        %lt3A_711 = arith.constant 0 : i32
        %lt3A_712 = arith.cmpi slt, %rem3A_708, %lt3A_711 : i32
        %lt3A_713 = arith.constant 0 : i32
        %lt3A_714 = arith.cmpi slt, %select_n3A_707, %lt3A_713 : i32
        %ne3A_715 = arith.xori %lt3A_712, %lt3A_714 : i1
        %and3A_716 = arith.andi %ne3A_715, %ne3A_710 : i1
        %add3A_717 = arith.addi %rem3A_708, %select_n3A_707 : i32
        %select_n3A_718 = arith.select %and3A_716, %add3A_717, %rem3A_708 : i32
        %dma_start3A_719 = arith.constant 0 : i32
        %dma_start3A_720 = arith.constant 0 : i32
        %dma_start3A_721 = tpu.memref_slice %arg7[%select_n3A_718, %dma_start3A_719, %dma_start3A_720] : memref<2x25x40xi32, #tpu.memory_space<vmem>> -> memref<1x25x40xi32, #tpu.memory_space<vmem>>
        %dma_start3A_722 = tpu.memref_squeeze %dma_start3A_721 : memref<1x25x40xi32, #tpu.memory_space<vmem>> -> memref<25x40xi32, #tpu.memory_space<vmem>>
        %dma_start3A_723 = arith.constant 0 : i32
        %dma_start3A_724 = arith.constant 0 : i32
        %dma_start3A_725 = tpu.memref_slice %arg4[%add3A_47, %add3A_702, %dma_start3A_723, %dma_start3A_724] : memref<64x5x25x40xi32, #tpu.memory_space<hbm>> -> memref<1x1x25x40xi32, #tpu.memory_space<hbm>>
        %dma_start3A_726 = tpu.memref_squeeze %dma_start3A_725 : memref<1x1x25x40xi32, #tpu.memory_space<hbm>> -> memref<25x40xi32, #tpu.memory_space<hbm>>
        %dma_start3A_727 = arith.constant 0 : i32
        %dma_start3A_728 = arith.constant 0 : i32
        %dma_start3A_729 = tpu.memref_slice %arg7[%select_n3A_718, %dma_start3A_727, %dma_start3A_728] : memref<2x25x40xi32, #tpu.memory_space<vmem>> -> memref<1x25x40xi32, #tpu.memory_space<vmem>>
        %dma_start3A_730 = tpu.memref_squeeze %dma_start3A_729 : memref<1x25x40xi32, #tpu.memory_space<vmem>> -> memref<25x40xi32, #tpu.memory_space<vmem>>
        %dma_start3A_731 = arith.constant 0 : i32
        %dma_start3A_732 = arith.constant 0 : i32
        %dma_start3A_733 = tpu.memref_slice %arg4[%add3A_47, %add3A_702, %dma_start3A_731, %dma_start3A_732] : memref<64x5x25x40xi32, #tpu.memory_space<hbm>> -> memref<1x1x25x40xi32, #tpu.memory_space<hbm>>
        %dma_start3A_734 = tpu.memref_squeeze %dma_start3A_733 : memref<1x1x25x40xi32, #tpu.memory_space<hbm>> -> memref<25x40xi32, #tpu.memory_space<hbm>>
        tpu.enqueue_dma source(%dma_start3A_734 : memref<25x40xi32, #tpu.memory_space<hbm>>) target(%dma_start3A_730 : memref<25x40xi32, #tpu.memory_space<vmem>>) target_semaphore(%arg17 : memref<!tpu.dma_semaphore, #tpu.memory_space<semaphore_mem>>)
      } else {
      }
      %add3A_293 = arith.constant 2 : i32
      %add3A_294 = arith.addi %add3A_260, %add3A_293 : i32
      %jit3A_295 = arith.constant 25 : i32
      %eq3A_296 = arith.constant 0 : i32
      %eq3A_297 = arith.cmpi eq, %jit3A_295, %eq3A_296 : i32
      %jit3A_298 = arith.constant 1 : i32
      %select_n3A_299 = arith.select %eq3A_297, %jit3A_298, %jit3A_295 : i32
      %rem3A_300 = arith.remsi %add3A_294, %select_n3A_299 : i32
      %ne3A_301 = arith.constant 0 : i32
      %ne3A_302 = arith.cmpi ne, %rem3A_300, %ne3A_301 : i32
      %lt3A_303 = arith.constant 0 : i32
      %lt3A_304 = arith.cmpi slt, %rem3A_300, %lt3A_303 : i32
      %lt3A_305 = arith.constant 0 : i32
      %lt3A_306 = arith.cmpi slt, %select_n3A_299, %lt3A_305 : i32
      %ne3A_307 = arith.xori %lt3A_304, %lt3A_306 : i1
      %and3A_308 = arith.andi %ne3A_307, %ne3A_302 : i1
      %add3A_309 = arith.addi %rem3A_300, %select_n3A_299 : i32
      %select_n3A_310 = arith.select %and3A_308, %add3A_309, %rem3A_300 : i32
      %eq3A_311 = arith.constant 0 : i32
      %eq3A_312 = arith.cmpi eq, %select_n3A_310, %eq3A_311 : i32
      %ge3A_313 = arith.constant 23 : i32
      %ge3A_314 = arith.cmpi sge, %add3A_260, %ge3A_313 : i32
      %and3A_315 = arith.andi %eq3A_312, %ge3A_314 : i1
      %le3A_316 = arith.constant 98 : i32
      %le3A_317 = arith.cmpi sle, %add3A_260, %le3A_316 : i32
      %and3A_318 = arith.andi %and3A_315, %le3A_317 : i1
      %convert_element_type3A_319 = arith.extui %and3A_318 : i1 to i32
      %cond3A_320 = arith.constant 0 : i32
      %cond3A_321 = arith.cmpi ne, %convert_element_type3A_319, %cond3A_320 : i32
      scf.if %cond3A_321 {
        %dma_wait3A_677 = arith.constant 0 : i32
        %dma_wait3A_678 = arith.constant 0 : i32
        %dma_wait3A_679 = arith.constant 0 : i32
        %dma_wait3A_680 = arith.constant 0 : i32
        %dma_wait3A_681 = tpu.memref_slice %arg7[%dma_wait3A_678, %dma_wait3A_679, %dma_wait3A_680] : memref<2x25x40xi32, #tpu.memory_space<vmem>> -> memref<1x25x40xi32, #tpu.memory_space<vmem>>
        %dma_wait3A_682 = tpu.memref_squeeze %dma_wait3A_681 : memref<1x25x40xi32, #tpu.memory_space<vmem>> -> memref<25x40xi32, #tpu.memory_space<vmem>>
        %dma_wait3A_683 = arith.constant 0 : i32
        %dma_wait3A_684 = arith.constant 0 : i32
        %dma_wait3A_685 = tpu.memref_slice %arg4[%add3A_47, %dma_wait3A_677, %dma_wait3A_683, %dma_wait3A_684] : memref<64x5x25x40xi32, #tpu.memory_space<hbm>> -> memref<1x1x25x40xi32, #tpu.memory_space<hbm>>
        %dma_wait3A_686 = tpu.memref_squeeze %dma_wait3A_685 : memref<1x1x25x40xi32, #tpu.memory_space<hbm>> -> memref<25x40xi32, #tpu.memory_space<hbm>>
        %dma_wait3A_687 = arith.constant 0 : i32
        %dma_wait3A_688 = arith.constant 0 : i32
        %dma_wait3A_689 = tpu.memref_slice %arg7[%dma_wait3A_678, %dma_wait3A_687, %dma_wait3A_688] : memref<2x25x40xi32, #tpu.memory_space<vmem>> -> memref<1x25x40xi32, #tpu.memory_space<vmem>>
        %dma_wait3A_690 = tpu.memref_squeeze %dma_wait3A_689 : memref<1x25x40xi32, #tpu.memory_space<vmem>> -> memref<25x40xi32, #tpu.memory_space<vmem>>
        %dma_wait3A_691 = arith.constant 0 : i32
        %dma_wait3A_692 = arith.constant 0 : i32
        %dma_wait3A_693 = tpu.memref_slice %arg4[%add3A_47, %dma_wait3A_677, %dma_wait3A_691, %dma_wait3A_692] : memref<64x5x25x40xi32, #tpu.memory_space<hbm>> -> memref<1x1x25x40xi32, #tpu.memory_space<hbm>>
        %dma_wait3A_694 = tpu.memref_squeeze %dma_wait3A_693 : memref<1x1x25x40xi32, #tpu.memory_space<hbm>> -> memref<25x40xi32, #tpu.memory_space<hbm>>
        tpu.wait_dma2 semaphore(%arg17 : memref<!tpu.dma_semaphore, #tpu.memory_space<semaphore_mem>>) src(%dma_wait3A_694 : memref<25x40xi32, #tpu.memory_space<hbm>>) dst(%dma_wait3A_690 : memref<25x40xi32, #tpu.memory_space<vmem>>)
      } else {
      }
      %add3A_322 = arith.constant 2 : i32
      %add3A_323 = arith.addi %add3A_260, %add3A_322 : i32
      %lt3A_324 = arith.constant 125 : i32
      %lt3A_325 = arith.cmpi slt, %add3A_323, %lt3A_324 : i32
      %convert_element_type3A_326 = arith.extui %lt3A_325 : i1 to i32
      %cond3A_327 = arith.constant 0 : i32
      %cond3A_328 = arith.cmpi ne, %convert_element_type3A_326, %cond3A_327 : i32
      scf.if %cond3A_328 {
        %add3A_677 = arith.constant 2 : i32
        %add3A_678 = arith.addi %add3A_260, %add3A_677 : i32
        %mul3A_679 = arith.constant 40 : i32
        %mul3A_680 = arith.muli %add3A_678, %mul3A_679 : i32
        %multiple_of3A_681 = tpu.assume_multiple %mul3A_680, 8 : i32
        %dma_start3A_682 = tpu.memref_slice %arg6[%multiple_of3A_681] : memref<5008xi32, #tpu.memory_space<vmem>> -> memref<40xi32, #tpu.memory_space<vmem>>
        %dma_start3A_683 = arith.constant 0 : i32
        %dma_start3A_684 = arith.constant 0 : i32
        %dma_start3A_685 = tpu.memref_slice %arg2[%dma_start3A_683, %dma_start3A_684] : memref<160000x128xf32, #tpu.memory_space<hbm>> -> memref<160000x128xf32, #tpu.memory_space<hbm>>
        tpu.enqueue_indirect_dma source(%dma_start3A_685 : memref<160000x128xf32, #tpu.memory_space<hbm>>) target(%arg11 : memref<40x128xf32, #tpu.memory_space<vmem>>) offsets(%dma_start3A_682 : memref<40xi32, #tpu.memory_space<vmem>>) semaphore(%arg16 : memref<!tpu.dma_semaphore, #tpu.memory_space<semaphore_mem>>)
      } else {
      }
      %dma_wait3A_329 = arith.constant 0 : i32
      %dma_wait3A_330 = arith.constant 0 : i32
      %dma_wait3A_331 = tpu.memref_slice %arg2[%dma_wait3A_329, %dma_wait3A_330] : memref<160000x128xf32, #tpu.memory_space<hbm>> -> memref<40x128xf32, #tpu.memory_space<hbm>>
      %dma_wait3A_332 = arith.constant 0 : i32
      %dma_wait3A_333 = arith.constant 0 : i32
      %dma_wait3A_334 = tpu.memref_slice %arg2[%dma_wait3A_332, %dma_wait3A_333] : memref<160000x128xf32, #tpu.memory_space<hbm>> -> memref<40x128xf32, #tpu.memory_space<hbm>>
      tpu.wait_dma2 semaphore(%arg14 : memref<!tpu.dma_semaphore, #tpu.memory_space<semaphore_mem>>) src(%dma_wait3A_334 : memref<40x128xf32, #tpu.memory_space<hbm>>) dst(%arg9 : memref<40x128xf32, #tpu.memory_space<vmem>>)
      %jit3A_335 = arith.constant 25 : i32
      %div3A_336 = arith.divsi %add3A_260, %jit3A_335 : i32
      %sign3A_337 = arith.constant 0 : i32
      %sign3A_338 = arith.cmpi sgt, %add3A_260, %sign3A_337 : i32
      %sign3A_339 = arith.extui %sign3A_338 : i1 to i32
      %sign3A_340 = arith.constant 0 : i32
      %sign3A_341 = arith.cmpi slt, %add3A_260, %sign3A_340 : i32
      %sign3A_342 = arith.extui %sign3A_341 : i1 to i32
      %sign3A_343 = arith.subi %sign3A_339, %sign3A_342 : i32
      %sign3A_344 = arith.constant 0 : i32
      %sign3A_345 = arith.cmpi sgt, %jit3A_335, %sign3A_344 : i32
      %sign3A_346 = arith.extui %sign3A_345 : i1 to i32
      %sign3A_347 = arith.constant 0 : i32
      %sign3A_348 = arith.cmpi slt, %jit3A_335, %sign3A_347 : i32
      %sign3A_349 = arith.extui %sign3A_348 : i1 to i32
      %sign3A_350 = arith.subi %sign3A_346, %sign3A_349 : i32
      %ne3A_351 = arith.cmpi ne, %sign3A_343, %sign3A_350 : i32
      %rem3A_352 = arith.remsi %add3A_260, %jit3A_335 : i32
      %ne3A_353 = arith.constant 0 : i32
      %ne3A_354 = arith.cmpi ne, %rem3A_352, %ne3A_353 : i32
      %and3A_355 = arith.andi %ne3A_351, %ne3A_354 : i1
      %sub3A_356 = arith.constant 1 : i32
      %sub3A_357 = arith.subi %div3A_336, %sub3A_356 : i32
      %select_n3A_358 = arith.select %and3A_355, %sub3A_357, %div3A_336 : i32
      %jit3A_359 = arith.constant 2 : i32
      %eq3A_360 = arith.constant 0 : i32
      %eq3A_361 = arith.cmpi eq, %jit3A_359, %eq3A_360 : i32
      %jit3A_362 = arith.constant 1 : i32
      %select_n3A_363 = arith.select %eq3A_361, %jit3A_362, %jit3A_359 : i32
      %rem3A_364 = arith.remsi %select_n3A_358, %select_n3A_363 : i32
      %ne3A_365 = arith.constant 0 : i32
      %ne3A_366 = arith.cmpi ne, %rem3A_364, %ne3A_365 : i32
      %lt3A_367 = arith.constant 0 : i32
      %lt3A_368 = arith.cmpi slt, %rem3A_364, %lt3A_367 : i32
      %lt3A_369 = arith.constant 0 : i32
      %lt3A_370 = arith.cmpi slt, %select_n3A_363, %lt3A_369 : i32
      %ne3A_371 = arith.xori %lt3A_368, %lt3A_370 : i1
      %and3A_372 = arith.andi %ne3A_371, %ne3A_366 : i1
      %add3A_373 = arith.addi %rem3A_364, %select_n3A_363 : i32
      %select_n3A_374 = arith.select %and3A_372, %add3A_373, %rem3A_364 : i32
      %jit3A_375 = arith.constant 25 : i32
      %eq3A_376 = arith.constant 0 : i32
      %eq3A_377 = arith.cmpi eq, %jit3A_375, %eq3A_376 : i32
      %jit3A_378 = arith.constant 1 : i32
      %select_n3A_379 = arith.select %eq3A_377, %jit3A_378, %jit3A_375 : i32
      %rem3A_380 = arith.remsi %add3A_260, %select_n3A_379 : i32
      %ne3A_381 = arith.constant 0 : i32
      %ne3A_382 = arith.cmpi ne, %rem3A_380, %ne3A_381 : i32
      %lt3A_383 = arith.constant 0 : i32
      %lt3A_384 = arith.cmpi slt, %rem3A_380, %lt3A_383 : i32
      %lt3A_385 = arith.constant 0 : i32
      %lt3A_386 = arith.cmpi slt, %select_n3A_379, %lt3A_385 : i32
      %ne3A_387 = arith.xori %lt3A_384, %lt3A_386 : i1
      %and3A_388 = arith.andi %ne3A_387, %ne3A_382 : i1
      %add3A_389 = arith.addi %rem3A_380, %select_n3A_379 : i32
      %select_n3A_390 = arith.select %and3A_388, %add3A_389, %rem3A_380 : i32
      %dma_start3A_391 = arith.constant 0 : i32
      %dma_start3A_392 = tpu.memref_slice %arg7[%select_n3A_374, %select_n3A_390, %dma_start3A_391] : memref<2x25x40xi32, #tpu.memory_space<vmem>> -> memref<1x1x40xi32, #tpu.memory_space<vmem>>
      %dma_start3A_393 = tpu.memref_squeeze %dma_start3A_392 : memref<1x1x40xi32, #tpu.memory_space<vmem>> -> memref<40xi32, #tpu.memory_space<vmem>>
      %dma_start3A_394 = arith.constant 0 : i32
      %dma_start3A_395 = arith.constant 0 : i32
      %dma_start3A_396 = tpu.memref_slice %arg12[%dma_start3A_394, %dma_start3A_395] : memref<10000x128xf32, #tpu.memory_space<vmem_shared>> -> memref<10000x128xf32, #tpu.memory_space<vmem_shared>>
      tpu.enqueue_indirect_dma source(%arg9 : memref<40x128xf32, #tpu.memory_space<vmem>>) target(%dma_start3A_396 : memref<10000x128xf32, #tpu.memory_space<vmem_shared>>) offsets(%dma_start3A_393 : memref<40xi32, #tpu.memory_space<vmem>>) semaphore(%arg14 : memref<!tpu.dma_semaphore, #tpu.memory_space<semaphore_mem>>) {add = true}
      %mul3A_397 = arith.constant 4 : i32
      %mul3A_398 = arith.muli %mul3A_397, %scan3A_127 : i32
      %add3A_399 = arith.constant 2 : i32
      %add3A_400 = arith.addi %mul3A_398, %add3A_399 : i32
      %ge3A_401 = arith.constant 2 : i32
      %ge3A_402 = arith.cmpi sge, %add3A_400, %ge3A_401 : i32
      %convert_element_type3A_403 = arith.extui %ge3A_402 : i1 to i32
      %cond3A_404 = arith.constant 0 : i32
      %cond3A_405 = arith.cmpi ne, %convert_element_type3A_403, %cond3A_404 : i32
      scf.if %cond3A_405 {
        %dma_wait3A_677 = arith.constant 0 : i32
        %dma_wait3A_678 = arith.constant 0 : i32
        %dma_wait3A_679 = tpu.memref_slice %arg2[%dma_wait3A_677, %dma_wait3A_678] : memref<160000x128xf32, #tpu.memory_space<hbm>> -> memref<40x128xf32, #tpu.memory_space<hbm>>
        %dma_wait3A_680 = arith.constant 0 : i32
        %dma_wait3A_681 = arith.constant 0 : i32
        %dma_wait3A_682 = tpu.memref_slice %arg2[%dma_wait3A_680, %dma_wait3A_681] : memref<160000x128xf32, #tpu.memory_space<hbm>> -> memref<40x128xf32, #tpu.memory_space<hbm>>
        tpu.wait_dma2 semaphore(%arg13 : memref<!tpu.dma_semaphore, #tpu.memory_space<semaphore_mem>>) src(%dma_wait3A_682 : memref<40x128xf32, #tpu.memory_space<hbm>>) dst(%arg8 : memref<40x128xf32, #tpu.memory_space<vmem>>)
      } else {
      }
      %jit3A_406 = arith.constant 25 : i32
      %eq3A_407 = arith.constant 0 : i32
      %eq3A_408 = arith.cmpi eq, %jit3A_406, %eq3A_407 : i32
      %jit3A_409 = arith.constant 1 : i32
      %select_n3A_410 = arith.select %eq3A_408, %jit3A_409, %jit3A_406 : i32
      %rem3A_411 = arith.remsi %add3A_400, %select_n3A_410 : i32
      %ne3A_412 = arith.constant 0 : i32
      %ne3A_413 = arith.cmpi ne, %rem3A_411, %ne3A_412 : i32
      %lt3A_414 = arith.constant 0 : i32
      %lt3A_415 = arith.cmpi slt, %rem3A_411, %lt3A_414 : i32
      %lt3A_416 = arith.constant 0 : i32
      %lt3A_417 = arith.cmpi slt, %select_n3A_410, %lt3A_416 : i32
      %ne3A_418 = arith.xori %lt3A_415, %lt3A_417 : i1
      %and3A_419 = arith.andi %ne3A_418, %ne3A_413 : i1
      %add3A_420 = arith.addi %rem3A_411, %select_n3A_410 : i32
      %select_n3A_421 = arith.select %and3A_419, %add3A_420, %rem3A_411 : i32
      %eq3A_422 = arith.constant 1 : i32
      %eq3A_423 = arith.cmpi eq, %select_n3A_421, %eq3A_422 : i32
      %ge3A_424 = arith.constant 26 : i32
      %ge3A_425 = arith.cmpi sge, %add3A_400, %ge3A_424 : i32
      %and3A_426 = arith.andi %eq3A_423, %ge3A_425 : i1
      %le3A_427 = arith.constant 76 : i32
      %le3A_428 = arith.cmpi sle, %add3A_400, %le3A_427 : i32
      %and3A_429 = arith.andi %and3A_426, %le3A_428 : i1
      %convert_element_type3A_430 = arith.extui %and3A_429 : i1 to i32
      %cond3A_431 = arith.constant 0 : i32
      %cond3A_432 = arith.cmpi ne, %convert_element_type3A_430, %cond3A_431 : i32
      scf.if %cond3A_432 {
        %jit3A_677 = arith.constant 25 : i32
        %div3A_678 = arith.divsi %add3A_400, %jit3A_677 : i32
        %sign3A_679 = arith.constant 0 : i32
        %sign3A_680 = arith.cmpi sgt, %add3A_400, %sign3A_679 : i32
        %sign3A_681 = arith.extui %sign3A_680 : i1 to i32
        %sign3A_682 = arith.constant 0 : i32
        %sign3A_683 = arith.cmpi slt, %add3A_400, %sign3A_682 : i32
        %sign3A_684 = arith.extui %sign3A_683 : i1 to i32
        %sign3A_685 = arith.subi %sign3A_681, %sign3A_684 : i32
        %sign3A_686 = arith.constant 0 : i32
        %sign3A_687 = arith.cmpi sgt, %jit3A_677, %sign3A_686 : i32
        %sign3A_688 = arith.extui %sign3A_687 : i1 to i32
        %sign3A_689 = arith.constant 0 : i32
        %sign3A_690 = arith.cmpi slt, %jit3A_677, %sign3A_689 : i32
        %sign3A_691 = arith.extui %sign3A_690 : i1 to i32
        %sign3A_692 = arith.subi %sign3A_688, %sign3A_691 : i32
        %ne3A_693 = arith.cmpi ne, %sign3A_685, %sign3A_692 : i32
        %rem3A_694 = arith.remsi %add3A_400, %jit3A_677 : i32
        %ne3A_695 = arith.constant 0 : i32
        %ne3A_696 = arith.cmpi ne, %rem3A_694, %ne3A_695 : i32
        %and3A_697 = arith.andi %ne3A_693, %ne3A_696 : i1
        %sub3A_698 = arith.constant 1 : i32
        %sub3A_699 = arith.subi %div3A_678, %sub3A_698 : i32
        %select_n3A_700 = arith.select %and3A_697, %sub3A_699, %div3A_678 : i32
        %add3A_701 = arith.constant 1 : i32
        %add3A_702 = arith.addi %select_n3A_700, %add3A_701 : i32
        %jit3A_703 = arith.constant 2 : i32
        %eq3A_704 = arith.constant 0 : i32
        %eq3A_705 = arith.cmpi eq, %jit3A_703, %eq3A_704 : i32
        %jit3A_706 = arith.constant 1 : i32
        %select_n3A_707 = arith.select %eq3A_705, %jit3A_706, %jit3A_703 : i32
        %rem3A_708 = arith.remsi %add3A_702, %select_n3A_707 : i32
        %ne3A_709 = arith.constant 0 : i32
        %ne3A_710 = arith.cmpi ne, %rem3A_708, %ne3A_709 : i32
        %lt3A_711 = arith.constant 0 : i32
        %lt3A_712 = arith.cmpi slt, %rem3A_708, %lt3A_711 : i32
        %lt3A_713 = arith.constant 0 : i32
        %lt3A_714 = arith.cmpi slt, %select_n3A_707, %lt3A_713 : i32
        %ne3A_715 = arith.xori %lt3A_712, %lt3A_714 : i1
        %and3A_716 = arith.andi %ne3A_715, %ne3A_710 : i1
        %add3A_717 = arith.addi %rem3A_708, %select_n3A_707 : i32
        %select_n3A_718 = arith.select %and3A_716, %add3A_717, %rem3A_708 : i32
        %dma_start3A_719 = arith.constant 0 : i32
        %dma_start3A_720 = arith.constant 0 : i32
        %dma_start3A_721 = tpu.memref_slice %arg7[%select_n3A_718, %dma_start3A_719, %dma_start3A_720] : memref<2x25x40xi32, #tpu.memory_space<vmem>> -> memref<1x25x40xi32, #tpu.memory_space<vmem>>
        %dma_start3A_722 = tpu.memref_squeeze %dma_start3A_721 : memref<1x25x40xi32, #tpu.memory_space<vmem>> -> memref<25x40xi32, #tpu.memory_space<vmem>>
        %dma_start3A_723 = arith.constant 0 : i32
        %dma_start3A_724 = arith.constant 0 : i32
        %dma_start3A_725 = tpu.memref_slice %arg4[%add3A_47, %add3A_702, %dma_start3A_723, %dma_start3A_724] : memref<64x5x25x40xi32, #tpu.memory_space<hbm>> -> memref<1x1x25x40xi32, #tpu.memory_space<hbm>>
        %dma_start3A_726 = tpu.memref_squeeze %dma_start3A_725 : memref<1x1x25x40xi32, #tpu.memory_space<hbm>> -> memref<25x40xi32, #tpu.memory_space<hbm>>
        %dma_start3A_727 = arith.constant 0 : i32
        %dma_start3A_728 = arith.constant 0 : i32
        %dma_start3A_729 = tpu.memref_slice %arg7[%select_n3A_718, %dma_start3A_727, %dma_start3A_728] : memref<2x25x40xi32, #tpu.memory_space<vmem>> -> memref<1x25x40xi32, #tpu.memory_space<vmem>>
        %dma_start3A_730 = tpu.memref_squeeze %dma_start3A_729 : memref<1x25x40xi32, #tpu.memory_space<vmem>> -> memref<25x40xi32, #tpu.memory_space<vmem>>
        %dma_start3A_731 = arith.constant 0 : i32
        %dma_start3A_732 = arith.constant 0 : i32
        %dma_start3A_733 = tpu.memref_slice %arg4[%add3A_47, %add3A_702, %dma_start3A_731, %dma_start3A_732] : memref<64x5x25x40xi32, #tpu.memory_space<hbm>> -> memref<1x1x25x40xi32, #tpu.memory_space<hbm>>
        %dma_start3A_734 = tpu.memref_squeeze %dma_start3A_733 : memref<1x1x25x40xi32, #tpu.memory_space<hbm>> -> memref<25x40xi32, #tpu.memory_space<hbm>>
        tpu.enqueue_dma source(%dma_start3A_734 : memref<25x40xi32, #tpu.memory_space<hbm>>) target(%dma_start3A_730 : memref<25x40xi32, #tpu.memory_space<vmem>>) target_semaphore(%arg17 : memref<!tpu.dma_semaphore, #tpu.memory_space<semaphore_mem>>)
      } else {
      }
      %add3A_433 = arith.constant 2 : i32
      %add3A_434 = arith.addi %add3A_400, %add3A_433 : i32
      %jit3A_435 = arith.constant 25 : i32
      %eq3A_436 = arith.constant 0 : i32
      %eq3A_437 = arith.cmpi eq, %jit3A_435, %eq3A_436 : i32
      %jit3A_438 = arith.constant 1 : i32
      %select_n3A_439 = arith.select %eq3A_437, %jit3A_438, %jit3A_435 : i32
      %rem3A_440 = arith.remsi %add3A_434, %select_n3A_439 : i32
      %ne3A_441 = arith.constant 0 : i32
      %ne3A_442 = arith.cmpi ne, %rem3A_440, %ne3A_441 : i32
      %lt3A_443 = arith.constant 0 : i32
      %lt3A_444 = arith.cmpi slt, %rem3A_440, %lt3A_443 : i32
      %lt3A_445 = arith.constant 0 : i32
      %lt3A_446 = arith.cmpi slt, %select_n3A_439, %lt3A_445 : i32
      %ne3A_447 = arith.xori %lt3A_444, %lt3A_446 : i1
      %and3A_448 = arith.andi %ne3A_447, %ne3A_442 : i1
      %add3A_449 = arith.addi %rem3A_440, %select_n3A_439 : i32
      %select_n3A_450 = arith.select %and3A_448, %add3A_449, %rem3A_440 : i32
      %eq3A_451 = arith.constant 0 : i32
      %eq3A_452 = arith.cmpi eq, %select_n3A_450, %eq3A_451 : i32
      %ge3A_453 = arith.constant 23 : i32
      %ge3A_454 = arith.cmpi sge, %add3A_400, %ge3A_453 : i32
      %and3A_455 = arith.andi %eq3A_452, %ge3A_454 : i1
      %le3A_456 = arith.constant 98 : i32
      %le3A_457 = arith.cmpi sle, %add3A_400, %le3A_456 : i32
      %and3A_458 = arith.andi %and3A_455, %le3A_457 : i1
      %convert_element_type3A_459 = arith.extui %and3A_458 : i1 to i32
      %cond3A_460 = arith.constant 0 : i32
      %cond3A_461 = arith.cmpi ne, %convert_element_type3A_459, %cond3A_460 : i32
      scf.if %cond3A_461 {
        %dma_wait3A_677 = arith.constant 0 : i32
        %dma_wait3A_678 = arith.constant 0 : i32
        %dma_wait3A_679 = arith.constant 0 : i32
        %dma_wait3A_680 = arith.constant 0 : i32
        %dma_wait3A_681 = tpu.memref_slice %arg7[%dma_wait3A_678, %dma_wait3A_679, %dma_wait3A_680] : memref<2x25x40xi32, #tpu.memory_space<vmem>> -> memref<1x25x40xi32, #tpu.memory_space<vmem>>
        %dma_wait3A_682 = tpu.memref_squeeze %dma_wait3A_681 : memref<1x25x40xi32, #tpu.memory_space<vmem>> -> memref<25x40xi32, #tpu.memory_space<vmem>>
        %dma_wait3A_683 = arith.constant 0 : i32
        %dma_wait3A_684 = arith.constant 0 : i32
        %dma_wait3A_685 = tpu.memref_slice %arg4[%add3A_47, %dma_wait3A_677, %dma_wait3A_683, %dma_wait3A_684] : memref<64x5x25x40xi32, #tpu.memory_space<hbm>> -> memref<1x1x25x40xi32, #tpu.memory_space<hbm>>
        %dma_wait3A_686 = tpu.memref_squeeze %dma_wait3A_685 : memref<1x1x25x40xi32, #tpu.memory_space<hbm>> -> memref<25x40xi32, #tpu.memory_space<hbm>>
        %dma_wait3A_687 = arith.constant 0 : i32
        %dma_wait3A_688 = arith.constant 0 : i32
        %dma_wait3A_689 = tpu.memref_slice %arg7[%dma_wait3A_678, %dma_wait3A_687, %dma_wait3A_688] : memref<2x25x40xi32, #tpu.memory_space<vmem>> -> memref<1x25x40xi32, #tpu.memory_space<vmem>>
        %dma_wait3A_690 = tpu.memref_squeeze %dma_wait3A_689 : memref<1x25x40xi32, #tpu.memory_space<vmem>> -> memref<25x40xi32, #tpu.memory_space<vmem>>
        %dma_wait3A_691 = arith.constant 0 : i32
        %dma_wait3A_692 = arith.constant 0 : i32
        %dma_wait3A_693 = tpu.memref_slice %arg4[%add3A_47, %dma_wait3A_677, %dma_wait3A_691, %dma_wait3A_692] : memref<64x5x25x40xi32, #tpu.memory_space<hbm>> -> memref<1x1x25x40xi32, #tpu.memory_space<hbm>>
        %dma_wait3A_694 = tpu.memref_squeeze %dma_wait3A_693 : memref<1x1x25x40xi32, #tpu.memory_space<hbm>> -> memref<25x40xi32, #tpu.memory_space<hbm>>
        tpu.wait_dma2 semaphore(%arg17 : memref<!tpu.dma_semaphore, #tpu.memory_space<semaphore_mem>>) src(%dma_wait3A_694 : memref<25x40xi32, #tpu.memory_space<hbm>>) dst(%dma_wait3A_690 : memref<25x40xi32, #tpu.memory_space<vmem>>)
      } else {
      }
      %add3A_462 = arith.constant 2 : i32
      %add3A_463 = arith.addi %add3A_400, %add3A_462 : i32
      %lt3A_464 = arith.constant 125 : i32
      %lt3A_465 = arith.cmpi slt, %add3A_463, %lt3A_464 : i32
      %convert_element_type3A_466 = arith.extui %lt3A_465 : i1 to i32
      %cond3A_467 = arith.constant 0 : i32
      %cond3A_468 = arith.cmpi ne, %convert_element_type3A_466, %cond3A_467 : i32
      scf.if %cond3A_468 {
        %add3A_677 = arith.constant 2 : i32
        %add3A_678 = arith.addi %add3A_400, %add3A_677 : i32
        %mul3A_679 = arith.constant 40 : i32
        %mul3A_680 = arith.muli %add3A_678, %mul3A_679 : i32
        %multiple_of3A_681 = tpu.assume_multiple %mul3A_680, 8 : i32
        %dma_start3A_682 = tpu.memref_slice %arg6[%multiple_of3A_681] : memref<5008xi32, #tpu.memory_space<vmem>> -> memref<40xi32, #tpu.memory_space<vmem>>
        %dma_start3A_683 = arith.constant 0 : i32
        %dma_start3A_684 = arith.constant 0 : i32
        %dma_start3A_685 = tpu.memref_slice %arg2[%dma_start3A_683, %dma_start3A_684] : memref<160000x128xf32, #tpu.memory_space<hbm>> -> memref<160000x128xf32, #tpu.memory_space<hbm>>
        tpu.enqueue_indirect_dma source(%dma_start3A_685 : memref<160000x128xf32, #tpu.memory_space<hbm>>) target(%arg8 : memref<40x128xf32, #tpu.memory_space<vmem>>) offsets(%dma_start3A_682 : memref<40xi32, #tpu.memory_space<vmem>>) semaphore(%arg13 : memref<!tpu.dma_semaphore, #tpu.memory_space<semaphore_mem>>)
      } else {
      }
      %dma_wait3A_469 = arith.constant 0 : i32
      %dma_wait3A_470 = arith.constant 0 : i32
      %dma_wait3A_471 = tpu.memref_slice %arg2[%dma_wait3A_469, %dma_wait3A_470] : memref<160000x128xf32, #tpu.memory_space<hbm>> -> memref<40x128xf32, #tpu.memory_space<hbm>>
      %dma_wait3A_472 = arith.constant 0 : i32
      %dma_wait3A_473 = arith.constant 0 : i32
      %dma_wait3A_474 = tpu.memref_slice %arg2[%dma_wait3A_472, %dma_wait3A_473] : memref<160000x128xf32, #tpu.memory_space<hbm>> -> memref<40x128xf32, #tpu.memory_space<hbm>>
      tpu.wait_dma2 semaphore(%arg15 : memref<!tpu.dma_semaphore, #tpu.memory_space<semaphore_mem>>) src(%dma_wait3A_474 : memref<40x128xf32, #tpu.memory_space<hbm>>) dst(%arg10 : memref<40x128xf32, #tpu.memory_space<vmem>>)
      %jit3A_475 = arith.constant 25 : i32
      %div3A_476 = arith.divsi %add3A_400, %jit3A_475 : i32
      %sign3A_477 = arith.constant 0 : i32
      %sign3A_478 = arith.cmpi sgt, %add3A_400, %sign3A_477 : i32
      %sign3A_479 = arith.extui %sign3A_478 : i1 to i32
      %sign3A_480 = arith.constant 0 : i32
      %sign3A_481 = arith.cmpi slt, %add3A_400, %sign3A_480 : i32
      %sign3A_482 = arith.extui %sign3A_481 : i1 to i32
      %sign3A_483 = arith.subi %sign3A_479, %sign3A_482 : i32
      %sign3A_484 = arith.constant 0 : i32
      %sign3A_485 = arith.cmpi sgt, %jit3A_475, %sign3A_484 : i32
      %sign3A_486 = arith.extui %sign3A_485 : i1 to i32
      %sign3A_487 = arith.constant 0 : i32
      %sign3A_488 = arith.cmpi slt, %jit3A_475, %sign3A_487 : i32
      %sign3A_489 = arith.extui %sign3A_488 : i1 to i32
      %sign3A_490 = arith.subi %sign3A_486, %sign3A_489 : i32
      %ne3A_491 = arith.cmpi ne, %sign3A_483, %sign3A_490 : i32
      %rem3A_492 = arith.remsi %add3A_400, %jit3A_475 : i32
      %ne3A_493 = arith.constant 0 : i32
      %ne3A_494 = arith.cmpi ne, %rem3A_492, %ne3A_493 : i32
      %and3A_495 = arith.andi %ne3A_491, %ne3A_494 : i1
      %sub3A_496 = arith.constant 1 : i32
      %sub3A_497 = arith.subi %div3A_476, %sub3A_496 : i32
      %select_n3A_498 = arith.select %and3A_495, %sub3A_497, %div3A_476 : i32
      %jit3A_499 = arith.constant 2 : i32
      %eq3A_500 = arith.constant 0 : i32
      %eq3A_501 = arith.cmpi eq, %jit3A_499, %eq3A_500 : i32
      %jit3A_502 = arith.constant 1 : i32
      %select_n3A_503 = arith.select %eq3A_501, %jit3A_502, %jit3A_499 : i32
      %rem3A_504 = arith.remsi %select_n3A_498, %select_n3A_503 : i32
      %ne3A_505 = arith.constant 0 : i32
      %ne3A_506 = arith.cmpi ne, %rem3A_504, %ne3A_505 : i32
      %lt3A_507 = arith.constant 0 : i32
      %lt3A_508 = arith.cmpi slt, %rem3A_504, %lt3A_507 : i32
      %lt3A_509 = arith.constant 0 : i32
      %lt3A_510 = arith.cmpi slt, %select_n3A_503, %lt3A_509 : i32
      %ne3A_511 = arith.xori %lt3A_508, %lt3A_510 : i1
      %and3A_512 = arith.andi %ne3A_511, %ne3A_506 : i1
      %add3A_513 = arith.addi %rem3A_504, %select_n3A_503 : i32
      %select_n3A_514 = arith.select %and3A_512, %add3A_513, %rem3A_504 : i32
      %jit3A_515 = arith.constant 25 : i32
      %eq3A_516 = arith.constant 0 : i32
      %eq3A_517 = arith.cmpi eq, %jit3A_515, %eq3A_516 : i32
      %jit3A_518 = arith.constant 1 : i32
      %select_n3A_519 = arith.select %eq3A_517, %jit3A_518, %jit3A_515 : i32
      %rem3A_520 = arith.remsi %add3A_400, %select_n3A_519 : i32
      %ne3A_521 = arith.constant 0 : i32
      %ne3A_522 = arith.cmpi ne, %rem3A_520, %ne3A_521 : i32
      %lt3A_523 = arith.constant 0 : i32
      %lt3A_524 = arith.cmpi slt, %rem3A_520, %lt3A_523 : i32
      %lt3A_525 = arith.constant 0 : i32
      %lt3A_526 = arith.cmpi slt, %select_n3A_519, %lt3A_525 : i32
      %ne3A_527 = arith.xori %lt3A_524, %lt3A_526 : i1
      %and3A_528 = arith.andi %ne3A_527, %ne3A_522 : i1
      %add3A_529 = arith.addi %rem3A_520, %select_n3A_519 : i32
      %select_n3A_530 = arith.select %and3A_528, %add3A_529, %rem3A_520 : i32
      %dma_start3A_531 = arith.constant 0 : i32
      %dma_start3A_532 = tpu.memref_slice %arg7[%select_n3A_514, %select_n3A_530, %dma_start3A_531] : memref<2x25x40xi32, #tpu.memory_space<vmem>> -> memref<1x1x40xi32, #tpu.memory_space<vmem>>
      %dma_start3A_533 = tpu.memref_squeeze %dma_start3A_532 : memref<1x1x40xi32, #tpu.memory_space<vmem>> -> memref<40xi32, #tpu.memory_space<vmem>>
      %dma_start3A_534 = arith.constant 0 : i32
      %dma_start3A_535 = arith.constant 0 : i32
      %dma_start3A_536 = tpu.memref_slice %arg12[%dma_start3A_534, %dma_start3A_535] : memref<10000x128xf32, #tpu.memory_space<vmem_shared>> -> memref<10000x128xf32, #tpu.memory_space<vmem_shared>>
      tpu.enqueue_indirect_dma source(%arg10 : memref<40x128xf32, #tpu.memory_space<vmem>>) target(%dma_start3A_536 : memref<10000x128xf32, #tpu.memory_space<vmem_shared>>) offsets(%dma_start3A_533 : memref<40xi32, #tpu.memory_space<vmem>>) semaphore(%arg15 : memref<!tpu.dma_semaphore, #tpu.memory_space<semaphore_mem>>) {add = true}
      %mul3A_537 = arith.constant 4 : i32
      %mul3A_538 = arith.muli %mul3A_537, %scan3A_127 : i32
      %add3A_539 = arith.constant 3 : i32
      %add3A_540 = arith.addi %mul3A_538, %add3A_539 : i32
      %ge3A_541 = arith.constant 2 : i32
      %ge3A_542 = arith.cmpi sge, %add3A_540, %ge3A_541 : i32
      %convert_element_type3A_543 = arith.extui %ge3A_542 : i1 to i32
      %cond3A_544 = arith.constant 0 : i32
      %cond3A_545 = arith.cmpi ne, %convert_element_type3A_543, %cond3A_544 : i32
      scf.if %cond3A_545 {
        %dma_wait3A_677 = arith.constant 0 : i32
        %dma_wait3A_678 = arith.constant 0 : i32
        %dma_wait3A_679 = tpu.memref_slice %arg2[%dma_wait3A_677, %dma_wait3A_678] : memref<160000x128xf32, #tpu.memory_space<hbm>> -> memref<40x128xf32, #tpu.memory_space<hbm>>
        %dma_wait3A_680 = arith.constant 0 : i32
        %dma_wait3A_681 = arith.constant 0 : i32
        %dma_wait3A_682 = tpu.memref_slice %arg2[%dma_wait3A_680, %dma_wait3A_681] : memref<160000x128xf32, #tpu.memory_space<hbm>> -> memref<40x128xf32, #tpu.memory_space<hbm>>
        tpu.wait_dma2 semaphore(%arg14 : memref<!tpu.dma_semaphore, #tpu.memory_space<semaphore_mem>>) src(%dma_wait3A_682 : memref<40x128xf32, #tpu.memory_space<hbm>>) dst(%arg9 : memref<40x128xf32, #tpu.memory_space<vmem>>)
      } else {
      }
      %jit3A_546 = arith.constant 25 : i32
      %eq3A_547 = arith.constant 0 : i32
      %eq3A_548 = arith.cmpi eq, %jit3A_546, %eq3A_547 : i32
      %jit3A_549 = arith.constant 1 : i32
      %select_n3A_550 = arith.select %eq3A_548, %jit3A_549, %jit3A_546 : i32
      %rem3A_551 = arith.remsi %add3A_540, %select_n3A_550 : i32
      %ne3A_552 = arith.constant 0 : i32
      %ne3A_553 = arith.cmpi ne, %rem3A_551, %ne3A_552 : i32
      %lt3A_554 = arith.constant 0 : i32
      %lt3A_555 = arith.cmpi slt, %rem3A_551, %lt3A_554 : i32
      %lt3A_556 = arith.constant 0 : i32
      %lt3A_557 = arith.cmpi slt, %select_n3A_550, %lt3A_556 : i32
      %ne3A_558 = arith.xori %lt3A_555, %lt3A_557 : i1
      %and3A_559 = arith.andi %ne3A_558, %ne3A_553 : i1
      %add3A_560 = arith.addi %rem3A_551, %select_n3A_550 : i32
      %select_n3A_561 = arith.select %and3A_559, %add3A_560, %rem3A_551 : i32
      %eq3A_562 = arith.constant 1 : i32
      %eq3A_563 = arith.cmpi eq, %select_n3A_561, %eq3A_562 : i32
      %ge3A_564 = arith.constant 26 : i32
      %ge3A_565 = arith.cmpi sge, %add3A_540, %ge3A_564 : i32
      %and3A_566 = arith.andi %eq3A_563, %ge3A_565 : i1
      %le3A_567 = arith.constant 76 : i32
      %le3A_568 = arith.cmpi sle, %add3A_540, %le3A_567 : i32
      %and3A_569 = arith.andi %and3A_566, %le3A_568 : i1
      %convert_element_type3A_570 = arith.extui %and3A_569 : i1 to i32
      %cond3A_571 = arith.constant 0 : i32
      %cond3A_572 = arith.cmpi ne, %convert_element_type3A_570, %cond3A_571 : i32
      scf.if %cond3A_572 {
        %jit3A_677 = arith.constant 25 : i32
        %div3A_678 = arith.divsi %add3A_540, %jit3A_677 : i32
        %sign3A_679 = arith.constant 0 : i32
        %sign3A_680 = arith.cmpi sgt, %add3A_540, %sign3A_679 : i32
        %sign3A_681 = arith.extui %sign3A_680 : i1 to i32
        %sign3A_682 = arith.constant 0 : i32
        %sign3A_683 = arith.cmpi slt, %add3A_540, %sign3A_682 : i32
        %sign3A_684 = arith.extui %sign3A_683 : i1 to i32
        %sign3A_685 = arith.subi %sign3A_681, %sign3A_684 : i32
        %sign3A_686 = arith.constant 0 : i32
        %sign3A_687 = arith.cmpi sgt, %jit3A_677, %sign3A_686 : i32
        %sign3A_688 = arith.extui %sign3A_687 : i1 to i32
        %sign3A_689 = arith.constant 0 : i32
        %sign3A_690 = arith.cmpi slt, %jit3A_677, %sign3A_689 : i32
        %sign3A_691 = arith.extui %sign3A_690 : i1 to i32
        %sign3A_692 = arith.subi %sign3A_688, %sign3A_691 : i32
        %ne3A_693 = arith.cmpi ne, %sign3A_685, %sign3A_692 : i32
        %rem3A_694 = arith.remsi %add3A_540, %jit3A_677 : i32
        %ne3A_695 = arith.constant 0 : i32
        %ne3A_696 = arith.cmpi ne, %rem3A_694, %ne3A_695 : i32
        %and3A_697 = arith.andi %ne3A_693, %ne3A_696 : i1
        %sub3A_698 = arith.constant 1 : i32
        %sub3A_699 = arith.subi %div3A_678, %sub3A_698 : i32
        %select_n3A_700 = arith.select %and3A_697, %sub3A_699, %div3A_678 : i32
        %add3A_701 = arith.constant 1 : i32
        %add3A_702 = arith.addi %select_n3A_700, %add3A_701 : i32
        %jit3A_703 = arith.constant 2 : i32
        %eq3A_704 = arith.constant 0 : i32
        %eq3A_705 = arith.cmpi eq, %jit3A_703, %eq3A_704 : i32
        %jit3A_706 = arith.constant 1 : i32
        %select_n3A_707 = arith.select %eq3A_705, %jit3A_706, %jit3A_703 : i32
        %rem3A_708 = arith.remsi %add3A_702, %select_n3A_707 : i32
        %ne3A_709 = arith.constant 0 : i32
        %ne3A_710 = arith.cmpi ne, %rem3A_708, %ne3A_709 : i32
        %lt3A_711 = arith.constant 0 : i32
        %lt3A_712 = arith.cmpi slt, %rem3A_708, %lt3A_711 : i32
        %lt3A_713 = arith.constant 0 : i32
        %lt3A_714 = arith.cmpi slt, %select_n3A_707, %lt3A_713 : i32
        %ne3A_715 = arith.xori %lt3A_712, %lt3A_714 : i1
        %and3A_716 = arith.andi %ne3A_715, %ne3A_710 : i1
        %add3A_717 = arith.addi %rem3A_708, %select_n3A_707 : i32
        %select_n3A_718 = arith.select %and3A_716, %add3A_717, %rem3A_708 : i32
        %dma_start3A_719 = arith.constant 0 : i32
        %dma_start3A_720 = arith.constant 0 : i32
        %dma_start3A_721 = tpu.memref_slice %arg7[%select_n3A_718, %dma_start3A_719, %dma_start3A_720] : memref<2x25x40xi32, #tpu.memory_space<vmem>> -> memref<1x25x40xi32, #tpu.memory_space<vmem>>
        %dma_start3A_722 = tpu.memref_squeeze %dma_start3A_721 : memref<1x25x40xi32, #tpu.memory_space<vmem>> -> memref<25x40xi32, #tpu.memory_space<vmem>>
        %dma_start3A_723 = arith.constant 0 : i32
        %dma_start3A_724 = arith.constant 0 : i32
        %dma_start3A_725 = tpu.memref_slice %arg4[%add3A_47, %add3A_702, %dma_start3A_723, %dma_start3A_724] : memref<64x5x25x40xi32, #tpu.memory_space<hbm>> -> memref<1x1x25x40xi32, #tpu.memory_space<hbm>>
        %dma_start3A_726 = tpu.memref_squeeze %dma_start3A_725 : memref<1x1x25x40xi32, #tpu.memory_space<hbm>> -> memref<25x40xi32, #tpu.memory_space<hbm>>
        %dma_start3A_727 = arith.constant 0 : i32
        %dma_start3A_728 = arith.constant 0 : i32
        %dma_start3A_729 = tpu.memref_slice %arg7[%select_n3A_718, %dma_start3A_727, %dma_start3A_728] : memref<2x25x40xi32, #tpu.memory_space<vmem>> -> memref<1x25x40xi32, #tpu.memory_space<vmem>>
        %dma_start3A_730 = tpu.memref_squeeze %dma_start3A_729 : memref<1x25x40xi32, #tpu.memory_space<vmem>> -> memref<25x40xi32, #tpu.memory_space<vmem>>
        %dma_start3A_731 = arith.constant 0 : i32
        %dma_start3A_732 = arith.constant 0 : i32
        %dma_start3A_733 = tpu.memref_slice %arg4[%add3A_47, %add3A_702, %dma_start3A_731, %dma_start3A_732] : memref<64x5x25x40xi32, #tpu.memory_space<hbm>> -> memref<1x1x25x40xi32, #tpu.memory_space<hbm>>
        %dma_start3A_734 = tpu.memref_squeeze %dma_start3A_733 : memref<1x1x25x40xi32, #tpu.memory_space<hbm>> -> memref<25x40xi32, #tpu.memory_space<hbm>>
        tpu.enqueue_dma source(%dma_start3A_734 : memref<25x40xi32, #tpu.memory_space<hbm>>) target(%dma_start3A_730 : memref<25x40xi32, #tpu.memory_space<vmem>>) target_semaphore(%arg17 : memref<!tpu.dma_semaphore, #tpu.memory_space<semaphore_mem>>)
      } else {
      }
      %add3A_573 = arith.constant 2 : i32
      %add3A_574 = arith.addi %add3A_540, %add3A_573 : i32
      %jit3A_575 = arith.constant 25 : i32
      %eq3A_576 = arith.constant 0 : i32
      %eq3A_577 = arith.cmpi eq, %jit3A_575, %eq3A_576 : i32
      %jit3A_578 = arith.constant 1 : i32
      %select_n3A_579 = arith.select %eq3A_577, %jit3A_578, %jit3A_575 : i32
      %rem3A_580 = arith.remsi %add3A_574, %select_n3A_579 : i32
      %ne3A_581 = arith.constant 0 : i32
      %ne3A_582 = arith.cmpi ne, %rem3A_580, %ne3A_581 : i32
      %lt3A_583 = arith.constant 0 : i32
      %lt3A_584 = arith.cmpi slt, %rem3A_580, %lt3A_583 : i32
      %lt3A_585 = arith.constant 0 : i32
      %lt3A_586 = arith.cmpi slt, %select_n3A_579, %lt3A_585 : i32
      %ne3A_587 = arith.xori %lt3A_584, %lt3A_586 : i1
      %and3A_588 = arith.andi %ne3A_587, %ne3A_582 : i1
      %add3A_589 = arith.addi %rem3A_580, %select_n3A_579 : i32
      %select_n3A_590 = arith.select %and3A_588, %add3A_589, %rem3A_580 : i32
      %eq3A_591 = arith.constant 0 : i32
      %eq3A_592 = arith.cmpi eq, %select_n3A_590, %eq3A_591 : i32
      %ge3A_593 = arith.constant 23 : i32
      %ge3A_594 = arith.cmpi sge, %add3A_540, %ge3A_593 : i32
      %and3A_595 = arith.andi %eq3A_592, %ge3A_594 : i1
      %le3A_596 = arith.constant 98 : i32
      %le3A_597 = arith.cmpi sle, %add3A_540, %le3A_596 : i32
      %and3A_598 = arith.andi %and3A_595, %le3A_597 : i1
      %convert_element_type3A_599 = arith.extui %and3A_598 : i1 to i32
      %cond3A_600 = arith.constant 0 : i32
      %cond3A_601 = arith.cmpi ne, %convert_element_type3A_599, %cond3A_600 : i32
      scf.if %cond3A_601 {
        %dma_wait3A_677 = arith.constant 0 : i32
        %dma_wait3A_678 = arith.constant 0 : i32
        %dma_wait3A_679 = arith.constant 0 : i32
        %dma_wait3A_680 = arith.constant 0 : i32
        %dma_wait3A_681 = tpu.memref_slice %arg7[%dma_wait3A_678, %dma_wait3A_679, %dma_wait3A_680] : memref<2x25x40xi32, #tpu.memory_space<vmem>> -> memref<1x25x40xi32, #tpu.memory_space<vmem>>
        %dma_wait3A_682 = tpu.memref_squeeze %dma_wait3A_681 : memref<1x25x40xi32, #tpu.memory_space<vmem>> -> memref<25x40xi32, #tpu.memory_space<vmem>>
        %dma_wait3A_683 = arith.constant 0 : i32
        %dma_wait3A_684 = arith.constant 0 : i32
        %dma_wait3A_685 = tpu.memref_slice %arg4[%add3A_47, %dma_wait3A_677, %dma_wait3A_683, %dma_wait3A_684] : memref<64x5x25x40xi32, #tpu.memory_space<hbm>> -> memref<1x1x25x40xi32, #tpu.memory_space<hbm>>
        %dma_wait3A_686 = tpu.memref_squeeze %dma_wait3A_685 : memref<1x1x25x40xi32, #tpu.memory_space<hbm>> -> memref<25x40xi32, #tpu.memory_space<hbm>>
        %dma_wait3A_687 = arith.constant 0 : i32
        %dma_wait3A_688 = arith.constant 0 : i32
        %dma_wait3A_689 = tpu.memref_slice %arg7[%dma_wait3A_678, %dma_wait3A_687, %dma_wait3A_688] : memref<2x25x40xi32, #tpu.memory_space<vmem>> -> memref<1x25x40xi32, #tpu.memory_space<vmem>>
        %dma_wait3A_690 = tpu.memref_squeeze %dma_wait3A_689 : memref<1x25x40xi32, #tpu.memory_space<vmem>> -> memref<25x40xi32, #tpu.memory_space<vmem>>
        %dma_wait3A_691 = arith.constant 0 : i32
        %dma_wait3A_692 = arith.constant 0 : i32
        %dma_wait3A_693 = tpu.memref_slice %arg4[%add3A_47, %dma_wait3A_677, %dma_wait3A_691, %dma_wait3A_692] : memref<64x5x25x40xi32, #tpu.memory_space<hbm>> -> memref<1x1x25x40xi32, #tpu.memory_space<hbm>>
        %dma_wait3A_694 = tpu.memref_squeeze %dma_wait3A_693 : memref<1x1x25x40xi32, #tpu.memory_space<hbm>> -> memref<25x40xi32, #tpu.memory_space<hbm>>
        tpu.wait_dma2 semaphore(%arg17 : memref<!tpu.dma_semaphore, #tpu.memory_space<semaphore_mem>>) src(%dma_wait3A_694 : memref<25x40xi32, #tpu.memory_space<hbm>>) dst(%dma_wait3A_690 : memref<25x40xi32, #tpu.memory_space<vmem>>)
      } else {
      }
      %add3A_602 = arith.constant 2 : i32
      %add3A_603 = arith.addi %add3A_540, %add3A_602 : i32
      %lt3A_604 = arith.constant 125 : i32
      %lt3A_605 = arith.cmpi slt, %add3A_603, %lt3A_604 : i32
      %convert_element_type3A_606 = arith.extui %lt3A_605 : i1 to i32
      %cond3A_607 = arith.constant 0 : i32
      %cond3A_608 = arith.cmpi ne, %convert_element_type3A_606, %cond3A_607 : i32
      scf.if %cond3A_608 {
        %add3A_677 = arith.constant 2 : i32
        %add3A_678 = arith.addi %add3A_540, %add3A_677 : i32
        %mul3A_679 = arith.constant 40 : i32
        %mul3A_680 = arith.muli %add3A_678, %mul3A_679 : i32
        %multiple_of3A_681 = tpu.assume_multiple %mul3A_680, 8 : i32
        %dma_start3A_682 = tpu.memref_slice %arg6[%multiple_of3A_681] : memref<5008xi32, #tpu.memory_space<vmem>> -> memref<40xi32, #tpu.memory_space<vmem>>
        %dma_start3A_683 = arith.constant 0 : i32
        %dma_start3A_684 = arith.constant 0 : i32
        %dma_start3A_685 = tpu.memref_slice %arg2[%dma_start3A_683, %dma_start3A_684] : memref<160000x128xf32, #tpu.memory_space<hbm>> -> memref<160000x128xf32, #tpu.memory_space<hbm>>
        tpu.enqueue_indirect_dma source(%dma_start3A_685 : memref<160000x128xf32, #tpu.memory_space<hbm>>) target(%arg9 : memref<40x128xf32, #tpu.memory_space<vmem>>) offsets(%dma_start3A_682 : memref<40xi32, #tpu.memory_space<vmem>>) semaphore(%arg14 : memref<!tpu.dma_semaphore, #tpu.memory_space<semaphore_mem>>)
      } else {
      }
      %dma_wait3A_609 = arith.constant 0 : i32
      %dma_wait3A_610 = arith.constant 0 : i32
      %dma_wait3A_611 = tpu.memref_slice %arg2[%dma_wait3A_609, %dma_wait3A_610] : memref<160000x128xf32, #tpu.memory_space<hbm>> -> memref<40x128xf32, #tpu.memory_space<hbm>>
      %dma_wait3A_612 = arith.constant 0 : i32
      %dma_wait3A_613 = arith.constant 0 : i32
      %dma_wait3A_614 = tpu.memref_slice %arg2[%dma_wait3A_612, %dma_wait3A_613] : memref<160000x128xf32, #tpu.memory_space<hbm>> -> memref<40x128xf32, #tpu.memory_space<hbm>>
      tpu.wait_dma2 semaphore(%arg16 : memref<!tpu.dma_semaphore, #tpu.memory_space<semaphore_mem>>) src(%dma_wait3A_614 : memref<40x128xf32, #tpu.memory_space<hbm>>) dst(%arg11 : memref<40x128xf32, #tpu.memory_space<vmem>>)
      %jit3A_615 = arith.constant 25 : i32
      %div3A_616 = arith.divsi %add3A_540, %jit3A_615 : i32
      %sign3A_617 = arith.constant 0 : i32
      %sign3A_618 = arith.cmpi sgt, %add3A_540, %sign3A_617 : i32
      %sign3A_619 = arith.extui %sign3A_618 : i1 to i32
      %sign3A_620 = arith.constant 0 : i32
      %sign3A_621 = arith.cmpi slt, %add3A_540, %sign3A_620 : i32
      %sign3A_622 = arith.extui %sign3A_621 : i1 to i32
      %sign3A_623 = arith.subi %sign3A_619, %sign3A_622 : i32
      %sign3A_624 = arith.constant 0 : i32
      %sign3A_625 = arith.cmpi sgt, %jit3A_615, %sign3A_624 : i32
      %sign3A_626 = arith.extui %sign3A_625 : i1 to i32
      %sign3A_627 = arith.constant 0 : i32
      %sign3A_628 = arith.cmpi slt, %jit3A_615, %sign3A_627 : i32
      %sign3A_629 = arith.extui %sign3A_628 : i1 to i32
      %sign3A_630 = arith.subi %sign3A_626, %sign3A_629 : i32
      %ne3A_631 = arith.cmpi ne, %sign3A_623, %sign3A_630 : i32
      %rem3A_632 = arith.remsi %add3A_540, %jit3A_615 : i32
      %ne3A_633 = arith.constant 0 : i32
      %ne3A_634 = arith.cmpi ne, %rem3A_632, %ne3A_633 : i32
      %and3A_635 = arith.andi %ne3A_631, %ne3A_634 : i1
      %sub3A_636 = arith.constant 1 : i32
      %sub3A_637 = arith.subi %div3A_616, %sub3A_636 : i32
      %select_n3A_638 = arith.select %and3A_635, %sub3A_637, %div3A_616 : i32
      %jit3A_639 = arith.constant 2 : i32
      %eq3A_640 = arith.constant 0 : i32
      %eq3A_641 = arith.cmpi eq, %jit3A_639, %eq3A_640 : i32
      %jit3A_642 = arith.constant 1 : i32
      %select_n3A_643 = arith.select %eq3A_641, %jit3A_642, %jit3A_639 : i32
      %rem3A_644 = arith.remsi %select_n3A_638, %select_n3A_643 : i32
      %ne3A_645 = arith.constant 0 : i32
      %ne3A_646 = arith.cmpi ne, %rem3A_644, %ne3A_645 : i32
      %lt3A_647 = arith.constant 0 : i32
      %lt3A_648 = arith.cmpi slt, %rem3A_644, %lt3A_647 : i32
      %lt3A_649 = arith.constant 0 : i32
      %lt3A_650 = arith.cmpi slt, %select_n3A_643, %lt3A_649 : i32
      %ne3A_651 = arith.xori %lt3A_648, %lt3A_650 : i1
      %and3A_652 = arith.andi %ne3A_651, %ne3A_646 : i1
      %add3A_653 = arith.addi %rem3A_644, %select_n3A_643 : i32
      %select_n3A_654 = arith.select %and3A_652, %add3A_653, %rem3A_644 : i32
      %jit3A_655 = arith.constant 25 : i32
      %eq3A_656 = arith.constant 0 : i32
      %eq3A_657 = arith.cmpi eq, %jit3A_655, %eq3A_656 : i32
      %jit3A_658 = arith.constant 1 : i32
      %select_n3A_659 = arith.select %eq3A_657, %jit3A_658, %jit3A_655 : i32
      %rem3A_660 = arith.remsi %add3A_540, %select_n3A_659 : i32
      %ne3A_661 = arith.constant 0 : i32
      %ne3A_662 = arith.cmpi ne, %rem3A_660, %ne3A_661 : i32
      %lt3A_663 = arith.constant 0 : i32
      %lt3A_664 = arith.cmpi slt, %rem3A_660, %lt3A_663 : i32
      %lt3A_665 = arith.constant 0 : i32
      %lt3A_666 = arith.cmpi slt, %select_n3A_659, %lt3A_665 : i32
      %ne3A_667 = arith.xori %lt3A_664, %lt3A_666 : i1
      %and3A_668 = arith.andi %ne3A_667, %ne3A_662 : i1
      %add3A_669 = arith.addi %rem3A_660, %select_n3A_659 : i32
      %select_n3A_670 = arith.select %and3A_668, %add3A_669, %rem3A_660 : i32
      %dma_start3A_671 = arith.constant 0 : i32
      %dma_start3A_672 = tpu.memref_slice %arg7[%select_n3A_654, %select_n3A_670, %dma_start3A_671] : memref<2x25x40xi32, #tpu.memory_space<vmem>> -> memref<1x1x40xi32, #tpu.memory_space<vmem>>
      %dma_start3A_673 = tpu.memref_squeeze %dma_start3A_672 : memref<1x1x40xi32, #tpu.memory_space<vmem>> -> memref<40xi32, #tpu.memory_space<vmem>>
      %dma_start3A_674 = arith.constant 0 : i32
      %dma_start3A_675 = arith.constant 0 : i32
      %dma_start3A_676 = tpu.memref_slice %arg12[%dma_start3A_674, %dma_start3A_675] : memref<10000x128xf32, #tpu.memory_space<vmem_shared>> -> memref<10000x128xf32, #tpu.memory_space<vmem_shared>>
      tpu.enqueue_indirect_dma source(%arg11 : memref<40x128xf32, #tpu.memory_space<vmem>>) target(%dma_start3A_676 : memref<10000x128xf32, #tpu.memory_space<vmem_shared>>) offsets(%dma_start3A_673 : memref<40xi32, #tpu.memory_space<vmem>>) semaphore(%arg16 : memref<!tpu.dma_semaphore, #tpu.memory_space<semaphore_mem>>) {add = true}
    }
    %scan3A_89 = arith.constant 31 : i32
    %dma_wait3A = arith.constant 0 : i32
    %dma_wait3A_90 = arith.constant 0 : i32
    %dma_wait3A_91 = tpu.memref_slice %arg2[%dma_wait3A, %dma_wait3A_90] : memref<160000x128xf32, #tpu.memory_space<hbm>> -> memref<40x128xf32, #tpu.memory_space<hbm>>
    %dma_wait3A_92 = arith.constant 0 : i32
    %dma_wait3A_93 = arith.constant 0 : i32
    %dma_wait3A_94 = tpu.memref_slice %arg2[%dma_wait3A_92, %dma_wait3A_93] : memref<160000x128xf32, #tpu.memory_space<hbm>> -> memref<40x128xf32, #tpu.memory_space<hbm>>
    tpu.wait_dma2 semaphore(%arg15 : memref<!tpu.dma_semaphore, #tpu.memory_space<semaphore_mem>>) src(%dma_wait3A_94 : memref<40x128xf32, #tpu.memory_space<hbm>>) dst(%arg10 : memref<40x128xf32, #tpu.memory_space<vmem>>)
    %dma_wait3A_95 = arith.constant 0 : i32
    %dma_wait3A_96 = arith.constant 0 : i32
    %dma_wait3A_97 = tpu.memref_slice %arg2[%dma_wait3A_95, %dma_wait3A_96] : memref<160000x128xf32, #tpu.memory_space<hbm>> -> memref<40x128xf32, #tpu.memory_space<hbm>>
    %dma_wait3A_98 = arith.constant 0 : i32
    %dma_wait3A_99 = arith.constant 0 : i32
    %dma_wait3A_100 = tpu.memref_slice %arg2[%dma_wait3A_98, %dma_wait3A_99] : memref<160000x128xf32, #tpu.memory_space<hbm>> -> memref<40x128xf32, #tpu.memory_space<hbm>>
    tpu.wait_dma2 semaphore(%arg13 : memref<!tpu.dma_semaphore, #tpu.memory_space<semaphore_mem>>) src(%dma_wait3A_100 : memref<40x128xf32, #tpu.memory_space<hbm>>) dst(%arg8 : memref<40x128xf32, #tpu.memory_space<vmem>>)
    %dma_start3A_101 = arith.constant 0 : i32
    %dma_start3A_102 = arith.constant 24 : i32
    %dma_start3A_103 = arith.constant 0 : i32
    %dma_start3A_104 = tpu.memref_slice %arg7[%dma_start3A_101, %dma_start3A_102, %dma_start3A_103] : memref<2x25x40xi32, #tpu.memory_space<vmem>> -> memref<1x1x40xi32, #tpu.memory_space<vmem>>
    %dma_start3A_105 = tpu.memref_squeeze %dma_start3A_104 : memref<1x1x40xi32, #tpu.memory_space<vmem>> -> memref<40xi32, #tpu.memory_space<vmem>>
    %dma_start3A_106 = arith.constant 0 : i32
    %dma_start3A_107 = arith.constant 0 : i32
    %dma_start3A_108 = tpu.memref_slice %arg12[%dma_start3A_106, %dma_start3A_107] : memref<10000x128xf32, #tpu.memory_space<vmem_shared>> -> memref<10000x128xf32, #tpu.memory_space<vmem_shared>>
    tpu.enqueue_indirect_dma source(%arg8 : memref<40x128xf32, #tpu.memory_space<vmem>>) target(%dma_start3A_108 : memref<10000x128xf32, #tpu.memory_space<vmem_shared>>) offsets(%dma_start3A_105 : memref<40xi32, #tpu.memory_space<vmem>>) semaphore(%arg13 : memref<!tpu.dma_semaphore, #tpu.memory_space<semaphore_mem>>) {add = true}
    %dma_wait3A_109 = arith.constant 0 : i32
    %dma_wait3A_110 = arith.constant 0 : i32
    %dma_wait3A_111 = tpu.memref_slice %arg2[%dma_wait3A_109, %dma_wait3A_110] : memref<160000x128xf32, #tpu.memory_space<hbm>> -> memref<40x128xf32, #tpu.memory_space<hbm>>
    %dma_wait3A_112 = arith.constant 0 : i32
    %dma_wait3A_113 = arith.constant 0 : i32
    %dma_wait3A_114 = tpu.memref_slice %arg2[%dma_wait3A_112, %dma_wait3A_113] : memref<160000x128xf32, #tpu.memory_space<hbm>> -> memref<40x128xf32, #tpu.memory_space<hbm>>
    tpu.wait_dma2 semaphore(%arg16 : memref<!tpu.dma_semaphore, #tpu.memory_space<semaphore_mem>>) src(%dma_wait3A_114 : memref<40x128xf32, #tpu.memory_space<hbm>>) dst(%arg11 : memref<40x128xf32, #tpu.memory_space<vmem>>)
    %dma_wait3A_115 = arith.constant 0 : i32
    %dma_wait3A_116 = arith.constant 0 : i32
    %dma_wait3A_117 = tpu.memref_slice %arg2[%dma_wait3A_115, %dma_wait3A_116] : memref<160000x128xf32, #tpu.memory_space<hbm>> -> memref<40x128xf32, #tpu.memory_space<hbm>>
    %dma_wait3A_118 = arith.constant 0 : i32
    %dma_wait3A_119 = arith.constant 0 : i32
    %dma_wait3A_120 = tpu.memref_slice %arg2[%dma_wait3A_118, %dma_wait3A_119] : memref<160000x128xf32, #tpu.memory_space<hbm>> -> memref<40x128xf32, #tpu.memory_space<hbm>>
    tpu.wait_dma2 semaphore(%arg13 : memref<!tpu.dma_semaphore, #tpu.memory_space<semaphore_mem>>) src(%dma_wait3A_120 : memref<40x128xf32, #tpu.memory_space<hbm>>) dst(%arg8 : memref<40x128xf32, #tpu.memory_space<vmem>>)
    %barrier3A_121 = arith.constant 0 : index
    tpu.barrier barrier_id(%barrier3A_121)
    "tpu.region"() ({
      %run_scoped3A_127 = tpu.sem_alloc : memref<!tpu.dma_semaphore, #tpu.memory_space<semaphore_mem>>
      %dma_start3A_128 = arith.constant 0 : i32
      %dma_start3A_129 = tpu.memref_slice %arg5[%arg0, %multiple_of3A, %dma_start3A_128] : memref<2x10000x128xf32, #tpu.memory_space<hbm>> -> memref<1x624x128xf32, #tpu.memory_space<hbm>>
      %dma_start3A_130 = tpu.memref_squeeze %dma_start3A_129 : memref<1x624x128xf32, #tpu.memory_space<hbm>> -> memref<624x128xf32, #tpu.memory_space<hbm>>
      %dma_start3A_131 = arith.constant 0 : i32
      %dma_start3A_132 = tpu.memref_slice %arg12[%multiple_of3A, %dma_start3A_131] : memref<10000x128xf32, #tpu.memory_space<vmem_shared>> -> memref<624x128xf32, #tpu.memory_space<vmem_shared>>
      tpu.enqueue_dma source(%dma_start3A_132 : memref<624x128xf32, #tpu.memory_space<vmem_shared>>) target(%dma_start3A_130 : memref<624x128xf32, #tpu.memory_space<hbm>>) target_semaphore(%run_scoped3A_127 : memref<!tpu.dma_semaphore, #tpu.memory_space<semaphore_mem>>)
      %dma_wait3A_133 = arith.constant 0 : i32
      %dma_wait3A_134 = tpu.memref_slice %arg5[%arg0, %multiple_of3A, %dma_wait3A_133] : memref<2x10000x128xf32, #tpu.memory_space<hbm>> -> memref<1x624x128xf32, #tpu.memory_space<hbm>>
      %dma_wait3A_135 = tpu.memref_squeeze %dma_wait3A_134 : memref<1x624x128xf32, #tpu.memory_space<hbm>> -> memref<624x128xf32, #tpu.memory_space<hbm>>
      %dma_wait3A_136 = arith.constant 0 : i32
      %dma_wait3A_137 = tpu.memref_slice %arg12[%multiple_of3A, %dma_wait3A_136] : memref<10000x128xf32, #tpu.memory_space<vmem_shared>> -> memref<624x128xf32, #tpu.memory_space<vmem_shared>>
      tpu.wait_dma2 semaphore(%run_scoped3A_127 : memref<!tpu.dma_semaphore, #tpu.memory_space<semaphore_mem>>) src(%dma_wait3A_137 : memref<624x128xf32, #tpu.memory_space<vmem_shared>>) dst(%dma_wait3A_135 : memref<624x128xf32, #tpu.memory_space<hbm>>)
      tpu.yield
    }) : () -> ()
    %eq3A_122 = arith.constant 15 : i32
    %eq3A_123 = arith.cmpi eq, %arg1, %eq3A_122 : i32
    %convert_element_type3A_124 = arith.extui %eq3A_123 : i1 to i32
    %cond3A_125 = arith.constant 0 : i32
    %cond3A_126 = arith.cmpi ne, %convert_element_type3A_124, %cond3A_125 : i32
    scf.if %cond3A_126 {
      "tpu.region"() ({
        %run_scoped3A_127 = tpu.sem_alloc : memref<!tpu.dma_semaphore, #tpu.memory_space<semaphore_mem>>
        %dma_start3A_128 = arith.constant 9984 : i32
        %dma_start3A_129 = arith.constant 0 : i32
        %dma_start3A_130 = tpu.memref_slice %arg5[%arg0, %dma_start3A_128, %dma_start3A_129] : memref<2x10000x128xf32, #tpu.memory_space<hbm>> -> memref<1x16x128xf32, #tpu.memory_space<hbm>>
        %dma_start3A_131 = tpu.memref_squeeze %dma_start3A_130 : memref<1x16x128xf32, #tpu.memory_space<hbm>> -> memref<16x128xf32, #tpu.memory_space<hbm>>
        %dma_start3A_132 = arith.constant 9984 : i32
        %dma_start3A_133 = arith.constant 0 : i32
        %dma_start3A_134 = tpu.memref_slice %arg12[%dma_start3A_132, %dma_start3A_133] : memref<10000x128xf32, #tpu.memory_space<vmem_shared>> -> memref<16x128xf32, #tpu.memory_space<vmem_shared>>
        tpu.enqueue_dma source(%dma_start3A_134 : memref<16x128xf32, #tpu.memory_space<vmem_shared>>) target(%dma_start3A_131 : memref<16x128xf32, #tpu.memory_space<hbm>>) target_semaphore(%run_scoped3A_127 : memref<!tpu.dma_semaphore, #tpu.memory_space<semaphore_mem>>)
        %dma_wait3A_135 = arith.constant 9984 : i32
        %dma_wait3A_136 = arith.constant 0 : i32
        %dma_wait3A_137 = tpu.memref_slice %arg5[%arg0, %dma_wait3A_135, %dma_wait3A_136] : memref<2x10000x128xf32, #tpu.memory_space<hbm>> -> memref<1x16x128xf32, #tpu.memory_space<hbm>>
        %dma_wait3A_138 = tpu.memref_squeeze %dma_wait3A_137 : memref<1x16x128xf32, #tpu.memory_space<hbm>> -> memref<16x128xf32, #tpu.memory_space<hbm>>
        %dma_wait3A_139 = arith.constant 9984 : i32
        %dma_wait3A_140 = arith.constant 0 : i32
        %dma_wait3A_141 = tpu.memref_slice %arg12[%dma_wait3A_139, %dma_wait3A_140] : memref<10000x128xf32, #tpu.memory_space<vmem_shared>> -> memref<16x128xf32, #tpu.memory_space<vmem_shared>>
        tpu.wait_dma2 semaphore(%run_scoped3A_127 : memref<!tpu.dma_semaphore, #tpu.memory_space<semaphore_mem>>) src(%dma_wait3A_141 : memref<16x128xf32, #tpu.memory_space<vmem_shared>>) dst(%dma_wait3A_138 : memref<16x128xf32, #tpu.memory_space<hbm>>)
        tpu.yield
      }) : () -> ()
    } else {
    }
    return
  }
}

module attributes {stable_mosaic.version = 14 : i64} {
  func.func @_p_body(%arg0: memref<2x320000xi32, #tpu.memory_space<vmem>>, %arg1: memref<320000xi32, #tpu.memory_space<vmem>>, %arg2: memref<320000xi32, #tpu.memory_space<vmem>>) attributes {dimension_semantics = [], scalar_prefetch = 0 : i64, scratch_operands = 0 : i64, tpu.core_type = #tpu.core_type<tc>} {
    %get3A = arith.constant 0 : index
    %get3A_0 = arith.constant 0 : index
    %get3A_1 = vector.load %arg0[%get3A, %get3A_0] : memref<2x320000xi32, #tpu.memory_space<vmem>>, vector<1x320000xi32>
    %get3A_2 = vector.shape_cast %get3A_1 : vector<1x320000xi32> to vector<320000xi32>
    %swap3A = arith.constant 0 : index
    %swap3A_3 = vector.load %arg1[%swap3A] : memref<320000xi32, #tpu.memory_space<vmem>>, vector<320000xi32>
    tpu.vector_store %arg1[%swap3A], %get3A_2 {strides = array<i32>} : memref<320000xi32, #tpu.memory_space<vmem>>, vector<320000xi32>,
    %get3A_4 = arith.constant 1 : index
    %get3A_5 = arith.constant 0 : index
    %get3A_6 = vector.load %arg0[%get3A_4, %get3A_5] : memref<2x320000xi32, #tpu.memory_space<vmem>>, vector<1x320000xi32>
    %get3A_7 = vector.shape_cast %get3A_6 : vector<1x320000xi32> to vector<320000xi32>
    %swap3A_8 = arith.constant 0 : index
    %swap3A_9 = vector.load %arg2[%swap3A_8] : memref<320000xi32, #tpu.memory_space<vmem>>, vector<320000xi32>
    tpu.vector_store %arg2[%swap3A_8], %get3A_7 {strides = array<i32>} : memref<320000xi32, #tpu.memory_space<vmem>>, vector<320000xi32>,
    return
  }
}

module attributes {stable_mosaic.version = 14 : i64} {
  func.func @_a_body(%arg0: i32, %arg1: i32, %arg2: memref<16x8xf32, #tpu.memory_space<smem>>, %arg3: memref<8x128x128xf32, #tpu.memory_space<vmem>>, %arg4: memref<2000x128xf32, #tpu.memory_space<vmem>>, %arg5: memref<2x2000x128xf32, #tpu.memory_space<vmem>>, %arg6: memref<8x128x256xbf16, #tpu.memory_space<vmem>>, %arg7: memref<2000x128xbf16, #tpu.memory_space<vmem>>) attributes {dimension_semantics = [#tpu.dimension_semantics<arbitrary>, #tpu.dimension_semantics<arbitrary>], iteration_bounds = array<i64: 5, 8>, scalar_prefetch = 0 : i64, scratch_operands = 2 : i64, tpu.core_type = #tpu.core_type<tc>, window_params = [{transform_indices = @transform_0, window_bounds = array<i64: 16, 8>}, {pipeline_mode = #tpu.pipeline_mode<synchronous>, transform_indices = @transform_1, window_bounds = array<i64: 8, 128, 128>}, {transform_indices = @transform_2, window_bounds = array<i64: 2000, 128>}, {transform_indices = @transform_3, window_bounds = array<i64: 2, 2000, 128>}]} {
    %eq3A = arith.constant 0 : i32
    %eq3A_0 = arith.cmpi eq, %arg0, %eq3A : i32
    %eq3A_1 = arith.constant 0 : i32
    %eq3A_2 = arith.cmpi eq, %arg1, %eq3A_1 : i32
    %and3A = arith.andi %eq3A_0, %eq3A_2 : i1
    %convert_element_type3A = arith.extui %and3A : i1 to i32
    %cond3A = arith.constant 0 : i32
    %cond3A_3 = arith.cmpi ne, %convert_element_type3A, %cond3A : i32
    scf.if %cond3A_3 {
      %get3A_29 = arith.constant 0 : index
      %get3A_30 = arith.constant 0 : index
      %get3A_31 = memref.load %arg2[%get3A_29, %get3A_30] : memref<16x8xf32, #tpu.memory_space<smem>>
      %get3A_32 = arith.constant 0 : index
      %get3A_33 = arith.constant 0 : index
      %get3A_34 = arith.constant 0 : index
      %get3A_35 = vector.load %arg3[%get3A_32, %get3A_33, %get3A_34] : memref<8x128x128xf32, #tpu.memory_space<vmem>>, vector<1x128x128xf32>
      %get3A_36 = vector.shape_cast %get3A_35 : vector<1x128x128xf32> to vector<128x128xf32>
      %mul3A = vector.broadcast %get3A_31 : f32 to vector<128x128xf32>
      %mul3A_37 = arith.mulf %mul3A, %get3A_36 : vector<128x128xf32>
      %get3A_38 = arith.constant 0 : index
      %get3A_39 = arith.constant 1 : index
      %get3A_40 = memref.load %arg2[%get3A_38, %get3A_39] : memref<16x8xf32, #tpu.memory_space<smem>>
      %get3A_41 = arith.constant 1 : index
      %get3A_42 = arith.constant 0 : index
      %get3A_43 = arith.constant 0 : index
      %get3A_44 = vector.load %arg3[%get3A_41, %get3A_42, %get3A_43] : memref<8x128x128xf32, #tpu.memory_space<vmem>>, vector<1x128x128xf32>
      %get3A_45 = vector.shape_cast %get3A_44 : vector<1x128x128xf32> to vector<128x128xf32>
      %mul3A_46 = vector.broadcast %get3A_40 : f32 to vector<128x128xf32>
      %mul3A_47 = arith.mulf %mul3A_46, %get3A_45 : vector<128x128xf32>
      %add3A = arith.addf %mul3A_37, %mul3A_47 : vector<128x128xf32>
      %get3A_48 = arith.constant 0 : index
      %get3A_49 = arith.constant 2 : index
      %get3A_50 = memref.load %arg2[%get3A_48, %get3A_49] : memref<16x8xf32, #tpu.memory_space<smem>>
      %get3A_51 = arith.constant 2 : index
      %get3A_52 = arith.constant 0 : index
      %get3A_53 = arith.constant 0 : index
      %get3A_54 = vector.load %arg3[%get3A_51, %get3A_52, %get3A_53] : memref<8x128x128xf32, #tpu.memory_space<vmem>>, vector<1x128x128xf32>
      %get3A_55 = vector.shape_cast %get3A_54 : vector<1x128x128xf32> to vector<128x128xf32>
      %mul3A_56 = vector.broadcast %get3A_50 : f32 to vector<128x128xf32>
      %mul3A_57 = arith.mulf %mul3A_56, %get3A_55 : vector<128x128xf32>
      %add3A_58 = arith.addf %add3A, %mul3A_57 : vector<128x128xf32>
      %get3A_59 = arith.constant 0 : index
      %get3A_60 = arith.constant 3 : index
      %get3A_61 = memref.load %arg2[%get3A_59, %get3A_60] : memref<16x8xf32, #tpu.memory_space<smem>>
      %get3A_62 = arith.constant 3 : index
      %get3A_63 = arith.constant 0 : index
      %get3A_64 = arith.constant 0 : index
      %get3A_65 = vector.load %arg3[%get3A_62, %get3A_63, %get3A_64] : memref<8x128x128xf32, #tpu.memory_space<vmem>>, vector<1x128x128xf32>
      %get3A_66 = vector.shape_cast %get3A_65 : vector<1x128x128xf32> to vector<128x128xf32>
      %mul3A_67 = vector.broadcast %get3A_61 : f32 to vector<128x128xf32>
      %mul3A_68 = arith.mulf %mul3A_67, %get3A_66 : vector<128x128xf32>
      %add3A_69 = arith.addf %add3A_58, %mul3A_68 : vector<128x128xf32>
      %get3A_70 = arith.constant 0 : index
      %get3A_71 = arith.constant 4 : index
      %get3A_72 = memref.load %arg2[%get3A_70, %get3A_71] : memref<16x8xf32, #tpu.memory_space<smem>>
      %get3A_73 = arith.constant 4 : index
      %get3A_74 = arith.constant 0 : index
      %get3A_75 = arith.constant 0 : index
      %get3A_76 = vector.load %arg3[%get3A_73, %get3A_74, %get3A_75] : memref<8x128x128xf32, #tpu.memory_space<vmem>>, vector<1x128x128xf32>
      %get3A_77 = vector.shape_cast %get3A_76 : vector<1x128x128xf32> to vector<128x128xf32>
      %mul3A_78 = vector.broadcast %get3A_72 : f32 to vector<128x128xf32>
      %mul3A_79 = arith.mulf %mul3A_78, %get3A_77 : vector<128x128xf32>
      %add3A_80 = arith.addf %add3A_69, %mul3A_79 : vector<128x128xf32>
      %get3A_81 = arith.constant 0 : index
      %get3A_82 = arith.constant 5 : index
      %get3A_83 = memref.load %arg2[%get3A_81, %get3A_82] : memref<16x8xf32, #tpu.memory_space<smem>>
      %get3A_84 = arith.constant 5 : index
      %get3A_85 = arith.constant 0 : index
      %get3A_86 = arith.constant 0 : index
      %get3A_87 = vector.load %arg3[%get3A_84, %get3A_85, %get3A_86] : memref<8x128x128xf32, #tpu.memory_space<vmem>>, vector<1x128x128xf32>
      %get3A_88 = vector.shape_cast %get3A_87 : vector<1x128x128xf32> to vector<128x128xf32>
      %mul3A_89 = vector.broadcast %get3A_83 : f32 to vector<128x128xf32>
      %mul3A_90 = arith.mulf %mul3A_89, %get3A_88 : vector<128x128xf32>
      %add3A_91 = arith.addf %add3A_80, %mul3A_90 : vector<128x128xf32>
      %get3A_92 = arith.constant 0 : index
      %get3A_93 = arith.constant 6 : index
      %get3A_94 = memref.load %arg2[%get3A_92, %get3A_93] : memref<16x8xf32, #tpu.memory_space<smem>>
      %get3A_95 = arith.constant 6 : index
      %get3A_96 = arith.constant 0 : index
      %get3A_97 = arith.constant 0 : index
      %get3A_98 = vector.load %arg3[%get3A_95, %get3A_96, %get3A_97] : memref<8x128x128xf32, #tpu.memory_space<vmem>>, vector<1x128x128xf32>
      %get3A_99 = vector.shape_cast %get3A_98 : vector<1x128x128xf32> to vector<128x128xf32>
      %mul3A_100 = vector.broadcast %get3A_94 : f32 to vector<128x128xf32>
      %mul3A_101 = arith.mulf %mul3A_100, %get3A_99 : vector<128x128xf32>
      %add3A_102 = arith.addf %add3A_91, %mul3A_101 : vector<128x128xf32>
      %get3A_103 = arith.constant 0 : index
      %get3A_104 = arith.constant 7 : index
      %get3A_105 = memref.load %arg2[%get3A_103, %get3A_104] : memref<16x8xf32, #tpu.memory_space<smem>>
      %get3A_106 = arith.constant 7 : index
      %get3A_107 = arith.constant 0 : index
      %get3A_108 = arith.constant 0 : index
      %get3A_109 = vector.load %arg3[%get3A_106, %get3A_107, %get3A_108] : memref<8x128x128xf32, #tpu.memory_space<vmem>>, vector<1x128x128xf32>
      %get3A_110 = vector.shape_cast %get3A_109 : vector<1x128x128xf32> to vector<128x128xf32>
      %mul3A_111 = vector.broadcast %get3A_105 : f32 to vector<128x128xf32>
      %mul3A_112 = arith.mulf %mul3A_111, %get3A_110 : vector<128x128xf32>
      %add3A_113 = arith.addf %add3A_102, %mul3A_112 : vector<128x128xf32>
      %convert_element_type3A_114 = arith.truncf %add3A_113 : vector<128x128xf32> to vector<128x128xbf16>
      %swap3A_115 = arith.constant 0 : index
      %swap3A_116 = arith.constant 0 : index
      %swap3A_117 = arith.constant 0 : index
      %swap3A_118 = vector.load %arg6[%swap3A_115, %swap3A_116, %swap3A_117] : memref<8x128x256xbf16, #tpu.memory_space<vmem>>, vector<1x128x128xbf16>
      %swap3A_119 = vector.shape_cast %swap3A_118 : vector<1x128x128xbf16> to vector<128x128xbf16>
      %swap3A_120 = vector.shape_cast %convert_element_type3A_114 : vector<128x128xbf16> to vector<1x128x128xbf16>
      tpu.vector_store %arg6[%swap3A_115, %swap3A_116, %swap3A_117], %swap3A_120 {strides = array<i32>} : memref<8x128x256xbf16, #tpu.memory_space<vmem>>, vector<1x128x128xbf16>,
      %get3A_121 = arith.constant 1 : index
      %get3A_122 = arith.constant 0 : index
      %get3A_123 = memref.load %arg2[%get3A_121, %get3A_122] : memref<16x8xf32, #tpu.memory_space<smem>>
      %get3A_124 = arith.constant 0 : index
      %get3A_125 = arith.constant 0 : index
      %get3A_126 = arith.constant 0 : index
      %get3A_127 = vector.load %arg3[%get3A_124, %get3A_125, %get3A_126] : memref<8x128x128xf32, #tpu.memory_space<vmem>>, vector<1x128x128xf32>
      %get3A_128 = vector.shape_cast %get3A_127 : vector<1x128x128xf32> to vector<128x128xf32>
      %mul3A_129 = vector.broadcast %get3A_123 : f32 to vector<128x128xf32>
      %mul3A_130 = arith.mulf %mul3A_129, %get3A_128 : vector<128x128xf32>
      %get3A_131 = arith.constant 1 : index
      %get3A_132 = arith.constant 1 : index
      %get3A_133 = memref.load %arg2[%get3A_131, %get3A_132] : memref<16x8xf32, #tpu.memory_space<smem>>
      %get3A_134 = arith.constant 1 : index
      %get3A_135 = arith.constant 0 : index
      %get3A_136 = arith.constant 0 : index
      %get3A_137 = vector.load %arg3[%get3A_134, %get3A_135, %get3A_136] : memref<8x128x128xf32, #tpu.memory_space<vmem>>, vector<1x128x128xf32>
      %get3A_138 = vector.shape_cast %get3A_137 : vector<1x128x128xf32> to vector<128x128xf32>
      %mul3A_139 = vector.broadcast %get3A_133 : f32 to vector<128x128xf32>
      %mul3A_140 = arith.mulf %mul3A_139, %get3A_138 : vector<128x128xf32>
      %add3A_141 = arith.addf %mul3A_130, %mul3A_140 : vector<128x128xf32>
      %get3A_142 = arith.constant 1 : index
      %get3A_143 = arith.constant 2 : index
      %get3A_144 = memref.load %arg2[%get3A_142, %get3A_143] : memref<16x8xf32, #tpu.memory_space<smem>>
      %get3A_145 = arith.constant 2 : index
      %get3A_146 = arith.constant 0 : index
      %get3A_147 = arith.constant 0 : index
      %get3A_148 = vector.load %arg3[%get3A_145, %get3A_146, %get3A_147] : memref<8x128x128xf32, #tpu.memory_space<vmem>>, vector<1x128x128xf32>
      %get3A_149 = vector.shape_cast %get3A_148 : vector<1x128x128xf32> to vector<128x128xf32>
      %mul3A_150 = vector.broadcast %get3A_144 : f32 to vector<128x128xf32>
      %mul3A_151 = arith.mulf %mul3A_150, %get3A_149 : vector<128x128xf32>
      %add3A_152 = arith.addf %add3A_141, %mul3A_151 : vector<128x128xf32>
      %get3A_153 = arith.constant 1 : index
      %get3A_154 = arith.constant 3 : index
      %get3A_155 = memref.load %arg2[%get3A_153, %get3A_154] : memref<16x8xf32, #tpu.memory_space<smem>>
      %get3A_156 = arith.constant 3 : index
      %get3A_157 = arith.constant 0 : index
      %get3A_158 = arith.constant 0 : index
      %get3A_159 = vector.load %arg3[%get3A_156, %get3A_157, %get3A_158] : memref<8x128x128xf32, #tpu.memory_space<vmem>>, vector<1x128x128xf32>
      %get3A_160 = vector.shape_cast %get3A_159 : vector<1x128x128xf32> to vector<128x128xf32>
      %mul3A_161 = vector.broadcast %get3A_155 : f32 to vector<128x128xf32>
      %mul3A_162 = arith.mulf %mul3A_161, %get3A_160 : vector<128x128xf32>
      %add3A_163 = arith.addf %add3A_152, %mul3A_162 : vector<128x128xf32>
      %get3A_164 = arith.constant 1 : index
      %get3A_165 = arith.constant 4 : index
      %get3A_166 = memref.load %arg2[%get3A_164, %get3A_165] : memref<16x8xf32, #tpu.memory_space<smem>>
      %get3A_167 = arith.constant 4 : index
      %get3A_168 = arith.constant 0 : index
      %get3A_169 = arith.constant 0 : index
      %get3A_170 = vector.load %arg3[%get3A_167, %get3A_168, %get3A_169] : memref<8x128x128xf32, #tpu.memory_space<vmem>>, vector<1x128x128xf32>
      %get3A_171 = vector.shape_cast %get3A_170 : vector<1x128x128xf32> to vector<128x128xf32>
      %mul3A_172 = vector.broadcast %get3A_166 : f32 to vector<128x128xf32>
      %mul3A_173 = arith.mulf %mul3A_172, %get3A_171 : vector<128x128xf32>
      %add3A_174 = arith.addf %add3A_163, %mul3A_173 : vector<128x128xf32>
      %get3A_175 = arith.constant 1 : index
      %get3A_176 = arith.constant 5 : index
      %get3A_177 = memref.load %arg2[%get3A_175, %get3A_176] : memref<16x8xf32, #tpu.memory_space<smem>>
      %get3A_178 = arith.constant 5 : index
      %get3A_179 = arith.constant 0 : index
      %get3A_180 = arith.constant 0 : index
      %get3A_181 = vector.load %arg3[%get3A_178, %get3A_179, %get3A_180] : memref<8x128x128xf32, #tpu.memory_space<vmem>>, vector<1x128x128xf32>
      %get3A_182 = vector.shape_cast %get3A_181 : vector<1x128x128xf32> to vector<128x128xf32>
      %mul3A_183 = vector.broadcast %get3A_177 : f32 to vector<128x128xf32>
      %mul3A_184 = arith.mulf %mul3A_183, %get3A_182 : vector<128x128xf32>
      %add3A_185 = arith.addf %add3A_174, %mul3A_184 : vector<128x128xf32>
      %get3A_186 = arith.constant 1 : index
      %get3A_187 = arith.constant 6 : index
      %get3A_188 = memref.load %arg2[%get3A_186, %get3A_187] : memref<16x8xf32, #tpu.memory_space<smem>>
      %get3A_189 = arith.constant 6 : index
      %get3A_190 = arith.constant 0 : index
      %get3A_191 = arith.constant 0 : index
      %get3A_192 = vector.load %arg3[%get3A_189, %get3A_190, %get3A_191] : memref<8x128x128xf32, #tpu.memory_space<vmem>>, vector<1x128x128xf32>
      %get3A_193 = vector.shape_cast %get3A_192 : vector<1x128x128xf32> to vector<128x128xf32>
      %mul3A_194 = vector.broadcast %get3A_188 : f32 to vector<128x128xf32>
      %mul3A_195 = arith.mulf %mul3A_194, %get3A_193 : vector<128x128xf32>
      %add3A_196 = arith.addf %add3A_185, %mul3A_195 : vector<128x128xf32>
      %get3A_197 = arith.constant 1 : index
      %get3A_198 = arith.constant 7 : index
      %get3A_199 = memref.load %arg2[%get3A_197, %get3A_198] : memref<16x8xf32, #tpu.memory_space<smem>>
      %get3A_200 = arith.constant 7 : index
      %get3A_201 = arith.constant 0 : index
      %get3A_202 = arith.constant 0 : index
      %get3A_203 = vector.load %arg3[%get3A_200, %get3A_201, %get3A_202] : memref<8x128x128xf32, #tpu.memory_space<vmem>>, vector<1x128x128xf32>
      %get3A_204 = vector.shape_cast %get3A_203 : vector<1x128x128xf32> to vector<128x128xf32>
      %mul3A_205 = vector.broadcast %get3A_199 : f32 to vector<128x128xf32>
      %mul3A_206 = arith.mulf %mul3A_205, %get3A_204 : vector<128x128xf32>
      %add3A_207 = arith.addf %add3A_196, %mul3A_206 : vector<128x128xf32>
      %convert_element_type3A_208 = arith.truncf %add3A_207 : vector<128x128xf32> to vector<128x128xbf16>
      %swap3A_209 = arith.constant 0 : index
      %swap3A_210 = arith.constant 0 : index
      %swap3A_211 = arith.constant 128 : index
      %swap3A_212 = vector.load %arg6[%swap3A_209, %swap3A_210, %swap3A_211] : memref<8x128x256xbf16, #tpu.memory_space<vmem>>, vector<1x128x128xbf16>
      %swap3A_213 = vector.shape_cast %swap3A_212 : vector<1x128x128xbf16> to vector<128x128xbf16>
      %swap3A_214 = vector.shape_cast %convert_element_type3A_208 : vector<128x128xbf16> to vector<1x128x128xbf16>
      tpu.vector_store %arg6[%swap3A_209, %swap3A_210, %swap3A_211], %swap3A_214 {strides = array<i32>} : memref<8x128x256xbf16, #tpu.memory_space<vmem>>, vector<1x128x128xbf16>,
      %get3A_215 = arith.constant 2 : index
      %get3A_216 = arith.constant 0 : index
      %get3A_217 = memref.load %arg2[%get3A_215, %get3A_216] : memref<16x8xf32, #tpu.memory_space<smem>>
      %get3A_218 = arith.constant 0 : index
      %get3A_219 = arith.constant 0 : index
      %get3A_220 = arith.constant 0 : index
      %get3A_221 = vector.load %arg3[%get3A_218, %get3A_219, %get3A_220] : memref<8x128x128xf32, #tpu.memory_space<vmem>>, vector<1x128x128xf32>
      %get3A_222 = vector.shape_cast %get3A_221 : vector<1x128x128xf32> to vector<128x128xf32>
      %mul3A_223 = vector.broadcast %get3A_217 : f32 to vector<128x128xf32>
      %mul3A_224 = arith.mulf %mul3A_223, %get3A_222 : vector<128x128xf32>
      %get3A_225 = arith.constant 2 : index
      %get3A_226 = arith.constant 1 : index
      %get3A_227 = memref.load %arg2[%get3A_225, %get3A_226] : memref<16x8xf32, #tpu.memory_space<smem>>
      %get3A_228 = arith.constant 1 : index
      %get3A_229 = arith.constant 0 : index
      %get3A_230 = arith.constant 0 : index
      %get3A_231 = vector.load %arg3[%get3A_228, %get3A_229, %get3A_230] : memref<8x128x128xf32, #tpu.memory_space<vmem>>, vector<1x128x128xf32>
      %get3A_232 = vector.shape_cast %get3A_231 : vector<1x128x128xf32> to vector<128x128xf32>
      %mul3A_233 = vector.broadcast %get3A_227 : f32 to vector<128x128xf32>
      %mul3A_234 = arith.mulf %mul3A_233, %get3A_232 : vector<128x128xf32>
      %add3A_235 = arith.addf %mul3A_224, %mul3A_234 : vector<128x128xf32>
      %get3A_236 = arith.constant 2 : index
      %get3A_237 = arith.constant 2 : index
      %get3A_238 = memref.load %arg2[%get3A_236, %get3A_237] : memref<16x8xf32, #tpu.memory_space<smem>>
      %get3A_239 = arith.constant 2 : index
      %get3A_240 = arith.constant 0 : index
      %get3A_241 = arith.constant 0 : index
      %get3A_242 = vector.load %arg3[%get3A_239, %get3A_240, %get3A_241] : memref<8x128x128xf32, #tpu.memory_space<vmem>>, vector<1x128x128xf32>
      %get3A_243 = vector.shape_cast %get3A_242 : vector<1x128x128xf32> to vector<128x128xf32>
      %mul3A_244 = vector.broadcast %get3A_238 : f32 to vector<128x128xf32>
      %mul3A_245 = arith.mulf %mul3A_244, %get3A_243 : vector<128x128xf32>
      %add3A_246 = arith.addf %add3A_235, %mul3A_245 : vector<128x128xf32>
      %get3A_247 = arith.constant 2 : index
      %get3A_248 = arith.constant 3 : index
      %get3A_249 = memref.load %arg2[%get3A_247, %get3A_248] : memref<16x8xf32, #tpu.memory_space<smem>>
      %get3A_250 = arith.constant 3 : index
      %get3A_251 = arith.constant 0 : index
      %get3A_252 = arith.constant 0 : index
      %get3A_253 = vector.load %arg3[%get3A_250, %get3A_251, %get3A_252] : memref<8x128x128xf32, #tpu.memory_space<vmem>>, vector<1x128x128xf32>
      %get3A_254 = vector.shape_cast %get3A_253 : vector<1x128x128xf32> to vector<128x128xf32>
      %mul3A_255 = vector.broadcast %get3A_249 : f32 to vector<128x128xf32>
      %mul3A_256 = arith.mulf %mul3A_255, %get3A_254 : vector<128x128xf32>
      %add3A_257 = arith.addf %add3A_246, %mul3A_256 : vector<128x128xf32>
      %get3A_258 = arith.constant 2 : index
      %get3A_259 = arith.constant 4 : index
      %get3A_260 = memref.load %arg2[%get3A_258, %get3A_259] : memref<16x8xf32, #tpu.memory_space<smem>>
      %get3A_261 = arith.constant 4 : index
      %get3A_262 = arith.constant 0 : index
      %get3A_263 = arith.constant 0 : index
      %get3A_264 = vector.load %arg3[%get3A_261, %get3A_262, %get3A_263] : memref<8x128x128xf32, #tpu.memory_space<vmem>>, vector<1x128x128xf32>
      %get3A_265 = vector.shape_cast %get3A_264 : vector<1x128x128xf32> to vector<128x128xf32>
      %mul3A_266 = vector.broadcast %get3A_260 : f32 to vector<128x128xf32>
      %mul3A_267 = arith.mulf %mul3A_266, %get3A_265 : vector<128x128xf32>
      %add3A_268 = arith.addf %add3A_257, %mul3A_267 : vector<128x128xf32>
      %get3A_269 = arith.constant 2 : index
      %get3A_270 = arith.constant 5 : index
      %get3A_271 = memref.load %arg2[%get3A_269, %get3A_270] : memref<16x8xf32, #tpu.memory_space<smem>>
      %get3A_272 = arith.constant 5 : index
      %get3A_273 = arith.constant 0 : index
      %get3A_274 = arith.constant 0 : index
      %get3A_275 = vector.load %arg3[%get3A_272, %get3A_273, %get3A_274] : memref<8x128x128xf32, #tpu.memory_space<vmem>>, vector<1x128x128xf32>
      %get3A_276 = vector.shape_cast %get3A_275 : vector<1x128x128xf32> to vector<128x128xf32>
      %mul3A_277 = vector.broadcast %get3A_271 : f32 to vector<128x128xf32>
      %mul3A_278 = arith.mulf %mul3A_277, %get3A_276 : vector<128x128xf32>
      %add3A_279 = arith.addf %add3A_268, %mul3A_278 : vector<128x128xf32>
      %get3A_280 = arith.constant 2 : index
      %get3A_281 = arith.constant 6 : index
      %get3A_282 = memref.load %arg2[%get3A_280, %get3A_281] : memref<16x8xf32, #tpu.memory_space<smem>>
      %get3A_283 = arith.constant 6 : index
      %get3A_284 = arith.constant 0 : index
      %get3A_285 = arith.constant 0 : index
      %get3A_286 = vector.load %arg3[%get3A_283, %get3A_284, %get3A_285] : memref<8x128x128xf32, #tpu.memory_space<vmem>>, vector<1x128x128xf32>
      %get3A_287 = vector.shape_cast %get3A_286 : vector<1x128x128xf32> to vector<128x128xf32>
      %mul3A_288 = vector.broadcast %get3A_282 : f32 to vector<128x128xf32>
      %mul3A_289 = arith.mulf %mul3A_288, %get3A_287 : vector<128x128xf32>
      %add3A_290 = arith.addf %add3A_279, %mul3A_289 : vector<128x128xf32>
      %get3A_291 = arith.constant 2 : index
      %get3A_292 = arith.constant 7 : index
      %get3A_293 = memref.load %arg2[%get3A_291, %get3A_292] : memref<16x8xf32, #tpu.memory_space<smem>>
      %get3A_294 = arith.constant 7 : index
      %get3A_295 = arith.constant 0 : index
      %get3A_296 = arith.constant 0 : index
      %get3A_297 = vector.load %arg3[%get3A_294, %get3A_295, %get3A_296] : memref<8x128x128xf32, #tpu.memory_space<vmem>>, vector<1x128x128xf32>
      %get3A_298 = vector.shape_cast %get3A_297 : vector<1x128x128xf32> to vector<128x128xf32>
      %mul3A_299 = vector.broadcast %get3A_293 : f32 to vector<128x128xf32>
      %mul3A_300 = arith.mulf %mul3A_299, %get3A_298 : vector<128x128xf32>
      %add3A_301 = arith.addf %add3A_290, %mul3A_300 : vector<128x128xf32>
      %convert_element_type3A_302 = arith.truncf %add3A_301 : vector<128x128xf32> to vector<128x128xbf16>
      %swap3A_303 = arith.constant 1 : index
      %swap3A_304 = arith.constant 0 : index
      %swap3A_305 = arith.constant 0 : index
      %swap3A_306 = vector.load %arg6[%swap3A_303, %swap3A_304, %swap3A_305] : memref<8x128x256xbf16, #tpu.memory_space<vmem>>, vector<1x128x128xbf16>
      %swap3A_307 = vector.shape_cast %swap3A_306 : vector<1x128x128xbf16> to vector<128x128xbf16>
      %swap3A_308 = vector.shape_cast %convert_element_type3A_302 : vector<128x128xbf16> to vector<1x128x128xbf16>
      tpu.vector_store %arg6[%swap3A_303, %swap3A_304, %swap3A_305], %swap3A_308 {strides = array<i32>} : memref<8x128x256xbf16, #tpu.memory_space<vmem>>, vector<1x128x128xbf16>,
      %get3A_309 = arith.constant 3 : index
      %get3A_310 = arith.constant 0 : index
      %get3A_311 = memref.load %arg2[%get3A_309, %get3A_310] : memref<16x8xf32, #tpu.memory_space<smem>>
      %get3A_312 = arith.constant 0 : index
      %get3A_313 = arith.constant 0 : index
      %get3A_314 = arith.constant 0 : index
      %get3A_315 = vector.load %arg3[%get3A_312, %get3A_313, %get3A_314] : memref<8x128x128xf32, #tpu.memory_space<vmem>>, vector<1x128x128xf32>
      %get3A_316 = vector.shape_cast %get3A_315 : vector<1x128x128xf32> to vector<128x128xf32>
      %mul3A_317 = vector.broadcast %get3A_311 : f32 to vector<128x128xf32>
      %mul3A_318 = arith.mulf %mul3A_317, %get3A_316 : vector<128x128xf32>
      %get3A_319 = arith.constant 3 : index
      %get3A_320 = arith.constant 1 : index
      %get3A_321 = memref.load %arg2[%get3A_319, %get3A_320] : memref<16x8xf32, #tpu.memory_space<smem>>
      %get3A_322 = arith.constant 1 : index
      %get3A_323 = arith.constant 0 : index
      %get3A_324 = arith.constant 0 : index
      %get3A_325 = vector.load %arg3[%get3A_322, %get3A_323, %get3A_324] : memref<8x128x128xf32, #tpu.memory_space<vmem>>, vector<1x128x128xf32>
      %get3A_326 = vector.shape_cast %get3A_325 : vector<1x128x128xf32> to vector<128x128xf32>
      %mul3A_327 = vector.broadcast %get3A_321 : f32 to vector<128x128xf32>
      %mul3A_328 = arith.mulf %mul3A_327, %get3A_326 : vector<128x128xf32>
      %add3A_329 = arith.addf %mul3A_318, %mul3A_328 : vector<128x128xf32>
      %get3A_330 = arith.constant 3 : index
      %get3A_331 = arith.constant 2 : index
      %get3A_332 = memref.load %arg2[%get3A_330, %get3A_331] : memref<16x8xf32, #tpu.memory_space<smem>>
      %get3A_333 = arith.constant 2 : index
      %get3A_334 = arith.constant 0 : index
      %get3A_335 = arith.constant 0 : index
      %get3A_336 = vector.load %arg3[%get3A_333, %get3A_334, %get3A_335] : memref<8x128x128xf32, #tpu.memory_space<vmem>>, vector<1x128x128xf32>
      %get3A_337 = vector.shape_cast %get3A_336 : vector<1x128x128xf32> to vector<128x128xf32>
      %mul3A_338 = vector.broadcast %get3A_332 : f32 to vector<128x128xf32>
      %mul3A_339 = arith.mulf %mul3A_338, %get3A_337 : vector<128x128xf32>
      %add3A_340 = arith.addf %add3A_329, %mul3A_339 : vector<128x128xf32>
      %get3A_341 = arith.constant 3 : index
      %get3A_342 = arith.constant 3 : index
      %get3A_343 = memref.load %arg2[%get3A_341, %get3A_342] : memref<16x8xf32, #tpu.memory_space<smem>>
      %get3A_344 = arith.constant 3 : index
      %get3A_345 = arith.constant 0 : index
      %get3A_346 = arith.constant 0 : index
      %get3A_347 = vector.load %arg3[%get3A_344, %get3A_345, %get3A_346] : memref<8x128x128xf32, #tpu.memory_space<vmem>>, vector<1x128x128xf32>
      %get3A_348 = vector.shape_cast %get3A_347 : vector<1x128x128xf32> to vector<128x128xf32>
      %mul3A_349 = vector.broadcast %get3A_343 : f32 to vector<128x128xf32>
      %mul3A_350 = arith.mulf %mul3A_349, %get3A_348 : vector<128x128xf32>
      %add3A_351 = arith.addf %add3A_340, %mul3A_350 : vector<128x128xf32>
      %get3A_352 = arith.constant 3 : index
      %get3A_353 = arith.constant 4 : index
      %get3A_354 = memref.load %arg2[%get3A_352, %get3A_353] : memref<16x8xf32, #tpu.memory_space<smem>>
      %get3A_355 = arith.constant 4 : index
      %get3A_356 = arith.constant 0 : index
      %get3A_357 = arith.constant 0 : index
      %get3A_358 = vector.load %arg3[%get3A_355, %get3A_356, %get3A_357] : memref<8x128x128xf32, #tpu.memory_space<vmem>>, vector<1x128x128xf32>
      %get3A_359 = vector.shape_cast %get3A_358 : vector<1x128x128xf32> to vector<128x128xf32>
      %mul3A_360 = vector.broadcast %get3A_354 : f32 to vector<128x128xf32>
      %mul3A_361 = arith.mulf %mul3A_360, %get3A_359 : vector<128x128xf32>
      %add3A_362 = arith.addf %add3A_351, %mul3A_361 : vector<128x128xf32>
      %get3A_363 = arith.constant 3 : index
      %get3A_364 = arith.constant 5 : index
      %get3A_365 = memref.load %arg2[%get3A_363, %get3A_364] : memref<16x8xf32, #tpu.memory_space<smem>>
      %get3A_366 = arith.constant 5 : index
      %get3A_367 = arith.constant 0 : index
      %get3A_368 = arith.constant 0 : index
      %get3A_369 = vector.load %arg3[%get3A_366, %get3A_367, %get3A_368] : memref<8x128x128xf32, #tpu.memory_space<vmem>>, vector<1x128x128xf32>
      %get3A_370 = vector.shape_cast %get3A_369 : vector<1x128x128xf32> to vector<128x128xf32>
      %mul3A_371 = vector.broadcast %get3A_365 : f32 to vector<128x128xf32>
      %mul3A_372 = arith.mulf %mul3A_371, %get3A_370 : vector<128x128xf32>
      %add3A_373 = arith.addf %add3A_362, %mul3A_372 : vector<128x128xf32>
      %get3A_374 = arith.constant 3 : index
      %get3A_375 = arith.constant 6 : index
      %get3A_376 = memref.load %arg2[%get3A_374, %get3A_375] : memref<16x8xf32, #tpu.memory_space<smem>>
      %get3A_377 = arith.constant 6 : index
      %get3A_378 = arith.constant 0 : index
      %get3A_379 = arith.constant 0 : index
      %get3A_380 = vector.load %arg3[%get3A_377, %get3A_378, %get3A_379] : memref<8x128x128xf32, #tpu.memory_space<vmem>>, vector<1x128x128xf32>
      %get3A_381 = vector.shape_cast %get3A_380 : vector<1x128x128xf32> to vector<128x128xf32>
      %mul3A_382 = vector.broadcast %get3A_376 : f32 to vector<128x128xf32>
      %mul3A_383 = arith.mulf %mul3A_382, %get3A_381 : vector<128x128xf32>
      %add3A_384 = arith.addf %add3A_373, %mul3A_383 : vector<128x128xf32>
      %get3A_385 = arith.constant 3 : index
      %get3A_386 = arith.constant 7 : index
      %get3A_387 = memref.load %arg2[%get3A_385, %get3A_386] : memref<16x8xf32, #tpu.memory_space<smem>>
      %get3A_388 = arith.constant 7 : index
      %get3A_389 = arith.constant 0 : index
      %get3A_390 = arith.constant 0 : index
      %get3A_391 = vector.load %arg3[%get3A_388, %get3A_389, %get3A_390] : memref<8x128x128xf32, #tpu.memory_space<vmem>>, vector<1x128x128xf32>
      %get3A_392 = vector.shape_cast %get3A_391 : vector<1x128x128xf32> to vector<128x128xf32>
      %mul3A_393 = vector.broadcast %get3A_387 : f32 to vector<128x128xf32>
      %mul3A_394 = arith.mulf %mul3A_393, %get3A_392 : vector<128x128xf32>
      %add3A_395 = arith.addf %add3A_384, %mul3A_394 : vector<128x128xf32>
      %convert_element_type3A_396 = arith.truncf %add3A_395 : vector<128x128xf32> to vector<128x128xbf16>
      %swap3A_397 = arith.constant 1 : index
      %swap3A_398 = arith.constant 0 : index
      %swap3A_399 = arith.constant 128 : index
      %swap3A_400 = vector.load %arg6[%swap3A_397, %swap3A_398, %swap3A_399] : memref<8x128x256xbf16, #tpu.memory_space<vmem>>, vector<1x128x128xbf16>
      %swap3A_401 = vector.shape_cast %swap3A_400 : vector<1x128x128xbf16> to vector<128x128xbf16>
      %swap3A_402 = vector.shape_cast %convert_element_type3A_396 : vector<128x128xbf16> to vector<1x128x128xbf16>
      tpu.vector_store %arg6[%swap3A_397, %swap3A_398, %swap3A_399], %swap3A_402 {strides = array<i32>} : memref<8x128x256xbf16, #tpu.memory_space<vmem>>, vector<1x128x128xbf16>,
      %get3A_403 = arith.constant 4 : index
      %get3A_404 = arith.constant 0 : index
      %get3A_405 = memref.load %arg2[%get3A_403, %get3A_404] : memref<16x8xf32, #tpu.memory_space<smem>>
      %get3A_406 = arith.constant 0 : index
      %get3A_407 = arith.constant 0 : index
      %get3A_408 = arith.constant 0 : index
      %get3A_409 = vector.load %arg3[%get3A_406, %get3A_407, %get3A_408] : memref<8x128x128xf32, #tpu.memory_space<vmem>>, vector<1x128x128xf32>
      %get3A_410 = vector.shape_cast %get3A_409 : vector<1x128x128xf32> to vector<128x128xf32>
      %mul3A_411 = vector.broadcast %get3A_405 : f32 to vector<128x128xf32>
      %mul3A_412 = arith.mulf %mul3A_411, %get3A_410 : vector<128x128xf32>
      %get3A_413 = arith.constant 4 : index
      %get3A_414 = arith.constant 1 : index
      %get3A_415 = memref.load %arg2[%get3A_413, %get3A_414] : memref<16x8xf32, #tpu.memory_space<smem>>
      %get3A_416 = arith.constant 1 : index
      %get3A_417 = arith.constant 0 : index
      %get3A_418 = arith.constant 0 : index
      %get3A_419 = vector.load %arg3[%get3A_416, %get3A_417, %get3A_418] : memref<8x128x128xf32, #tpu.memory_space<vmem>>, vector<1x128x128xf32>
      %get3A_420 = vector.shape_cast %get3A_419 : vector<1x128x128xf32> to vector<128x128xf32>
      %mul3A_421 = vector.broadcast %get3A_415 : f32 to vector<128x128xf32>
      %mul3A_422 = arith.mulf %mul3A_421, %get3A_420 : vector<128x128xf32>
      %add3A_423 = arith.addf %mul3A_412, %mul3A_422 : vector<128x128xf32>
      %get3A_424 = arith.constant 4 : index
      %get3A_425 = arith.constant 2 : index
      %get3A_426 = memref.load %arg2[%get3A_424, %get3A_425] : memref<16x8xf32, #tpu.memory_space<smem>>
      %get3A_427 = arith.constant 2 : index
      %get3A_428 = arith.constant 0 : index
      %get3A_429 = arith.constant 0 : index
      %get3A_430 = vector.load %arg3[%get3A_427, %get3A_428, %get3A_429] : memref<8x128x128xf32, #tpu.memory_space<vmem>>, vector<1x128x128xf32>
      %get3A_431 = vector.shape_cast %get3A_430 : vector<1x128x128xf32> to vector<128x128xf32>
      %mul3A_432 = vector.broadcast %get3A_426 : f32 to vector<128x128xf32>
      %mul3A_433 = arith.mulf %mul3A_432, %get3A_431 : vector<128x128xf32>
      %add3A_434 = arith.addf %add3A_423, %mul3A_433 : vector<128x128xf32>
      %get3A_435 = arith.constant 4 : index
      %get3A_436 = arith.constant 3 : index
      %get3A_437 = memref.load %arg2[%get3A_435, %get3A_436] : memref<16x8xf32, #tpu.memory_space<smem>>
      %get3A_438 = arith.constant 3 : index
      %get3A_439 = arith.constant 0 : index
      %get3A_440 = arith.constant 0 : index
      %get3A_441 = vector.load %arg3[%get3A_438, %get3A_439, %get3A_440] : memref<8x128x128xf32, #tpu.memory_space<vmem>>, vector<1x128x128xf32>
      %get3A_442 = vector.shape_cast %get3A_441 : vector<1x128x128xf32> to vector<128x128xf32>
      %mul3A_443 = vector.broadcast %get3A_437 : f32 to vector<128x128xf32>
      %mul3A_444 = arith.mulf %mul3A_443, %get3A_442 : vector<128x128xf32>
      %add3A_445 = arith.addf %add3A_434, %mul3A_444 : vector<128x128xf32>
      %get3A_446 = arith.constant 4 : index
      %get3A_447 = arith.constant 4 : index
      %get3A_448 = memref.load %arg2[%get3A_446, %get3A_447] : memref<16x8xf32, #tpu.memory_space<smem>>
      %get3A_449 = arith.constant 4 : index
      %get3A_450 = arith.constant 0 : index
      %get3A_451 = arith.constant 0 : index
      %get3A_452 = vector.load %arg3[%get3A_449, %get3A_450, %get3A_451] : memref<8x128x128xf32, #tpu.memory_space<vmem>>, vector<1x128x128xf32>
      %get3A_453 = vector.shape_cast %get3A_452 : vector<1x128x128xf32> to vector<128x128xf32>
      %mul3A_454 = vector.broadcast %get3A_448 : f32 to vector<128x128xf32>
      %mul3A_455 = arith.mulf %mul3A_454, %get3A_453 : vector<128x128xf32>
      %add3A_456 = arith.addf %add3A_445, %mul3A_455 : vector<128x128xf32>
      %get3A_457 = arith.constant 4 : index
      %get3A_458 = arith.constant 5 : index
      %get3A_459 = memref.load %arg2[%get3A_457, %get3A_458] : memref<16x8xf32, #tpu.memory_space<smem>>
      %get3A_460 = arith.constant 5 : index
      %get3A_461 = arith.constant 0 : index
      %get3A_462 = arith.constant 0 : index
      %get3A_463 = vector.load %arg3[%get3A_460, %get3A_461, %get3A_462] : memref<8x128x128xf32, #tpu.memory_space<vmem>>, vector<1x128x128xf32>
      %get3A_464 = vector.shape_cast %get3A_463 : vector<1x128x128xf32> to vector<128x128xf32>
      %mul3A_465 = vector.broadcast %get3A_459 : f32 to vector<128x128xf32>
      %mul3A_466 = arith.mulf %mul3A_465, %get3A_464 : vector<128x128xf32>
      %add3A_467 = arith.addf %add3A_456, %mul3A_466 : vector<128x128xf32>
      %get3A_468 = arith.constant 4 : index
      %get3A_469 = arith.constant 6 : index
      %get3A_470 = memref.load %arg2[%get3A_468, %get3A_469] : memref<16x8xf32, #tpu.memory_space<smem>>
      %get3A_471 = arith.constant 6 : index
      %get3A_472 = arith.constant 0 : index
      %get3A_473 = arith.constant 0 : index
      %get3A_474 = vector.load %arg3[%get3A_471, %get3A_472, %get3A_473] : memref<8x128x128xf32, #tpu.memory_space<vmem>>, vector<1x128x128xf32>
      %get3A_475 = vector.shape_cast %get3A_474 : vector<1x128x128xf32> to vector<128x128xf32>
      %mul3A_476 = vector.broadcast %get3A_470 : f32 to vector<128x128xf32>
      %mul3A_477 = arith.mulf %mul3A_476, %get3A_475 : vector<128x128xf32>
      %add3A_478 = arith.addf %add3A_467, %mul3A_477 : vector<128x128xf32>
      %get3A_479 = arith.constant 4 : index
      %get3A_480 = arith.constant 7 : index
      %get3A_481 = memref.load %arg2[%get3A_479, %get3A_480] : memref<16x8xf32, #tpu.memory_space<smem>>
      %get3A_482 = arith.constant 7 : index
      %get3A_483 = arith.constant 0 : index
      %get3A_484 = arith.constant 0 : index
      %get3A_485 = vector.load %arg3[%get3A_482, %get3A_483, %get3A_484] : memref<8x128x128xf32, #tpu.memory_space<vmem>>, vector<1x128x128xf32>
      %get3A_486 = vector.shape_cast %get3A_485 : vector<1x128x128xf32> to vector<128x128xf32>
      %mul3A_487 = vector.broadcast %get3A_481 : f32 to vector<128x128xf32>
      %mul3A_488 = arith.mulf %mul3A_487, %get3A_486 : vector<128x128xf32>
      %add3A_489 = arith.addf %add3A_478, %mul3A_488 : vector<128x128xf32>
      %convert_element_type3A_490 = arith.truncf %add3A_489 : vector<128x128xf32> to vector<128x128xbf16>
      %swap3A_491 = arith.constant 2 : index
      %swap3A_492 = arith.constant 0 : index
      %swap3A_493 = arith.constant 0 : index
      %swap3A_494 = vector.load %arg6[%swap3A_491, %swap3A_492, %swap3A_493] : memref<8x128x256xbf16, #tpu.memory_space<vmem>>, vector<1x128x128xbf16>
      %swap3A_495 = vector.shape_cast %swap3A_494 : vector<1x128x128xbf16> to vector<128x128xbf16>
      %swap3A_496 = vector.shape_cast %convert_element_type3A_490 : vector<128x128xbf16> to vector<1x128x128xbf16>
      tpu.vector_store %arg6[%swap3A_491, %swap3A_492, %swap3A_493], %swap3A_496 {strides = array<i32>} : memref<8x128x256xbf16, #tpu.memory_space<vmem>>, vector<1x128x128xbf16>,
      %get3A_497 = arith.constant 5 : index
      %get3A_498 = arith.constant 0 : index
      %get3A_499 = memref.load %arg2[%get3A_497, %get3A_498] : memref<16x8xf32, #tpu.memory_space<smem>>
      %get3A_500 = arith.constant 0 : index
      %get3A_501 = arith.constant 0 : index
      %get3A_502 = arith.constant 0 : index
      %get3A_503 = vector.load %arg3[%get3A_500, %get3A_501, %get3A_502] : memref<8x128x128xf32, #tpu.memory_space<vmem>>, vector<1x128x128xf32>
      %get3A_504 = vector.shape_cast %get3A_503 : vector<1x128x128xf32> to vector<128x128xf32>
      %mul3A_505 = vector.broadcast %get3A_499 : f32 to vector<128x128xf32>
      %mul3A_506 = arith.mulf %mul3A_505, %get3A_504 : vector<128x128xf32>
      %get3A_507 = arith.constant 5 : index
      %get3A_508 = arith.constant 1 : index
      %get3A_509 = memref.load %arg2[%get3A_507, %get3A_508] : memref<16x8xf32, #tpu.memory_space<smem>>
      %get3A_510 = arith.constant 1 : index
      %get3A_511 = arith.constant 0 : index
      %get3A_512 = arith.constant 0 : index
      %get3A_513 = vector.load %arg3[%get3A_510, %get3A_511, %get3A_512] : memref<8x128x128xf32, #tpu.memory_space<vmem>>, vector<1x128x128xf32>
      %get3A_514 = vector.shape_cast %get3A_513 : vector<1x128x128xf32> to vector<128x128xf32>
      %mul3A_515 = vector.broadcast %get3A_509 : f32 to vector<128x128xf32>
      %mul3A_516 = arith.mulf %mul3A_515, %get3A_514 : vector<128x128xf32>
      %add3A_517 = arith.addf %mul3A_506, %mul3A_516 : vector<128x128xf32>
      %get3A_518 = arith.constant 5 : index
      %get3A_519 = arith.constant 2 : index
      %get3A_520 = memref.load %arg2[%get3A_518, %get3A_519] : memref<16x8xf32, #tpu.memory_space<smem>>
      %get3A_521 = arith.constant 2 : index
      %get3A_522 = arith.constant 0 : index
      %get3A_523 = arith.constant 0 : index
      %get3A_524 = vector.load %arg3[%get3A_521, %get3A_522, %get3A_523] : memref<8x128x128xf32, #tpu.memory_space<vmem>>, vector<1x128x128xf32>
      %get3A_525 = vector.shape_cast %get3A_524 : vector<1x128x128xf32> to vector<128x128xf32>
      %mul3A_526 = vector.broadcast %get3A_520 : f32 to vector<128x128xf32>
      %mul3A_527 = arith.mulf %mul3A_526, %get3A_525 : vector<128x128xf32>
      %add3A_528 = arith.addf %add3A_517, %mul3A_527 : vector<128x128xf32>
      %get3A_529 = arith.constant 5 : index
      %get3A_530 = arith.constant 3 : index
      %get3A_531 = memref.load %arg2[%get3A_529, %get3A_530] : memref<16x8xf32, #tpu.memory_space<smem>>
      %get3A_532 = arith.constant 3 : index
      %get3A_533 = arith.constant 0 : index
      %get3A_534 = arith.constant 0 : index
      %get3A_535 = vector.load %arg3[%get3A_532, %get3A_533, %get3A_534] : memref<8x128x128xf32, #tpu.memory_space<vmem>>, vector<1x128x128xf32>
      %get3A_536 = vector.shape_cast %get3A_535 : vector<1x128x128xf32> to vector<128x128xf32>
      %mul3A_537 = vector.broadcast %get3A_531 : f32 to vector<128x128xf32>
      %mul3A_538 = arith.mulf %mul3A_537, %get3A_536 : vector<128x128xf32>
      %add3A_539 = arith.addf %add3A_528, %mul3A_538 : vector<128x128xf32>
      %get3A_540 = arith.constant 5 : index
      %get3A_541 = arith.constant 4 : index
      %get3A_542 = memref.load %arg2[%get3A_540, %get3A_541] : memref<16x8xf32, #tpu.memory_space<smem>>
      %get3A_543 = arith.constant 4 : index
      %get3A_544 = arith.constant 0 : index
      %get3A_545 = arith.constant 0 : index
      %get3A_546 = vector.load %arg3[%get3A_543, %get3A_544, %get3A_545] : memref<8x128x128xf32, #tpu.memory_space<vmem>>, vector<1x128x128xf32>
      %get3A_547 = vector.shape_cast %get3A_546 : vector<1x128x128xf32> to vector<128x128xf32>
      %mul3A_548 = vector.broadcast %get3A_542 : f32 to vector<128x128xf32>
      %mul3A_549 = arith.mulf %mul3A_548, %get3A_547 : vector<128x128xf32>
      %add3A_550 = arith.addf %add3A_539, %mul3A_549 : vector<128x128xf32>
      %get3A_551 = arith.constant 5 : index
      %get3A_552 = arith.constant 5 : index
      %get3A_553 = memref.load %arg2[%get3A_551, %get3A_552] : memref<16x8xf32, #tpu.memory_space<smem>>
      %get3A_554 = arith.constant 5 : index
      %get3A_555 = arith.constant 0 : index
      %get3A_556 = arith.constant 0 : index
      %get3A_557 = vector.load %arg3[%get3A_554, %get3A_555, %get3A_556] : memref<8x128x128xf32, #tpu.memory_space<vmem>>, vector<1x128x128xf32>
      %get3A_558 = vector.shape_cast %get3A_557 : vector<1x128x128xf32> to vector<128x128xf32>
      %mul3A_559 = vector.broadcast %get3A_553 : f32 to vector<128x128xf32>
      %mul3A_560 = arith.mulf %mul3A_559, %get3A_558 : vector<128x128xf32>
      %add3A_561 = arith.addf %add3A_550, %mul3A_560 : vector<128x128xf32>
      %get3A_562 = arith.constant 5 : index
      %get3A_563 = arith.constant 6 : index
      %get3A_564 = memref.load %arg2[%get3A_562, %get3A_563] : memref<16x8xf32, #tpu.memory_space<smem>>
      %get3A_565 = arith.constant 6 : index
      %get3A_566 = arith.constant 0 : index
      %get3A_567 = arith.constant 0 : index
      %get3A_568 = vector.load %arg3[%get3A_565, %get3A_566, %get3A_567] : memref<8x128x128xf32, #tpu.memory_space<vmem>>, vector<1x128x128xf32>
      %get3A_569 = vector.shape_cast %get3A_568 : vector<1x128x128xf32> to vector<128x128xf32>
      %mul3A_570 = vector.broadcast %get3A_564 : f32 to vector<128x128xf32>
      %mul3A_571 = arith.mulf %mul3A_570, %get3A_569 : vector<128x128xf32>
      %add3A_572 = arith.addf %add3A_561, %mul3A_571 : vector<128x128xf32>
      %get3A_573 = arith.constant 5 : index
      %get3A_574 = arith.constant 7 : index
      %get3A_575 = memref.load %arg2[%get3A_573, %get3A_574] : memref<16x8xf32, #tpu.memory_space<smem>>
      %get3A_576 = arith.constant 7 : index
      %get3A_577 = arith.constant 0 : index
      %get3A_578 = arith.constant 0 : index
      %get3A_579 = vector.load %arg3[%get3A_576, %get3A_577, %get3A_578] : memref<8x128x128xf32, #tpu.memory_space<vmem>>, vector<1x128x128xf32>
      %get3A_580 = vector.shape_cast %get3A_579 : vector<1x128x128xf32> to vector<128x128xf32>
      %mul3A_581 = vector.broadcast %get3A_575 : f32 to vector<128x128xf32>
      %mul3A_582 = arith.mulf %mul3A_581, %get3A_580 : vector<128x128xf32>
      %add3A_583 = arith.addf %add3A_572, %mul3A_582 : vector<128x128xf32>
      %convert_element_type3A_584 = arith.truncf %add3A_583 : vector<128x128xf32> to vector<128x128xbf16>
      %swap3A_585 = arith.constant 2 : index
      %swap3A_586 = arith.constant 0 : index
      %swap3A_587 = arith.constant 128 : index
      %swap3A_588 = vector.load %arg6[%swap3A_585, %swap3A_586, %swap3A_587] : memref<8x128x256xbf16, #tpu.memory_space<vmem>>, vector<1x128x128xbf16>
      %swap3A_589 = vector.shape_cast %swap3A_588 : vector<1x128x128xbf16> to vector<128x128xbf16>
      %swap3A_590 = vector.shape_cast %convert_element_type3A_584 : vector<128x128xbf16> to vector<1x128x128xbf16>
      tpu.vector_store %arg6[%swap3A_585, %swap3A_586, %swap3A_587], %swap3A_590 {strides = array<i32>} : memref<8x128x256xbf16, #tpu.memory_space<vmem>>, vector<1x128x128xbf16>,
      %get3A_591 = arith.constant 6 : index
      %get3A_592 = arith.constant 0 : index
      %get3A_593 = memref.load %arg2[%get3A_591, %get3A_592] : memref<16x8xf32, #tpu.memory_space<smem>>
      %get3A_594 = arith.constant 0 : index
      %get3A_595 = arith.constant 0 : index
      %get3A_596 = arith.constant 0 : index
      %get3A_597 = vector.load %arg3[%get3A_594, %get3A_595, %get3A_596] : memref<8x128x128xf32, #tpu.memory_space<vmem>>, vector<1x128x128xf32>
      %get3A_598 = vector.shape_cast %get3A_597 : vector<1x128x128xf32> to vector<128x128xf32>
      %mul3A_599 = vector.broadcast %get3A_593 : f32 to vector<128x128xf32>
      %mul3A_600 = arith.mulf %mul3A_599, %get3A_598 : vector<128x128xf32>
      %get3A_601 = arith.constant 6 : index
      %get3A_602 = arith.constant 1 : index
      %get3A_603 = memref.load %arg2[%get3A_601, %get3A_602] : memref<16x8xf32, #tpu.memory_space<smem>>
      %get3A_604 = arith.constant 1 : index
      %get3A_605 = arith.constant 0 : index
      %get3A_606 = arith.constant 0 : index
      %get3A_607 = vector.load %arg3[%get3A_604, %get3A_605, %get3A_606] : memref<8x128x128xf32, #tpu.memory_space<vmem>>, vector<1x128x128xf32>
      %get3A_608 = vector.shape_cast %get3A_607 : vector<1x128x128xf32> to vector<128x128xf32>
      %mul3A_609 = vector.broadcast %get3A_603 : f32 to vector<128x128xf32>
      %mul3A_610 = arith.mulf %mul3A_609, %get3A_608 : vector<128x128xf32>
      %add3A_611 = arith.addf %mul3A_600, %mul3A_610 : vector<128x128xf32>
      %get3A_612 = arith.constant 6 : index
      %get3A_613 = arith.constant 2 : index
      %get3A_614 = memref.load %arg2[%get3A_612, %get3A_613] : memref<16x8xf32, #tpu.memory_space<smem>>
      %get3A_615 = arith.constant 2 : index
      %get3A_616 = arith.constant 0 : index
      %get3A_617 = arith.constant 0 : index
      %get3A_618 = vector.load %arg3[%get3A_615, %get3A_616, %get3A_617] : memref<8x128x128xf32, #tpu.memory_space<vmem>>, vector<1x128x128xf32>
      %get3A_619 = vector.shape_cast %get3A_618 : vector<1x128x128xf32> to vector<128x128xf32>
      %mul3A_620 = vector.broadcast %get3A_614 : f32 to vector<128x128xf32>
      %mul3A_621 = arith.mulf %mul3A_620, %get3A_619 : vector<128x128xf32>
      %add3A_622 = arith.addf %add3A_611, %mul3A_621 : vector<128x128xf32>
      %get3A_623 = arith.constant 6 : index
      %get3A_624 = arith.constant 3 : index
      %get3A_625 = memref.load %arg2[%get3A_623, %get3A_624] : memref<16x8xf32, #tpu.memory_space<smem>>
      %get3A_626 = arith.constant 3 : index
      %get3A_627 = arith.constant 0 : index
      %get3A_628 = arith.constant 0 : index
      %get3A_629 = vector.load %arg3[%get3A_626, %get3A_627, %get3A_628] : memref<8x128x128xf32, #tpu.memory_space<vmem>>, vector<1x128x128xf32>
      %get3A_630 = vector.shape_cast %get3A_629 : vector<1x128x128xf32> to vector<128x128xf32>
      %mul3A_631 = vector.broadcast %get3A_625 : f32 to vector<128x128xf32>
      %mul3A_632 = arith.mulf %mul3A_631, %get3A_630 : vector<128x128xf32>
      %add3A_633 = arith.addf %add3A_622, %mul3A_632 : vector<128x128xf32>
      %get3A_634 = arith.constant 6 : index
      %get3A_635 = arith.constant 4 : index
      %get3A_636 = memref.load %arg2[%get3A_634, %get3A_635] : memref<16x8xf32, #tpu.memory_space<smem>>
      %get3A_637 = arith.constant 4 : index
      %get3A_638 = arith.constant 0 : index
      %get3A_639 = arith.constant 0 : index
      %get3A_640 = vector.load %arg3[%get3A_637, %get3A_638, %get3A_639] : memref<8x128x128xf32, #tpu.memory_space<vmem>>, vector<1x128x128xf32>
      %get3A_641 = vector.shape_cast %get3A_640 : vector<1x128x128xf32> to vector<128x128xf32>
      %mul3A_642 = vector.broadcast %get3A_636 : f32 to vector<128x128xf32>
      %mul3A_643 = arith.mulf %mul3A_642, %get3A_641 : vector<128x128xf32>
      %add3A_644 = arith.addf %add3A_633, %mul3A_643 : vector<128x128xf32>
      %get3A_645 = arith.constant 6 : index
      %get3A_646 = arith.constant 5 : index
      %get3A_647 = memref.load %arg2[%get3A_645, %get3A_646] : memref<16x8xf32, #tpu.memory_space<smem>>
      %get3A_648 = arith.constant 5 : index
      %get3A_649 = arith.constant 0 : index
      %get3A_650 = arith.constant 0 : index
      %get3A_651 = vector.load %arg3[%get3A_648, %get3A_649, %get3A_650] : memref<8x128x128xf32, #tpu.memory_space<vmem>>, vector<1x128x128xf32>
      %get3A_652 = vector.shape_cast %get3A_651 : vector<1x128x128xf32> to vector<128x128xf32>
      %mul3A_653 = vector.broadcast %get3A_647 : f32 to vector<128x128xf32>
      %mul3A_654 = arith.mulf %mul3A_653, %get3A_652 : vector<128x128xf32>
      %add3A_655 = arith.addf %add3A_644, %mul3A_654 : vector<128x128xf32>
      %get3A_656 = arith.constant 6 : index
      %get3A_657 = arith.constant 6 : index
      %get3A_658 = memref.load %arg2[%get3A_656, %get3A_657] : memref<16x8xf32, #tpu.memory_space<smem>>
      %get3A_659 = arith.constant 6 : index
      %get3A_660 = arith.constant 0 : index
      %get3A_661 = arith.constant 0 : index
      %get3A_662 = vector.load %arg3[%get3A_659, %get3A_660, %get3A_661] : memref<8x128x128xf32, #tpu.memory_space<vmem>>, vector<1x128x128xf32>
      %get3A_663 = vector.shape_cast %get3A_662 : vector<1x128x128xf32> to vector<128x128xf32>
      %mul3A_664 = vector.broadcast %get3A_658 : f32 to vector<128x128xf32>
      %mul3A_665 = arith.mulf %mul3A_664, %get3A_663 : vector<128x128xf32>
      %add3A_666 = arith.addf %add3A_655, %mul3A_665 : vector<128x128xf32>
      %get3A_667 = arith.constant 6 : index
      %get3A_668 = arith.constant 7 : index
      %get3A_669 = memref.load %arg2[%get3A_667, %get3A_668] : memref<16x8xf32, #tpu.memory_space<smem>>
      %get3A_670 = arith.constant 7 : index
      %get3A_671 = arith.constant 0 : index
      %get3A_672 = arith.constant 0 : index
      %get3A_673 = vector.load %arg3[%get3A_670, %get3A_671, %get3A_672] : memref<8x128x128xf32, #tpu.memory_space<vmem>>, vector<1x128x128xf32>
      %get3A_674 = vector.shape_cast %get3A_673 : vector<1x128x128xf32> to vector<128x128xf32>
      %mul3A_675 = vector.broadcast %get3A_669 : f32 to vector<128x128xf32>
      %mul3A_676 = arith.mulf %mul3A_675, %get3A_674 : vector<128x128xf32>
      %add3A_677 = arith.addf %add3A_666, %mul3A_676 : vector<128x128xf32>
      %convert_element_type3A_678 = arith.truncf %add3A_677 : vector<128x128xf32> to vector<128x128xbf16>
      %swap3A_679 = arith.constant 3 : index
      %swap3A_680 = arith.constant 0 : index
      %swap3A_681 = arith.constant 0 : index
      %swap3A_682 = vector.load %arg6[%swap3A_679, %swap3A_680, %swap3A_681] : memref<8x128x256xbf16, #tpu.memory_space<vmem>>, vector<1x128x128xbf16>
      %swap3A_683 = vector.shape_cast %swap3A_682 : vector<1x128x128xbf16> to vector<128x128xbf16>
      %swap3A_684 = vector.shape_cast %convert_element_type3A_678 : vector<128x128xbf16> to vector<1x128x128xbf16>
      tpu.vector_store %arg6[%swap3A_679, %swap3A_680, %swap3A_681], %swap3A_684 {strides = array<i32>} : memref<8x128x256xbf16, #tpu.memory_space<vmem>>, vector<1x128x128xbf16>,
      %get3A_685 = arith.constant 7 : index
      %get3A_686 = arith.constant 0 : index
      %get3A_687 = memref.load %arg2[%get3A_685, %get3A_686] : memref<16x8xf32, #tpu.memory_space<smem>>
      %get3A_688 = arith.constant 0 : index
      %get3A_689 = arith.constant 0 : index
      %get3A_690 = arith.constant 0 : index
      %get3A_691 = vector.load %arg3[%get3A_688, %get3A_689, %get3A_690] : memref<8x128x128xf32, #tpu.memory_space<vmem>>, vector<1x128x128xf32>
      %get3A_692 = vector.shape_cast %get3A_691 : vector<1x128x128xf32> to vector<128x128xf32>
      %mul3A_693 = vector.broadcast %get3A_687 : f32 to vector<128x128xf32>
      %mul3A_694 = arith.mulf %mul3A_693, %get3A_692 : vector<128x128xf32>
      %get3A_695 = arith.constant 7 : index
      %get3A_696 = arith.constant 1 : index
      %get3A_697 = memref.load %arg2[%get3A_695, %get3A_696] : memref<16x8xf32, #tpu.memory_space<smem>>
      %get3A_698 = arith.constant 1 : index
      %get3A_699 = arith.constant 0 : index
      %get3A_700 = arith.constant 0 : index
      %get3A_701 = vector.load %arg3[%get3A_698, %get3A_699, %get3A_700] : memref<8x128x128xf32, #tpu.memory_space<vmem>>, vector<1x128x128xf32>
      %get3A_702 = vector.shape_cast %get3A_701 : vector<1x128x128xf32> to vector<128x128xf32>
      %mul3A_703 = vector.broadcast %get3A_697 : f32 to vector<128x128xf32>
      %mul3A_704 = arith.mulf %mul3A_703, %get3A_702 : vector<128x128xf32>
      %add3A_705 = arith.addf %mul3A_694, %mul3A_704 : vector<128x128xf32>
      %get3A_706 = arith.constant 7 : index
      %get3A_707 = arith.constant 2 : index
      %get3A_708 = memref.load %arg2[%get3A_706, %get3A_707] : memref<16x8xf32, #tpu.memory_space<smem>>
      %get3A_709 = arith.constant 2 : index
      %get3A_710 = arith.constant 0 : index
      %get3A_711 = arith.constant 0 : index
      %get3A_712 = vector.load %arg3[%get3A_709, %get3A_710, %get3A_711] : memref<8x128x128xf32, #tpu.memory_space<vmem>>, vector<1x128x128xf32>
      %get3A_713 = vector.shape_cast %get3A_712 : vector<1x128x128xf32> to vector<128x128xf32>
      %mul3A_714 = vector.broadcast %get3A_708 : f32 to vector<128x128xf32>
      %mul3A_715 = arith.mulf %mul3A_714, %get3A_713 : vector<128x128xf32>
      %add3A_716 = arith.addf %add3A_705, %mul3A_715 : vector<128x128xf32>
      %get3A_717 = arith.constant 7 : index
      %get3A_718 = arith.constant 3 : index
      %get3A_719 = memref.load %arg2[%get3A_717, %get3A_718] : memref<16x8xf32, #tpu.memory_space<smem>>
      %get3A_720 = arith.constant 3 : index
      %get3A_721 = arith.constant 0 : index
      %get3A_722 = arith.constant 0 : index
      %get3A_723 = vector.load %arg3[%get3A_720, %get3A_721, %get3A_722] : memref<8x128x128xf32, #tpu.memory_space<vmem>>, vector<1x128x128xf32>
      %get3A_724 = vector.shape_cast %get3A_723 : vector<1x128x128xf32> to vector<128x128xf32>
      %mul3A_725 = vector.broadcast %get3A_719 : f32 to vector<128x128xf32>
      %mul3A_726 = arith.mulf %mul3A_725, %get3A_724 : vector<128x128xf32>
      %add3A_727 = arith.addf %add3A_716, %mul3A_726 : vector<128x128xf32>
      %get3A_728 = arith.constant 7 : index
      %get3A_729 = arith.constant 4 : index
      %get3A_730 = memref.load %arg2[%get3A_728, %get3A_729] : memref<16x8xf32, #tpu.memory_space<smem>>
      %get3A_731 = arith.constant 4 : index
      %get3A_732 = arith.constant 0 : index
      %get3A_733 = arith.constant 0 : index
      %get3A_734 = vector.load %arg3[%get3A_731, %get3A_732, %get3A_733] : memref<8x128x128xf32, #tpu.memory_space<vmem>>, vector<1x128x128xf32>
      %get3A_735 = vector.shape_cast %get3A_734 : vector<1x128x128xf32> to vector<128x128xf32>
      %mul3A_736 = vector.broadcast %get3A_730 : f32 to vector<128x128xf32>
      %mul3A_737 = arith.mulf %mul3A_736, %get3A_735 : vector<128x128xf32>
      %add3A_738 = arith.addf %add3A_727, %mul3A_737 : vector<128x128xf32>
      %get3A_739 = arith.constant 7 : index
      %get3A_740 = arith.constant 5 : index
      %get3A_741 = memref.load %arg2[%get3A_739, %get3A_740] : memref<16x8xf32, #tpu.memory_space<smem>>
      %get3A_742 = arith.constant 5 : index
      %get3A_743 = arith.constant 0 : index
      %get3A_744 = arith.constant 0 : index
      %get3A_745 = vector.load %arg3[%get3A_742, %get3A_743, %get3A_744] : memref<8x128x128xf32, #tpu.memory_space<vmem>>, vector<1x128x128xf32>
      %get3A_746 = vector.shape_cast %get3A_745 : vector<1x128x128xf32> to vector<128x128xf32>
      %mul3A_747 = vector.broadcast %get3A_741 : f32 to vector<128x128xf32>
      %mul3A_748 = arith.mulf %mul3A_747, %get3A_746 : vector<128x128xf32>
      %add3A_749 = arith.addf %add3A_738, %mul3A_748 : vector<128x128xf32>
      %get3A_750 = arith.constant 7 : index
      %get3A_751 = arith.constant 6 : index
      %get3A_752 = memref.load %arg2[%get3A_750, %get3A_751] : memref<16x8xf32, #tpu.memory_space<smem>>
      %get3A_753 = arith.constant 6 : index
      %get3A_754 = arith.constant 0 : index
      %get3A_755 = arith.constant 0 : index
      %get3A_756 = vector.load %arg3[%get3A_753, %get3A_754, %get3A_755] : memref<8x128x128xf32, #tpu.memory_space<vmem>>, vector<1x128x128xf32>
      %get3A_757 = vector.shape_cast %get3A_756 : vector<1x128x128xf32> to vector<128x128xf32>
      %mul3A_758 = vector.broadcast %get3A_752 : f32 to vector<128x128xf32>
      %mul3A_759 = arith.mulf %mul3A_758, %get3A_757 : vector<128x128xf32>
      %add3A_760 = arith.addf %add3A_749, %mul3A_759 : vector<128x128xf32>
      %get3A_761 = arith.constant 7 : index
      %get3A_762 = arith.constant 7 : index
      %get3A_763 = memref.load %arg2[%get3A_761, %get3A_762] : memref<16x8xf32, #tpu.memory_space<smem>>
      %get3A_764 = arith.constant 7 : index
      %get3A_765 = arith.constant 0 : index
      %get3A_766 = arith.constant 0 : index
      %get3A_767 = vector.load %arg3[%get3A_764, %get3A_765, %get3A_766] : memref<8x128x128xf32, #tpu.memory_space<vmem>>, vector<1x128x128xf32>
      %get3A_768 = vector.shape_cast %get3A_767 : vector<1x128x128xf32> to vector<128x128xf32>
      %mul3A_769 = vector.broadcast %get3A_763 : f32 to vector<128x128xf32>
      %mul3A_770 = arith.mulf %mul3A_769, %get3A_768 : vector<128x128xf32>
      %add3A_771 = arith.addf %add3A_760, %mul3A_770 : vector<128x128xf32>
      %convert_element_type3A_772 = arith.truncf %add3A_771 : vector<128x128xf32> to vector<128x128xbf16>
      %swap3A_773 = arith.constant 3 : index
      %swap3A_774 = arith.constant 0 : index
      %swap3A_775 = arith.constant 128 : index
      %swap3A_776 = vector.load %arg6[%swap3A_773, %swap3A_774, %swap3A_775] : memref<8x128x256xbf16, #tpu.memory_space<vmem>>, vector<1x128x128xbf16>
      %swap3A_777 = vector.shape_cast %swap3A_776 : vector<1x128x128xbf16> to vector<128x128xbf16>
      %swap3A_778 = vector.shape_cast %convert_element_type3A_772 : vector<128x128xbf16> to vector<1x128x128xbf16>
      tpu.vector_store %arg6[%swap3A_773, %swap3A_774, %swap3A_775], %swap3A_778 {strides = array<i32>} : memref<8x128x256xbf16, #tpu.memory_space<vmem>>, vector<1x128x128xbf16>,
      %get3A_779 = arith.constant 8 : index
      %get3A_780 = arith.constant 0 : index
      %get3A_781 = memref.load %arg2[%get3A_779, %get3A_780] : memref<16x8xf32, #tpu.memory_space<smem>>
      %get3A_782 = arith.constant 0 : index
      %get3A_783 = arith.constant 0 : index
      %get3A_784 = arith.constant 0 : index
      %get3A_785 = vector.load %arg3[%get3A_782, %get3A_783, %get3A_784] : memref<8x128x128xf32, #tpu.memory_space<vmem>>, vector<1x128x128xf32>
      %get3A_786 = vector.shape_cast %get3A_785 : vector<1x128x128xf32> to vector<128x128xf32>
      %mul3A_787 = vector.broadcast %get3A_781 : f32 to vector<128x128xf32>
      %mul3A_788 = arith.mulf %mul3A_787, %get3A_786 : vector<128x128xf32>
      %get3A_789 = arith.constant 8 : index
      %get3A_790 = arith.constant 1 : index
      %get3A_791 = memref.load %arg2[%get3A_789, %get3A_790] : memref<16x8xf32, #tpu.memory_space<smem>>
      %get3A_792 = arith.constant 1 : index
      %get3A_793 = arith.constant 0 : index
      %get3A_794 = arith.constant 0 : index
      %get3A_795 = vector.load %arg3[%get3A_792, %get3A_793, %get3A_794] : memref<8x128x128xf32, #tpu.memory_space<vmem>>, vector<1x128x128xf32>
      %get3A_796 = vector.shape_cast %get3A_795 : vector<1x128x128xf32> to vector<128x128xf32>
      %mul3A_797 = vector.broadcast %get3A_791 : f32 to vector<128x128xf32>
      %mul3A_798 = arith.mulf %mul3A_797, %get3A_796 : vector<128x128xf32>
      %add3A_799 = arith.addf %mul3A_788, %mul3A_798 : vector<128x128xf32>
      %get3A_800 = arith.constant 8 : index
      %get3A_801 = arith.constant 2 : index
      %get3A_802 = memref.load %arg2[%get3A_800, %get3A_801] : memref<16x8xf32, #tpu.memory_space<smem>>
      %get3A_803 = arith.constant 2 : index
      %get3A_804 = arith.constant 0 : index
      %get3A_805 = arith.constant 0 : index
      %get3A_806 = vector.load %arg3[%get3A_803, %get3A_804, %get3A_805] : memref<8x128x128xf32, #tpu.memory_space<vmem>>, vector<1x128x128xf32>
      %get3A_807 = vector.shape_cast %get3A_806 : vector<1x128x128xf32> to vector<128x128xf32>
      %mul3A_808 = vector.broadcast %get3A_802 : f32 to vector<128x128xf32>
      %mul3A_809 = arith.mulf %mul3A_808, %get3A_807 : vector<128x128xf32>
      %add3A_810 = arith.addf %add3A_799, %mul3A_809 : vector<128x128xf32>
      %get3A_811 = arith.constant 8 : index
      %get3A_812 = arith.constant 3 : index
      %get3A_813 = memref.load %arg2[%get3A_811, %get3A_812] : memref<16x8xf32, #tpu.memory_space<smem>>
      %get3A_814 = arith.constant 3 : index
      %get3A_815 = arith.constant 0 : index
      %get3A_816 = arith.constant 0 : index
      %get3A_817 = vector.load %arg3[%get3A_814, %get3A_815, %get3A_816] : memref<8x128x128xf32, #tpu.memory_space<vmem>>, vector<1x128x128xf32>
      %get3A_818 = vector.shape_cast %get3A_817 : vector<1x128x128xf32> to vector<128x128xf32>
      %mul3A_819 = vector.broadcast %get3A_813 : f32 to vector<128x128xf32>
      %mul3A_820 = arith.mulf %mul3A_819, %get3A_818 : vector<128x128xf32>
      %add3A_821 = arith.addf %add3A_810, %mul3A_820 : vector<128x128xf32>
      %get3A_822 = arith.constant 8 : index
      %get3A_823 = arith.constant 4 : index
      %get3A_824 = memref.load %arg2[%get3A_822, %get3A_823] : memref<16x8xf32, #tpu.memory_space<smem>>
      %get3A_825 = arith.constant 4 : index
      %get3A_826 = arith.constant 0 : index
      %get3A_827 = arith.constant 0 : index
      %get3A_828 = vector.load %arg3[%get3A_825, %get3A_826, %get3A_827] : memref<8x128x128xf32, #tpu.memory_space<vmem>>, vector<1x128x128xf32>
      %get3A_829 = vector.shape_cast %get3A_828 : vector<1x128x128xf32> to vector<128x128xf32>
      %mul3A_830 = vector.broadcast %get3A_824 : f32 to vector<128x128xf32>
      %mul3A_831 = arith.mulf %mul3A_830, %get3A_829 : vector<128x128xf32>
      %add3A_832 = arith.addf %add3A_821, %mul3A_831 : vector<128x128xf32>
      %get3A_833 = arith.constant 8 : index
      %get3A_834 = arith.constant 5 : index
      %get3A_835 = memref.load %arg2[%get3A_833, %get3A_834] : memref<16x8xf32, #tpu.memory_space<smem>>
      %get3A_836 = arith.constant 5 : index
      %get3A_837 = arith.constant 0 : index
      %get3A_838 = arith.constant 0 : index
      %get3A_839 = vector.load %arg3[%get3A_836, %get3A_837, %get3A_838] : memref<8x128x128xf32, #tpu.memory_space<vmem>>, vector<1x128x128xf32>
      %get3A_840 = vector.shape_cast %get3A_839 : vector<1x128x128xf32> to vector<128x128xf32>
      %mul3A_841 = vector.broadcast %get3A_835 : f32 to vector<128x128xf32>
      %mul3A_842 = arith.mulf %mul3A_841, %get3A_840 : vector<128x128xf32>
      %add3A_843 = arith.addf %add3A_832, %mul3A_842 : vector<128x128xf32>
      %get3A_844 = arith.constant 8 : index
      %get3A_845 = arith.constant 6 : index
      %get3A_846 = memref.load %arg2[%get3A_844, %get3A_845] : memref<16x8xf32, #tpu.memory_space<smem>>
      %get3A_847 = arith.constant 6 : index
      %get3A_848 = arith.constant 0 : index
      %get3A_849 = arith.constant 0 : index
      %get3A_850 = vector.load %arg3[%get3A_847, %get3A_848, %get3A_849] : memref<8x128x128xf32, #tpu.memory_space<vmem>>, vector<1x128x128xf32>
      %get3A_851 = vector.shape_cast %get3A_850 : vector<1x128x128xf32> to vector<128x128xf32>
      %mul3A_852 = vector.broadcast %get3A_846 : f32 to vector<128x128xf32>
      %mul3A_853 = arith.mulf %mul3A_852, %get3A_851 : vector<128x128xf32>
      %add3A_854 = arith.addf %add3A_843, %mul3A_853 : vector<128x128xf32>
      %get3A_855 = arith.constant 8 : index
      %get3A_856 = arith.constant 7 : index
      %get3A_857 = memref.load %arg2[%get3A_855, %get3A_856] : memref<16x8xf32, #tpu.memory_space<smem>>
      %get3A_858 = arith.constant 7 : index
      %get3A_859 = arith.constant 0 : index
      %get3A_860 = arith.constant 0 : index
      %get3A_861 = vector.load %arg3[%get3A_858, %get3A_859, %get3A_860] : memref<8x128x128xf32, #tpu.memory_space<vmem>>, vector<1x128x128xf32>
      %get3A_862 = vector.shape_cast %get3A_861 : vector<1x128x128xf32> to vector<128x128xf32>
      %mul3A_863 = vector.broadcast %get3A_857 : f32 to vector<128x128xf32>
      %mul3A_864 = arith.mulf %mul3A_863, %get3A_862 : vector<128x128xf32>
      %add3A_865 = arith.addf %add3A_854, %mul3A_864 : vector<128x128xf32>
      %convert_element_type3A_866 = arith.truncf %add3A_865 : vector<128x128xf32> to vector<128x128xbf16>
      %swap3A_867 = arith.constant 4 : index
      %swap3A_868 = arith.constant 0 : index
      %swap3A_869 = arith.constant 0 : index
      %swap3A_870 = vector.load %arg6[%swap3A_867, %swap3A_868, %swap3A_869] : memref<8x128x256xbf16, #tpu.memory_space<vmem>>, vector<1x128x128xbf16>
      %swap3A_871 = vector.shape_cast %swap3A_870 : vector<1x128x128xbf16> to vector<128x128xbf16>
      %swap3A_872 = vector.shape_cast %convert_element_type3A_866 : vector<128x128xbf16> to vector<1x128x128xbf16>
      tpu.vector_store %arg6[%swap3A_867, %swap3A_868, %swap3A_869], %swap3A_872 {strides = array<i32>} : memref<8x128x256xbf16, #tpu.memory_space<vmem>>, vector<1x128x128xbf16>,
      %get3A_873 = arith.constant 9 : index
      %get3A_874 = arith.constant 0 : index
      %get3A_875 = memref.load %arg2[%get3A_873, %get3A_874] : memref<16x8xf32, #tpu.memory_space<smem>>
      %get3A_876 = arith.constant 0 : index
      %get3A_877 = arith.constant 0 : index
      %get3A_878 = arith.constant 0 : index
      %get3A_879 = vector.load %arg3[%get3A_876, %get3A_877, %get3A_878] : memref<8x128x128xf32, #tpu.memory_space<vmem>>, vector<1x128x128xf32>
      %get3A_880 = vector.shape_cast %get3A_879 : vector<1x128x128xf32> to vector<128x128xf32>
      %mul3A_881 = vector.broadcast %get3A_875 : f32 to vector<128x128xf32>
      %mul3A_882 = arith.mulf %mul3A_881, %get3A_880 : vector<128x128xf32>
      %get3A_883 = arith.constant 9 : index
      %get3A_884 = arith.constant 1 : index
      %get3A_885 = memref.load %arg2[%get3A_883, %get3A_884] : memref<16x8xf32, #tpu.memory_space<smem>>
      %get3A_886 = arith.constant 1 : index
      %get3A_887 = arith.constant 0 : index
      %get3A_888 = arith.constant 0 : index
      %get3A_889 = vector.load %arg3[%get3A_886, %get3A_887, %get3A_888] : memref<8x128x128xf32, #tpu.memory_space<vmem>>, vector<1x128x128xf32>
      %get3A_890 = vector.shape_cast %get3A_889 : vector<1x128x128xf32> to vector<128x128xf32>
      %mul3A_891 = vector.broadcast %get3A_885 : f32 to vector<128x128xf32>
      %mul3A_892 = arith.mulf %mul3A_891, %get3A_890 : vector<128x128xf32>
      %add3A_893 = arith.addf %mul3A_882, %mul3A_892 : vector<128x128xf32>
      %get3A_894 = arith.constant 9 : index
      %get3A_895 = arith.constant 2 : index
      %get3A_896 = memref.load %arg2[%get3A_894, %get3A_895] : memref<16x8xf32, #tpu.memory_space<smem>>
      %get3A_897 = arith.constant 2 : index
      %get3A_898 = arith.constant 0 : index
      %get3A_899 = arith.constant 0 : index
      %get3A_900 = vector.load %arg3[%get3A_897, %get3A_898, %get3A_899] : memref<8x128x128xf32, #tpu.memory_space<vmem>>, vector<1x128x128xf32>
      %get3A_901 = vector.shape_cast %get3A_900 : vector<1x128x128xf32> to vector<128x128xf32>
      %mul3A_902 = vector.broadcast %get3A_896 : f32 to vector<128x128xf32>
      %mul3A_903 = arith.mulf %mul3A_902, %get3A_901 : vector<128x128xf32>
      %add3A_904 = arith.addf %add3A_893, %mul3A_903 : vector<128x128xf32>
      %get3A_905 = arith.constant 9 : index
      %get3A_906 = arith.constant 3 : index
      %get3A_907 = memref.load %arg2[%get3A_905, %get3A_906] : memref<16x8xf32, #tpu.memory_space<smem>>
      %get3A_908 = arith.constant 3 : index
      %get3A_909 = arith.constant 0 : index
      %get3A_910 = arith.constant 0 : index
      %get3A_911 = vector.load %arg3[%get3A_908, %get3A_909, %get3A_910] : memref<8x128x128xf32, #tpu.memory_space<vmem>>, vector<1x128x128xf32>
      %get3A_912 = vector.shape_cast %get3A_911 : vector<1x128x128xf32> to vector<128x128xf32>
      %mul3A_913 = vector.broadcast %get3A_907 : f32 to vector<128x128xf32>
      %mul3A_914 = arith.mulf %mul3A_913, %get3A_912 : vector<128x128xf32>
      %add3A_915 = arith.addf %add3A_904, %mul3A_914 : vector<128x128xf32>
      %get3A_916 = arith.constant 9 : index
      %get3A_917 = arith.constant 4 : index
      %get3A_918 = memref.load %arg2[%get3A_916, %get3A_917] : memref<16x8xf32, #tpu.memory_space<smem>>
      %get3A_919 = arith.constant 4 : index
      %get3A_920 = arith.constant 0 : index
      %get3A_921 = arith.constant 0 : index
      %get3A_922 = vector.load %arg3[%get3A_919, %get3A_920, %get3A_921] : memref<8x128x128xf32, #tpu.memory_space<vmem>>, vector<1x128x128xf32>
      %get3A_923 = vector.shape_cast %get3A_922 : vector<1x128x128xf32> to vector<128x128xf32>
      %mul3A_924 = vector.broadcast %get3A_918 : f32 to vector<128x128xf32>
      %mul3A_925 = arith.mulf %mul3A_924, %get3A_923 : vector<128x128xf32>
      %add3A_926 = arith.addf %add3A_915, %mul3A_925 : vector<128x128xf32>
      %get3A_927 = arith.constant 9 : index
      %get3A_928 = arith.constant 5 : index
      %get3A_929 = memref.load %arg2[%get3A_927, %get3A_928] : memref<16x8xf32, #tpu.memory_space<smem>>
      %get3A_930 = arith.constant 5 : index
      %get3A_931 = arith.constant 0 : index
      %get3A_932 = arith.constant 0 : index
      %get3A_933 = vector.load %arg3[%get3A_930, %get3A_931, %get3A_932] : memref<8x128x128xf32, #tpu.memory_space<vmem>>, vector<1x128x128xf32>
      %get3A_934 = vector.shape_cast %get3A_933 : vector<1x128x128xf32> to vector<128x128xf32>
      %mul3A_935 = vector.broadcast %get3A_929 : f32 to vector<128x128xf32>
      %mul3A_936 = arith.mulf %mul3A_935, %get3A_934 : vector<128x128xf32>
      %add3A_937 = arith.addf %add3A_926, %mul3A_936 : vector<128x128xf32>
      %get3A_938 = arith.constant 9 : index
      %get3A_939 = arith.constant 6 : index
      %get3A_940 = memref.load %arg2[%get3A_938, %get3A_939] : memref<16x8xf32, #tpu.memory_space<smem>>
      %get3A_941 = arith.constant 6 : index
      %get3A_942 = arith.constant 0 : index
      %get3A_943 = arith.constant 0 : index
      %get3A_944 = vector.load %arg3[%get3A_941, %get3A_942, %get3A_943] : memref<8x128x128xf32, #tpu.memory_space<vmem>>, vector<1x128x128xf32>
      %get3A_945 = vector.shape_cast %get3A_944 : vector<1x128x128xf32> to vector<128x128xf32>
      %mul3A_946 = vector.broadcast %get3A_940 : f32 to vector<128x128xf32>
      %mul3A_947 = arith.mulf %mul3A_946, %get3A_945 : vector<128x128xf32>
      %add3A_948 = arith.addf %add3A_937, %mul3A_947 : vector<128x128xf32>
      %get3A_949 = arith.constant 9 : index
      %get3A_950 = arith.constant 7 : index
      %get3A_951 = memref.load %arg2[%get3A_949, %get3A_950] : memref<16x8xf32, #tpu.memory_space<smem>>
      %get3A_952 = arith.constant 7 : index
      %get3A_953 = arith.constant 0 : index
      %get3A_954 = arith.constant 0 : index
      %get3A_955 = vector.load %arg3[%get3A_952, %get3A_953, %get3A_954] : memref<8x128x128xf32, #tpu.memory_space<vmem>>, vector<1x128x128xf32>
      %get3A_956 = vector.shape_cast %get3A_955 : vector<1x128x128xf32> to vector<128x128xf32>
      %mul3A_957 = vector.broadcast %get3A_951 : f32 to vector<128x128xf32>
      %mul3A_958 = arith.mulf %mul3A_957, %get3A_956 : vector<128x128xf32>
      %add3A_959 = arith.addf %add3A_948, %mul3A_958 : vector<128x128xf32>
      %convert_element_type3A_960 = arith.truncf %add3A_959 : vector<128x128xf32> to vector<128x128xbf16>
      %swap3A_961 = arith.constant 4 : index
      %swap3A_962 = arith.constant 0 : index
      %swap3A_963 = arith.constant 128 : index
      %swap3A_964 = vector.load %arg6[%swap3A_961, %swap3A_962, %swap3A_963] : memref<8x128x256xbf16, #tpu.memory_space<vmem>>, vector<1x128x128xbf16>
      %swap3A_965 = vector.shape_cast %swap3A_964 : vector<1x128x128xbf16> to vector<128x128xbf16>
      %swap3A_966 = vector.shape_cast %convert_element_type3A_960 : vector<128x128xbf16> to vector<1x128x128xbf16>
      tpu.vector_store %arg6[%swap3A_961, %swap3A_962, %swap3A_963], %swap3A_966 {strides = array<i32>} : memref<8x128x256xbf16, #tpu.memory_space<vmem>>, vector<1x128x128xbf16>,
      %get3A_967 = arith.constant 10 : index
      %get3A_968 = arith.constant 0 : index
      %get3A_969 = memref.load %arg2[%get3A_967, %get3A_968] : memref<16x8xf32, #tpu.memory_space<smem>>
      %get3A_970 = arith.constant 0 : index
      %get3A_971 = arith.constant 0 : index
      %get3A_972 = arith.constant 0 : index
      %get3A_973 = vector.load %arg3[%get3A_970, %get3A_971, %get3A_972] : memref<8x128x128xf32, #tpu.memory_space<vmem>>, vector<1x128x128xf32>
      %get3A_974 = vector.shape_cast %get3A_973 : vector<1x128x128xf32> to vector<128x128xf32>
      %mul3A_975 = vector.broadcast %get3A_969 : f32 to vector<128x128xf32>
      %mul3A_976 = arith.mulf %mul3A_975, %get3A_974 : vector<128x128xf32>
      %get3A_977 = arith.constant 10 : index
      %get3A_978 = arith.constant 1 : index
      %get3A_979 = memref.load %arg2[%get3A_977, %get3A_978] : memref<16x8xf32, #tpu.memory_space<smem>>
      %get3A_980 = arith.constant 1 : index
      %get3A_981 = arith.constant 0 : index
      %get3A_982 = arith.constant 0 : index
      %get3A_983 = vector.load %arg3[%get3A_980, %get3A_981, %get3A_982] : memref<8x128x128xf32, #tpu.memory_space<vmem>>, vector<1x128x128xf32>
      %get3A_984 = vector.shape_cast %get3A_983 : vector<1x128x128xf32> to vector<128x128xf32>
      %mul3A_985 = vector.broadcast %get3A_979 : f32 to vector<128x128xf32>
      %mul3A_986 = arith.mulf %mul3A_985, %get3A_984 : vector<128x128xf32>
      %add3A_987 = arith.addf %mul3A_976, %mul3A_986 : vector<128x128xf32>
      %get3A_988 = arith.constant 10 : index
      %get3A_989 = arith.constant 2 : index
      %get3A_990 = memref.load %arg2[%get3A_988, %get3A_989] : memref<16x8xf32, #tpu.memory_space<smem>>
      %get3A_991 = arith.constant 2 : index
      %get3A_992 = arith.constant 0 : index
      %get3A_993 = arith.constant 0 : index
      %get3A_994 = vector.load %arg3[%get3A_991, %get3A_992, %get3A_993] : memref<8x128x128xf32, #tpu.memory_space<vmem>>, vector<1x128x128xf32>
      %get3A_995 = vector.shape_cast %get3A_994 : vector<1x128x128xf32> to vector<128x128xf32>
      %mul3A_996 = vector.broadcast %get3A_990 : f32 to vector<128x128xf32>
      %mul3A_997 = arith.mulf %mul3A_996, %get3A_995 : vector<128x128xf32>
      %add3A_998 = arith.addf %add3A_987, %mul3A_997 : vector<128x128xf32>
      %get3A_999 = arith.constant 10 : index
      %get3A_1000 = arith.constant 3 : index
      %get3A_1001 = memref.load %arg2[%get3A_999, %get3A_1000] : memref<16x8xf32, #tpu.memory_space<smem>>
      %get3A_1002 = arith.constant 3 : index
      %get3A_1003 = arith.constant 0 : index
      %get3A_1004 = arith.constant 0 : index
      %get3A_1005 = vector.load %arg3[%get3A_1002, %get3A_1003, %get3A_1004] : memref<8x128x128xf32, #tpu.memory_space<vmem>>, vector<1x128x128xf32>
      %get3A_1006 = vector.shape_cast %get3A_1005 : vector<1x128x128xf32> to vector<128x128xf32>
      %mul3A_1007 = vector.broadcast %get3A_1001 : f32 to vector<128x128xf32>
      %mul3A_1008 = arith.mulf %mul3A_1007, %get3A_1006 : vector<128x128xf32>
      %add3A_1009 = arith.addf %add3A_998, %mul3A_1008 : vector<128x128xf32>
      %get3A_1010 = arith.constant 10 : index
      %get3A_1011 = arith.constant 4 : index
      %get3A_1012 = memref.load %arg2[%get3A_1010, %get3A_1011] : memref<16x8xf32, #tpu.memory_space<smem>>
      %get3A_1013 = arith.constant 4 : index
      %get3A_1014 = arith.constant 0 : index
      %get3A_1015 = arith.constant 0 : index
      %get3A_1016 = vector.load %arg3[%get3A_1013, %get3A_1014, %get3A_1015] : memref<8x128x128xf32, #tpu.memory_space<vmem>>, vector<1x128x128xf32>
      %get3A_1017 = vector.shape_cast %get3A_1016 : vector<1x128x128xf32> to vector<128x128xf32>
      %mul3A_1018 = vector.broadcast %get3A_1012 : f32 to vector<128x128xf32>
      %mul3A_1019 = arith.mulf %mul3A_1018, %get3A_1017 : vector<128x128xf32>
      %add3A_1020 = arith.addf %add3A_1009, %mul3A_1019 : vector<128x128xf32>
      %get3A_1021 = arith.constant 10 : index
      %get3A_1022 = arith.constant 5 : index
      %get3A_1023 = memref.load %arg2[%get3A_1021, %get3A_1022] : memref<16x8xf32, #tpu.memory_space<smem>>
      %get3A_1024 = arith.constant 5 : index
      %get3A_1025 = arith.constant 0 : index
      %get3A_1026 = arith.constant 0 : index
      %get3A_1027 = vector.load %arg3[%get3A_1024, %get3A_1025, %get3A_1026] : memref<8x128x128xf32, #tpu.memory_space<vmem>>, vector<1x128x128xf32>
      %get3A_1028 = vector.shape_cast %get3A_1027 : vector<1x128x128xf32> to vector<128x128xf32>
      %mul3A_1029 = vector.broadcast %get3A_1023 : f32 to vector<128x128xf32>
      %mul3A_1030 = arith.mulf %mul3A_1029, %get3A_1028 : vector<128x128xf32>
      %add3A_1031 = arith.addf %add3A_1020, %mul3A_1030 : vector<128x128xf32>
      %get3A_1032 = arith.constant 10 : index
      %get3A_1033 = arith.constant 6 : index
      %get3A_1034 = memref.load %arg2[%get3A_1032, %get3A_1033] : memref<16x8xf32, #tpu.memory_space<smem>>
      %get3A_1035 = arith.constant 6 : index
      %get3A_1036 = arith.constant 0 : index
      %get3A_1037 = arith.constant 0 : index
      %get3A_1038 = vector.load %arg3[%get3A_1035, %get3A_1036, %get3A_1037] : memref<8x128x128xf32, #tpu.memory_space<vmem>>, vector<1x128x128xf32>
      %get3A_1039 = vector.shape_cast %get3A_1038 : vector<1x128x128xf32> to vector<128x128xf32>
      %mul3A_1040 = vector.broadcast %get3A_1034 : f32 to vector<128x128xf32>
      %mul3A_1041 = arith.mulf %mul3A_1040, %get3A_1039 : vector<128x128xf32>
      %add3A_1042 = arith.addf %add3A_1031, %mul3A_1041 : vector<128x128xf32>
      %get3A_1043 = arith.constant 10 : index
      %get3A_1044 = arith.constant 7 : index
      %get3A_1045 = memref.load %arg2[%get3A_1043, %get3A_1044] : memref<16x8xf32, #tpu.memory_space<smem>>
      %get3A_1046 = arith.constant 7 : index
      %get3A_1047 = arith.constant 0 : index
      %get3A_1048 = arith.constant 0 : index
      %get3A_1049 = vector.load %arg3[%get3A_1046, %get3A_1047, %get3A_1048] : memref<8x128x128xf32, #tpu.memory_space<vmem>>, vector<1x128x128xf32>
      %get3A_1050 = vector.shape_cast %get3A_1049 : vector<1x128x128xf32> to vector<128x128xf32>
      %mul3A_1051 = vector.broadcast %get3A_1045 : f32 to vector<128x128xf32>
      %mul3A_1052 = arith.mulf %mul3A_1051, %get3A_1050 : vector<128x128xf32>
      %add3A_1053 = arith.addf %add3A_1042, %mul3A_1052 : vector<128x128xf32>
      %convert_element_type3A_1054 = arith.truncf %add3A_1053 : vector<128x128xf32> to vector<128x128xbf16>
      %swap3A_1055 = arith.constant 5 : index
      %swap3A_1056 = arith.constant 0 : index
      %swap3A_1057 = arith.constant 0 : index
      %swap3A_1058 = vector.load %arg6[%swap3A_1055, %swap3A_1056, %swap3A_1057] : memref<8x128x256xbf16, #tpu.memory_space<vmem>>, vector<1x128x128xbf16>
      %swap3A_1059 = vector.shape_cast %swap3A_1058 : vector<1x128x128xbf16> to vector<128x128xbf16>
      %swap3A_1060 = vector.shape_cast %convert_element_type3A_1054 : vector<128x128xbf16> to vector<1x128x128xbf16>
      tpu.vector_store %arg6[%swap3A_1055, %swap3A_1056, %swap3A_1057], %swap3A_1060 {strides = array<i32>} : memref<8x128x256xbf16, #tpu.memory_space<vmem>>, vector<1x128x128xbf16>,
      %get3A_1061 = arith.constant 11 : index
      %get3A_1062 = arith.constant 0 : index
      %get3A_1063 = memref.load %arg2[%get3A_1061, %get3A_1062] : memref<16x8xf32, #tpu.memory_space<smem>>
      %get3A_1064 = arith.constant 0 : index
      %get3A_1065 = arith.constant 0 : index
      %get3A_1066 = arith.constant 0 : index
      %get3A_1067 = vector.load %arg3[%get3A_1064, %get3A_1065, %get3A_1066] : memref<8x128x128xf32, #tpu.memory_space<vmem>>, vector<1x128x128xf32>
      %get3A_1068 = vector.shape_cast %get3A_1067 : vector<1x128x128xf32> to vector<128x128xf32>
      %mul3A_1069 = vector.broadcast %get3A_1063 : f32 to vector<128x128xf32>
      %mul3A_1070 = arith.mulf %mul3A_1069, %get3A_1068 : vector<128x128xf32>
      %get3A_1071 = arith.constant 11 : index
      %get3A_1072 = arith.constant 1 : index
      %get3A_1073 = memref.load %arg2[%get3A_1071, %get3A_1072] : memref<16x8xf32, #tpu.memory_space<smem>>
      %get3A_1074 = arith.constant 1 : index
      %get3A_1075 = arith.constant 0 : index
      %get3A_1076 = arith.constant 0 : index
      %get3A_1077 = vector.load %arg3[%get3A_1074, %get3A_1075, %get3A_1076] : memref<8x128x128xf32, #tpu.memory_space<vmem>>, vector<1x128x128xf32>
      %get3A_1078 = vector.shape_cast %get3A_1077 : vector<1x128x128xf32> to vector<128x128xf32>
      %mul3A_1079 = vector.broadcast %get3A_1073 : f32 to vector<128x128xf32>
      %mul3A_1080 = arith.mulf %mul3A_1079, %get3A_1078 : vector<128x128xf32>
      %add3A_1081 = arith.addf %mul3A_1070, %mul3A_1080 : vector<128x128xf32>
      %get3A_1082 = arith.constant 11 : index
      %get3A_1083 = arith.constant 2 : index
      %get3A_1084 = memref.load %arg2[%get3A_1082, %get3A_1083] : memref<16x8xf32, #tpu.memory_space<smem>>
      %get3A_1085 = arith.constant 2 : index
      %get3A_1086 = arith.constant 0 : index
      %get3A_1087 = arith.constant 0 : index
      %get3A_1088 = vector.load %arg3[%get3A_1085, %get3A_1086, %get3A_1087] : memref<8x128x128xf32, #tpu.memory_space<vmem>>, vector<1x128x128xf32>
      %get3A_1089 = vector.shape_cast %get3A_1088 : vector<1x128x128xf32> to vector<128x128xf32>
      %mul3A_1090 = vector.broadcast %get3A_1084 : f32 to vector<128x128xf32>
      %mul3A_1091 = arith.mulf %mul3A_1090, %get3A_1089 : vector<128x128xf32>
      %add3A_1092 = arith.addf %add3A_1081, %mul3A_1091 : vector<128x128xf32>
      %get3A_1093 = arith.constant 11 : index
      %get3A_1094 = arith.constant 3 : index
      %get3A_1095 = memref.load %arg2[%get3A_1093, %get3A_1094] : memref<16x8xf32, #tpu.memory_space<smem>>
      %get3A_1096 = arith.constant 3 : index
      %get3A_1097 = arith.constant 0 : index
      %get3A_1098 = arith.constant 0 : index
      %get3A_1099 = vector.load %arg3[%get3A_1096, %get3A_1097, %get3A_1098] : memref<8x128x128xf32, #tpu.memory_space<vmem>>, vector<1x128x128xf32>
      %get3A_1100 = vector.shape_cast %get3A_1099 : vector<1x128x128xf32> to vector<128x128xf32>
      %mul3A_1101 = vector.broadcast %get3A_1095 : f32 to vector<128x128xf32>
      %mul3A_1102 = arith.mulf %mul3A_1101, %get3A_1100 : vector<128x128xf32>
      %add3A_1103 = arith.addf %add3A_1092, %mul3A_1102 : vector<128x128xf32>
      %get3A_1104 = arith.constant 11 : index
      %get3A_1105 = arith.constant 4 : index
      %get3A_1106 = memref.load %arg2[%get3A_1104, %get3A_1105] : memref<16x8xf32, #tpu.memory_space<smem>>
      %get3A_1107 = arith.constant 4 : index
      %get3A_1108 = arith.constant 0 : index
      %get3A_1109 = arith.constant 0 : index
      %get3A_1110 = vector.load %arg3[%get3A_1107, %get3A_1108, %get3A_1109] : memref<8x128x128xf32, #tpu.memory_space<vmem>>, vector<1x128x128xf32>
      %get3A_1111 = vector.shape_cast %get3A_1110 : vector<1x128x128xf32> to vector<128x128xf32>
      %mul3A_1112 = vector.broadcast %get3A_1106 : f32 to vector<128x128xf32>
      %mul3A_1113 = arith.mulf %mul3A_1112, %get3A_1111 : vector<128x128xf32>
      %add3A_1114 = arith.addf %add3A_1103, %mul3A_1113 : vector<128x128xf32>
      %get3A_1115 = arith.constant 11 : index
      %get3A_1116 = arith.constant 5 : index
      %get3A_1117 = memref.load %arg2[%get3A_1115, %get3A_1116] : memref<16x8xf32, #tpu.memory_space<smem>>
      %get3A_1118 = arith.constant 5 : index
      %get3A_1119 = arith.constant 0 : index
      %get3A_1120 = arith.constant 0 : index
      %get3A_1121 = vector.load %arg3[%get3A_1118, %get3A_1119, %get3A_1120] : memref<8x128x128xf32, #tpu.memory_space<vmem>>, vector<1x128x128xf32>
      %get3A_1122 = vector.shape_cast %get3A_1121 : vector<1x128x128xf32> to vector<128x128xf32>
      %mul3A_1123 = vector.broadcast %get3A_1117 : f32 to vector<128x128xf32>
      %mul3A_1124 = arith.mulf %mul3A_1123, %get3A_1122 : vector<128x128xf32>
      %add3A_1125 = arith.addf %add3A_1114, %mul3A_1124 : vector<128x128xf32>
      %get3A_1126 = arith.constant 11 : index
      %get3A_1127 = arith.constant 6 : index
      %get3A_1128 = memref.load %arg2[%get3A_1126, %get3A_1127] : memref<16x8xf32, #tpu.memory_space<smem>>
      %get3A_1129 = arith.constant 6 : index
      %get3A_1130 = arith.constant 0 : index
      %get3A_1131 = arith.constant 0 : index
      %get3A_1132 = vector.load %arg3[%get3A_1129, %get3A_1130, %get3A_1131] : memref<8x128x128xf32, #tpu.memory_space<vmem>>, vector<1x128x128xf32>
      %get3A_1133 = vector.shape_cast %get3A_1132 : vector<1x128x128xf32> to vector<128x128xf32>
      %mul3A_1134 = vector.broadcast %get3A_1128 : f32 to vector<128x128xf32>
      %mul3A_1135 = arith.mulf %mul3A_1134, %get3A_1133 : vector<128x128xf32>
      %add3A_1136 = arith.addf %add3A_1125, %mul3A_1135 : vector<128x128xf32>
      %get3A_1137 = arith.constant 11 : index
      %get3A_1138 = arith.constant 7 : index
      %get3A_1139 = memref.load %arg2[%get3A_1137, %get3A_1138] : memref<16x8xf32, #tpu.memory_space<smem>>
      %get3A_1140 = arith.constant 7 : index
      %get3A_1141 = arith.constant 0 : index
      %get3A_1142 = arith.constant 0 : index
      %get3A_1143 = vector.load %arg3[%get3A_1140, %get3A_1141, %get3A_1142] : memref<8x128x128xf32, #tpu.memory_space<vmem>>, vector<1x128x128xf32>
      %get3A_1144 = vector.shape_cast %get3A_1143 : vector<1x128x128xf32> to vector<128x128xf32>
      %mul3A_1145 = vector.broadcast %get3A_1139 : f32 to vector<128x128xf32>
      %mul3A_1146 = arith.mulf %mul3A_1145, %get3A_1144 : vector<128x128xf32>
      %add3A_1147 = arith.addf %add3A_1136, %mul3A_1146 : vector<128x128xf32>
      %convert_element_type3A_1148 = arith.truncf %add3A_1147 : vector<128x128xf32> to vector<128x128xbf16>
      %swap3A_1149 = arith.constant 5 : index
      %swap3A_1150 = arith.constant 0 : index
      %swap3A_1151 = arith.constant 128 : index
      %swap3A_1152 = vector.load %arg6[%swap3A_1149, %swap3A_1150, %swap3A_1151] : memref<8x128x256xbf16, #tpu.memory_space<vmem>>, vector<1x128x128xbf16>
      %swap3A_1153 = vector.shape_cast %swap3A_1152 : vector<1x128x128xbf16> to vector<128x128xbf16>
      %swap3A_1154 = vector.shape_cast %convert_element_type3A_1148 : vector<128x128xbf16> to vector<1x128x128xbf16>
      tpu.vector_store %arg6[%swap3A_1149, %swap3A_1150, %swap3A_1151], %swap3A_1154 {strides = array<i32>} : memref<8x128x256xbf16, #tpu.memory_space<vmem>>, vector<1x128x128xbf16>,
      %get3A_1155 = arith.constant 12 : index
      %get3A_1156 = arith.constant 0 : index
      %get3A_1157 = memref.load %arg2[%get3A_1155, %get3A_1156] : memref<16x8xf32, #tpu.memory_space<smem>>
      %get3A_1158 = arith.constant 0 : index
      %get3A_1159 = arith.constant 0 : index
      %get3A_1160 = arith.constant 0 : index
      %get3A_1161 = vector.load %arg3[%get3A_1158, %get3A_1159, %get3A_1160] : memref<8x128x128xf32, #tpu.memory_space<vmem>>, vector<1x128x128xf32>
      %get3A_1162 = vector.shape_cast %get3A_1161 : vector<1x128x128xf32> to vector<128x128xf32>
      %mul3A_1163 = vector.broadcast %get3A_1157 : f32 to vector<128x128xf32>
      %mul3A_1164 = arith.mulf %mul3A_1163, %get3A_1162 : vector<128x128xf32>
      %get3A_1165 = arith.constant 12 : index
      %get3A_1166 = arith.constant 1 : index
      %get3A_1167 = memref.load %arg2[%get3A_1165, %get3A_1166] : memref<16x8xf32, #tpu.memory_space<smem>>
      %get3A_1168 = arith.constant 1 : index
      %get3A_1169 = arith.constant 0 : index
      %get3A_1170 = arith.constant 0 : index
      %get3A_1171 = vector.load %arg3[%get3A_1168, %get3A_1169, %get3A_1170] : memref<8x128x128xf32, #tpu.memory_space<vmem>>, vector<1x128x128xf32>
      %get3A_1172 = vector.shape_cast %get3A_1171 : vector<1x128x128xf32> to vector<128x128xf32>
      %mul3A_1173 = vector.broadcast %get3A_1167 : f32 to vector<128x128xf32>
      %mul3A_1174 = arith.mulf %mul3A_1173, %get3A_1172 : vector<128x128xf32>
      %add3A_1175 = arith.addf %mul3A_1164, %mul3A_1174 : vector<128x128xf32>
      %get3A_1176 = arith.constant 12 : index
      %get3A_1177 = arith.constant 2 : index
      %get3A_1178 = memref.load %arg2[%get3A_1176, %get3A_1177] : memref<16x8xf32, #tpu.memory_space<smem>>
      %get3A_1179 = arith.constant 2 : index
      %get3A_1180 = arith.constant 0 : index
      %get3A_1181 = arith.constant 0 : index
      %get3A_1182 = vector.load %arg3[%get3A_1179, %get3A_1180, %get3A_1181] : memref<8x128x128xf32, #tpu.memory_space<vmem>>, vector<1x128x128xf32>
      %get3A_1183 = vector.shape_cast %get3A_1182 : vector<1x128x128xf32> to vector<128x128xf32>
      %mul3A_1184 = vector.broadcast %get3A_1178 : f32 to vector<128x128xf32>
      %mul3A_1185 = arith.mulf %mul3A_1184, %get3A_1183 : vector<128x128xf32>
      %add3A_1186 = arith.addf %add3A_1175, %mul3A_1185 : vector<128x128xf32>
      %get3A_1187 = arith.constant 12 : index
      %get3A_1188 = arith.constant 3 : index
      %get3A_1189 = memref.load %arg2[%get3A_1187, %get3A_1188] : memref<16x8xf32, #tpu.memory_space<smem>>
      %get3A_1190 = arith.constant 3 : index
      %get3A_1191 = arith.constant 0 : index
      %get3A_1192 = arith.constant 0 : index
      %get3A_1193 = vector.load %arg3[%get3A_1190, %get3A_1191, %get3A_1192] : memref<8x128x128xf32, #tpu.memory_space<vmem>>, vector<1x128x128xf32>
      %get3A_1194 = vector.shape_cast %get3A_1193 : vector<1x128x128xf32> to vector<128x128xf32>
      %mul3A_1195 = vector.broadcast %get3A_1189 : f32 to vector<128x128xf32>
      %mul3A_1196 = arith.mulf %mul3A_1195, %get3A_1194 : vector<128x128xf32>
      %add3A_1197 = arith.addf %add3A_1186, %mul3A_1196 : vector<128x128xf32>
      %get3A_1198 = arith.constant 12 : index
      %get3A_1199 = arith.constant 4 : index
      %get3A_1200 = memref.load %arg2[%get3A_1198, %get3A_1199] : memref<16x8xf32, #tpu.memory_space<smem>>
      %get3A_1201 = arith.constant 4 : index
      %get3A_1202 = arith.constant 0 : index
      %get3A_1203 = arith.constant 0 : index
      %get3A_1204 = vector.load %arg3[%get3A_1201, %get3A_1202, %get3A_1203] : memref<8x128x128xf32, #tpu.memory_space<vmem>>, vector<1x128x128xf32>
      %get3A_1205 = vector.shape_cast %get3A_1204 : vector<1x128x128xf32> to vector<128x128xf32>
      %mul3A_1206 = vector.broadcast %get3A_1200 : f32 to vector<128x128xf32>
      %mul3A_1207 = arith.mulf %mul3A_1206, %get3A_1205 : vector<128x128xf32>
      %add3A_1208 = arith.addf %add3A_1197, %mul3A_1207 : vector<128x128xf32>
      %get3A_1209 = arith.constant 12 : index
      %get3A_1210 = arith.constant 5 : index
      %get3A_1211 = memref.load %arg2[%get3A_1209, %get3A_1210] : memref<16x8xf32, #tpu.memory_space<smem>>
      %get3A_1212 = arith.constant 5 : index
      %get3A_1213 = arith.constant 0 : index
      %get3A_1214 = arith.constant 0 : index
      %get3A_1215 = vector.load %arg3[%get3A_1212, %get3A_1213, %get3A_1214] : memref<8x128x128xf32, #tpu.memory_space<vmem>>, vector<1x128x128xf32>
      %get3A_1216 = vector.shape_cast %get3A_1215 : vector<1x128x128xf32> to vector<128x128xf32>
      %mul3A_1217 = vector.broadcast %get3A_1211 : f32 to vector<128x128xf32>
      %mul3A_1218 = arith.mulf %mul3A_1217, %get3A_1216 : vector<128x128xf32>
      %add3A_1219 = arith.addf %add3A_1208, %mul3A_1218 : vector<128x128xf32>
      %get3A_1220 = arith.constant 12 : index
      %get3A_1221 = arith.constant 6 : index
      %get3A_1222 = memref.load %arg2[%get3A_1220, %get3A_1221] : memref<16x8xf32, #tpu.memory_space<smem>>
      %get3A_1223 = arith.constant 6 : index
      %get3A_1224 = arith.constant 0 : index
      %get3A_1225 = arith.constant 0 : index
      %get3A_1226 = vector.load %arg3[%get3A_1223, %get3A_1224, %get3A_1225] : memref<8x128x128xf32, #tpu.memory_space<vmem>>, vector<1x128x128xf32>
      %get3A_1227 = vector.shape_cast %get3A_1226 : vector<1x128x128xf32> to vector<128x128xf32>
      %mul3A_1228 = vector.broadcast %get3A_1222 : f32 to vector<128x128xf32>
      %mul3A_1229 = arith.mulf %mul3A_1228, %get3A_1227 : vector<128x128xf32>
      %add3A_1230 = arith.addf %add3A_1219, %mul3A_1229 : vector<128x128xf32>
      %get3A_1231 = arith.constant 12 : index
      %get3A_1232 = arith.constant 7 : index
      %get3A_1233 = memref.load %arg2[%get3A_1231, %get3A_1232] : memref<16x8xf32, #tpu.memory_space<smem>>
      %get3A_1234 = arith.constant 7 : index
      %get3A_1235 = arith.constant 0 : index
      %get3A_1236 = arith.constant 0 : index
      %get3A_1237 = vector.load %arg3[%get3A_1234, %get3A_1235, %get3A_1236] : memref<8x128x128xf32, #tpu.memory_space<vmem>>, vector<1x128x128xf32>
      %get3A_1238 = vector.shape_cast %get3A_1237 : vector<1x128x128xf32> to vector<128x128xf32>
      %mul3A_1239 = vector.broadcast %get3A_1233 : f32 to vector<128x128xf32>
      %mul3A_1240 = arith.mulf %mul3A_1239, %get3A_1238 : vector<128x128xf32>
      %add3A_1241 = arith.addf %add3A_1230, %mul3A_1240 : vector<128x128xf32>
      %convert_element_type3A_1242 = arith.truncf %add3A_1241 : vector<128x128xf32> to vector<128x128xbf16>
      %swap3A_1243 = arith.constant 6 : index
      %swap3A_1244 = arith.constant 0 : index
      %swap3A_1245 = arith.constant 0 : index
      %swap3A_1246 = vector.load %arg6[%swap3A_1243, %swap3A_1244, %swap3A_1245] : memref<8x128x256xbf16, #tpu.memory_space<vmem>>, vector<1x128x128xbf16>
      %swap3A_1247 = vector.shape_cast %swap3A_1246 : vector<1x128x128xbf16> to vector<128x128xbf16>
      %swap3A_1248 = vector.shape_cast %convert_element_type3A_1242 : vector<128x128xbf16> to vector<1x128x128xbf16>
      tpu.vector_store %arg6[%swap3A_1243, %swap3A_1244, %swap3A_1245], %swap3A_1248 {strides = array<i32>} : memref<8x128x256xbf16, #tpu.memory_space<vmem>>, vector<1x128x128xbf16>,
      %get3A_1249 = arith.constant 13 : index
      %get3A_1250 = arith.constant 0 : index
      %get3A_1251 = memref.load %arg2[%get3A_1249, %get3A_1250] : memref<16x8xf32, #tpu.memory_space<smem>>
      %get3A_1252 = arith.constant 0 : index
      %get3A_1253 = arith.constant 0 : index
      %get3A_1254 = arith.constant 0 : index
      %get3A_1255 = vector.load %arg3[%get3A_1252, %get3A_1253, %get3A_1254] : memref<8x128x128xf32, #tpu.memory_space<vmem>>, vector<1x128x128xf32>
      %get3A_1256 = vector.shape_cast %get3A_1255 : vector<1x128x128xf32> to vector<128x128xf32>
      %mul3A_1257 = vector.broadcast %get3A_1251 : f32 to vector<128x128xf32>
      %mul3A_1258 = arith.mulf %mul3A_1257, %get3A_1256 : vector<128x128xf32>
      %get3A_1259 = arith.constant 13 : index
      %get3A_1260 = arith.constant 1 : index
      %get3A_1261 = memref.load %arg2[%get3A_1259, %get3A_1260] : memref<16x8xf32, #tpu.memory_space<smem>>
      %get3A_1262 = arith.constant 1 : index
      %get3A_1263 = arith.constant 0 : index
      %get3A_1264 = arith.constant 0 : index
      %get3A_1265 = vector.load %arg3[%get3A_1262, %get3A_1263, %get3A_1264] : memref<8x128x128xf32, #tpu.memory_space<vmem>>, vector<1x128x128xf32>
      %get3A_1266 = vector.shape_cast %get3A_1265 : vector<1x128x128xf32> to vector<128x128xf32>
      %mul3A_1267 = vector.broadcast %get3A_1261 : f32 to vector<128x128xf32>
      %mul3A_1268 = arith.mulf %mul3A_1267, %get3A_1266 : vector<128x128xf32>
      %add3A_1269 = arith.addf %mul3A_1258, %mul3A_1268 : vector<128x128xf32>
      %get3A_1270 = arith.constant 13 : index
      %get3A_1271 = arith.constant 2 : index
      %get3A_1272 = memref.load %arg2[%get3A_1270, %get3A_1271] : memref<16x8xf32, #tpu.memory_space<smem>>
      %get3A_1273 = arith.constant 2 : index
      %get3A_1274 = arith.constant 0 : index
      %get3A_1275 = arith.constant 0 : index
      %get3A_1276 = vector.load %arg3[%get3A_1273, %get3A_1274, %get3A_1275] : memref<8x128x128xf32, #tpu.memory_space<vmem>>, vector<1x128x128xf32>
      %get3A_1277 = vector.shape_cast %get3A_1276 : vector<1x128x128xf32> to vector<128x128xf32>
      %mul3A_1278 = vector.broadcast %get3A_1272 : f32 to vector<128x128xf32>
      %mul3A_1279 = arith.mulf %mul3A_1278, %get3A_1277 : vector<128x128xf32>
      %add3A_1280 = arith.addf %add3A_1269, %mul3A_1279 : vector<128x128xf32>
      %get3A_1281 = arith.constant 13 : index
      %get3A_1282 = arith.constant 3 : index
      %get3A_1283 = memref.load %arg2[%get3A_1281, %get3A_1282] : memref<16x8xf32, #tpu.memory_space<smem>>
      %get3A_1284 = arith.constant 3 : index
      %get3A_1285 = arith.constant 0 : index
      %get3A_1286 = arith.constant 0 : index
      %get3A_1287 = vector.load %arg3[%get3A_1284, %get3A_1285, %get3A_1286] : memref<8x128x128xf32, #tpu.memory_space<vmem>>, vector<1x128x128xf32>
      %get3A_1288 = vector.shape_cast %get3A_1287 : vector<1x128x128xf32> to vector<128x128xf32>
      %mul3A_1289 = vector.broadcast %get3A_1283 : f32 to vector<128x128xf32>
      %mul3A_1290 = arith.mulf %mul3A_1289, %get3A_1288 : vector<128x128xf32>
      %add3A_1291 = arith.addf %add3A_1280, %mul3A_1290 : vector<128x128xf32>
      %get3A_1292 = arith.constant 13 : index
      %get3A_1293 = arith.constant 4 : index
      %get3A_1294 = memref.load %arg2[%get3A_1292, %get3A_1293] : memref<16x8xf32, #tpu.memory_space<smem>>
      %get3A_1295 = arith.constant 4 : index
      %get3A_1296 = arith.constant 0 : index
      %get3A_1297 = arith.constant 0 : index
      %get3A_1298 = vector.load %arg3[%get3A_1295, %get3A_1296, %get3A_1297] : memref<8x128x128xf32, #tpu.memory_space<vmem>>, vector<1x128x128xf32>
      %get3A_1299 = vector.shape_cast %get3A_1298 : vector<1x128x128xf32> to vector<128x128xf32>
      %mul3A_1300 = vector.broadcast %get3A_1294 : f32 to vector<128x128xf32>
      %mul3A_1301 = arith.mulf %mul3A_1300, %get3A_1299 : vector<128x128xf32>
      %add3A_1302 = arith.addf %add3A_1291, %mul3A_1301 : vector<128x128xf32>
      %get3A_1303 = arith.constant 13 : index
      %get3A_1304 = arith.constant 5 : index
      %get3A_1305 = memref.load %arg2[%get3A_1303, %get3A_1304] : memref<16x8xf32, #tpu.memory_space<smem>>
      %get3A_1306 = arith.constant 5 : index
      %get3A_1307 = arith.constant 0 : index
      %get3A_1308 = arith.constant 0 : index
      %get3A_1309 = vector.load %arg3[%get3A_1306, %get3A_1307, %get3A_1308] : memref<8x128x128xf32, #tpu.memory_space<vmem>>, vector<1x128x128xf32>
      %get3A_1310 = vector.shape_cast %get3A_1309 : vector<1x128x128xf32> to vector<128x128xf32>
      %mul3A_1311 = vector.broadcast %get3A_1305 : f32 to vector<128x128xf32>
      %mul3A_1312 = arith.mulf %mul3A_1311, %get3A_1310 : vector<128x128xf32>
      %add3A_1313 = arith.addf %add3A_1302, %mul3A_1312 : vector<128x128xf32>
      %get3A_1314 = arith.constant 13 : index
      %get3A_1315 = arith.constant 6 : index
      %get3A_1316 = memref.load %arg2[%get3A_1314, %get3A_1315] : memref<16x8xf32, #tpu.memory_space<smem>>
      %get3A_1317 = arith.constant 6 : index
      %get3A_1318 = arith.constant 0 : index
      %get3A_1319 = arith.constant 0 : index
      %get3A_1320 = vector.load %arg3[%get3A_1317, %get3A_1318, %get3A_1319] : memref<8x128x128xf32, #tpu.memory_space<vmem>>, vector<1x128x128xf32>
      %get3A_1321 = vector.shape_cast %get3A_1320 : vector<1x128x128xf32> to vector<128x128xf32>
      %mul3A_1322 = vector.broadcast %get3A_1316 : f32 to vector<128x128xf32>
      %mul3A_1323 = arith.mulf %mul3A_1322, %get3A_1321 : vector<128x128xf32>
      %add3A_1324 = arith.addf %add3A_1313, %mul3A_1323 : vector<128x128xf32>
      %get3A_1325 = arith.constant 13 : index
      %get3A_1326 = arith.constant 7 : index
      %get3A_1327 = memref.load %arg2[%get3A_1325, %get3A_1326] : memref<16x8xf32, #tpu.memory_space<smem>>
      %get3A_1328 = arith.constant 7 : index
      %get3A_1329 = arith.constant 0 : index
      %get3A_1330 = arith.constant 0 : index
      %get3A_1331 = vector.load %arg3[%get3A_1328, %get3A_1329, %get3A_1330] : memref<8x128x128xf32, #tpu.memory_space<vmem>>, vector<1x128x128xf32>
      %get3A_1332 = vector.shape_cast %get3A_1331 : vector<1x128x128xf32> to vector<128x128xf32>
      %mul3A_1333 = vector.broadcast %get3A_1327 : f32 to vector<128x128xf32>
      %mul3A_1334 = arith.mulf %mul3A_1333, %get3A_1332 : vector<128x128xf32>
      %add3A_1335 = arith.addf %add3A_1324, %mul3A_1334 : vector<128x128xf32>
      %convert_element_type3A_1336 = arith.truncf %add3A_1335 : vector<128x128xf32> to vector<128x128xbf16>
      %swap3A_1337 = arith.constant 6 : index
      %swap3A_1338 = arith.constant 0 : index
      %swap3A_1339 = arith.constant 128 : index
      %swap3A_1340 = vector.load %arg6[%swap3A_1337, %swap3A_1338, %swap3A_1339] : memref<8x128x256xbf16, #tpu.memory_space<vmem>>, vector<1x128x128xbf16>
      %swap3A_1341 = vector.shape_cast %swap3A_1340 : vector<1x128x128xbf16> to vector<128x128xbf16>
      %swap3A_1342 = vector.shape_cast %convert_element_type3A_1336 : vector<128x128xbf16> to vector<1x128x128xbf16>
      tpu.vector_store %arg6[%swap3A_1337, %swap3A_1338, %swap3A_1339], %swap3A_1342 {strides = array<i32>} : memref<8x128x256xbf16, #tpu.memory_space<vmem>>, vector<1x128x128xbf16>,
      %get3A_1343 = arith.constant 14 : index
      %get3A_1344 = arith.constant 0 : index
      %get3A_1345 = memref.load %arg2[%get3A_1343, %get3A_1344] : memref<16x8xf32, #tpu.memory_space<smem>>
      %get3A_1346 = arith.constant 0 : index
      %get3A_1347 = arith.constant 0 : index
      %get3A_1348 = arith.constant 0 : index
      %get3A_1349 = vector.load %arg3[%get3A_1346, %get3A_1347, %get3A_1348] : memref<8x128x128xf32, #tpu.memory_space<vmem>>, vector<1x128x128xf32>
      %get3A_1350 = vector.shape_cast %get3A_1349 : vector<1x128x128xf32> to vector<128x128xf32>
      %mul3A_1351 = vector.broadcast %get3A_1345 : f32 to vector<128x128xf32>
      %mul3A_1352 = arith.mulf %mul3A_1351, %get3A_1350 : vector<128x128xf32>
      %get3A_1353 = arith.constant 14 : index
      %get3A_1354 = arith.constant 1 : index
      %get3A_1355 = memref.load %arg2[%get3A_1353, %get3A_1354] : memref<16x8xf32, #tpu.memory_space<smem>>
      %get3A_1356 = arith.constant 1 : index
      %get3A_1357 = arith.constant 0 : index
      %get3A_1358 = arith.constant 0 : index
      %get3A_1359 = vector.load %arg3[%get3A_1356, %get3A_1357, %get3A_1358] : memref<8x128x128xf32, #tpu.memory_space<vmem>>, vector<1x128x128xf32>
      %get3A_1360 = vector.shape_cast %get3A_1359 : vector<1x128x128xf32> to vector<128x128xf32>
      %mul3A_1361 = vector.broadcast %get3A_1355 : f32 to vector<128x128xf32>
      %mul3A_1362 = arith.mulf %mul3A_1361, %get3A_1360 : vector<128x128xf32>
      %add3A_1363 = arith.addf %mul3A_1352, %mul3A_1362 : vector<128x128xf32>
      %get3A_1364 = arith.constant 14 : index
      %get3A_1365 = arith.constant 2 : index
      %get3A_1366 = memref.load %arg2[%get3A_1364, %get3A_1365] : memref<16x8xf32, #tpu.memory_space<smem>>
      %get3A_1367 = arith.constant 2 : index
      %get3A_1368 = arith.constant 0 : index
      %get3A_1369 = arith.constant 0 : index
      %get3A_1370 = vector.load %arg3[%get3A_1367, %get3A_1368, %get3A_1369] : memref<8x128x128xf32, #tpu.memory_space<vmem>>, vector<1x128x128xf32>
      %get3A_1371 = vector.shape_cast %get3A_1370 : vector<1x128x128xf32> to vector<128x128xf32>
      %mul3A_1372 = vector.broadcast %get3A_1366 : f32 to vector<128x128xf32>
      %mul3A_1373 = arith.mulf %mul3A_1372, %get3A_1371 : vector<128x128xf32>
      %add3A_1374 = arith.addf %add3A_1363, %mul3A_1373 : vector<128x128xf32>
      %get3A_1375 = arith.constant 14 : index
      %get3A_1376 = arith.constant 3 : index
      %get3A_1377 = memref.load %arg2[%get3A_1375, %get3A_1376] : memref<16x8xf32, #tpu.memory_space<smem>>
      %get3A_1378 = arith.constant 3 : index
      %get3A_1379 = arith.constant 0 : index
      %get3A_1380 = arith.constant 0 : index
      %get3A_1381 = vector.load %arg3[%get3A_1378, %get3A_1379, %get3A_1380] : memref<8x128x128xf32, #tpu.memory_space<vmem>>, vector<1x128x128xf32>
      %get3A_1382 = vector.shape_cast %get3A_1381 : vector<1x128x128xf32> to vector<128x128xf32>
      %mul3A_1383 = vector.broadcast %get3A_1377 : f32 to vector<128x128xf32>
      %mul3A_1384 = arith.mulf %mul3A_1383, %get3A_1382 : vector<128x128xf32>
      %add3A_1385 = arith.addf %add3A_1374, %mul3A_1384 : vector<128x128xf32>
      %get3A_1386 = arith.constant 14 : index
      %get3A_1387 = arith.constant 4 : index
      %get3A_1388 = memref.load %arg2[%get3A_1386, %get3A_1387] : memref<16x8xf32, #tpu.memory_space<smem>>
      %get3A_1389 = arith.constant 4 : index
      %get3A_1390 = arith.constant 0 : index
      %get3A_1391 = arith.constant 0 : index
      %get3A_1392 = vector.load %arg3[%get3A_1389, %get3A_1390, %get3A_1391] : memref<8x128x128xf32, #tpu.memory_space<vmem>>, vector<1x128x128xf32>
      %get3A_1393 = vector.shape_cast %get3A_1392 : vector<1x128x128xf32> to vector<128x128xf32>
      %mul3A_1394 = vector.broadcast %get3A_1388 : f32 to vector<128x128xf32>
      %mul3A_1395 = arith.mulf %mul3A_1394, %get3A_1393 : vector<128x128xf32>
      %add3A_1396 = arith.addf %add3A_1385, %mul3A_1395 : vector<128x128xf32>
      %get3A_1397 = arith.constant 14 : index
      %get3A_1398 = arith.constant 5 : index
      %get3A_1399 = memref.load %arg2[%get3A_1397, %get3A_1398] : memref<16x8xf32, #tpu.memory_space<smem>>
      %get3A_1400 = arith.constant 5 : index
      %get3A_1401 = arith.constant 0 : index
      %get3A_1402 = arith.constant 0 : index
      %get3A_1403 = vector.load %arg3[%get3A_1400, %get3A_1401, %get3A_1402] : memref<8x128x128xf32, #tpu.memory_space<vmem>>, vector<1x128x128xf32>
      %get3A_1404 = vector.shape_cast %get3A_1403 : vector<1x128x128xf32> to vector<128x128xf32>
      %mul3A_1405 = vector.broadcast %get3A_1399 : f32 to vector<128x128xf32>
      %mul3A_1406 = arith.mulf %mul3A_1405, %get3A_1404 : vector<128x128xf32>
      %add3A_1407 = arith.addf %add3A_1396, %mul3A_1406 : vector<128x128xf32>
      %get3A_1408 = arith.constant 14 : index
      %get3A_1409 = arith.constant 6 : index
      %get3A_1410 = memref.load %arg2[%get3A_1408, %get3A_1409] : memref<16x8xf32, #tpu.memory_space<smem>>
      %get3A_1411 = arith.constant 6 : index
      %get3A_1412 = arith.constant 0 : index
      %get3A_1413 = arith.constant 0 : index
      %get3A_1414 = vector.load %arg3[%get3A_1411, %get3A_1412, %get3A_1413] : memref<8x128x128xf32, #tpu.memory_space<vmem>>, vector<1x128x128xf32>
      %get3A_1415 = vector.shape_cast %get3A_1414 : vector<1x128x128xf32> to vector<128x128xf32>
      %mul3A_1416 = vector.broadcast %get3A_1410 : f32 to vector<128x128xf32>
      %mul3A_1417 = arith.mulf %mul3A_1416, %get3A_1415 : vector<128x128xf32>
      %add3A_1418 = arith.addf %add3A_1407, %mul3A_1417 : vector<128x128xf32>
      %get3A_1419 = arith.constant 14 : index
      %get3A_1420 = arith.constant 7 : index
      %get3A_1421 = memref.load %arg2[%get3A_1419, %get3A_1420] : memref<16x8xf32, #tpu.memory_space<smem>>
      %get3A_1422 = arith.constant 7 : index
      %get3A_1423 = arith.constant 0 : index
      %get3A_1424 = arith.constant 0 : index
      %get3A_1425 = vector.load %arg3[%get3A_1422, %get3A_1423, %get3A_1424] : memref<8x128x128xf32, #tpu.memory_space<vmem>>, vector<1x128x128xf32>
      %get3A_1426 = vector.shape_cast %get3A_1425 : vector<1x128x128xf32> to vector<128x128xf32>
      %mul3A_1427 = vector.broadcast %get3A_1421 : f32 to vector<128x128xf32>
      %mul3A_1428 = arith.mulf %mul3A_1427, %get3A_1426 : vector<128x128xf32>
      %add3A_1429 = arith.addf %add3A_1418, %mul3A_1428 : vector<128x128xf32>
      %convert_element_type3A_1430 = arith.truncf %add3A_1429 : vector<128x128xf32> to vector<128x128xbf16>
      %swap3A_1431 = arith.constant 7 : index
      %swap3A_1432 = arith.constant 0 : index
      %swap3A_1433 = arith.constant 0 : index
      %swap3A_1434 = vector.load %arg6[%swap3A_1431, %swap3A_1432, %swap3A_1433] : memref<8x128x256xbf16, #tpu.memory_space<vmem>>, vector<1x128x128xbf16>
      %swap3A_1435 = vector.shape_cast %swap3A_1434 : vector<1x128x128xbf16> to vector<128x128xbf16>
      %swap3A_1436 = vector.shape_cast %convert_element_type3A_1430 : vector<128x128xbf16> to vector<1x128x128xbf16>
      tpu.vector_store %arg6[%swap3A_1431, %swap3A_1432, %swap3A_1433], %swap3A_1436 {strides = array<i32>} : memref<8x128x256xbf16, #tpu.memory_space<vmem>>, vector<1x128x128xbf16>,
      %get3A_1437 = arith.constant 15 : index
      %get3A_1438 = arith.constant 0 : index
      %get3A_1439 = memref.load %arg2[%get3A_1437, %get3A_1438] : memref<16x8xf32, #tpu.memory_space<smem>>
      %get3A_1440 = arith.constant 0 : index
      %get3A_1441 = arith.constant 0 : index
      %get3A_1442 = arith.constant 0 : index
      %get3A_1443 = vector.load %arg3[%get3A_1440, %get3A_1441, %get3A_1442] : memref<8x128x128xf32, #tpu.memory_space<vmem>>, vector<1x128x128xf32>
      %get3A_1444 = vector.shape_cast %get3A_1443 : vector<1x128x128xf32> to vector<128x128xf32>
      %mul3A_1445 = vector.broadcast %get3A_1439 : f32 to vector<128x128xf32>
      %mul3A_1446 = arith.mulf %mul3A_1445, %get3A_1444 : vector<128x128xf32>
      %get3A_1447 = arith.constant 15 : index
      %get3A_1448 = arith.constant 1 : index
      %get3A_1449 = memref.load %arg2[%get3A_1447, %get3A_1448] : memref<16x8xf32, #tpu.memory_space<smem>>
      %get3A_1450 = arith.constant 1 : index
      %get3A_1451 = arith.constant 0 : index
      %get3A_1452 = arith.constant 0 : index
      %get3A_1453 = vector.load %arg3[%get3A_1450, %get3A_1451, %get3A_1452] : memref<8x128x128xf32, #tpu.memory_space<vmem>>, vector<1x128x128xf32>
      %get3A_1454 = vector.shape_cast %get3A_1453 : vector<1x128x128xf32> to vector<128x128xf32>
      %mul3A_1455 = vector.broadcast %get3A_1449 : f32 to vector<128x128xf32>
      %mul3A_1456 = arith.mulf %mul3A_1455, %get3A_1454 : vector<128x128xf32>
      %add3A_1457 = arith.addf %mul3A_1446, %mul3A_1456 : vector<128x128xf32>
      %get3A_1458 = arith.constant 15 : index
      %get3A_1459 = arith.constant 2 : index
      %get3A_1460 = memref.load %arg2[%get3A_1458, %get3A_1459] : memref<16x8xf32, #tpu.memory_space<smem>>
      %get3A_1461 = arith.constant 2 : index
      %get3A_1462 = arith.constant 0 : index
      %get3A_1463 = arith.constant 0 : index
      %get3A_1464 = vector.load %arg3[%get3A_1461, %get3A_1462, %get3A_1463] : memref<8x128x128xf32, #tpu.memory_space<vmem>>, vector<1x128x128xf32>
      %get3A_1465 = vector.shape_cast %get3A_1464 : vector<1x128x128xf32> to vector<128x128xf32>
      %mul3A_1466 = vector.broadcast %get3A_1460 : f32 to vector<128x128xf32>
      %mul3A_1467 = arith.mulf %mul3A_1466, %get3A_1465 : vector<128x128xf32>
      %add3A_1468 = arith.addf %add3A_1457, %mul3A_1467 : vector<128x128xf32>
      %get3A_1469 = arith.constant 15 : index
      %get3A_1470 = arith.constant 3 : index
      %get3A_1471 = memref.load %arg2[%get3A_1469, %get3A_1470] : memref<16x8xf32, #tpu.memory_space<smem>>
      %get3A_1472 = arith.constant 3 : index
      %get3A_1473 = arith.constant 0 : index
      %get3A_1474 = arith.constant 0 : index
      %get3A_1475 = vector.load %arg3[%get3A_1472, %get3A_1473, %get3A_1474] : memref<8x128x128xf32, #tpu.memory_space<vmem>>, vector<1x128x128xf32>
      %get3A_1476 = vector.shape_cast %get3A_1475 : vector<1x128x128xf32> to vector<128x128xf32>
      %mul3A_1477 = vector.broadcast %get3A_1471 : f32 to vector<128x128xf32>
      %mul3A_1478 = arith.mulf %mul3A_1477, %get3A_1476 : vector<128x128xf32>
      %add3A_1479 = arith.addf %add3A_1468, %mul3A_1478 : vector<128x128xf32>
      %get3A_1480 = arith.constant 15 : index
      %get3A_1481 = arith.constant 4 : index
      %get3A_1482 = memref.load %arg2[%get3A_1480, %get3A_1481] : memref<16x8xf32, #tpu.memory_space<smem>>
      %get3A_1483 = arith.constant 4 : index
      %get3A_1484 = arith.constant 0 : index
      %get3A_1485 = arith.constant 0 : index
      %get3A_1486 = vector.load %arg3[%get3A_1483, %get3A_1484, %get3A_1485] : memref<8x128x128xf32, #tpu.memory_space<vmem>>, vector<1x128x128xf32>
      %get3A_1487 = vector.shape_cast %get3A_1486 : vector<1x128x128xf32> to vector<128x128xf32>
      %mul3A_1488 = vector.broadcast %get3A_1482 : f32 to vector<128x128xf32>
      %mul3A_1489 = arith.mulf %mul3A_1488, %get3A_1487 : vector<128x128xf32>
      %add3A_1490 = arith.addf %add3A_1479, %mul3A_1489 : vector<128x128xf32>
      %get3A_1491 = arith.constant 15 : index
      %get3A_1492 = arith.constant 5 : index
      %get3A_1493 = memref.load %arg2[%get3A_1491, %get3A_1492] : memref<16x8xf32, #tpu.memory_space<smem>>
      %get3A_1494 = arith.constant 5 : index
      %get3A_1495 = arith.constant 0 : index
      %get3A_1496 = arith.constant 0 : index
      %get3A_1497 = vector.load %arg3[%get3A_1494, %get3A_1495, %get3A_1496] : memref<8x128x128xf32, #tpu.memory_space<vmem>>, vector<1x128x128xf32>
      %get3A_1498 = vector.shape_cast %get3A_1497 : vector<1x128x128xf32> to vector<128x128xf32>
      %mul3A_1499 = vector.broadcast %get3A_1493 : f32 to vector<128x128xf32>
      %mul3A_1500 = arith.mulf %mul3A_1499, %get3A_1498 : vector<128x128xf32>
      %add3A_1501 = arith.addf %add3A_1490, %mul3A_1500 : vector<128x128xf32>
      %get3A_1502 = arith.constant 15 : index
      %get3A_1503 = arith.constant 6 : index
      %get3A_1504 = memref.load %arg2[%get3A_1502, %get3A_1503] : memref<16x8xf32, #tpu.memory_space<smem>>
      %get3A_1505 = arith.constant 6 : index
      %get3A_1506 = arith.constant 0 : index
      %get3A_1507 = arith.constant 0 : index
      %get3A_1508 = vector.load %arg3[%get3A_1505, %get3A_1506, %get3A_1507] : memref<8x128x128xf32, #tpu.memory_space<vmem>>, vector<1x128x128xf32>
      %get3A_1509 = vector.shape_cast %get3A_1508 : vector<1x128x128xf32> to vector<128x128xf32>
      %mul3A_1510 = vector.broadcast %get3A_1504 : f32 to vector<128x128xf32>
      %mul3A_1511 = arith.mulf %mul3A_1510, %get3A_1509 : vector<128x128xf32>
      %add3A_1512 = arith.addf %add3A_1501, %mul3A_1511 : vector<128x128xf32>
      %get3A_1513 = arith.constant 15 : index
      %get3A_1514 = arith.constant 7 : index
      %get3A_1515 = memref.load %arg2[%get3A_1513, %get3A_1514] : memref<16x8xf32, #tpu.memory_space<smem>>
      %get3A_1516 = arith.constant 7 : index
      %get3A_1517 = arith.constant 0 : index
      %get3A_1518 = arith.constant 0 : index
      %get3A_1519 = vector.load %arg3[%get3A_1516, %get3A_1517, %get3A_1518] : memref<8x128x128xf32, #tpu.memory_space<vmem>>, vector<1x128x128xf32>
      %get3A_1520 = vector.shape_cast %get3A_1519 : vector<1x128x128xf32> to vector<128x128xf32>
      %mul3A_1521 = vector.broadcast %get3A_1515 : f32 to vector<128x128xf32>
      %mul3A_1522 = arith.mulf %mul3A_1521, %get3A_1520 : vector<128x128xf32>
      %add3A_1523 = arith.addf %add3A_1512, %mul3A_1522 : vector<128x128xf32>
      %convert_element_type3A_1524 = arith.truncf %add3A_1523 : vector<128x128xf32> to vector<128x128xbf16>
      %swap3A_1525 = arith.constant 7 : index
      %swap3A_1526 = arith.constant 0 : index
      %swap3A_1527 = arith.constant 128 : index
      %swap3A_1528 = vector.load %arg6[%swap3A_1525, %swap3A_1526, %swap3A_1527] : memref<8x128x256xbf16, #tpu.memory_space<vmem>>, vector<1x128x128xbf16>
      %swap3A_1529 = vector.shape_cast %swap3A_1528 : vector<1x128x128xbf16> to vector<128x128xbf16>
      %swap3A_1530 = vector.shape_cast %convert_element_type3A_1524 : vector<128x128xbf16> to vector<1x128x128xbf16>
      tpu.vector_store %arg6[%swap3A_1525, %swap3A_1526, %swap3A_1527], %swap3A_1530 {strides = array<i32>} : memref<8x128x256xbf16, #tpu.memory_space<vmem>>, vector<1x128x128xbf16>,
    } else {
    }
    %eq3A_4 = arith.constant 0 : i32
    %eq3A_5 = arith.cmpi eq, %arg1, %eq3A_4 : i32
    %convert_element_type3A_6 = arith.extui %eq3A_5 : i1 to i32
    %cond3A_7 = arith.constant 0 : i32
    %cond3A_8 = arith.cmpi ne, %convert_element_type3A_6, %cond3A_7 : i32
    scf.if %cond3A_8 {
      %get3A_29 = arith.constant 0 : index
      %get3A_30 = arith.constant 0 : index
      %get3A_31 = vector.load %arg4[%get3A_29, %get3A_30] : memref<2000x128xf32, #tpu.memory_space<vmem>>, vector<2000x128xf32>
      %convert_element_type3A_32 = arith.truncf %get3A_31 : vector<2000x128xf32> to vector<2000x128xbf16>
      %swap3A_33 = arith.constant 0 : index
      %swap3A_34 = arith.constant 0 : index
      %swap3A_35 = vector.load %arg7[%swap3A_33, %swap3A_34] : memref<2000x128xbf16, #tpu.memory_space<vmem>>, vector<2000x128xbf16>
      tpu.vector_store %arg7[%swap3A_33, %swap3A_34], %convert_element_type3A_32 {strides = array<i32>} : memref<2000x128xbf16, #tpu.memory_space<vmem>>, vector<2000x128xbf16>,
    } else {
    }
    %get3A = arith.constant 0 : index
    %get3A_9 = arith.constant 0 : index
    %get3A_10 = vector.load %arg7[%get3A, %get3A_9] : memref<2000x128xbf16, #tpu.memory_space<vmem>>, vector<2000x128xbf16>
    %get3A_11 = arith.index_cast %arg1 : i32 to index
    %get3A_12 = arith.constant 0 : index
    %get3A_13 = arith.constant 0 : index
    %get3A_14 = vector.load %arg6[%get3A_11, %get3A_12, %get3A_13] : memref<8x128x256xbf16, #tpu.memory_space<vmem>>, vector<1x128x256xbf16>
    %get3A_15 = vector.shape_cast %get3A_14 : vector<1x128x256xbf16> to vector<128x256xbf16>
    %dot_general3A = arith.constant dense<0.000000e+00> : vector<2000x256xf32>
    %dot_general3A_16 = tpu.matmul %get3A_10, %get3A_15, %dot_general3A {dimension_numbers = #tpu.dot_dimension_numbers<[1], [0], [0], [1], [0, 0, 1, 1], [], []>, transpose_lhs_hint = false} : vector<2000x128xbf16>, vector<128x256xbf16>, vector<2000x256xf32> -> vector<2000x256xf32>
    %slice3A = vector.extract_strided_slice %dot_general3A_16 {offsets = [0, 0], sizes = [2000, 128], strides = [1, 1]} : vector<2000x256xf32> to vector<2000x128xf32>
    %swap3A = arith.constant 0 : index
    %swap3A_17 = arith.constant 0 : index
    %swap3A_18 = arith.constant 0 : index
    %swap3A_19 = vector.load %arg5[%swap3A, %swap3A_17, %swap3A_18] : memref<2x2000x128xf32, #tpu.memory_space<vmem>>, vector<1x2000x128xf32>
    %swap3A_20 = vector.shape_cast %swap3A_19 : vector<1x2000x128xf32> to vector<2000x128xf32>
    %swap3A_21 = vector.shape_cast %slice3A : vector<2000x128xf32> to vector<1x2000x128xf32>
    tpu.vector_store %arg5[%swap3A, %swap3A_17, %swap3A_18], %swap3A_21 {strides = array<i32>} : memref<2x2000x128xf32, #tpu.memory_space<vmem>>, vector<1x2000x128xf32>,
    %slice3A_22 = vector.extract_strided_slice %dot_general3A_16 {offsets = [0, 128], sizes = [2000, 128], strides = [1, 1]} : vector<2000x256xf32> to vector<2000x128xf32>
    %swap3A_23 = arith.constant 1 : index
    %swap3A_24 = arith.constant 0 : index
    %swap3A_25 = arith.constant 0 : index
    %swap3A_26 = vector.load %arg5[%swap3A_23, %swap3A_24, %swap3A_25] : memref<2x2000x128xf32, #tpu.memory_space<vmem>>, vector<1x2000x128xf32>
    %swap3A_27 = vector.shape_cast %swap3A_26 : vector<1x2000x128xf32> to vector<2000x128xf32>
    %swap3A_28 = vector.shape_cast %slice3A_22 : vector<2000x128xf32> to vector<1x2000x128xf32>
    tpu.vector_store %arg5[%swap3A_23, %swap3A_24, %swap3A_25], %swap3A_28 {strides = array<i32>} : memref<2x2000x128xf32, #tpu.memory_space<vmem>>, vector<1x2000x128xf32>,
    return
  }
  func.func @transform_0(%arg0: i32, %arg1: i32) -> (i32, i32) {
    %c0_i32 = arith.constant 0 : i32
    %c0_i32_0 = arith.constant 0 : i32
    %c0_i32_1 = arith.constant 0 : i32
    return %c0_i32, %c0_i32_0 : i32, i32
  }
  func.func @transform_1(%arg0: i32, %arg1: i32) -> (i32, i32, i32) {
    %c0_i32 = arith.constant 0 : i32
    %c0_i32_0 = arith.constant 0 : i32
    %c0_i32_1 = arith.constant 0 : i32
    %c0_i32_2 = arith.constant 0 : i32
    return %c0_i32, %c0_i32_0, %c0_i32_1 : i32, i32, i32
  }
  func.func @transform_2(%arg0: i32, %arg1: i32) -> (i32, i32) {
    %c0_i32 = arith.constant 0 : i32
    %c0_i32_0 = arith.constant 0 : i32
    return %arg0, %c0_i32 : i32, i32
  }
  func.func @transform_3(%arg0: i32, %arg1: i32) -> (i32, i32, i32) {
    %c0_i32 = arith.constant 0 : i32
    %c0_i32_0 = arith.constant 0 : i32
    return %arg1, %arg0, %c0_i32 : i32, i32, i32
  }
}

module attributes {stable_mosaic.version = 14 : i64} {
  func.func @_b_body(%arg0: i32, %arg1: memref<2x1000x128xf32, #tpu.memory_space<vmem>>, %arg2: memref<2x1000x128xf32, #tpu.memory_space<vmem>>, %arg3: memref<1000x128xf32, #tpu.memory_space<vmem>>, %arg4: memref<1000x1xf32, #tpu.memory_space<vmem>>, %arg5: memref<128x128xf32, #tpu.memory_space<vmem>>, %arg6: memref<1000x128xf32, #tpu.memory_space<vmem>>) attributes {dimension_semantics = [#tpu.dimension_semantics<arbitrary>], iteration_bounds = array<i64: 10>, scalar_prefetch = 0 : i64, scratch_operands = 0 : i64, tpu.core_type = #tpu.core_type<tc>, window_params = [{transform_indices = @transform_0, window_bounds = array<i64: 2, 1000, 128>}, {transform_indices = @transform_1, window_bounds = array<i64: 2, 1000, 128>}, {transform_indices = @transform_2, window_bounds = array<i64: 1000, 128>}, {transform_indices = @transform_3, window_bounds = array<i64: 1000, 1>}, {pipeline_mode = #tpu.pipeline_mode<synchronous>, transform_indices = @transform_4, window_bounds = array<i64: 128, 128>}, {transform_indices = @transform_5, window_bounds = array<i64: 1000, 128>}]} {
    %get3A = arith.constant 0 : index
    %get3A_0 = arith.constant 0 : index
    %get3A_1 = arith.constant 0 : index
    %get3A_2 = vector.load %arg1[%get3A, %get3A_0, %get3A_1] : memref<2x1000x128xf32, #tpu.memory_space<vmem>>, vector<1x1000x128xf32>
    %get3A_3 = vector.shape_cast %get3A_2 : vector<1x1000x128xf32> to vector<1000x128xf32>
    %get3A_4 = arith.constant 1 : index
    %get3A_5 = arith.constant 0 : index
    %get3A_6 = arith.constant 0 : index
    %get3A_7 = vector.load %arg1[%get3A_4, %get3A_5, %get3A_6] : memref<2x1000x128xf32, #tpu.memory_space<vmem>>, vector<1x1000x128xf32>
    %get3A_8 = vector.shape_cast %get3A_7 : vector<1x1000x128xf32> to vector<1000x128xf32>
    %add3A = arith.addf %get3A_3, %get3A_8 : vector<1000x128xf32>
    %get3A_9 = arith.constant 0 : index
    %get3A_10 = arith.constant 0 : index
    %get3A_11 = arith.constant 0 : index
    %get3A_12 = vector.load %arg2[%get3A_9, %get3A_10, %get3A_11] : memref<2x1000x128xf32, #tpu.memory_space<vmem>>, vector<1x1000x128xf32>
    %get3A_13 = vector.shape_cast %get3A_12 : vector<1x1000x128xf32> to vector<1000x128xf32>
    %get3A_14 = arith.constant 1 : index
    %get3A_15 = arith.constant 0 : index
    %get3A_16 = arith.constant 0 : index
    %get3A_17 = vector.load %arg2[%get3A_14, %get3A_15, %get3A_16] : memref<2x1000x128xf32, #tpu.memory_space<vmem>>, vector<1x1000x128xf32>
    %get3A_18 = vector.shape_cast %get3A_17 : vector<1x1000x128xf32> to vector<1000x128xf32>
    %add3A_19 = arith.addf %get3A_13, %get3A_18 : vector<1000x128xf32>
    %add3A_20 = arith.addf %add3A, %add3A_19 : vector<1000x128xf32>
    %get3A_21 = arith.constant 0 : index
    %get3A_22 = arith.constant 0 : index
    %get3A_23 = vector.load %arg4[%get3A_21, %get3A_22] : memref<1000x1xf32, #tpu.memory_space<vmem>>, vector<1000x1xf32>
    %div3A = vector.broadcast %get3A_23 : vector<1000x1xf32> to vector<1000x128xf32>
    %div3A_24 = arith.divf %add3A_20, %div3A : vector<1000x128xf32>
    %get3A_25 = arith.constant 0 : index
    %get3A_26 = arith.constant 0 : index
    %get3A_27 = vector.load %arg3[%get3A_25, %get3A_26] : memref<1000x128xf32, #tpu.memory_space<vmem>>, vector<1000x128xf32>
    %get3A_28 = arith.constant 0 : index
    %get3A_29 = arith.constant 0 : index
    %get3A_30 = vector.load %arg5[%get3A_28, %get3A_29] : memref<128x128xf32, #tpu.memory_space<vmem>>, vector<128x128xf32>
    %dot_general3A = arith.constant dense<0.000000e+00> : vector<1000x128xf32>
    %dot_general3A_31 = tpu.matmul %get3A_27, %get3A_30, %dot_general3A {dimension_numbers = #tpu.dot_dimension_numbers<[1], [0], [0], [1], [0, 0, 1, 1], [], []>, transpose_lhs_hint = false} : vector<1000x128xf32>, vector<128x128xf32>, vector<1000x128xf32> -> vector<1000x128xf32>
    %add3A_32 = arith.addf %div3A_24, %dot_general3A_31 : vector<1000x128xf32>
    %swap3A = arith.constant 0 : index
    %swap3A_33 = arith.constant 0 : index
    %swap3A_34 = vector.load %arg6[%swap3A, %swap3A_33] : memref<1000x128xf32, #tpu.memory_space<vmem>>, vector<1000x128xf32>
    tpu.vector_store %arg6[%swap3A, %swap3A_33], %add3A_32 {strides = array<i32>} : memref<1000x128xf32, #tpu.memory_space<vmem>>, vector<1000x128xf32>,
    return
  }
  func.func @transform_0(%arg0: i32) -> (i32, i32, i32) {
    %c0_i32 = arith.constant 0 : i32
    %c0_i32_0 = arith.constant 0 : i32
    %c0_i32_1 = arith.constant 0 : i32
    return %c0_i32, %arg0, %c0_i32_0 : i32, i32, i32
  }
  func.func @transform_1(%arg0: i32) -> (i32, i32, i32) {
    %c0_i32 = arith.constant 0 : i32
    %c0_i32_0 = arith.constant 0 : i32
    %c0_i32_1 = arith.constant 0 : i32
    return %c0_i32, %arg0, %c0_i32_0 : i32, i32, i32
  }
  func.func @transform_2(%arg0: i32) -> (i32, i32) {
    %c0_i32 = arith.constant 0 : i32
    %c0_i32_0 = arith.constant 0 : i32
    return %arg0, %c0_i32 : i32, i32
  }
  func.func @transform_3(%arg0: i32) -> (i32, i32) {
    %c0_i32 = arith.constant 0 : i32
    %c0_i32_0 = arith.constant 0 : i32
    return %arg0, %c0_i32 : i32, i32
  }
  func.func @transform_4(%arg0: i32) -> (i32, i32) {
    %c0_i32 = arith.constant 0 : i32
    %c0_i32_0 = arith.constant 0 : i32
    %c0_i32_1 = arith.constant 0 : i32
    return %c0_i32, %c0_i32_0 : i32, i32
  }
  func.func @transform_5(%arg0: i32) -> (i32, i32) {
    %c0_i32 = arith.constant 0 : i32
    %c0_i32_0 = arith.constant 0 : i32
    return %arg0, %c0_i32 : i32, i32
  }
}

</mosaic_0001>

<sc_bundles>
// kernel: kernel.11.cloned.1.call-start
scs
__scs_entry_jumppad:
0x0: {  	(pc) =	sbr.rel $0x88, $3  }
0x1: {  	(tag) =	ssettag $0x0;
	lr =	simm.s32 $0x1  }
0x2: {  	[smem:$0x3F9B] =	sst lr;
	_ =	strace $0xD0000000  }
0x3: {  	_ = 	snop  }
0x4: {  	_ = 	snop  }
0x5: {  	_ = 	snop  }
0x6: {  	_ = 	snop  }
0x7: {  	_ = 	snop  }
__scs_overlays_trampoline_lowered:
0x8: {  	[smem:$0x3FAA] =	sst s0  }
0x9: {  	[smem:$0x3FAB] =	sst s1  }
0xa: {  	[smem:$0x3FAC] =	sst s2  }
0xb: {  	[smem:$0x3FAD] =	sst s3  }
0xc: {  	[smem:$0x3FAE] =	sst s4  }
0xd: {  	[smem:$0x3FAF] =	sst s5  }
0xe: {  	[smem:$0x3FB0] =	sst s6  }
0xf: {  	[smem:$0x3FB1] =	sst s7  }
0x10: {  	[smem:$0x3FB2] =	sst s8  }
0x11: {  	[smem:$0x3FB3] =	sst s9;
	s0 =	simm.s32 @!p0 $0x0  }
0x12: {  	s1 =	sld [smem:$0x3F99];
	s0 =	simm.s32 @p0 $0x1  }
0x13: {  	[smem:$0x3FB4] =	sst s0;
	s0 =	simm.s32 @!p1 $0x0  }
0x14: {  	s2 =	sld [smem:$0x3F98];
	s0 =	simm.s32 @p1 $0x1  }
0x15: {  	[smem:$0x3FB5] =	sst s0;
	s0 =	simm.s32 @!p2 $0x0  }
0x16: {  	s3 =	sld [smem:$0x3FDB];
	s0 =	simm.s32 @p2 $0x1  }
0x17: {  	s4 =	simm.s32 $0x1BF5;
	[smem:$0x3FB7] =	sst s0  }
0x18: {  	s0 =	sld [smem:$0x3F9A];
	_ =	swait.ge [sflag:s4], $0x0  }
0x19: {  	s7 =	sld [smem:$0x3F9B]  }
0x1a: {  	s8 =	sadd.s32 $0xFFFFE003, lr  }
0x1b: {  	s9 =	sadd.s32 $0xFFFFFEF7, lr;
	s5 =	simm.s32 $0xFFFFFFFF;
	p2 =	slt.u32 s8, $0xFFFFF086  }
0x1c: {  	p1 =	slt.u32 s9, $0xF7A;
	s5 =	simm.s32 @!p2 $0x0  }
0x1d: {  	s5 =	simm.s32 @p1 $0x1;
	p0 =	seq.s32 s7, s2  }
0x1e: {  	s7 =	smul.u32 @!p0 $0xF7A, s2;
	p2 =	seq.s32 @!p0 s5, $0x0  }
0x1f: {  	s9 =	smul.u32 $0xF7A, s1;
	s8 =	simm.s32 @!p0 $0x1BF5;
	p2 =	por !p2, p0  }
0x20: {  	[sflag:s8] =	ssyncset.s32 @!p0 $0xFFFFF086;
	s6 =	sadd.s32 @!p0 s3, s7;
	s7 =	simm.s32 @!p0 $0x108  }
0x21: {  	s3 =	sadd.s32 s3, s9;
	s6 =	sadd.s32 @!p0 $0x88, s6;
	s7 =	simm.s32 @p2 $0x1082  }
0x22: {  	[simem:s7], [sflag:s8] =	dma.local @!p0 [hbm:s6], $0xF7A  }
0x23: {  	s9 =	sor.u32 $0xD0000000, s2;
	s6 =	simm.s32 $0x108;
	_ =	swait.ge @!p0 [sflag:s8], $0x0  }
0x24: {  	s3 =	sadd.s32 $0x88, s3;
	s6 =	simm.s32 @!p1 $0x1082;
	[sflag:s4] =	ssyncset.s32 $0xFFFFF086  }
0x25: {  	[simem:s6], [sflag:s4] =	dma.local [hbm:s3], $0xF7A  }
0x26: {  	[smem:$0x3F9B] =	sst s1;
	(tag) =	ssettag s2;
	_ =	strace s9  }
0x27: {  	s1 =	sld [smem:$0x3FAB]  }
0x28: {  	s2 =	sld [smem:$0x3FAC]  }
0x29: {  	s4 =	sld [smem:$0x3FAE]  }
0x2a: {  	p0 =	seq.s32 s5, $0x0;
	s5 =	sld [smem:$0x3FAF]  }
0x2b: {  	s6 =	sld [smem:$0x3FB0]  }
0x2c: {  	s7 =	sld [smem:$0x3FB1]  }
0x2d: {  	s3 =	simm.s32 $0x108;
	s8 =	sld [smem:$0x3FB2]  }
0x2e: {  	s3 =	simm.s32 @!p0 $0x1082;
	s9 =	sld [smem:$0x3FB3]  }
0x2f: {  	lr =	sadd.s32 s0, s3;
	s0 =	sld [smem:$0x3FAA]  }
0x30: {  	s3 =	sld [smem:$0x3FAD]  }
0x31: {  	[smem:$0x3FB6] =	sst s10  }
0x32: {  	s10 =	sld [smem:$0x3FB4];
	_ =	sdelay $0x3  }
0x33: {  	p0 =	seq.s32 s10, $0x1;
	s10 =	sld [smem:$0x3FB6];
	_ =	sdelay $0x3  }
0x34: {  	[smem:$0x3FB6] =	sst s10  }
0x35: {  	s10 =	sld [smem:$0x3FB5];
	_ =	sdelay $0x3  }
0x36: {  	p1 =	seq.s32 s10, $0x1;
	s10 =	sld [smem:$0x3FB6];
	_ =	sdelay $0x3  }
0x37: {  	[smem:$0x3FB6] =	sst s10  }
0x38: {  	s10 =	sld [smem:$0x3FB7]  }
0x39: {  	_ = 	snop;
	(pc) =	sbr.ind lr, $3  }
0x3a: {  	_ = 	snop  }
0x3b: {  	_ = 	snop  }
0x3c: {  	p2 =	seq.s32 s10, $0x1;
	s10 =	sld [smem:$0x3FB6]  }
0x3d: {  	_ =	shalt  }
0x3e: {  	_ =	shalt  }
0x3f: {  	_ =	shalt  }
0x40: {  	_ =	shalt  }
0x41: {  	_ =	shalt  }
0x42: {  	_ =	shalt  }
0x43: {  	_ =	shalt  }
0x44: {  	_ =	shalt  }
0x45: {  	_ =	shalt  }
0x46: {  	_ =	shalt  }
0x47: {  	_ =	shalt  }
0x48: {  	_ =	shalt  }
0x49: {  	_ =	shalt  }
0x4a: {  	_ =	shalt  }
0x4b: {  	_ =	shalt  }
0x4c: {  	_ =	shalt  }
0x4d: {  	_ =	shalt  }
0x4e: {  	_ =	shalt  }
0x4f: {  	_ =	shalt  }
0x50: {  	_ =	shalt  }
0x51: {  	_ =	shalt  }
0x52: {  	_ =	shalt  }
0x53: {  	_ =	shalt  }
0x54: {  	_ =	shalt  }
0x55: {  	_ =	shalt  }
0x56: {  	_ =	shalt  }
0x57: {  	_ =	shalt  }
0x58: {  	_ =	shalt  }
0x59: {  	_ =	shalt  }
0x5a: {  	_ =	shalt  }
0x5b: {  	_ =	shalt  }
0x5c: {  	_ =	shalt  }
0x5d: {  	_ =	shalt  }
0x5e: {  	_ =	shalt  }
0x5f: {  	_ =	shalt  }
0x60: {  	_ =	shalt  }
0x61: {  	_ =	shalt  }
0x62: {  	_ =	shalt  }
0x63: {  	_ =	shalt  }
0x64: {  	_ =	shalt  }
0x65: {  	_ =	shalt  }
0x66: {  	_ =	shalt  }
0x67: {  	_ =	shalt  }
0x68: {  	_ =	shalt  }
0x69: {  	_ =	shalt  }
0x6a: {  	_ =	shalt  }
0x6b: {  	_ =	shalt  }
0x6c: {  	_ =	shalt  }
0x6d: {  	_ =	shalt  }
0x6e: {  	_ =	shalt  }
0x6f: {  	_ =	shalt  }
0x70: {  	_ =	shalt  }
0x71: {  	_ =	shalt  }
0x72: {  	_ =	shalt  }
0x73: {  	_ =	shalt  }
0x74: {  	_ =	shalt  }
0x75: {  	_ =	shalt  }
0x76: {  	_ =	shalt  }
0x77: {  	_ =	shalt  }
0x78: {  	_ =	shalt  }
0x79: {  	_ =	shalt  }
0x7a: {  	_ =	shalt  }
0x7b: {  	_ =	shalt  }
0x7c: {  	_ =	shalt  }
0x7d: {  	_ =	shalt  }
0x7e: {  	_ =	shalt  }
0x7f: {  	_ =	shalt  }
0x80: {  	_ =	shalt  }
0x81: {  	_ =	shalt  }
0x82: {  	_ =	shalt  }
0x83: {  	_ =	shalt  }
0x84: {  	_ =	shalt  }
0x85: {  	_ =	shalt  }
0x86: {  	_ =	shalt  }
0x87: {  	_ =	shalt  }
.Lfunc_end0:
.L_simem_size_0:
called_computation.1_lowered:
.L_overlay_start_0:
0x88: {  	s2 =	sld [smem:$0x3FD9]  }
0x89: {  	s3 =	sld [smem:$0x3FFE];
	_ =	sdelay $0x1  }
0x8a: {  	s1 =	srdreg.scid  }
0x8b: {  	s0 =	sand.u32 $0x1, s1  }
0x8c: {  	s17 =	sshll.u32 s0, $0xA;
	s2 =	sadd.s32 s3, s2  }
0x8d: {  	s2 =	sadd.s32 s2, s17  }
0x8e: {  	[smem:$0x3FC2] =	sst s2  }
0x8f: {  	_ = 	snop  }
0x90: {  	s2 =	sld [smem:$0x3FD0];
	(tm) =	ssettm $0x1  }
0x91: {  	s18 =	sld [smem:$0x3FFB];
	_ =	sdelay $0x3  }
0x92: {  	_ =	strace s18  }
0x93: {  	s3 =	sld [smem:$0x3FFC];
	_ =	sdelay $0x3  }
0x94: {  	_ =	strace s3  }
0x95: {  	s3 =	sld [smem:$0x3FFD];
	_ =	sdelay $0x3  }
0x96: {  	_ =	strace s3  }
0x97: {  	_ =	strace $0x8FFFFFFF  }
0x98: {  	s19 =	sld [smem:$0x3FDB];
	_ =	sdelay $0x1  }
0x99: {  	s4 =	simm.s32 $_scs_section_size  }
0x9a: {  	s5 =	simm.s32 $_size__tile_overlayer_lowered;
	s6 =	simm.s32 $_tile_overlayer_lowered  }
0x9b: {  	s22 =	simm.s32 $0x1BFF;
	s21 =	sshll.u32 s6, $0x1;
	s3 =	sadd.s32 s4, s19  }
0x9c: {  	s7 =	simm.s32 $0x0;
	s20 =	sshll.u32 s5, $0x1;
	s5 =	sadd.s32 s21, s3  }
0x9d: {  	[timem:s7], [sflag:s22] =	dma.local [hbm:s5], s20  }
0x9e: {  	_ =	swait.ge [sflag:s22], s20  }
0x9f: {  	s4 =	ssub.s32 $0x0, s20;
	[sflag:s22] =	ssyncset.done $0x0  }
0xa0: {  	[sflag:s22] =	ssyncadd.s32 s4;
	_ =	sdelay $0x1  }
0xa1: {  	s23 =	simm.s32 $0x1B8B  }
0xa2: {  	_ =	swait.ge [sflag:s23], $0x1  }
0xa3: {  	[sflag:s23] =	ssyncset.done $0x0  }
0xa4: {  	s25 =	simm.s32 $0x1B8E;
	s24 =	sld [smem:$0x3FFE];
	[sflag:s23] =	ssyncadd.s32 $0xFFFFFFFF  }
0xa5: {  	s26 =	simm.s32 $execute0_lowered;
	[smem:$0x3FD2] =	sst s25  }
0xa6: {  	s5 =	sshll.u32 s26, $0x1;
	_ =	strace $0x80000046;
	[dreg:$0x1] =	wrdreg $0xFFFFFFFF  }
0xa7: {  	s28 =	simm.s32 $_size_execute0_lowered;
	s3 =	sadd.s32 s3, s5;
	[dreg:$0x0] =	wrdreg $0x0  }
0xa8: {  	s5 =	sshll.u32 s28, $0x1;
	[dreg:$0x2] =	wrdreg s3  }
0xa9: {  	[dreg:$0x3] =	wrdreg s5  }
0xaa: {  	[dreg:$0x4] =	wrdreg $0xC0  }
0xab: {  	_ =	task [dreg:s7], $0x5FFFF  }
0xac: {  	[dreg:$0x1] =	wrdreg $0xFFFFFFFF  }
0xad: {  	[dreg:$0x0] =	wrdreg $0x60  }
0xae: {  	[dreg:$0x2] =	wrdreg s24  }
0xaf: {  	[dreg:$0x3] =	wrdreg s2  }
0xb0: {  	[dreg:$0x4] =	wrdreg $0x84000  }
0xb1: {  	[dreg:$0x5] =	wrdreg $0xA  }
0xb2: {  	_ =	task.clear_ibuf [dreg:s7], $0x6FFFF;
	_ =	strace $0x90000046  }
0xb3: {  	s29 =	simm.s32 $0xA;
	_ =	strace $0x80000048  }
0xb4: {  	_ =	swait.ge [sflag:s29], $0x1  }
0xb5: {  	[sflag:s29] =	ssyncadd.s32 $0xFFFFFFFF  }
0xb6: {  	_ =	strace $0x90000048  }
0xb7: {  	_ =	sfence  }
0xb8: {  	s30 =	sld [smem:$0x0];
	_ =	sdelay $0x2  }
0xb9: {  	s31 =	sshll.u32 s1, $0xD;
	s1 =	sshrl.u32 s1, $0x2  }
0xba: {  	s3 =	sand.u32 $0x4000, s31;
	s1 =	sadd.s32 s1, s30  }
0xbb: {  	s0 =	sor.u32 s3, s0;
	s1 =	sshll.u32 s1, $0x11  }
0xbc: {  	s0 =	sor.u32 s1, s0  }
0xbd: {  	s0 =	sadd.s32 $0x8F2B, s0  }
0xbe: {  	[sflag:s0] =	ssyncadd.remote.s32 $0x1  }
0xbf: {  	_ =	sfence.sel $0xFFFF  }
0xc0: {  	[dreg:$0x0] =	wrdreg $0xFFFFFFFF;
	(pc) =	sbr.abs _section_cstart, $3  }
0xc1: {  	[dreg:$0x1] =	wrdreg $0xFFFFFFFF  }
0xc2: {  	_ =	task.clear_ibuf [dreg:s7], $0x2FFFF;
	_ =	strace $0x9FFFFFFF  }
0xc3: {  	(tm) =	ssettm $0x7FFFFFFF  }
tec
execute0_lowered:
.L_overlay_start_1:
0x0: {  	(tag) =	ssettag $0x1  }
0x1: {  	s0 =	rddreg [dreg:$0x0]  }
0x2: {  	s1 =	rddreg [dreg:$0x1]  }
0x3: {  	s28 =	rddreg [dreg:$0x2]  }
0x4: {  	s4 =	simm.s32 $0x0;
	s2 =	stileid.u32;
	s3 =	srdreg.scid  }
0x5: {  	s31 =	simm.s32 $0x2;
	s30 =	simm.s32 $0x1;
	s5 =	smul.u32 $0x4E000, s2  }
0x6: {  	[smem:$0x7FF] =	sst s4;
	s3 =	sand.u32 $0x1, s3;
	s29 =	sadd.s32 $0x29C00, s0  }
0x7: {  	s23 =	sor.u32 $0x10, s2;
	s16 =	smul.u32 $0x13800, s2;
	s7 =	sshrl.u32 s5, $0x2  }
0x8: {  	p1 =	sne.s32 s2, $0xF;
	_ =	strace $0x80000047;
	s12 =	sadd.s32 s7, s28  }
0x9: {  	s6 =	ssub.s32 $0x2, s3;
	s7 =	sadd.s32 $0x1800, s12;
	[dreg:$0x8] =	wrdreg s12  }
0xa: {  	s26 =	smul.u32 $0x2710, s23;
	s21 =	sadd.s32 $0x3000, s12;
	[dreg:$0x9] =	wrdreg s7  }
0xb: {  	s13 =	smul.u32 $0x1388, s3;
	s22 =	sadd.s32 $0x4800, s12;
	[dreg:$0xa] =	wrdreg s21  }
0xc: {  	s15 =	smul.u32 $0x138800, s3;
	s24 =	sadd.s32 $0x6000, s12;
	[dreg:$0xb] =	wrdreg s22  }
0xd: {  	s5 =	sadd.s32 $0x1C00, s0;
	s25 =	sadd.s32 $0x7800, s12;
	[dreg:$0xc] =	wrdreg s24  }
0xe: {  	s8 =	sshrl.u32 s6, $0x1;
	s9 =	sadd.s32 $0x9000, s12;
	[dreg:$0xd] =	wrdreg s25  }
0xf: {  	s0 =	sadd.s32 $0x29AC00, s0;
	s11 =	sadd.s32 $0xA800, s12;
	[dreg:$0xe] =	wrdreg s9  }
0x10: {  	s6 =	ssub.s32 s6, s8;
	s10 =	sadd.s32 $0xC000, s12;
	[dreg:$0xf] =	wrdreg s11  }
0x11: {  	s18 =	sadd.s32 s13, s26;
	s14 =	sadd.s32 $0xD800, s12;
	[dreg:$0x10] =	wrdreg s10  }
0x12: {  	s19 =	sadd.s32 s16, s15;
	s17 =	sadd.s32 $0x10800, s12;
	[dreg:$0x11] =	wrdreg s14  }
0x13: {  	s8 =	simm.s32 $0x3400;
	s20 =	sadd.s32 $0x12000, s12;
	[dreg:$0x13] =	wrdreg s17  }
0x14: {  	s11 =	sadd.s32 $0xF000, s12;
	s7 =	sshll.u32 s23, $0x1;
	[dreg:$0x14] =	wrdreg s20  }
0x15: {  	s21 =	sshrl.u32 s19, $0x3;
	s23 =	sshrl.u32 s15, $0x3;
	s24 =	smax.u32 s6, $0x1  }
0x16: {  	[dreg:$0x12] =	wrdreg s11;
	s3 =	sor.u32 s3, s7;
	s7 =	sshrl.u32 s18, $0x3  }
0x17: {  	s25 =	smul.u32 $0x2710, s2;
	[dreg:$0x1a] =	wrdreg s24;
	s1 =	sadd.s32 s1, s7  }
0x18: {  	s18 =	smul.u32 $0x5000, s3;
	s7 =	sadd.s32 $0x138000, s28;
	[dreg:$0x15] =	wrdreg s1  }
0x19: {  	s1 =	sadd.s32 s0, s21;
	s0 =	sadd.s32 s0, s23;
	[dreg:$0x17] =	wrdreg s7  }
0x1a: {  	s22 =	sshrl.u32 s18, $0x3;
	[dreg:$0x16] =	wrdreg s1;
	s0 =	sadd.s32 $0x27000, s0  }
0x1b: {  	s6 =	simm.s32 $0x6;
	s3 =	sadd.s32 s5, s22;
	[dreg:$0x19] =	wrdreg s0  }
0x1c: {  	s0 =	simm.s32 @!p1 $0x0;
	[dreg:$0x18] =	wrdreg s3;
	s26 =	sadd.s32 $0x200, s3  }
0x1d: {  	s9 =	simm.s32 $0x28;
	s0 =	simm.s32 @p1 $0x1;
	[dreg:$0x1b] =	wrdreg s26  }
0x1e: {  	v1 =	vimm.f32 $0.0e+00;
	s10 =	simm.s32 $0x4800;
	s11 =	simm.s32 $0x5C00;
	v0 =	vmov s25;
	[smem:$0x7FD] =	sst s0  }
.LBB2_1:
0x1f: {  	s1 =	simm.s32 $0x0;
	s3 =	simm.s32 $0x200  }
.LBB2_2:
0x20: {  	p0 =	sne.s32 s3, $0x4E00;
	[tilespmem:s1+$0x3470] =	vst v1  }
0x21: {  	[tilespmem:s1+$0x3400] =	vst v1  }
0x22: {  	[tilespmem:s1+$0x3410] =	vst v1  }
.Ltmp0:
0x23: {  	[tilespmem:s1+$0x3420] =	vst v1;
	(pc) =	sbr.rel @p0 .LBB2_2-.Ltmp0, $4  }
0x24: {  	[tilespmem:s1+$0x3430] =	vst v1  }
0x25: {  	[tilespmem:s1+$0x3440] =	vst v1  }
0x26: {  	[tilespmem:s1+$0x3450] =	vst v1  }
0x27: {  	[tilespmem:s1+$0x3460] =	vst v1;
	s1 =	sshra.s32 s3, $0x2;
	s3 =	sadd.s32 $0x200, s3  }
0x28: {  	[tilespmem:s1+$0x3470] =	vst v1  }
0x29: {  	[tilespmem:s1+$0x3400] =	vst v1  }
0x2a: {  	[tilespmem:s1+$0x3410] =	vst v1  }
0x2b: {  	[tilespmem:s1+$0x3420] =	vst v1  }
0x2c: {  	[tilespmem:s1+$0x3430] =	vst v1  }
0x2d: {  	[tilespmem:s1+$0x3440] =	vst v1  }
0x2e: {  	[tilespmem:s1+$0x3450] =	vst v1  }
0x2f: {  	[dreg:$0x7] =	wrdreg s4;
	[tilespmem:s1+$0x3460] =	vst v1  }
0x30: {  	[spmem:s12] =	stream.linear.scatter [tilespmem:s8], [sflag:$0x6], $0x1800, $0x38;
	[tilespmem:$0x1BC80] =	vst v63  }
0x31: {  	_ =	swait.ge [sflag:s6], $0x1800  }
0x32: {  	[sflag:s6] =	ssyncset.done $0x0  }
0x33: {  	s0 =	rddreg [dreg:$0x9];
	[sflag:s6] =	ssyncadd.s32 $0xFFFFE800  }
0x34: {  	[spmem:s0] =	stream.linear.scatter [tilespmem:s8], [sflag:$0x6], $0x1800, $0x38;
	[tilespmem:$0x1BC80] =	vst v63  }
0x35: {  	_ =	swait.ge [sflag:s6], $0x1800  }
0x36: {  	[sflag:s6] =	ssyncset.done $0x0  }
0x37: {  	s13 =	rddreg [dreg:$0xa];
	[sflag:s6] =	ssyncadd.s32 $0xFFFFE800  }
0x38: {  	[spmem:s13] =	stream.linear.scatter [tilespmem:s8], [sflag:$0x6], $0x1800, $0x38;
	[tilespmem:$0x1BC80] =	vst v63  }
0x39: {  	_ =	swait.ge [sflag:s6], $0x1800  }
0x3a: {  	[sflag:s6] =	ssyncset.done $0x0  }
0x3b: {  	s14 =	rddreg [dreg:$0xb];
	[sflag:s6] =	ssyncadd.s32 $0xFFFFE800  }
0x3c: {  	[spmem:s14] =	stream.linear.scatter [tilespmem:s8], [sflag:$0x6], $0x1800, $0x38;
	[tilespmem:$0x1BC80] =	vst v63  }
0x3d: {  	_ =	swait.ge [sflag:s6], $0x1800  }
0x3e: {  	[sflag:s6] =	ssyncset.done $0x0  }
0x3f: {  	s15 =	rddreg [dreg:$0xc];
	[sflag:s6] =	ssyncadd.s32 $0xFFFFE800  }
0x40: {  	[spmem:s15] =	stream.linear.scatter [tilespmem:s8], [sflag:$0x6], $0x1800, $0x38;
	[tilespmem:$0x1BC80] =	vst v63  }
0x41: {  	_ =	swait.ge [sflag:s6], $0x1800  }
0x42: {  	[sflag:s6] =	ssyncset.done $0x0  }
0x43: {  	s16 =	rddreg [dreg:$0xd];
	[sflag:s6] =	ssyncadd.s32 $0xFFFFE800  }
0x44: {  	[spmem:s16] =	stream.linear.scatter [tilespmem:s8], [sflag:$0x6], $0x1800, $0x38;
	[tilespmem:$0x1BC80] =	vst v63  }
0x45: {  	_ =	swait.ge [sflag:s6], $0x1800  }
0x46: {  	[sflag:s6] =	ssyncset.done $0x0  }
0x47: {  	s17 =	rddreg [dreg:$0xe];
	[sflag:s6] =	ssyncadd.s32 $0xFFFFE800  }
0x48: {  	[spmem:s17] =	stream.linear.scatter [tilespmem:s8], [sflag:$0x6], $0x1800, $0x38;
	[tilespmem:$0x1BC80] =	vst v63  }
0x49: {  	_ =	swait.ge [sflag:s6], $0x1800  }
0x4a: {  	[sflag:s6] =	ssyncset.done $0x0  }
0x4b: {  	s19 =	rddreg [dreg:$0xf];
	[sflag:s6] =	ssyncadd.s32 $0xFFFFE800  }
0x4c: {  	[spmem:s19] =	stream.linear.scatter [tilespmem:s8], [sflag:$0x6], $0x1800, $0x38;
	[tilespmem:$0x1BC80] =	vst v63  }
0x4d: {  	_ =	swait.ge [sflag:s6], $0x1800  }
0x4e: {  	[sflag:s6] =	ssyncset.done $0x0  }
0x4f: {  	s20 =	rddreg [dreg:$0x10];
	[sflag:s6] =	ssyncadd.s32 $0xFFFFE800  }
0x50: {  	[spmem:s20] =	stream.linear.scatter [tilespmem:s8], [sflag:$0x6], $0x1800, $0x38;
	[tilespmem:$0x1BC80] =	vst v63  }
0x51: {  	_ =	swait.ge [sflag:s6], $0x1800  }
0x52: {  	[sflag:s6] =	ssyncset.done $0x0  }
0x53: {  	s21 =	rddreg [dreg:$0x11];
	[sflag:s6] =	ssyncadd.s32 $0xFFFFE800  }
0x54: {  	[spmem:s21] =	stream.linear.scatter [tilespmem:s8], [sflag:$0x6], $0x1800, $0x38;
	[tilespmem:$0x1BC80] =	vst v63  }
0x55: {  	_ =	swait.ge [sflag:s6], $0x1800  }
0x56: {  	[sflag:s6] =	ssyncset.done $0x0  }
0x57: {  	s22 =	rddreg [dreg:$0x12];
	[sflag:s6] =	ssyncadd.s32 $0xFFFFE800  }
0x58: {  	[spmem:s22] =	stream.linear.scatter [tilespmem:s8], [sflag:$0x6], $0x1800, $0x38;
	[tilespmem:$0x1BC80] =	vst v63  }
0x59: {  	_ =	swait.ge [sflag:s6], $0x1800  }
0x5a: {  	[sflag:s6] =	ssyncset.done $0x0  }
0x5b: {  	s23 =	rddreg [dreg:$0x13];
	[sflag:s6] =	ssyncadd.s32 $0xFFFFE800  }
0x5c: {  	[spmem:s23] =	stream.linear.scatter [tilespmem:s8], [sflag:$0x6], $0x1800, $0x38;
	[tilespmem:$0x1BC80] =	vst v63  }
0x5d: {  	_ =	swait.ge [sflag:s6], $0x1800  }
0x5e: {  	[sflag:s6] =	ssyncset.done $0x0  }
0x5f: {  	s24 =	rddreg [dreg:$0x14];
	[sflag:s6] =	ssyncadd.s32 $0xFFFFE800  }
0x60: {  	[spmem:s24] =	stream.linear.scatter [tilespmem:s8], [sflag:$0x6], $0x1800, $0x38;
	[tilespmem:$0x1BC80] =	vst v63  }
0x61: {  	_ =	swait.ge [sflag:s6], $0x1800  }
0x62: {  	[sflag:s6] =	ssyncset.done $0x0  }
0x63: {  	s1 =	simm.s32 @!p1 $0x3400;
	[sflag:s6] =	ssyncadd.s32 $0xFFFFE800  }
0x64: {  	[spmem:s7] =	stream.linear.scatter @!p1 [tilespmem:s1], [sflag:$0x6], $0x800, $0x38;
	[tilespmem:$0x1BC80] =	vst v63  }
0x65: {  	s1 =	simm.s32 @!p1 $0x6  }
0x66: {  	_ =	swait.ge @!p1 [sflag:s1], $0x800  }
0x67: {  	[sflag:s1] =	ssyncset.done @!p1 $0x0  }
0x68: {  	[sflag:s1] =	ssyncadd.s32 @!p1 $0xFFFFF800  }
0x69: {  	[bflag:$0x0] =	sbarrier.arrive $0xFFFF  }
0x6a: {  	s25 =	simm.s32 $0x0;
	s26 =	rddreg [dreg:$0x15]  }
0x6b: {  	[tilespmem:s25], [sflag:$0x6] =	stream.linear.gather [hbm4b:s26+s25], $0x1388, $0x38;
	[tilespmem:$0x1BC80] =	vst v63  }
0x6c: {  	_ =	swait.ge [sflag:s6], $0x1388  }
0x6d: {  	[sflag:s6] =	ssyncset.done $0x0  }
0x6e: {  	s3 =	simm.s32 $0x40;
	s1 =	simm.s32 $0x0;
	[sflag:s6] =	ssyncadd.s32 $0xFFFFEC78  }
.LBB2_4:
0x6f: {  	p0 =	sne.s32 s3, $0x4E00;
	v2 =	vld [tilespmem:s1+$0x0];
	_ =	sdelay $0x1  }
.Ltmp1:
0x70: {  	(pc) =	sbr.rel @p0 .LBB2_4-.Ltmp1, $3  }
0x71: {  	_ =	sdelay $0x1  }
0x72: {  	v2 =	vadd.s32 v0, v2  }
0x73: {  	[tilespmem:s1+$0x0] =	vst v2;
	s1 =	sshra.s32 s3, $0x2;
	s3 =	sadd.s32 $0x40, s3  }
0x74: {  	v2 =	vld [tilespmem:s1+$0x0];
	_ =	sdelay $0x2  }
0x75: {  	s2 =	simm.s32 $0x0;
	s0 =	rddreg [dreg:$0x18];
	s17 =	simm.s32 $0x1400  }
0x76: {  	s20 =	simm.s32 $0x2400;
	p1 =	por $0x1, $0x1;
	s13 =	simm.s32 $0x4  }
0x77: {  	s25 =	simm.s32 $0x78;
	s23 =	simm.s32 $0x3;
	s21 =	smul.u32 $0x29, s13;
	v2 =	vadd.s32 v0, v2  }
0x78: {  	p2 =	por @!p1 $0x1, $0x1;
	s14 =	simm.s32 @!p1 $0x2;
	[tilespmem:s1+$0x0] =	vst v2;
	s1 =	smul.u32 @!p1 $0x29, s2  }
0x79: {  	[tilespmem:s17], [sflag:$0x6] =	stream.linear.gather [hbm4b:s0+s2], $0xC80, $0x38;
	[tilespmem:$0x1BC80] =	vst v63  }
0x7a: {  	s16 =	smul.u32 @!p1 $0x29, s14;
	_ =	swait.ge [sflag:s6], $0xC80;
	s1 =	sshrl.u32 @!p1 s1, $0xA  }
0x7b: {  	s14 =	simm.s32 @p1 $0x2;
	[sflag:s6] =	ssyncset.done $0x0;
	s1 =	sand.u32 @!p1 $0x3F, s1  }
0x7c: {  	s19 =	rddreg [dreg:$0x1b];
	[sflag:s6] =	ssyncadd.s32 $0xFFFFF380;
	s1 =	smul.u32 @!p1 $0x19, s1  }
0x7d: {  	[tilespmem:s20], [sflag:$0x5] =	stream.linear.gather [hbm4b:s19+s2], $0xC80, $0x38;
	[tilespmem:$0x1BC80] =	vst v63  }
0x7e: {  	p0 =	por p2, p1;
	s26 =	sand.u32 $0xFF, s14;
	s1 =	ssub.s32 @!p1 $0x0, s1  }
0x7f: {  	[tilespmem:s8], [sflag:$0x1] =	stream.indirect.gather [hbm4b:s29+s9], $0x80, s2, s9, $0xb8;
	[tilespmem:$0x1BC80] =	vst v63  }
0x80: {  	s16 =	sshrl.u32 @!p1 s16, $0xA;
	s6 =	simm.s32 $0x1;
	s3 =	sand.u32 @!p0 $0xFF, s1  }
0x81: {  	s17 =	simm.s32 @!p1 $0x3;
	s12 =	smul.u32 @!p1 $0x29, s6;
	p3 =	sne.s32 @!p0 s3, $0x1  }
0x82: {  	[tilespmem:s10], [sflag:$0x2] =	stream.indirect.gather [hbm4b:s29+s9], $0x80, s9, s9, $0xb8;
	[tilespmem:$0x1BC80] =	vst v63  }
0x83: {  	s24 =	smul.u32 $0xA4, s6;
	s12 =	sshrl.u32 @!p1 s12, $0xA;
	p0 =	por @!p1 p3, p2  }
0x84: {  	s3 =	sshrl.u32 s21, $0xA;
	s21 =	smul.u32 $0x29, s23;
	p6 =	por p0, p1  }
0x85: {  	s12 =	sand.u32 @!p1 $0x3F, s12;
	p2 =	por @!p1 $0x1, $0x1;
	s15 =	smul.u32 @!p6 $0xA4, s2  }
0x86: {  	s12 =	smul.u32 @!p1 $0x19, s12;
	s22 =	sand.u32 $0x3F, s3;
	p0 =	por @!p1 $0x0, $0x0  }
0x87: {  	_ =	swait.ge @!p1 [sflag:s17], $0x1400;
	p3 =	por @!p1 !p3, p2;
	s15 =	sand.u32 @!p6 $0x3F000, s15  }
0x88: {  	p5 =	por p0, p1;
	p0 =	por @!p1 $0x0, $0x0;
	s15 =	sadd.s32 @!p6 $0x1000, s15  }
0x89: {  	[sflag:s17] =	ssyncset.done @!p1 $0x0;
	p3 =	por !p3, p1;
	s19 =	sadd.s32 @!p6 s18, s15  }
0x8a: {  	[sflag:s17] =	ssyncadd.s32 @!p1 $0xFFFFEC00;
	s15 =	sand.u32 @!p6 $0x1000, s15;
	s19 =	sshrl.u32 @!p6 s19, $0x3  }
0x8b: {  	s17 =	simm.s32 @!p6 $0x0;
	s15 =	sadd.s32 @!p6 $0x1400, s15;
	s19 =	sadd.s32 @!p6 s5, s19  }
0x8c: {  	[tilespmem:s15], [sflag:$0x5] =	stream.linear.gather @!p6 [hbm4b:s19+s17], $0xC80, $0x38;
	[tilespmem:$0x1BC80] =	vst v63  }
0x8d: {  	p4 =	por @!p5 $0x1, $0x1;
	s15 =	sand.u32 @!p1 $0x3F, s16;
	s16 =	sand.u32 @!p1 $0xFF, s1  }
0x8e: {  	p6 =	por @!p1 p4, p0;
	s1 =	ssub.s32 @!p1 $0x1, s12;
	s19 =	sand.u32 $0x1000, s24  }
0x8f: {  	p0 =	por p6, p1;
	s12 =	smul.u32 @!p1 $0x19, s15;
	s17 =	smov.u32 s16  }
0x90: {  	p6 =	por @!p1 $0x1, $0x1;
	s23 =	sand.u32 @!p1 $0xFF, s1;
	s15 =	sand.u32 @!p0 $0xFF, s1  }
0x91: {  	s17 =	simm.s32 @!p3 $0x1;
	p2 =	por p6, p1;
	p0 =	sne.s32 @!p0 s15, $0x1  }
0x92: {  	s12 =	ssub.s32 @!p1 $0x2, s12;
	p3 =	por @!p5 p0, p4;
	p5 =	por @!p5 !p0, p4  }
0x93: {  	p0 =	por @!p1 $0x1, $0x1;
	s15 =	sand.u32 @!p2 $0xFF, s12;
	s0 =	simm.s32 @!p3 $0x0  }
0x94: {  	s3 =	sand.u32 @!p1 $0xFF, s12;
	p0 =	por !p0, p1;
	s0 =	simm.s32 @p3 $0x1  }
0x95: {  	s16 =	smov.u32 @p0 s17;
	p0 =	sne.s32 @!p2 s15, $0x0;
	s15 =	smul.u32 $0x19, s22  }
0x96: {  	s17 =	smov.u32 s3;
	s22 =	simm.s32 @!p1 $0xFFFFFFE8;
	p3 =	por @!p1 $0x0, $0x0  }
0x97: {  	[smem:$0x7F7] =	sst s0;
	p2 =	por @!p1 !p0, p6;
	p0 =	por @!p1 p0, p6  }
0x98: {  	s22 =	simm.s32 @p1 $0xFFFFFFE8;
	p4 =	por @!p1 !p4, p3;
	s16 =	simm.s32 @p1 $0x0  }
0x99: {  	p2 =	por !p2, p1;
	p0 =	por p0, p1;
	s15 =	ssub.s32 $0x4, s15  }
0x9a: {  	s16 =	sshll.u32 s16, $0x7;
	s17 =	simm.s32 @!p2 $0x0;
	s20 =	simm.s32 @!p0 $0x5  }
0x9b: {  	p2 =	por !p6, p1;
	p6 =	por $0x1, $0x1;
	_ =	swait.ge @!p0 [sflag:s20], $0xC80  }
0x9c: {  	s3 =	smov.u32 @p2 s17;
	p2 =	por @!p1 !p5, p3;
	s1 =	sand.u32 @!p6 $0xFF, s15  }
0x9d: {  	[sflag:s20] =	ssyncset.done @!p0 $0x0;
	p2 =	por !p2, p1;
	s12 =	sld [smem:$0x7F7]  }
0x9e: {  	[sflag:s20] =	ssyncadd.s32 @!p0 $0xFFFFF380;
	p0 =	por @!p6 $0x0, $0x0;
	s20 =	simm.s32 $0x0  }
0x9f: {  	s3 =	simm.s32 @p1 $0x2;
	s0 =	simm.s32 @!p0 $0x0;
	s20 =	simm.s32 @p1 $0x0  }
0xa0: {  	p6 =	sne.s32 @!p6 s1, $0x0;
	s0 =	simm.s32 @p0 $0x1;
	s20 =	sand.u32 $0xFF, s20  }
0xa1: {  	[smem:$0x7F8] =	sst s0;
	s0 =	sshrl.u32 s21, $0xA;
	s21 =	smov.u32 s23  }
0xa2: {  	s20 =	smul.u32 $0xA4, s20;
	s21 =	simm.s32 @p2 $0x1;
	s15 =	sand.u32 $0x3F, s0  }
0xa3: {  	p2 =	por !p4, p1;
	p4 =	por $0x1, $0x1;
	s4 =	smul.u32 $0x19, s15  }
0xa4: {  	s21 =	smov.u32 @p2 s23;
	p2 =	por !p3, p1;
	p3 =	por @!p1 $0x0, $0x0  }
0xa5: {  	s7 =	sshll.u32 s15, $0xC;
	s20 =	sand.u32 $0x1000, s20;
	s23 =	smov.u32 @p2 s21  }
0xa6: {  	p2 =	por p0, p4;
	s0 =	sand.u32 $0x1000, s7;
	p0 =	seq.s32 s12, $0x1  }
0xa7: {  	s21 =	smul.u32 $0xA4, s26;
	s26 =	sld [smem:$0x7F8];
	s7 =	sshll.u32 s3, $0x7  }
0xa8: {  	s16 =	sadd.s32 s16, s20;
	p3 =	por @!p1 p0, p3;
	p0 =	sgt.u32 s22, $0x32  }
0xa9: {  	s24 =	ssub.s32 $0x3, s4;
	s22 =	smul.u32 $0xA0, s14;
	s4 =	simm.s32 @!p0 $0x0  }
0xaa: {  	s16 =	sadd.s32 $0x1400, s16;
	s17 =	sand.u32 @!p2 $0xFF, s24;
	s4 =	simm.s32 @p0 $0x1  }
0xab: {  	p2 =	sne.s32 @!p2 s17, $0x0;
	s17 =	sshra.s32 s22, $0x2;
	[smem:$0x7F9] =	sst s4  }
0xac: {  	[tilespmem:s11], [sflag:$0x3] =	stream.indirect.gather [hbm4b:s29+s9], $0x80, s17, s9, $0xb8;
	[tilespmem:$0x1BC80] =	vst v63  }
0xad: {  	p5 =	por p3, p1;
	s1 =	sand.u32 $0x1000, s21;
	_ =	swait.ge [sflag:s30], $0x1400  }
0xae: {  	p3 =	por $0x1, $0x1;
	p0 =	seq.s32 s26, $0x1;
	[sflag:s30] =	ssyncset.done $0x0  }
0xaf: {  	s6 =	smul.u32 @!p5 $0xA4, s6;
	s22 =	simm.s32 @!p1 $0x4;
	[sflag:s30] =	ssyncadd.s32 $0xFFFFEC00  }
0xb0: {  	[spmem:s28] =	stream.indirect.scatter.add.f32 [tilespmem:s8], [sflag:$0x1], $0x80, s16, s9, $0xb8;
	[tilespmem:$0x1BC80] =	vst v63  }
0xb1: {  	s26 =	sand.u32 @!p3 $0xFF, s24;
	s6 =	sand.u32 @!p5 $0x3F000, s6;
	_ =	swait.ge @!p1 [sflag:s22], $0x1400  }
0xb2: {  	s11 =	sand.u32 $0xFF, s24;
	s6 =	sadd.s32 @!p5 $0x1000, s6;
	s24 =	sld [smem:$0x7F9]  }
0xb3: {  	s23 =	simm.s32 @p1 $0x1;
	s21 =	sadd.s32 s7, s1;
	s20 =	sadd.s32 @!p5 s18, s6  }
0xb4: {  	p2 =	por @!p4 p2, p0;
	p0 =	por p6, p4;
	s1 =	sshrl.u32 @!p5 s20, $0x3  }
0xb5: {  	s6 =	sand.u32 @!p5 $0x1000, s6;
	s20 =	sadd.s32 @!p5 s5, s1;
	p3 =	seq.s32 s24, $0x1  }
0xb6: {  	s1 =	sadd.s32 @!p5 $0x1400, s6;
	s6 =	sshll.u32 s11, $0x7;
	p3 =	sne.s32 @!p3 s3, $0x1  }
0xb7: {  	p0 =	sgt.u32 @!p0 s14, $0x62;
	s17 =	sadd.s32 s6, s0;
	s0 =	simm.s32 @!p3 $0x0  }
0xb8: {  	p0 =	por @!p4 p0, p6;
	p6 =	por $0x1, $0x1;
	s0 =	simm.s32 @p3 $0x1  }
0xb9: {  	p3 =	por $0x1, $0x1;
	[smem:$0x7FA] =	sst s0;
	s0 =	simm.s32 @!p6 $0x0  }
0xba: {  	s12 =	sshll.u32 s23, $0x7;
	p3 =	sne.s32 @!p3 s26, $0x1;
	s0 =	simm.s32 @p6 $0x1  }
0xbb: {  	s23 =	simm.s32 @!p5 $0x0;
	[smem:$0x7FB] =	sst s0;
	s0 =	simm.s32 @!p3 $0x0  }
0xbc: {  	p2 =	por p2, p4;
	s16 =	simm.s32 $0x0;
	s0 =	simm.s32 @p3 $0x1  }
0xbd: {  	s6 =	sadd.s32 s12, s19;
	[sflag:s22] =	ssyncset.done @!p1 $0x0;
	[smem:$0x7FC] =	sst s0  }
.LBB2_6:
0xbe: {  	[sflag:s22] =	ssyncadd.s32 @!p1 $0xFFFFEC00  }
0xbf: {  	s19 =	smov.u32 s2;
	s2 =	smov.u32 s13;
	s13 =	sadd.s32 $0x4, s13  }
0xc0: {  	[tilespmem:s1], [sflag:$0x5] =	stream.linear.gather @!p5 [hbm4b:s20+s23], $0xC80, $0x38;
	[tilespmem:$0x1BC80] =	vst v63  }
0xc1: {  	s3 =	simm.s32 @!p2 $0x5;
	p1 =	sne.s32 s13, $0x7C  }
0xc2: {  	s22 =	smov.u32 s25;
	s26 =	simm.s32 $0x7000;
	s0 =	simm.s32 @!p1 $0x0  }
0xc3: {  	s7 =	sadd.s32 $0x1400, s6;
	s20 =	smul.u32 $0x29, s13;
	s0 =	simm.s32 @p1 $0x1  }
0xc4: {  	s16 =	sadd.s32 $0x1, s16;
	p4 =	por p0, p4;
	[smem:$0x7F6] =	sst s0  }
0xc5: {  	s23 =	sadd.s32 $0x5, s19;
	s1 =	sshrl.u32 s20, $0xA;
	_ =	swait.ge @!p2 [sflag:s3], $0xC80  }
0xc6: {  	s24 =	smul.u32 $0x29, s23;
	s1 =	sand.u32 $0x3F, s1;
	[sflag:s3] =	ssyncset.done @!p2 $0x0  }
0xc7: {  	s20 =	sadd.s32 $0x1, s2;
	s1 =	smul.u32 $0x19, s1;
	[sflag:s3] =	ssyncadd.s32 @!p2 $0xFFFFF380  }
0xc8: {  	[tilespmem:s26], [sflag:$0x4] =	stream.indirect.gather [hbm4b:s29+s9], $0x80, s25, s9, $0xb8;
	[tilespmem:$0x1BC80] =	vst v63  }
0xc9: {  	s3 =	sshrl.u32 s24, $0xA;
	s24 =	sadd.s32 $0xFFFFFFEC, s19;
	_ =	swait.ge [sflag:s31], $0x1400  }
0xca: {  	s3 =	sand.u32 $0x3F, s3;
	p2 =	sgt.u32 s24, $0x4B;
	s11 =	sld [smem:$0x7F9]  }
0xcb: {  	s26 =	sadd.s32 $0x28, s22;
	[sflag:s31] =	ssyncset.done $0x0;
	s12 =	sld [smem:$0x7FA]  }
0xcc: {  	s4 =	smul.u32 $0x19, s3;
	s3 =	ssub.s32 s13, s1;
	[sflag:s31] =	ssyncadd.s32 $0xFFFFEC00  }
0xcd: {  	[spmem:s28] =	stream.indirect.scatter.add.f32 [tilespmem:s10], [sflag:$0x2], $0x80, s7, s9, $0xb8;
	[tilespmem:$0x1BC80] =	vst v63  }
0xce: {  	s10 =	simm.s32 $0x3;
	p5 =	seq.s32 s11, $0x1;
	p6 =	seq.s32 s12, $0x1  }
0xcf: {  	s11 =	smul.u32 $0xA4, s20;
	s12 =	smov.u32 s29;
	p1 =	por p6, p5  }
0xd0: {  	p5 =	seq.s32 s19, $0x78;
	p6 =	slt.u32 s16, $0x6;
	s6 =	sand.u32 @!p1 $0xFF, s14  }
0xd1: {  	s14 =	ssub.s32 s23, s4;
	s0 =	simm.s32 @!p5 $0x0;
	s24 =	sadd.s32 @!p5 $0x50, s22  }
0xd2: {  	s22 =	simm.s32 @!p1 $0x0;
	s23 =	simm.s32 @!p4 $0x5;
	s4 =	smov.u32 s28  }
0xd3: {  	s1 =	smul.u32 @!p1 $0xA4, s6;
	s6 =	sand.u32 @!p2 $0xFF, s14;
	s0 =	simm.s32 @p5 $0x1  }
0xd4: {  	[smem:$0x7E5] =	sst s0;
	p3 =	sne.s32 @!p2 s6, $0x0;
	s0 =	simm.s32 @!p5 $0x28  }
0xd5: {  	[dreg:$0x5] =	wrdreg s0;
	s1 =	sand.u32 @!p1 $0xF000, s1;
	s0 =	simm.s32 @!p5 $0x4800  }
0xd6: {  	p0 =	por p3, p2;
	[dreg:$0x6] =	wrdreg s0;
	s1 =	sadd.s32 @!p1 $0x1000, s1  }
0xd7: {  	s0 =	simm.s32 @!p0 $0x0;
	s6 =	sadd.s32 @!p1 s18, s1;
	_ =	swait.ge [sflag:s30], $0x1400  }
0xd8: {  	s1 =	sand.u32 @!p1 $0x1000, s1;
	s6 =	sshrl.u32 @!p1 s6, $0x3;
	[sflag:s30] =	ssyncset.done $0x0  }
0xd9: {  	s1 =	sadd.s32 @!p1 $0x1400, s1;
	s19 =	sadd.s32 @!p1 s5, s6;
	[sflag:s30] =	ssyncadd.s32 $0xFFFFEC00  }
0xda: {  	[tilespmem:s1], [sflag:$0x5] =	stream.linear.gather @!p1 [hbm4b:s19+s22], $0xC80, $0x38;
	[tilespmem:$0x1BC80] =	vst v63  }
0xdb: {  	s31 =	sand.u32 @!p6 $0xFF, s3;
	s0 =	simm.s32 @p0 $0x1;
	_ =	swait.ge @!p4 [sflag:s23], $0xC80  }
0xdc: {  	p0 =	sgt.u32 @!p6 s20, $0x62;
	s6 =	sadd.s32 $0x3, s2;
	s1 =	sld [smem:$0x7FB]  }
0xdd: {  	s30 =	sadd.s32 $0x1400, s21;
	[sflag:s23] =	ssyncset.done @!p4 $0x0;
	s7 =	sld [smem:$0x7FC]  }
0xde: {  	s28 =	smul.u32 $0x29, s6;
	[smem:$0x7E3] =	sst s0;
	[sflag:s23] =	ssyncadd.s32 @!p4 $0xFFFFF380  }
0xdf: {  	[tilespmem:s8], [sflag:$0x1] =	stream.indirect.gather [hbm4b:s29+s9], $0x80, s26, s9, $0xb8;
	[tilespmem:$0x1BC80] =	vst v63  }
0xe0: {  	s28 =	sshrl.u32 s28, $0xA;
	p1 =	seq.s32 s1, $0x1;
	p2 =	seq.s32 s7, $0x1  }
0xe1: {  	s26 =	simm.s32 $0x28;
	_ =	swait.ge [sflag:s10], $0x1400;
	p5 =	por p2, p1  }
0xe2: {  	p1 =	seq.s32 s2, $0x0;
	[sflag:s10] =	ssyncset.done $0x0;
	s1 =	sshll.u32 @!p5 s15, $0xC  }
0xe3: {  	s14 =	smul.u32 @!p1 $0x29, s2;
	s23 =	sadd.s32 @!p1 $0xFFFFFFE8, s2;
	s19 =	sadd.s32 @!p1 $0xFFFFFFE6, s2  }
0xe4: {  	[sflag:s10] =	ssyncadd.s32 $0xFFFFEC00;
	s21 =	smul.u32 @!p1 $0x29, s20;
	p4 =	sgt.u32 @!p1 s20, $0x4C  }
0xe5: {  	s15 =	sand.u32 $0x1000, s11;
	s11 =	smov.u32 s2;
	p3 =	sgt.u32 @!p1 s19, $0x32  }
0xe6: {  	s8 =	sadd.s32 @!p5 $0x1000, s1;
	s1 =	sadd.s32 @!p1 $0x2, s2;
	[dreg:$0x4] =	wrdreg s15  }
0xe7: {  	s11 =	simm.s32 @p1 $0x0;
	s19 =	sld [smem:$0x7E3];
	s14 =	sshrl.u32 @!p1 s14, $0xA  }
0xe8: {  	s0 =	simm.s32 @!p3 $0x0;
	s29 =	smul.u32 @!p1 $0x29, s1;
	p2 =	por !p3, p1  }
0xe9: {  	s9 =	sshrl.u32 @!p1 s21, $0xA;
	s14 =	sand.u32 @!p1 $0x3F, s14;
	s0 =	simm.s32 @p3 $0x1  }
0xea: {  	[smem:$0x7E1] =	sst s0;
	s0 =	simm.s32 @!p0 $0x0;
	s15 =	smul.u32 @!p1 $0x19, s14  }
0xeb: {  	s21 =	sshrl.u32 @!p1 s29, $0xA;
	s14 =	smov.u32 s1;
	s0 =	simm.s32 @p0 $0x1  }
0xec: {  	s10 =	sand.u32 @!p1 $0x3F, s21;
	[smem:$0x7F5] =	sst s0;
	s0 =	simm.s32 @!p6 $0x0  }
0xed: {  	p0 =	sgt.u32 @!p1 s23, $0x4B;
	s3 =	sld [smem:$0x7E1];
	s0 =	simm.s32 @p6 $0x1  }
0xee: {  	s15 =	ssub.s32 @!p1 s2, s15;
	[smem:$0x7F3] =	sst s0;
	s0 =	simm.s32 @!p4 $0x0  }
0xef: {  	s10 =	smul.u32 @!p1 $0x19, s10;
	s21 =	sand.u32 @!p1 $0xFF, s15;
	s0 =	simm.s32 @p4 $0x1  }
0xf0: {  	p3 =	seq.s32 s3, $0x1;
	[smem:$0x7EA] =	sst s0;
	s0 =	simm.s32 @!p2 $0x0  }
0xf1: {  	s10 =	ssub.s32 @!p1 s1, s10;
	s3 =	sand.u32 $0xFF, s11;
	s0 =	simm.s32 @p2 $0x1  }
0xf2: {  	p3 =	por p3, p1;
	[smem:$0x7E9] =	sst s0;
	s0 =	simm.s32 @!p0 $0x0  }
0xf3: {  	s15 =	sand.u32 @!p3 $0xFF, s15;
	s0 =	simm.s32 @p0 $0x1;
	p0 =	por p4, p1  }
0xf4: {  	p2 =	seq.s32 s19, $0x1;
	[smem:$0x7EB] =	sst s0;
	s0 =	simm.s32 @!p0 $0x0  }
0xf5: {  	s7 =	simm.s32 @!p2 $0x5;
	s0 =	simm.s32 @p0 $0x1;
	p0 =	slt.u32 @!p0 s16, $0x7  }
0xf6: {  	[smem:$0x7E7] =	sst s0;
	s0 =	simm.s32 @!p0 $0x0;
	p2 =	por @!p1 p0, p4  }
0xf7: {  	s19 =	sld [smem:$0x7F5];
	s0 =	simm.s32 @p0 $0x1;
	s1 =	simm.s32 @!p2 $0x0  }
0xf8: {  	p0 =	por @!p1 !p0, p4;
	[smem:$0x7E8] =	sst s0;
	s1 =	simm.s32 @p2 $0x1  }
0xf9: {  	s0 =	sadd.s32 @!p5 s18, s8;
	[smem:$0x7E2] =	sst s1;
	s1 =	simm.s32 @!p0 $0x0  }
0xfa: {  	p2 =	seq.s32 s19, $0x1;
	s1 =	simm.s32 @p0 $0x1;
	p0 =	sne.s32 @!p6 s31, $0x0  }
0xfb: {  	s8 =	sand.u32 @!p5 $0x1000, s8;
	[smem:$0x7E6] =	sst s1;
	s1 =	simm.s32 @!p0 $0x0  }
0xfc: {  	s19 =	sld [smem:$0x7E1];
	s1 =	simm.s32 @p0 $0x1;
	p0 =	por p2, p6  }
0xfd: {  	s0 =	sshrl.u32 @!p5 s0, $0x3;
	[smem:$0x7F4] =	sst s1;
	s11 =	simm.s32 @!p0 $0x0  }
0xfe: {  	s1 =	sadd.s32 $0x1400, s17;
	s17 =	sld [smem:$0x7EB];
	s11 =	simm.s32 @p0 $0x1  }
0xff: {  	p0 =	sne.s32 @!p3 s15, $0x1;
	p3 =	seq.s32 s19, $0x1;
	s19 =	simm.s32 $0x5C00  }
0x100: {  	[spmem:s4] =	stream.indirect.scatter.add.f32 [tilespmem:s19], [sflag:$0x3], $0x80, s30, s26, $0xb8;
	[tilespmem:$0x1BC80] =	vst v63  }
0x101: {  	p2 =	por @!p1 p0, p3;
	p0 =	por @!p1 !p0, p3;
	p4 =	seq.s32 s17, $0x1  }
0x102: {  	s8 =	sadd.s32 @!p5 $0x1400, s8;
	s30 =	simm.s32 @!p0 $0x0;
	p6 =	por p4, p1  }
0x103: {  	[smem:$0x7F1] =	sst s11;
	s30 =	simm.s32 @p0 $0x1;
	s11 =	sand.u32 @!p6 $0xFF, s10  }
0x104: {  	s31 =	simm.s32 $0x2;
	[smem:$0x7E4] =	sst s30;
	p6 =	sne.s32 @!p6 s11, $0x0  }
0x105: {  	s0 =	sadd.s32 @!p5 s5, s0;
	_ =	swait.ge [sflag:s31], $0x1400;
	s11 =	simm.s32 @!p6 $0x0  }
0x106: {  	s15 =	sand.u32 $0x3F, s28;
	[sflag:s31] =	ssyncset.done $0x0;
	s11 =	simm.s32 @p6 $0x1  }
0x107: {  	s28 =	simm.s32 @!p5 $0x0;
	[sflag:s31] =	ssyncadd.s32 $0xFFFFEC00;
	[smem:$0x7EC] =	sst s11  }
0x108: {  	[tilespmem:s8], [sflag:$0x5] =	stream.linear.gather @!p5 [hbm4b:s0+s28], $0xC80, $0x38;
	[tilespmem:$0x1BC80] =	vst v63  }
0x109: {  	s8 =	sld [smem:$0x7E2]  }
0x10a: {  	s17 =	smul.u32 $0x19, s15;
	p2 =	por p2, p1;
	s11 =	sld [smem:$0x7E3]  }
0x10b: {  	s30 =	smul.u32 @!p2 $0xA4, s2  }
0x10c: {  	s17 =	ssub.s32 s6, s17;
	p5 =	por @!p1 p6, p4;
	p3 =	seq.s32 s8, $0x1  }
0x10d: {  	s6 =	simm.s32 @!p5 $0x0;
	p0 =	por p3, p1;
	p3 =	seq.s32 s11, $0x1  }
0x10e: {  	s6 =	simm.s32 @p5 $0x1;
	_ =	swait.ge @!p3 [sflag:s7], $0xC80  }
0x10f: {  	s0 =	sand.u32 @!p2 $0x3F000, s30;
	[smem:$0x7EE] =	sst s6  }
0x110: {  	s0 =	sadd.s32 @!p2 $0x1000, s0;
	s8 =	sld [smem:$0x7E4]  }
0x111: {  	[sflag:s7] =	ssyncset.done @!p3 $0x0;
	s6 =	sadd.s32 @!p2 s18, s0;
	s11 =	sld [smem:$0x7E5]  }
0x112: {  	[sflag:s7] =	ssyncadd.s32 @!p3 $0xFFFFF380;
	s7 =	sand.u32 @!p1 $0xFF, s10;
	s10 =	sld [smem:$0x7E6]  }
0x113: {  	s28 =	sand.u32 @!p2 $0x1000, s0;
	s0 =	sshrl.u32 @!p2 s6, $0x3;
	s6 =	rddreg [dreg:$0x5]  }
0x114: {  	p4 =	seq.s32 s8, $0x1;
	s8 =	rddreg [dreg:$0x6]  }
0x115: {  	p6 =	por !p4, p1;
	p4 =	seq.s32 s11, $0x1;
	p5 =	seq.s32 s10, $0x1  }
0x116: {  	[tilespmem:s8], [sflag:$0x2] =	stream.indirect.gather @!p4 [hbm4b:s12+s6], $0x80, s24, s6, $0xb8;
	[tilespmem:$0x1BC80] =	vst v63  }
0x117: {  	p4 =	por !p5, p1  }
0x118: {  	s22 =	simm.s32 @!p1 $0x3;
	s9 =	sand.u32 @!p1 $0x3F, s9;
	s8 =	simm.s32 @!p4 $0x0  }
0x119: {  	s9 =	smul.u32 @!p1 $0x19, s9;
	s14 =	simm.s32 @p1 $0x2;
	s8 =	simm.s32 @p4 $0x1  }
0x11a: {  	s3 =	smul.u32 $0xA4, s3;
	[smem:$0x7F0] =	sst s8;
	s8 =	simm.s32 $0x4  }
0x11b: {  	s23 =	simm.s32 @p1 $0xFFFFFFE8;
	s29 =	sand.u32 $0xFF, s14;
	_ =	swait.ge [sflag:s8], $0x1400  }
0x11c: {  	s9 =	ssub.s32 @!p1 s20, s9;
	s3 =	sand.u32 $0x1000, s3;
	s11 =	sld [smem:$0x7E7]  }
0x11d: {  	s30 =	simm.s32 $0x1;
	s6 =	sand.u32 @!p0 $0xFF, s9;
	s24 =	sld [smem:$0x7E8]  }
0x11e: {  	s0 =	sadd.s32 @!p2 s5, s0;
	s10 =	sshll.u32 s15, $0xC;
	p3 =	sne.s32 @!p0 s6, $0x1  }
0x11f: {  	s6 =	sand.u32 $0x1000, s10;
	[sflag:s8] =	ssyncset.done $0x0;
	s10 =	sld [smem:$0x7EA]  }
0x120: {  	[sflag:s8] =	ssyncadd.s32 $0xFFFFEC00;
	p5 =	seq.s32 s11, $0x1;
	p0 =	seq.s32 s24, $0x1  }
0x121: {  	s11 =	simm.s32 $0x7000;
	s24 =	sld [smem:$0x7E9];
	p4 =	por @!p5 p3, p0  }
0x122: {  	[spmem:s4] =	stream.indirect.scatter.add.f32 [tilespmem:s11], [sflag:$0x4], $0x80, s1, s26, $0xb8;
	[tilespmem:$0x1BC80] =	vst v63  }
0x123: {  	s1 =	smov.u32 s21;
	p0 =	por @!p5 !p3, p0;
	s11 =	smul.u32 $0xA4, s29  }
0x124: {  	s29 =	smov.u32 s12;
	s1 =	simm.s32 @!p6 $0x1;
	p3 =	seq.s32 s24, $0x1  }
0x125: {  	s24 =	sld [smem:$0x7EB];
	s21 =	smov.u32 @p3 s1;
	p3 =	seq.s32 s10, $0x1  }
0x126: {  	s10 =	sld [smem:$0x7EC];
	p4 =	por @!p1 p4, p3;
	s21 =	simm.s32 @p1 $0x0  }
0x127: {  	p5 =	por @!p1 !p0, p3;
	p6 =	por p3, p3;
	p0 =	sgt.u32 s23, $0x32  }
0x128: {  	s23 =	sand.u32 @!p1 $0xFF, s9;
	s1 =	simm.s32 @!p4 $0x0;
	s8 =	simm.s32 @!p0 $0x0  }
0x129: {  	s1 =	simm.s32 @p4 $0x1;
	s8 =	simm.s32 @p0 $0x1;
	p4 =	por !p6, p1  }
0x12a: {  	s9 =	smul.u32 $0xA0, s14;
	[smem:$0x7F9] =	sst s8;
	s8 =	simm.s32 @!p4 $0x0  }
0x12b: {  	s21 =	sshll.u32 s21, $0x7;
	s8 =	simm.s32 @p4 $0x1;
	p4 =	por !p5, p1  }
0x12c: {  	p0 =	seq.s32 s24, $0x1;
	[smem:$0x7F2] =	sst s8;
	s8 =	simm.s32 @!p4 $0x0  }
0x12d: {  	p3 =	seq.s32 s10, $0x1;
	[smem:$0x7ED] =	sst s1;
	s8 =	simm.s32 @p4 $0x1  }
0x12e: {  	s9 =	sshra.s32 s9, $0x2;
	p3 =	por @!p1 !p3, p0;
	[smem:$0x7EF] =	sst s8  }
0x12f: {  	s1 =	sand.u32 $0x1000, s11;
	s11 =	sadd.s32 $0xFFFFFFE9, s2;
	_ =	swait.ge @!p1 [sflag:s22], $0x1400  }
0x130: {  	p3 =	por !p3, p1;
	[sflag:s22] =	ssyncset.done @!p1 $0x0;
	s12 =	sld [smem:$0x7ED]  }
0x131: {  	s8 =	smov.u32 s7;
	[sflag:s22] =	ssyncadd.s32 @!p1 $0xFFFFEC00;
	s22 =	sld [smem:$0x7F9]  }
0x132: {  	s8 =	simm.s32 @!p3 $0x0;
	p3 =	por !p0, p1;
	s24 =	sld [smem:$0x7EE]  }
0x133: {  	s3 =	sadd.s32 s21, s3;
	p6 =	sgt.u32 s11, $0x32;
	s7 =	smov.u32 @p3 s8  }
0x134: {  	s7 =	simm.s32 @p1 $0x2;
	p3 =	seq.s32 s12, $0x1;
	p0 =	seq.s32 s22, $0x1  }
0x135: {  	p4 =	seq.s32 s24, $0x1;
	p5 =	por p3, p1;
	p3 =	sne.s32 @!p0 s7, $0x1  }
0x136: {  	p4 =	por p4, p1;
	s8 =	smul.u32 @!p5 $0xA4, s20;
	s10 =	simm.s32 @!p3 $0x0  }
0x137: {  	s7 =	sshll.u32 s7, $0x7;
	s20 =	simm.s32 @!p2 $0x0;
	s10 =	simm.s32 @p3 $0x1  }
0x138: {  	s22 =	simm.s32 @!p4 $0x5;
	[smem:$0x7FA] =	sst s10;
	s10 =	sadd.s32 @!p2 $0x1400, s28  }
0x139: {  	[tilespmem:s10], [sflag:$0x5] =	stream.linear.gather @!p2 [hbm4b:s0+s20], $0xC80, $0x38;
	[tilespmem:$0x1BC80] =	vst v63  }
0x13a: {  	s21 =	sadd.s32 s7, s1;
	s1 =	simm.s32 @!p6 $0x0;
	_ =	swait.ge @!p4 [sflag:s22], $0xC80  }
0x13b: {  	s11 =	sand.u32 @!p6 $0xFF, s17;
	s1 =	simm.s32 @p6 $0x1;
	s12 =	sld [smem:$0x7EF]  }
0x13c: {  	s0 =	sand.u32 @!p5 $0x3F000, s8;
	p2 =	sne.s32 @!p6 s11, $0x1;
	s20 =	sld [smem:$0x7F0]  }
0x13d: {  	s8 =	smov.u32 s23;
	[smem:$0x7FB] =	sst s1;
	s1 =	simm.s32 @!p2 $0x0  }
0x13e: {  	[sflag:s22] =	ssyncset.done @!p4 $0x0;
	s24 =	sld [smem:$0x7F1];
	s1 =	simm.s32 @p2 $0x1  }
0x13f: {  	s0 =	sadd.s32 @!p5 $0x1000, s0;
	[sflag:s22] =	ssyncadd.s32 @!p4 $0xFFFFF380;
	[smem:$0x7FC] =	sst s1  }
0x140: {  	[tilespmem:s19], [sflag:$0x3] =	stream.indirect.gather [hbm4b:s29+s26], $0x80, s9, s26, $0xb8;
	[tilespmem:$0x1BC80] =	vst v63  }
0x141: {  	s9 =	simm.s32 $0x28;
	p0 =	seq.s32 s12, $0x1;
	_ =	swait.ge [sflag:s30], $0x1400  }
0x142: {  	s8 =	simm.s32 @p0 $0x1;
	p0 =	seq.s32 s20, $0x1;
	s11 =	sld [smem:$0x7F2]  }
0x143: {  	s20 =	sadd.s32 @!p5 s18, s0;
	s0 =	sand.u32 @!p5 $0x1000, s0;
	s22 =	sld [smem:$0x7F4]  }
0x144: {  	s19 =	sld [smem:$0x7F3];
	[sflag:s30] =	ssyncset.done $0x0;
	s8 =	smov.u32 @p0 s23  }
0x145: {  	p0 =	seq.s32 s24, $0x1;
	s24 =	sand.u32 $0xFF, s17;
	[sflag:s30] =	ssyncadd.s32 $0xFFFFEC00  }
0x146: {  	p2 =	seq.s32 s11, $0x1;
	p3 =	seq.s32 s22, $0x1;
	s22 =	simm.s32 @!p1 $0x4  }
0x147: {  	s11 =	sadd.s32 $0x1400, s3;
	s23 =	smov.u32 @p2 s8;
	s8 =	simm.s32 $0x3400  }
0x148: {  	[spmem:s4] =	stream.indirect.scatter.add.f32 [tilespmem:s8], [sflag:$0x1], $0x80, s11, s9, $0xb8;
	[tilespmem:$0x1BC80] =	vst v63  }
0x149: {  	p6 =	seq.s32 s19, $0x1;
	s19 =	rddreg [dreg:$0x4];
	_ =	swait.ge @!p1 [sflag:s22], $0x1400  }
0x14a: {  	s1 =	sadd.s32 @!p5 $0x1400, s0;
	s0 =	sshll.u32 s24, $0x7;
	s24 =	sld [smem:$0x7F5]  }
0x14b: {  	s10 =	sand.u32 @!p0 $0xFF, s17;
	s23 =	simm.s32 @p1 $0x1  }
0x14c: {  	p0 =	sne.s32 @!p0 s10, $0x0;
	s17 =	sadd.s32 s0, s6;
	s26 =	sshll.u32 s23, $0x7  }
0x14d: {  	s6 =	sadd.s32 s26, s19;
	s26 =	sld [smem:$0x7F6];
	p4 =	seq.s32 s24, $0x1  }
0x14e: {  	p2 =	por p3, p6;
	p0 =	por @!p6 p0, p4  }
0x14f: {  	p4 =	sgt.u32 @!p2 s14, $0x62;
	p2 =	por p0, p6  }
0x150: {  	p0 =	por @!p6 p4, p3;
	p4 =	por p6, p6;
	p6 =	seq.s32 s26, $0x1  }
.Ltmp2:
0x151: {  	_ = 	snop;
	(pc) =	sbr.rel @p6 .LBB2_6-.Ltmp2, $4  }
0x152: {  	_ = 	snop  }
0x153: {  	s25 =	sadd.s32 $0xA0, s25;
	s20 =	sshrl.u32 @!p5 s20, $0x3  }
0x154: {  	s28 =	smov.u32 s4;
	s12 =	simm.s32 $0x5C00;
	s20 =	sadd.s32 @!p5 s5, s20  }
0x155: {  	s10 =	simm.s32 $0x4800;
	s23 =	simm.s32 @!p5 $0x0;
	[sflag:s22] =	ssyncset.done @!p1 $0x0  }
0x156: {  	[sflag:s22] =	ssyncadd.s32 @!p1 $0xFFFFEC00;
	s0 =	simm.s32 @!p2 $0x5  }
0x157: {  	[tilespmem:s1], [sflag:$0x5] =	stream.linear.gather @!p5 [hbm4b:s20+s23], $0xC80, $0x38;
	[tilespmem:$0x1BC80] =	vst v63  }
0x158: {  	_ =	swait.ge @!p2 [sflag:s0], $0xC80  }
0x159: {  	s20 =	sld [smem:$0x7F9]  }
0x15a: {  	[sflag:s0] =	ssyncset.done @!p2 $0x0;
	s22 =	sld [smem:$0x7FA]  }
0x15b: {  	s11 =	simm.s32 $0x7000;
	[sflag:s0] =	ssyncadd.s32 @!p2 $0xFFFFF380  }
0x15c: {  	[tilespmem:s11], [sflag:$0x4] =	stream.indirect.gather [hbm4b:s29+s9], $0x80, s25, s9, $0xb8;
	[tilespmem:$0x1BC80] =	vst v63  }
0x15d: {  	p2 =	seq.s32 s20, $0x1;
	p3 =	seq.s32 s22, $0x1  }
0x15e: {  	_ =	swait.ge [sflag:s31], $0x1400;
	p1 =	por p3, p2  }
0x15f: {  	[sflag:s31] =	ssyncset.done $0x0;
	s0 =	sand.u32 @!p1 $0xFF, s14  }
0x160: {  	s23 =	sadd.s32 $0x1400, s6;
	[sflag:s31] =	ssyncadd.s32 $0xFFFFEC00;
	s0 =	smul.u32 @!p1 $0xA4, s0  }
0x161: {  	[spmem:s28] =	stream.indirect.scatter.add.f32 [tilespmem:s10], [sflag:$0x2], $0x80, s23, s9, $0xb8;
	[tilespmem:$0x1BC80] =	vst v63  }
0x162: {  	s0 =	sand.u32 @!p1 $0xF000, s0  }
0x163: {  	p0 =	por p0, p4;
	s0 =	sadd.s32 @!p1 $0x1000, s0  }
0x164: {  	s3 =	simm.s32 @!p1 $0x0;
	_ =	swait.ge [sflag:s30], $0x1400;
	s1 =	sadd.s32 @!p1 s18, s0  }
0x165: {  	[sflag:s30] =	ssyncset.done $0x0;
	s0 =	sand.u32 @!p1 $0x1000, s0;
	s1 =	sshrl.u32 @!p1 s1, $0x3  }
0x166: {  	[sflag:s30] =	ssyncadd.s32 $0xFFFFEC00;
	s0 =	sadd.s32 @!p1 $0x1400, s0;
	s1 =	sadd.s32 @!p1 s5, s1  }
0x167: {  	[tilespmem:s0], [sflag:$0x5] =	stream.linear.gather @!p1 [hbm4b:s1+s3], $0xC80, $0x38;
	[tilespmem:$0x1BC80] =	vst v63  }
0x168: {  	s0 =	simm.s32 @!p0 $0x5  }
0x169: {  	_ =	swait.ge @!p0 [sflag:s0], $0xC80  }
0x16a: {  	s24 =	sadd.s32 $0x28, s25;
	s26 =	sadd.s32 $0x5, s2;
	s6 =	sld [smem:$0x7FB]  }
0x16b: {  	s4 =	simm.s32 $0x3;
	[sflag:s0] =	ssyncset.done @!p0 $0x0;
	s7 =	sld [smem:$0x7FC]  }
0x16c: {  	s13 =	smul.u32 $0x29, s26;
	s14 =	sadd.s32 $0x1400, s21;
	[sflag:s0] =	ssyncadd.s32 @!p0 $0xFFFFF380  }
0x16d: {  	[tilespmem:s8], [sflag:$0x1] =	stream.indirect.gather [hbm4b:s29+s9], $0x80, s24, s9, $0xb8;
	[tilespmem:$0x1BC80] =	vst v63  }
0x16e: {  	s1 =	sshrl.u32 s13, $0xA;
	p5 =	seq.s32 s6, $0x1;
	p6 =	seq.s32 s7, $0x1  }
0x16f: {  	s1 =	sand.u32 $0x3F, s1;
	_ =	swait.ge [sflag:s4], $0x1400;
	p0 =	por p6, p5  }
0x170: {  	s1 =	smul.u32 $0x19, s1;
	[sflag:s4] =	ssyncset.done $0x0;
	s3 =	sshll.u32 @!p0 s15, $0xC  }
0x171: {  	[sflag:s4] =	ssyncadd.s32 $0xFFFFEC00;
	s7 =	simm.s32 @!p0 $0x0;
	s3 =	sadd.s32 @!p0 $0x1000, s3  }
0x172: {  	[spmem:s28] =	stream.indirect.scatter.add.f32 [tilespmem:s12], [sflag:$0x3], $0x80, s14, s9, $0xb8;
	[tilespmem:$0x1BC80] =	vst v63  }
0x173: {  	s15 =	sadd.s32 $0xFFFFFFEC, s2;
	s6 =	sadd.s32 @!p0 s18, s3;
	_ =	swait.ge [sflag:s31], $0x1400  }
0x174: {  	s3 =	sand.u32 @!p0 $0x1000, s3;
	s6 =	sshrl.u32 @!p0 s6, $0x3;
	[sflag:s31] =	ssyncset.done $0x0  }
0x175: {  	s3 =	sadd.s32 @!p0 $0x1400, s3;
	s6 =	sadd.s32 @!p0 s5, s6;
	[sflag:s31] =	ssyncadd.s32 $0xFFFFEC00  }
0x176: {  	[tilespmem:s3], [sflag:$0x5] =	stream.linear.gather @!p0 [hbm4b:s6+s7], $0xC80, $0x38;
	[tilespmem:$0x1BC80] =	vst v63  }
0x177: {  	s0 =	ssub.s32 s26, s1;
	p0 =	sgt.u32 s15, $0x4B  }
0x178: {  	s0 =	sand.u32 @!p0 $0xFF, s0  }
0x179: {  	p1 =	sne.s32 @!p0 s0, $0x0  }
0x17a: {  	p0 =	por p1, p0  }
0x17b: {  	s0 =	simm.s32 @!p0 $0x5  }
0x17c: {  	_ =	swait.ge @!p0 [sflag:s0], $0xC80  }
0x17d: {  	[sflag:s0] =	ssyncset.done @!p0 $0x0  }
0x17e: {  	s16 =	simm.s32 $0x4;
	[sflag:s0] =	ssyncadd.s32 @!p0 $0xFFFFF380;
	p0 =	seq.s32 s2, $0x78  }
0x17f: {  	s0 =	sadd.s32 @!p0 $0x50, s25;
	s1 =	simm.s32 @!p0 $0x28;
	s2 =	simm.s32 @!p0 $0x4800  }
0x180: {  	[tilespmem:s2], [sflag:$0x2] =	stream.indirect.gather @!p0 [hbm4b:s29+s1], $0x80, s0, s1, $0xb8;
	[tilespmem:$0x1BC80] =	vst v63  }
0x181: {  	_ =	swait.ge [sflag:s16], $0x1400  }
0x182: {  	[sflag:s16] =	ssyncset.done $0x0  }
0x183: {  	s19 =	sadd.s32 $0x1400, s17;
	[sflag:s16] =	ssyncadd.s32 $0xFFFFEC00  }
0x184: {  	[spmem:s28] =	stream.indirect.scatter.add.f32 [tilespmem:s11], [sflag:$0x4], $0x80, s19, s9, $0xb8;
	[tilespmem:$0x1BC80] =	vst v63  }
0x185: {  	_ =	swait.ge [sflag:s4], $0x1400  }
0x186: {  	[sflag:s4] =	ssyncset.done $0x0  }
0x187: {  	[sflag:s4] =	ssyncadd.s32 $0xFFFFEC00  }
0x188: {  	_ =	swait.ge [sflag:s30], $0x1400  }
0x189: {  	[sflag:s30] =	ssyncset.done $0x0  }
0x18a: {  	s20 =	simm.s32 $0x2000;
	[sflag:s30] =	ssyncadd.s32 $0xFFFFEC00  }
0x18b: {  	[spmem:s28] =	stream.indirect.scatter.add.f32 [tilespmem:s8], [sflag:$0x1], $0x80, s20, s9, $0xb8;
	[tilespmem:$0x1BC80] =	vst v63  }
0x18c: {  	_ =	swait.ge [sflag:s16], $0x1400  }
0x18d: {  	[sflag:s16] =	ssyncset.done $0x0  }
0x18e: {  	[sflag:s16] =	ssyncadd.s32 $0xFFFFEC00  }
0x18f: {  	_ =	swait.ge [sflag:s30], $0x1400  }
0x190: {  	[sflag:s30] =	ssyncset.done $0x0  }
0x191: {  	[sflag:s30] =	ssyncadd.s32 $0xFFFFEC00  }
0x192: {  	s21 =	stileid.u32;
	[bflag:$0x0] =	sbarrier.arrive $0xFFFF  }
0x193: {  	s6 =	simm.s32 $0x6;
	s0 =	sshll.u32 s21, $0x6;
	s12 =	rddreg [dreg:$0x8]  }
0x194: {  	s0 =	sor.u32 $0x1C06, s0;
	s23 =	rddreg [dreg:$0x16];
	s22 =	sshrl.u32 s12, $0x3  }
0x195: {  	[hbm:s23], [sflag:s0] =	dma.local [spmem:s22], $0x2700  }
0x196: {  	_ =	swait.ge [sflag:s6], $0x2700  }
0x197: {  	s24 =	sld [smem:$0x7FD];
	_ =	sdelay $0x2  }
0x198: {  	[sflag:s6] =	ssyncset.done $0x0;
	s7 =	rddreg [dreg:$0x17];
	p1 =	seq.s32 s24, $0x1  }
0x199: {  	s2 =	rddreg [dreg:$0x19];
	[sflag:s6] =	ssyncadd.s32 $0xFFFFD900;
	s1 =	sshrl.u32 @!p1 s7, $0x3  }
0x19a: {  	[hbm:s2], [sflag:s0] =	dma.local @!p1 [spmem:s1], $0x100  }
0x19b: {  	s0 =	simm.s32 @!p1 $0x6  }
0x19c: {  	_ =	swait.ge @!p1 [sflag:s0], $0x100  }
0x19d: {  	s25 =	rddreg [dreg:$0x7]  }
0x19e: {  	s26 =	rddreg [dreg:$0x1a];
	s4 =	sadd.s32 $0x1, s25  }
0x19f: {  	p0 =	sne.s32 s4, s26  }
.Ltmp3:
0x1a0: {  	_ = 	snop;
	(pc) =	sbr.rel @p0 .LBB2_1-.Ltmp3, $3  }
0x1a1: {  	_ =	sdelay $0x1  }
0x1a2: {  	[sflag:s0] =	ssyncset.done @!p1 $0x0  }
0x1a3: {  	s11 =	simm.s32 $0x5C00;
	[sflag:s0] =	ssyncadd.s32 @!p1 $0xFFFFFF00  }
0x1a4: {  	_ =	sfence.sel $0x180000  }
0x1a5: {  	[bflag:$0x0] =	sbarrier.arrive $0xFFFF  }
0x1a6: {  	_ =	strace $0x90000047  }
0x1a7: {  	s0 =	stileid.u32;
	[bflag:$0x2] =	sbarrier.arrive $0xFFFF  }
0x1a8: {  	p0 =	sne.s32 s0, $0x0;
	s0 =	rddreg [dreg:$0x3]  }
0x1a9: {  	s0 =	sadd.s32 @!p0 $0x100000, s0  }
0x1aa: {  	[sflag:s0] =	ssyncadd.tile.s32 @!p0 $0x1;
	_ =	shalt  }
.Lfunc_end2:
_tile_overlayer_lowered:
.L_overlay_start_2:
0x1ab: {  	(tag) =	ssettag $0x2  }
0x1ac: {  	s0 =	rddreg [dreg:$0x0];
	s2 =	stileid.u32  }
0x1ad: {  	s1 =	rddreg [dreg:$0x1];
	p0 =	sne.s32 s2, $0x0  }
0x1ae: {  	s3 =	rddreg [dreg:$0x2];
	[bflag:$0x3] =	sbarrier.arrive $0xFFFF;
	s2 =	simm.s32 @!p0 $0x1C06  }
0x1af: {  	[timem:s3], [sflag:s2] =	dma.local @!p0 [hbm:s0], s1  }
0x1b0: {  	s0 =	simm.s32 @!p0 $0x6  }
0x1b1: {  	_ =	swait.ge @!p0 [sflag:s0], s1  }
0x1b2: {  	s1 =	ssub.s32 @!p0 $0x0, s1;
	[sflag:s0] =	ssyncset.done @!p0 $0x0  }
0x1b3: {  	[sflag:s0] =	ssyncadd.s32 @!p0 s1  }
0x1b4: {  	[bflag:$0x3] =	sbarrier.arrive $0xFFFF  }
0x1b5: {  	_ =	shalt  }

// kernel: kernel.8.cloned.1.call-start
scs
__scs_entry_jumppad:
0x0: {  	(pc) =	sbr.rel $0x88, $3  }
0x1: {  	(tag) =	ssettag $0x0;
	lr =	simm.s32 $0x1  }
0x2: {  	[smem:$0x3F9B] =	sst lr;
	_ =	strace $0xD0000000  }
0x3: {  	_ = 	snop  }
0x4: {  	_ = 	snop  }
0x5: {  	_ = 	snop  }
0x6: {  	_ = 	snop  }
0x7: {  	_ = 	snop  }
__scs_overlays_trampoline_lowered:
0x8: {  	[smem:$0x3FAA] =	sst s0  }
0x9: {  	[smem:$0x3FAB] =	sst s1  }
0xa: {  	[smem:$0x3FAC] =	sst s2  }
0xb: {  	[smem:$0x3FAD] =	sst s3  }
0xc: {  	[smem:$0x3FAE] =	sst s4  }
0xd: {  	[smem:$0x3FAF] =	sst s5  }
0xe: {  	[smem:$0x3FB0] =	sst s6  }
0xf: {  	[smem:$0x3FB1] =	sst s7  }
0x10: {  	[smem:$0x3FB2] =	sst s8  }
0x11: {  	[smem:$0x3FB3] =	sst s9;
	s0 =	simm.s32 @!p0 $0x0  }
0x12: {  	s1 =	sld [smem:$0x3F99];
	s0 =	simm.s32 @p0 $0x1  }
0x13: {  	[smem:$0x3FB4] =	sst s0;
	s0 =	simm.s32 @!p1 $0x0  }
0x14: {  	s2 =	sld [smem:$0x3F98];
	s0 =	simm.s32 @p1 $0x1  }
0x15: {  	[smem:$0x3FB5] =	sst s0;
	s0 =	simm.s32 @!p2 $0x0  }
0x16: {  	s3 =	sld [smem:$0x3FDB];
	s0 =	simm.s32 @p2 $0x1  }
0x17: {  	s4 =	simm.s32 $0x1BF5;
	[smem:$0x3FB7] =	sst s0  }
0x18: {  	s0 =	sld [smem:$0x3F9A];
	_ =	swait.ge [sflag:s4], $0x0  }
0x19: {  	s7 =	sld [smem:$0x3F9B]  }
0x1a: {  	s8 =	sadd.s32 $0xFFFFE003, lr  }
0x1b: {  	s9 =	sadd.s32 $0xFFFFFEF7, lr;
	s5 =	simm.s32 $0xFFFFFFFF;
	p2 =	slt.u32 s8, $0xFFFFF086  }
0x1c: {  	p1 =	slt.u32 s9, $0xF7A;
	s5 =	simm.s32 @!p2 $0x0  }
0x1d: {  	s5 =	simm.s32 @p1 $0x1;
	p0 =	seq.s32 s7, s2  }
0x1e: {  	s7 =	smul.u32 @!p0 $0xF7A, s2;
	p2 =	seq.s32 @!p0 s5, $0x0  }
0x1f: {  	s9 =	smul.u32 $0xF7A, s1;
	s8 =	simm.s32 @!p0 $0x1BF5;
	p2 =	por !p2, p0  }
0x20: {  	[sflag:s8] =	ssyncset.s32 @!p0 $0xFFFFF086;
	s6 =	sadd.s32 @!p0 s3, s7;
	s7 =	simm.s32 @!p0 $0x108  }
0x21: {  	s3 =	sadd.s32 s3, s9;
	s6 =	sadd.s32 @!p0 $0x88, s6;
	s7 =	simm.s32 @p2 $0x1082  }
0x22: {  	[simem:s7], [sflag:s8] =	dma.local @!p0 [hbm:s6], $0xF7A  }
0x23: {  	s9 =	sor.u32 $0xD0000000, s2;
	s6 =	simm.s32 $0x108;
	_ =	swait.ge @!p0 [sflag:s8], $0x0  }
0x24: {  	s3 =	sadd.s32 $0x88, s3;
	s6 =	simm.s32 @!p1 $0x1082;
	[sflag:s4] =	ssyncset.s32 $0xFFFFF086  }
0x25: {  	[simem:s6], [sflag:s4] =	dma.local [hbm:s3], $0xF7A  }
0x26: {  	[smem:$0x3F9B] =	sst s1;
	(tag) =	ssettag s2;
	_ =	strace s9  }
0x27: {  	s1 =	sld [smem:$0x3FAB]  }
0x28: {  	s2 =	sld [smem:$0x3FAC]  }
0x29: {  	s4 =	sld [smem:$0x3FAE]  }
0x2a: {  	p0 =	seq.s32 s5, $0x0;
	s5 =	sld [smem:$0x3FAF]  }
0x2b: {  	s6 =	sld [smem:$0x3FB0]  }
0x2c: {  	s7 =	sld [smem:$0x3FB1]  }
0x2d: {  	s3 =	simm.s32 $0x108;
	s8 =	sld [smem:$0x3FB2]  }
0x2e: {  	s3 =	simm.s32 @!p0 $0x1082;
	s9 =	sld [smem:$0x3FB3]  }
0x2f: {  	lr =	sadd.s32 s0, s3;
	s0 =	sld [smem:$0x3FAA]  }
0x30: {  	s3 =	sld [smem:$0x3FAD]  }
0x31: {  	[smem:$0x3FB6] =	sst s10  }
0x32: {  	s10 =	sld [smem:$0x3FB4];
	_ =	sdelay $0x3  }
0x33: {  	p0 =	seq.s32 s10, $0x1;
	s10 =	sld [smem:$0x3FB6];
	_ =	sdelay $0x3  }
0x34: {  	[smem:$0x3FB6] =	sst s10  }
0x35: {  	s10 =	sld [smem:$0x3FB5];
	_ =	sdelay $0x3  }
0x36: {  	p1 =	seq.s32 s10, $0x1;
	s10 =	sld [smem:$0x3FB6];
	_ =	sdelay $0x3  }
0x37: {  	[smem:$0x3FB6] =	sst s10  }
0x38: {  	s10 =	sld [smem:$0x3FB7]  }
0x39: {  	_ = 	snop;
	(pc) =	sbr.ind lr, $3  }
0x3a: {  	_ = 	snop  }
0x3b: {  	_ = 	snop  }
0x3c: {  	p2 =	seq.s32 s10, $0x1;
	s10 =	sld [smem:$0x3FB6]  }
0x3d: {  	_ =	shalt  }
0x3e: {  	_ =	shalt  }
0x3f: {  	_ =	shalt  }
0x40: {  	_ =	shalt  }
0x41: {  	_ =	shalt  }
0x42: {  	_ =	shalt  }
0x43: {  	_ =	shalt  }
0x44: {  	_ =	shalt  }
0x45: {  	_ =	shalt  }
0x46: {  	_ =	shalt  }
0x47: {  	_ =	shalt  }
0x48: {  	_ =	shalt  }
0x49: {  	_ =	shalt  }
0x4a: {  	_ =	shalt  }
0x4b: {  	_ =	shalt  }
0x4c: {  	_ =	shalt  }
0x4d: {  	_ =	shalt  }
0x4e: {  	_ =	shalt  }
0x4f: {  	_ =	shalt  }
0x50: {  	_ =	shalt  }
0x51: {  	_ =	shalt  }
0x52: {  	_ =	shalt  }
0x53: {  	_ =	shalt  }
0x54: {  	_ =	shalt  }
0x55: {  	_ =	shalt  }
0x56: {  	_ =	shalt  }
0x57: {  	_ =	shalt  }
0x58: {  	_ =	shalt  }
0x59: {  	_ =	shalt  }
0x5a: {  	_ =	shalt  }
0x5b: {  	_ =	shalt  }
0x5c: {  	_ =	shalt  }
0x5d: {  	_ =	shalt  }
0x5e: {  	_ =	shalt  }
0x5f: {  	_ =	shalt  }
0x60: {  	_ =	shalt  }
0x61: {  	_ =	shalt  }
0x62: {  	_ =	shalt  }
0x63: {  	_ =	shalt  }
0x64: {  	_ =	shalt  }
0x65: {  	_ =	shalt  }
0x66: {  	_ =	shalt  }
0x67: {  	_ =	shalt  }
0x68: {  	_ =	shalt  }
0x69: {  	_ =	shalt  }
0x6a: {  	_ =	shalt  }
0x6b: {  	_ =	shalt  }
0x6c: {  	_ =	shalt  }
0x6d: {  	_ =	shalt  }
0x6e: {  	_ =	shalt  }
0x6f: {  	_ =	shalt  }
0x70: {  	_ =	shalt  }
0x71: {  	_ =	shalt  }
0x72: {  	_ =	shalt  }
0x73: {  	_ =	shalt  }
0x74: {  	_ =	shalt  }
0x75: {  	_ =	shalt  }
0x76: {  	_ =	shalt  }
0x77: {  	_ =	shalt  }
0x78: {  	_ =	shalt  }
0x79: {  	_ =	shalt  }
0x7a: {  	_ =	shalt  }
0x7b: {  	_ =	shalt  }
0x7c: {  	_ =	shalt  }
0x7d: {  	_ =	shalt  }
0x7e: {  	_ =	shalt  }
0x7f: {  	_ =	shalt  }
0x80: {  	_ =	shalt  }
0x81: {  	_ =	shalt  }
0x82: {  	_ =	shalt  }
0x83: {  	_ =	shalt  }
0x84: {  	_ =	shalt  }
0x85: {  	_ =	shalt  }
0x86: {  	_ =	shalt  }
0x87: {  	_ =	shalt  }
.Lfunc_end0:
.L_simem_size_0:
called_computation_lowered:
.L_overlay_start_0:
0x88: {  	s2 =	sld [smem:$0x3FD9]  }
0x89: {  	s3 =	sld [smem:$0x3FFE];
	_ =	sdelay $0x1  }
0x8a: {  	s1 =	srdreg.scid  }
0x8b: {  	s0 =	sand.u32 $0x1, s1  }
0x8c: {  	s17 =	sshll.u32 s0, $0xA;
	s2 =	sadd.s32 s3, s2  }
0x8d: {  	s2 =	sadd.s32 s2, s17  }
0x8e: {  	[smem:$0x3FC2] =	sst s2  }
0x8f: {  	_ = 	snop  }
0x90: {  	s18 =	sld [smem:$0x3FD0];
	(tm) =	ssettm $0x1  }
0x91: {  	s19 =	sld [smem:$0x3FFB];
	_ =	sdelay $0x3  }
0x92: {  	_ =	strace s19  }
0x93: {  	s2 =	sld [smem:$0x3FFC];
	_ =	sdelay $0x3  }
0x94: {  	_ =	strace s2  }
0x95: {  	s2 =	sld [smem:$0x3FFD];
	_ =	sdelay $0x3  }
0x96: {  	_ =	strace s2  }
0x97: {  	_ =	strace $0x8FFFFFFF  }
0x98: {  	s20 =	sld [smem:$0x3FDB];
	_ =	sdelay $0x1  }
0x99: {  	s4 =	simm.s32 $_scs_section_size  }
0x9a: {  	s5 =	simm.s32 $_size__tile_overlayer_lowered;
	s6 =	simm.s32 $_tile_overlayer_lowered  }
0x9b: {  	s7 =	simm.s32 $0x1BFF;
	s21 =	sshll.u32 s6, $0x1;
	s4 =	sadd.s32 s4, s20  }
0x9c: {  	s22 =	simm.s32 $0x0;
	s5 =	sshll.u32 s5, $0x1;
	s6 =	sadd.s32 s21, s4  }
0x9d: {  	[timem:s22], [sflag:s7] =	dma.local [hbm:s6], s5  }
0x9e: {  	_ =	swait.ge [sflag:s7], s5  }
0x9f: {  	s5 =	ssub.s32 $0x0, s5;
	[sflag:s7] =	ssyncset.done $0x0  }
0xa0: {  	[sflag:s7] =	ssyncadd.s32 s5;
	_ =	sdelay $0x1  }
0xa1: {  	s23 =	simm.s32 $0x1B8B  }
0xa2: {  	_ =	swait.ge [sflag:s23], $0x1  }
0xa3: {  	[sflag:s23] =	ssyncset.done $0x0  }
0xa4: {  	[sflag:s23] =	ssyncadd.s32 $0xFFFFFFFF  }
0xa5: {  	s5 =	sld [smem:$0x0]  }
0xa6: {  	s6 =	sand.u32 $0xFFFFFFFE, s1  }
0xa7: {  	p0 =	sne.s32 s1, s6  }
0xa8: {  	s6 =	sshll.u32 @p0 s6, $0xE  }
0xa9: {  	s6 =	sadd.s32 @p0 $0x11B8D, s6;
	s7 =	sshll.u32 @p0 s5, $0x11  }
0xaa: {  	s6 =	sor.u32 @p0 s7, s6  }
0xab: {  	[sflag:s6] =	ssyncadd.remote.s32 @p0 $0x1;
	_ =	sdelay $0x1  }
0xac: {  	s6 =	simm.s32 @p0 $0x1B8D  }
0xad: {  	_ =	swait.eq @p0 [sflag:s6], $0x1  }
0xae: {  	[sflag:s6] =	ssyncadd.s32 @p0 $0xFFFFFFFF  }
0xaf: {  	s7 =	sshll.u32 @!p0 s1, $0xE  }
0xb0: {  	s7 =	sor.u32 @!p0 $0x4000, s7;
	s6 =	simm.s32 @!p0 $0x1B8D  }
0xb1: {  	s5 =	sshll.u32 @!p0 s5, $0x11;
	s7 =	sadd.s32 @!p0 $0x11B8D, s7;
	_ =	swait.eq @!p0 [sflag:s6], $0x1  }
0xb2: {  	s5 =	sor.u32 @!p0 s5, s7;
	[sflag:s6] =	ssyncadd.s32 @!p0 $0xFFFFFFFF  }
0xb3: {  	s25 =	simm.s32 $0x1B8E;
	s24 =	sld [smem:$0x3FFE];
	[sflag:s5] =	ssyncadd.remote.s32 @!p0 $0x1  }
0xb4: {  	s26 =	simm.s32 $execute0_lowered;
	[smem:$0x3FD2] =	sst s25  }
0xb5: {  	s6 =	sshll.u32 s26, $0x1;
	_ =	strace $0x80000049;
	[dreg:$0x1] =	wrdreg $0xFFFFFFFF  }
0xb6: {  	s28 =	simm.s32 $_size_execute0_lowered;
	s4 =	sadd.s32 s4, s6;
	[dreg:$0x0] =	wrdreg $0x0  }
0xb7: {  	s6 =	sshll.u32 s28, $0x1;
	[dreg:$0x2] =	wrdreg s4  }
0xb8: {  	[dreg:$0x3] =	wrdreg s6  }
0xb9: {  	[dreg:$0x4] =	wrdreg $0xC0  }
0xba: {  	_ =	task [dreg:s22], $0x5FFFF  }
0xbb: {  	[dreg:$0x1] =	wrdreg $0xFFFFFFFF  }
0xbc: {  	[dreg:$0x0] =	wrdreg $0x60  }
0xbd: {  	[dreg:$0x2] =	wrdreg s24  }
0xbe: {  	[dreg:$0x3] =	wrdreg s18  }
0xbf: {  	[dreg:$0x4] =	wrdreg $0x84000  }
0xc0: {  	[dreg:$0x5] =	wrdreg $0x9  }
0xc1: {  	_ =	task.clear_ibuf [dreg:s22], $0x6FFFF;
	_ =	strace $0x90000049  }
0xc2: {  	s29 =	simm.s32 $0x9;
	_ =	strace $0x8000004B  }
0xc3: {  	_ =	swait.ge [sflag:s29], $0x1  }
0xc4: {  	[sflag:s29] =	ssyncadd.s32 $0xFFFFFFFF  }
0xc5: {  	_ =	strace $0x9000004B  }
0xc6: {  	_ =	sfence  }
0xc7: {  	s30 =	sld [smem:$0x0];
	_ =	sdelay $0x2  }
0xc8: {  	s31 =	sshll.u32 s1, $0xD;
	s1 =	sshrl.u32 s1, $0x2  }
0xc9: {  	s4 =	sand.u32 $0x4000, s31;
	s1 =	sadd.s32 s1, s30  }
0xca: {  	s0 =	sor.u32 s4, s0;
	s1 =	sshll.u32 s1, $0x11  }
0xcb: {  	s0 =	sor.u32 s1, s0  }
0xcc: {  	s0 =	sadd.s32 $0x8F2B, s0  }
0xcd: {  	[sflag:s0] =	ssyncadd.remote.s32 $0x1  }
0xce: {  	_ =	sfence.sel $0xFFFF  }
0xcf: {  	[dreg:$0x0] =	wrdreg $0xFFFFFFFF;
	(pc) =	sbr.abs _section_cstart, $3  }
0xd0: {  	[dreg:$0x1] =	wrdreg $0xFFFFFFFF  }
0xd1: {  	_ =	task.clear_ibuf [dreg:s22], $0x2FFFF;
	_ =	strace $0x9FFFFFFF  }
0xd2: {  	(tm) =	ssettm $0x7FFFFFFF  }
0xd3: {  	_ =	shalt  }
tec
execute0_lowered:
.L_overlay_start_1:
0x0: {  	(tag) =	ssettag $0x1  }
0x1: {  	s0 =	rddreg [dreg:$0x0]  }
0x2: {  	s1 =	rddreg [dreg:$0x1]  }
0x3: {  	s28 =	rddreg [dreg:$0x2];
	s4 =	simm.s32 $0x0;
	s2 =	stileid.u32  }
0x4: {  	s3 =	srdreg.scid;
	s31 =	simm.s32 $0x2;
	s30 =	simm.s32 $0x1  }
0x5: {  	[smem:$0x7FF] =	sst s4;
	s6 =	smul.u32 $0x4E000, s2;
	s29 =	sadd.s32 $0x2E8E00, s0  }
0x6: {  	s3 =	sand.u32 $0x1, s3;
	s5 =	sadd.s32 $0x1C00, s0;
	s0 =	sadd.s32 $0x559E00, s0  }
0x7: {  	s9 =	smul.u32 $0x2710, s2;
	s17 =	sshll.u32 s2, $0x1;
	s6 =	sshrl.u32 s6, $0x2  }
0x8: {  	s11 =	smul.u32 $0x13800, s2;
	p1 =	sne.s32 s2, $0xF;
	s12 =	sadd.s32 s6, s28  }
0x9: {  	_ =	strace $0x8000004A;
	s20 =	sadd.s32 $0x1800, s12;
	[dreg:$0x8] =	wrdreg s12  }
0xa: {  	s7 =	ssub.s32 $0x2, s3;
	s21 =	sadd.s32 $0x3000, s12;
	[dreg:$0x9] =	wrdreg s20  }
0xb: {  	s26 =	smul.u32 $0x1388, s3;
	s22 =	sadd.s32 $0x4800, s12;
	[dreg:$0xa] =	wrdreg s21  }
0xc: {  	s16 =	smul.u32 $0x138800, s3;
	s23 =	sadd.s32 $0x6000, s12;
	[dreg:$0xb] =	wrdreg s22  }
0xd: {  	s3 =	sor.u32 s3, s17;
	s24 =	sadd.s32 $0x7800, s12;
	[dreg:$0xc] =	wrdreg s23  }
0xe: {  	s8 =	sshrl.u32 s7, $0x1;
	s25 =	sadd.s32 $0x9000, s12;
	[dreg:$0xd] =	wrdreg s24  }
0xf: {  	s17 =	smul.u32 $0x5000, s3;
	s14 =	sadd.s32 $0xA800, s12;
	[dreg:$0xe] =	wrdreg s25  }
0x10: {  	s6 =	ssub.s32 s7, s8;
	s15 =	sadd.s32 $0xC000, s12;
	[dreg:$0xf] =	wrdreg s14  }
0x11: {  	s7 =	sadd.s32 s26, s9;
	s10 =	sadd.s32 $0xD800, s12;
	[dreg:$0x10] =	wrdreg s15  }
0x12: {  	s18 =	sadd.s32 s11, s16;
	s13 =	sadd.s32 $0xF000, s12;
	[dreg:$0x11] =	wrdreg s10  }
0x13: {  	s7 =	sshrl.u32 s7, $0x3;
	s19 =	sadd.s32 $0x10800, s12;
	[dreg:$0x12] =	wrdreg s13  }
0x14: {  	s8 =	simm.s32 $0x3400;
	[dreg:$0x13] =	wrdreg s19;
	s1 =	sadd.s32 s1, s7  }
0x15: {  	s11 =	simm.s32 $0x4800;
	s23 =	sadd.s32 $0x12000, s12;
	[dreg:$0x14] =	wrdreg s1  }
0x16: {  	s20 =	sshrl.u32 s18, $0x3;
	s25 =	smax.u32 s6, $0x1;
	[dreg:$0x16] =	wrdreg s23  }
0x17: {  	s21 =	sshrl.u32 s17, $0x3;
	s6 =	sadd.s32 $0x138000, s28;
	[dreg:$0x19] =	wrdreg s25  }
0x18: {  	s22 =	sshrl.u32 s16, $0x3;
	s1 =	sadd.s32 s0, s20;
	[dreg:$0x1a] =	wrdreg s6  }
0x19: {  	s0 =	sadd.s32 s0, s22;
	s24 =	sadd.s32 s5, s21;
	[dreg:$0x15] =	wrdreg s1  }
0x1a: {  	v0 =	vmov s9;
	s9 =	simm.s32 $0x3;
	s0 =	sadd.s32 $0x27000, s0;
	[dreg:$0x17] =	wrdreg s24  }
0x1b: {  	s26 =	sadd.s32 $0x200, s24;
	[dreg:$0x18] =	wrdreg s0;
	s0 =	simm.s32 @!p1 $0x0  }
0x1c: {  	s7 =	simm.s32 $0x6;
	[dreg:$0x1b] =	wrdreg s26;
	s0 =	simm.s32 @p1 $0x1  }
0x1d: {  	v1 =	vimm.f32 $0.0e+00;
	s10 =	simm.s32 $0x28;
	s26 =	simm.s32 $0x5C00;
	[smem:$0x7FD] =	sst s0  }
.LBB2_1:
0x1e: {  	s1 =	simm.s32 $0x0;
	s3 =	simm.s32 $0x200  }
.LBB2_2:
0x1f: {  	p0 =	sne.s32 s3, $0x4E00;
	[tilespmem:s1+$0x3470] =	vst v1  }
0x20: {  	[tilespmem:s1+$0x3400] =	vst v1  }
0x21: {  	[tilespmem:s1+$0x3410] =	vst v1  }
.Ltmp0:
0x22: {  	[tilespmem:s1+$0x3420] =	vst v1;
	(pc) =	sbr.rel @p0 .LBB2_2-.Ltmp0, $4  }
0x23: {  	[tilespmem:s1+$0x3430] =	vst v1  }
0x24: {  	[tilespmem:s1+$0x3440] =	vst v1  }
0x25: {  	[tilespmem:s1+$0x3450] =	vst v1  }
0x26: {  	[tilespmem:s1+$0x3460] =	vst v1;
	s1 =	sshra.s32 s3, $0x2;
	s3 =	sadd.s32 $0x200, s3  }
0x27: {  	[tilespmem:s1+$0x3470] =	vst v1  }
0x28: {  	[tilespmem:s1+$0x3400] =	vst v1  }
0x29: {  	[tilespmem:s1+$0x3410] =	vst v1  }
0x2a: {  	[tilespmem:s1+$0x3420] =	vst v1  }
0x2b: {  	[tilespmem:s1+$0x3430] =	vst v1  }
0x2c: {  	[tilespmem:s1+$0x3440] =	vst v1  }
0x2d: {  	[tilespmem:s1+$0x3450] =	vst v1  }
0x2e: {  	[dreg:$0x7] =	wrdreg s4;
	[tilespmem:s1+$0x3460] =	vst v1  }
0x2f: {  	[spmem:s12] =	stream.linear.scatter [tilespmem:s8], [sflag:$0x6], $0x1800, $0x38;
	[tilespmem:$0x1BC80] =	vst v63  }
0x30: {  	_ =	swait.ge [sflag:s7], $0x1800  }
0x31: {  	[sflag:s7] =	ssyncset.done $0x0  }
0x32: {  	s0 =	rddreg [dreg:$0x9];
	[sflag:s7] =	ssyncadd.s32 $0xFFFFE800  }
0x33: {  	[spmem:s0] =	stream.linear.scatter [tilespmem:s8], [sflag:$0x6], $0x1800, $0x38;
	[tilespmem:$0x1BC80] =	vst v63  }
0x34: {  	_ =	swait.ge [sflag:s7], $0x1800  }
0x35: {  	[sflag:s7] =	ssyncset.done $0x0  }
0x36: {  	s12 =	rddreg [dreg:$0xa];
	[sflag:s7] =	ssyncadd.s32 $0xFFFFE800  }
0x37: {  	[spmem:s12] =	stream.linear.scatter [tilespmem:s8], [sflag:$0x6], $0x1800, $0x38;
	[tilespmem:$0x1BC80] =	vst v63  }
0x38: {  	_ =	swait.ge [sflag:s7], $0x1800  }
0x39: {  	[sflag:s7] =	ssyncset.done $0x0  }
0x3a: {  	s13 =	rddreg [dreg:$0xb];
	[sflag:s7] =	ssyncadd.s32 $0xFFFFE800  }
0x3b: {  	[spmem:s13] =	stream.linear.scatter [tilespmem:s8], [sflag:$0x6], $0x1800, $0x38;
	[tilespmem:$0x1BC80] =	vst v63  }
0x3c: {  	_ =	swait.ge [sflag:s7], $0x1800  }
0x3d: {  	[sflag:s7] =	ssyncset.done $0x0  }
0x3e: {  	s14 =	rddreg [dreg:$0xc];
	[sflag:s7] =	ssyncadd.s32 $0xFFFFE800  }
0x3f: {  	[spmem:s14] =	stream.linear.scatter [tilespmem:s8], [sflag:$0x6], $0x1800, $0x38;
	[tilespmem:$0x1BC80] =	vst v63  }
0x40: {  	_ =	swait.ge [sflag:s7], $0x1800  }
0x41: {  	[sflag:s7] =	ssyncset.done $0x0  }
0x42: {  	s15 =	rddreg [dreg:$0xd];
	[sflag:s7] =	ssyncadd.s32 $0xFFFFE800  }
0x43: {  	[spmem:s15] =	stream.linear.scatter [tilespmem:s8], [sflag:$0x6], $0x1800, $0x38;
	[tilespmem:$0x1BC80] =	vst v63  }
0x44: {  	_ =	swait.ge [sflag:s7], $0x1800  }
0x45: {  	[sflag:s7] =	ssyncset.done $0x0  }
0x46: {  	s16 =	rddreg [dreg:$0xe];
	[sflag:s7] =	ssyncadd.s32 $0xFFFFE800  }
0x47: {  	[spmem:s16] =	stream.linear.scatter [tilespmem:s8], [sflag:$0x6], $0x1800, $0x38;
	[tilespmem:$0x1BC80] =	vst v63  }
0x48: {  	_ =	swait.ge [sflag:s7], $0x1800  }
0x49: {  	[sflag:s7] =	ssyncset.done $0x0  }
0x4a: {  	s18 =	rddreg [dreg:$0xf];
	[sflag:s7] =	ssyncadd.s32 $0xFFFFE800  }
0x4b: {  	[spmem:s18] =	stream.linear.scatter [tilespmem:s8], [sflag:$0x6], $0x1800, $0x38;
	[tilespmem:$0x1BC80] =	vst v63  }
0x4c: {  	_ =	swait.ge [sflag:s7], $0x1800  }
0x4d: {  	[sflag:s7] =	ssyncset.done $0x0  }
0x4e: {  	s19 =	rddreg [dreg:$0x10];
	[sflag:s7] =	ssyncadd.s32 $0xFFFFE800  }
0x4f: {  	[spmem:s19] =	stream.linear.scatter [tilespmem:s8], [sflag:$0x6], $0x1800, $0x38;
	[tilespmem:$0x1BC80] =	vst v63  }
0x50: {  	_ =	swait.ge [sflag:s7], $0x1800  }
0x51: {  	[sflag:s7] =	ssyncset.done $0x0  }
0x52: {  	s20 =	rddreg [dreg:$0x11];
	[sflag:s7] =	ssyncadd.s32 $0xFFFFE800  }
0x53: {  	[spmem:s20] =	stream.linear.scatter [tilespmem:s8], [sflag:$0x6], $0x1800, $0x38;
	[tilespmem:$0x1BC80] =	vst v63  }
0x54: {  	_ =	swait.ge [sflag:s7], $0x1800  }
0x55: {  	[sflag:s7] =	ssyncset.done $0x0  }
0x56: {  	s21 =	rddreg [dreg:$0x12];
	[sflag:s7] =	ssyncadd.s32 $0xFFFFE800  }
0x57: {  	[spmem:s21] =	stream.linear.scatter [tilespmem:s8], [sflag:$0x6], $0x1800, $0x38;
	[tilespmem:$0x1BC80] =	vst v63  }
0x58: {  	_ =	swait.ge [sflag:s7], $0x1800  }
0x59: {  	[sflag:s7] =	ssyncset.done $0x0  }
0x5a: {  	s22 =	rddreg [dreg:$0x13];
	[sflag:s7] =	ssyncadd.s32 $0xFFFFE800  }
0x5b: {  	[spmem:s22] =	stream.linear.scatter [tilespmem:s8], [sflag:$0x6], $0x1800, $0x38;
	[tilespmem:$0x1BC80] =	vst v63  }
0x5c: {  	_ =	swait.ge [sflag:s7], $0x1800  }
0x5d: {  	[sflag:s7] =	ssyncset.done $0x0  }
0x5e: {  	s23 =	rddreg [dreg:$0x16];
	[sflag:s7] =	ssyncadd.s32 $0xFFFFE800  }
0x5f: {  	[spmem:s23] =	stream.linear.scatter [tilespmem:s8], [sflag:$0x6], $0x1800, $0x38;
	[tilespmem:$0x1BC80] =	vst v63  }
0x60: {  	_ =	swait.ge [sflag:s7], $0x1800  }
0x61: {  	[sflag:s7] =	ssyncset.done $0x0  }
0x62: {  	s1 =	simm.s32 @!p1 $0x3400;
	[sflag:s7] =	ssyncadd.s32 $0xFFFFE800  }
0x63: {  	[spmem:s6] =	stream.linear.scatter @!p1 [tilespmem:s1], [sflag:$0x6], $0x800, $0x38;
	[tilespmem:$0x1BC80] =	vst v63  }
0x64: {  	s1 =	simm.s32 @!p1 $0x6  }
0x65: {  	_ =	swait.ge @!p1 [sflag:s1], $0x800  }
0x66: {  	[sflag:s1] =	ssyncset.done @!p1 $0x0  }
0x67: {  	[sflag:s1] =	ssyncadd.s32 @!p1 $0xFFFFF800  }
0x68: {  	[bflag:$0x0] =	sbarrier.arrive $0xFFFF  }
0x69: {  	s24 =	simm.s32 $0x0;
	s25 =	rddreg [dreg:$0x14]  }
0x6a: {  	[tilespmem:s24], [sflag:$0x6] =	stream.linear.gather [hbm4b:s25+s24], $0x1388, $0x38;
	[tilespmem:$0x1BC80] =	vst v63  }
0x6b: {  	_ =	swait.ge [sflag:s7], $0x1388  }
0x6c: {  	[sflag:s7] =	ssyncset.done $0x0  }
0x6d: {  	s3 =	simm.s32 $0x40;
	s1 =	simm.s32 $0x0;
	[sflag:s7] =	ssyncadd.s32 $0xFFFFEC78  }
.LBB2_4:
0x6e: {  	p0 =	sne.s32 s3, $0x4E00;
	v2 =	vld [tilespmem:s1+$0x0];
	_ =	sdelay $0x1  }
.Ltmp1:
0x6f: {  	(pc) =	sbr.rel @p0 .LBB2_4-.Ltmp1, $3  }
0x70: {  	_ =	sdelay $0x1  }
0x71: {  	v2 =	vadd.s32 v0, v2  }
0x72: {  	[tilespmem:s1+$0x0] =	vst v2;
	s1 =	sshra.s32 s3, $0x2;
	s3 =	sadd.s32 $0x40, s3  }
0x73: {  	v2 =	vld [tilespmem:s1+$0x0];
	_ =	sdelay $0x1  }
0x74: {  	s2 =	simm.s32 $0x0  }
0x75: {  	s0 =	rddreg [dreg:$0x17];
	s22 =	simm.s32 $0x1400;
	s13 =	simm.s32 $0x4  }
0x76: {  	p1 =	por $0x1, $0x1;
	s6 =	simm.s32 $0x1;
	s25 =	smul.u32 $0x29, s13  }
0x77: {  	s24 =	simm.s32 $0x2400;
	s4 =	simm.s32 $0x3;
	s12 =	smul.u32 @!p1 $0x29, s6;
	v2 =	vadd.s32 v0, v2  }
0x78: {  	p2 =	por @!p1 $0x1, $0x1;
	s14 =	simm.s32 @!p1 $0x2;
	[tilespmem:s1+$0x0] =	vst v2;
	s1 =	smul.u32 @!p1 $0x29, s2  }
0x79: {  	[tilespmem:s22], [sflag:$0x6] =	stream.linear.gather [hbm4b:s0+s2], $0xC80, $0x38;
	[tilespmem:$0x1BC80] =	vst v63  }
0x7a: {  	s18 =	simm.s32 @!p1 $0x3;
	_ =	swait.ge [sflag:s7], $0xC80;
	s1 =	sshrl.u32 @!p1 s1, $0xA  }
0x7b: {  	s21 =	smul.u32 $0x29, s4;
	[sflag:s7] =	ssyncset.done $0x0;
	s1 =	sand.u32 @!p1 $0x3F, s1  }
0x7c: {  	s23 =	rddreg [dreg:$0x1b];
	[sflag:s7] =	ssyncadd.s32 $0xFFFFF380;
	s1 =	smul.u32 @!p1 $0x19, s1  }
0x7d: {  	[tilespmem:s24], [sflag:$0x5] =	stream.linear.gather [hbm4b:s23+s2], $0xC80, $0x38;
	[tilespmem:$0x1BC80] =	vst v63  }
0x7e: {  	p0 =	por p2, p1;
	s16 =	smul.u32 @!p1 $0x29, s14;
	s1 =	ssub.s32 @!p1 $0x0, s1  }
0x7f: {  	[tilespmem:s8], [sflag:$0x1] =	stream.indirect.gather [hbm4b:s29+s10], $0x80, s2, s10, $0xb8;
	[tilespmem:$0x1BC80] =	vst v63  }
0x80: {  	s14 =	simm.s32 @p1 $0x2;
	s12 =	sshrl.u32 @!p1 s12, $0xA;
	s3 =	sand.u32 @!p0 $0xFF, s1  }
0x81: {  	s16 =	sshrl.u32 @!p1 s16, $0xA;
	s12 =	sand.u32 @!p1 $0x3F, s12;
	p3 =	sne.s32 @!p0 s3, $0x1  }
0x82: {  	[tilespmem:s11], [sflag:$0x2] =	stream.indirect.gather [hbm4b:s29+s10], $0x80, s10, s10, $0xb8;
	[tilespmem:$0x1BC80] =	vst v63  }
0x83: {  	s12 =	smul.u32 @!p1 $0x19, s12;
	s22 =	simm.s32 @!p1 $0xFFFFFFE8;
	p0 =	por @!p1 p3, p2  }
0x84: {  	s22 =	simm.s32 @p1 $0xFFFFFFE8;
	s7 =	smul.u32 $0xA4, s6;
	p6 =	por p0, p1  }
0x85: {  	s23 =	sshrl.u32 s21, $0xA;
	s3 =	sshrl.u32 s25, $0xA;
	s15 =	smul.u32 @!p6 $0xA4, s2  }
0x86: {  	p2 =	por @!p1 $0x1, $0x1;
	p0 =	por @!p1 $0x0, $0x0;
	_ =	swait.ge @!p1 [sflag:s18], $0x1400  }
0x87: {  	p3 =	por @!p1 !p3, p2;
	p5 =	por p0, p1;
	s15 =	sand.u32 @!p6 $0x3F000, s15  }
0x88: {  	p0 =	por @!p1 $0x0, $0x0;
	[sflag:s18] =	ssyncset.done @!p1 $0x0;
	s15 =	sadd.s32 @!p6 $0x1000, s15  }
0x89: {  	p3 =	por !p3, p1;
	p4 =	por @!p5 $0x1, $0x1;
	s19 =	sadd.s32 @!p6 s17, s15  }
0x8a: {  	[sflag:s18] =	ssyncadd.s32 @!p1 $0xFFFFEC00;
	s15 =	sand.u32 @!p6 $0x1000, s15;
	s19 =	sshrl.u32 @!p6 s19, $0x3  }
0x8b: {  	s18 =	simm.s32 @!p6 $0x0;
	s15 =	sadd.s32 @!p6 $0x1400, s15;
	s19 =	sadd.s32 @!p6 s5, s19  }
0x8c: {  	[tilespmem:s15], [sflag:$0x5] =	stream.linear.gather @!p6 [hbm4b:s19+s18], $0xC80, $0x38;
	[tilespmem:$0x1BC80] =	vst v63  }
0x8d: {  	s15 =	sand.u32 @!p1 $0x3F, s16;
	s16 =	sand.u32 @!p1 $0xFF, s1;
	p6 =	por @!p1 p4, p0  }
0x8e: {  	s1 =	ssub.s32 @!p1 $0x1, s12;
	s19 =	sand.u32 $0x1000, s7;
	p0 =	por p6, p1  }
0x8f: {  	s12 =	smul.u32 @!p1 $0x19, s15;
	s18 =	smov.u32 s16;
	s15 =	sand.u32 @!p0 $0xFF, s1  }
0x90: {  	p6 =	por @!p1 $0x1, $0x1;
	s18 =	simm.s32 @!p3 $0x1;
	p0 =	sne.s32 @!p0 s15, $0x1  }
0x91: {  	p2 =	por p6, p1;
	s12 =	ssub.s32 @!p1 $0x2, s12;
	p3 =	por @!p5 p0, p4  }
0x92: {  	p5 =	por @!p5 !p0, p4;
	p0 =	por @!p1 $0x1, $0x1;
	s0 =	simm.s32 @!p3 $0x0  }
0x93: {  	s15 =	sand.u32 @!p2 $0xFF, s12;
	p0 =	por !p0, p1;
	s0 =	simm.s32 @p3 $0x1  }
0x94: {  	s16 =	smov.u32 @p0 s18;
	p0 =	sne.s32 @!p2 s15, $0x0;
	p3 =	por @!p1 $0x0, $0x0  }
0x95: {  	[smem:$0x7F7] =	sst s0;
	s0 =	sand.u32 $0x3F, s3;
	s3 =	sand.u32 @!p1 $0xFF, s12  }
0x96: {  	p2 =	por @!p1 !p0, p6;
	p0 =	por @!p1 p0, p6;
	s12 =	sand.u32 $0xFF, s14  }
0x97: {  	p4 =	por @!p1 !p4, p3;
	s16 =	simm.s32 @p1 $0x0;
	s15 =	smul.u32 $0x19, s0  }
0x98: {  	p2 =	por !p2, p1;
	s18 =	smov.u32 s3;
	p0 =	por p0, p1  }
0x99: {  	s12 =	smul.u32 $0xA4, s12;
	s16 =	sshll.u32 s16, $0x7;
	s18 =	simm.s32 @!p2 $0x0  }
0x9a: {  	s20 =	simm.s32 @!p0 $0x5;
	p2 =	por !p6, p1;
	p6 =	por $0x1, $0x1  }
0x9b: {  	_ =	swait.ge @!p0 [sflag:s20], $0xC80;
	s3 =	smov.u32 @p2 s18;
	p2 =	por @!p1 !p5, p3  }
0x9c: {  	s15 =	ssub.s32 $0x4, s15;
	[sflag:s20] =	ssyncset.done @!p0 $0x0;
	p2 =	por !p2, p1  }
0x9d: {  	[sflag:s20] =	ssyncadd.s32 @!p0 $0xFFFFF380;
	p0 =	por @!p6 $0x0, $0x0;
	s20 =	simm.s32 $0x0  }
0x9e: {  	s7 =	sld [smem:$0x7F7];
	s0 =	simm.s32 @!p0 $0x0;
	s20 =	simm.s32 @p1 $0x0  }
0x9f: {  	s3 =	simm.s32 @p1 $0x2;
	s0 =	simm.s32 @p0 $0x1;
	s20 =	sand.u32 $0xFF, s20  }
0xa0: {  	[smem:$0x7F8] =	sst s0;
	s0 =	sand.u32 @!p1 $0xFF, s1;
	s1 =	sand.u32 @!p6 $0xFF, s15  }
0xa1: {  	s15 =	sand.u32 $0x3F, s23;
	s20 =	smul.u32 $0xA4, s20;
	s21 =	smov.u32 s0  }
0xa2: {  	p6 =	sne.s32 @!p6 s1, $0x0;
	s25 =	smul.u32 $0x19, s15;
	s4 =	sshll.u32 s15, $0xC  }
0xa3: {  	s1 =	sand.u32 $0x1000, s12;
	s21 =	simm.s32 @p2 $0x1;
	p2 =	por !p4, p1  }
0xa4: {  	p4 =	por $0x1, $0x1;
	s20 =	sand.u32 $0x1000, s20;
	s21 =	smov.u32 @p2 s0  }
0xa5: {  	p2 =	por !p3, p1;
	p3 =	por @!p1 $0x0, $0x0;
	s23 =	ssub.s32 $0x3, s25  }
0xa6: {  	s25 =	sand.u32 $0x1000, s4;
	s16 =	sadd.s32 s16, s20;
	s0 =	smov.u32 @p2 s21  }
0xa7: {  	p2 =	por p0, p4;
	p0 =	seq.s32 s7, $0x1;
	s21 =	smul.u32 $0xA0, s14  }
0xa8: {  	s7 =	sand.u32 $0xFF, s23;
	s16 =	sadd.s32 $0x1400, s16;
	p3 =	por @!p1 p0, p3  }
0xa9: {  	p0 =	sgt.u32 s22, $0x32;
	s18 =	sand.u32 @!p2 $0xFF, s23;
	s22 =	sld [smem:$0x7F8]  }
0xaa: {  	s4 =	simm.s32 @!p0 $0x0;
	p2 =	sne.s32 @!p2 s18, $0x0;
	p5 =	por p3, p1  }
0xab: {  	s18 =	sshra.s32 s21, $0x2;
	s4 =	simm.s32 @p0 $0x1;
	s6 =	smul.u32 @!p5 $0xA4, s6  }
0xac: {  	[tilespmem:s26], [sflag:$0x3] =	stream.indirect.gather [hbm4b:s29+s10], $0x80, s18, s10, $0xb8;
	[tilespmem:$0x1BC80] =	vst v63  }
0xad: {  	p3 =	por $0x1, $0x1;
	[smem:$0x7F9] =	sst s4;
	s6 =	sand.u32 @!p5 $0x3F000, s6  }
0xae: {  	s26 =	sand.u32 @!p3 $0xFF, s23;
	_ =	swait.ge [sflag:s30], $0x1400;
	s6 =	sadd.s32 @!p5 $0x1000, s6  }
0xaf: {  	s4 =	sshll.u32 s3, $0x7;
	[sflag:s30] =	ssyncset.done $0x0;
	s20 =	sadd.s32 @!p5 s17, s6  }
0xb0: {  	s21 =	sadd.s32 s4, s1;
	[sflag:s30] =	ssyncadd.s32 $0xFFFFEC00;
	s1 =	sshrl.u32 @!p5 s20, $0x3  }
0xb1: {  	[spmem:s28] =	stream.indirect.scatter.add.f32 [tilespmem:s8], [sflag:$0x1], $0x80, s16, s10, $0xb8;
	[tilespmem:$0x1BC80] =	vst v63  }
0xb2: {  	s23 =	simm.s32 @!p1 $0x4;
	s6 =	sand.u32 @!p5 $0x1000, s6;
	s20 =	sadd.s32 @!p5 s5, s1  }
0xb3: {  	s1 =	sadd.s32 @!p5 $0x1400, s6;
	s6 =	sshll.u32 s7, $0x7;
	_ =	swait.ge @!p1 [sflag:s23], $0x1400  }
0xb4: {  	s18 =	sadd.s32 s6, s25;
	s25 =	sld [smem:$0x7F9];
	_ =	sdelay $0x2  }
0xb5: {  	s0 =	simm.s32 @p1 $0x1;
	p0 =	seq.s32 s22, $0x1;
	p3 =	seq.s32 s25, $0x1  }
0xb6: {  	p2 =	por @!p4 p2, p0;
	p0 =	por p6, p4;
	p3 =	sne.s32 @!p3 s3, $0x1  }
0xb7: {  	s12 =	sshll.u32 s0, $0x7;
	p0 =	sgt.u32 @!p0 s14, $0x62;
	s0 =	simm.s32 @!p3 $0x0  }
0xb8: {  	p0 =	por @!p4 p0, p6;
	p6 =	por $0x1, $0x1;
	s0 =	simm.s32 @p3 $0x1  }
0xb9: {  	p3 =	por $0x1, $0x1;
	[smem:$0x7FA] =	sst s0;
	s0 =	simm.s32 @!p6 $0x0  }
0xba: {  	s24 =	simm.s32 $0x78;
	p3 =	sne.s32 @!p3 s26, $0x1;
	s0 =	simm.s32 @p6 $0x1  }
0xbb: {  	s22 =	simm.s32 @!p5 $0x0;
	[smem:$0x7FB] =	sst s0;
	s0 =	simm.s32 @!p3 $0x0  }
0xbc: {  	p2 =	por p2, p4;
	s16 =	simm.s32 $0x0;
	s0 =	simm.s32 @p3 $0x1  }
0xbd: {  	s6 =	sadd.s32 s12, s19;
	[sflag:s23] =	ssyncset.done @!p1 $0x0;
	[smem:$0x7FC] =	sst s0  }
.LBB2_6:
0xbe: {  	[sflag:s23] =	ssyncadd.s32 @!p1 $0xFFFFEC00  }
0xbf: {  	s19 =	smov.u32 s2;
	s2 =	smov.u32 s13;
	s13 =	sadd.s32 $0x4, s13  }
0xc0: {  	[tilespmem:s1], [sflag:$0x5] =	stream.linear.gather @!p5 [hbm4b:s20+s22], $0xC80, $0x38;
	[tilespmem:$0x1BC80] =	vst v63  }
0xc1: {  	p1 =	sne.s32 s13, $0x7C  }
0xc2: {  	s0 =	simm.s32 @!p1 $0x0  }
0xc3: {  	s0 =	simm.s32 @p1 $0x1  }
0xc4: {  	s3 =	simm.s32 @!p2 $0x5;
	[smem:$0x7F6] =	sst s0  }
0xc5: {  	s25 =	smov.u32 s24;
	_ =	swait.ge @!p2 [sflag:s3], $0xC80  }
0xc6: {  	s26 =	simm.s32 $0x7000;
	s7 =	sadd.s32 $0x1400, s6;
	[sflag:s3] =	ssyncset.done @!p2 $0x0  }
0xc7: {  	s16 =	sadd.s32 $0x1, s16;
	s20 =	smul.u32 $0x29, s13;
	[sflag:s3] =	ssyncadd.s32 @!p2 $0xFFFFF380  }
0xc8: {  	[tilespmem:s26], [sflag:$0x4] =	stream.indirect.gather [hbm4b:s29+s10], $0x80, s24, s10, $0xb8;
	[tilespmem:$0x1BC80] =	vst v63  }
0xc9: {  	p4 =	por p0, p4;
	s22 =	sadd.s32 $0x5, s19;
	_ =	swait.ge [sflag:s31], $0x1400  }
0xca: {  	s23 =	smul.u32 $0x29, s22;
	s1 =	sshrl.u32 s20, $0xA;
	[sflag:s31] =	ssyncset.done $0x0  }
0xcb: {  	s20 =	sadd.s32 $0x1, s2;
	s12 =	sld [smem:$0x7FA];
	[sflag:s31] =	ssyncadd.s32 $0xFFFFEC00  }
0xcc: {  	[spmem:s28] =	stream.indirect.scatter.add.f32 [tilespmem:s11], [sflag:$0x2], $0x80, s7, s10, $0xb8;
	[tilespmem:$0x1BC80] =	vst v63  }
0xcd: {  	s1 =	sand.u32 $0x3F, s1;
	s3 =	sshrl.u32 s23, $0xA;
	s11 =	sld [smem:$0x7F9]  }
0xce: {  	s1 =	smul.u32 $0x19, s1;
	s23 =	sadd.s32 $0xFFFFFFEC, s19;
	s3 =	sand.u32 $0x3F, s3  }
0xcf: {  	p2 =	sgt.u32 s23, $0x4B;
	s26 =	sadd.s32 $0x28, s25;
	s4 =	smul.u32 $0x19, s3  }
0xd0: {  	s3 =	ssub.s32 s13, s1;
	p6 =	seq.s32 s12, $0x1;
	p5 =	seq.s32 s11, $0x1  }
0xd1: {  	s12 =	smov.u32 s29;
	s11 =	smul.u32 $0xA4, s20;
	p1 =	por p6, p5  }
0xd2: {  	p5 =	seq.s32 s19, $0x78;
	p6 =	slt.u32 s16, $0x6;
	s6 =	sand.u32 @!p1 $0xFF, s14  }
0xd3: {  	s14 =	ssub.s32 s22, s4;
	s0 =	simm.s32 @!p5 $0x0;
	s23 =	sadd.s32 @!p5 $0x50, s25  }
0xd4: {  	s22 =	simm.s32 @!p1 $0x0;
	s25 =	simm.s32 @!p4 $0x5;
	s4 =	smov.u32 s28  }
0xd5: {  	s1 =	smul.u32 @!p1 $0xA4, s6;
	s6 =	sand.u32 @!p2 $0xFF, s14;
	s0 =	simm.s32 @p5 $0x1  }
0xd6: {  	[smem:$0x7E5] =	sst s0;
	p3 =	sne.s32 @!p2 s6, $0x0;
	s0 =	simm.s32 @!p5 $0x28  }
0xd7: {  	[dreg:$0x5] =	wrdreg s0;
	s1 =	sand.u32 @!p1 $0xF000, s1;
	s0 =	simm.s32 @!p5 $0x4800  }
0xd8: {  	p0 =	por p3, p2;
	[dreg:$0x6] =	wrdreg s0;
	s1 =	sadd.s32 @!p1 $0x1000, s1  }
0xd9: {  	s0 =	simm.s32 @!p0 $0x0;
	s6 =	sadd.s32 @!p1 s17, s1;
	_ =	swait.ge [sflag:s30], $0x1400  }
0xda: {  	s1 =	sand.u32 @!p1 $0x1000, s1;
	s6 =	sshrl.u32 @!p1 s6, $0x3;
	[sflag:s30] =	ssyncset.done $0x0  }
0xdb: {  	s1 =	sadd.s32 @!p1 $0x1400, s1;
	s19 =	sadd.s32 @!p1 s5, s6;
	[sflag:s30] =	ssyncadd.s32 $0xFFFFEC00  }
0xdc: {  	[tilespmem:s1], [sflag:$0x5] =	stream.linear.gather @!p1 [hbm4b:s19+s22], $0xC80, $0x38;
	[tilespmem:$0x1BC80] =	vst v63  }
0xdd: {  	s0 =	simm.s32 @p0 $0x1;
	s6 =	sadd.s32 $0x3, s2;
	_ =	swait.ge @!p4 [sflag:s25], $0xC80  }
0xde: {  	s31 =	sand.u32 @!p6 $0xFF, s3;
	s28 =	smul.u32 $0x29, s6;
	[smem:$0x7E3] =	sst s0  }
0xdf: {  	p0 =	sgt.u32 @!p6 s20, $0x62;
	s30 =	sadd.s32 $0x1400, s21;
	s1 =	sld [smem:$0x7FB]  }
0xe0: {  	[sflag:s25] =	ssyncset.done @!p4 $0x0;
	s7 =	sld [smem:$0x7FC];
	s28 =	sshrl.u32 s28, $0xA  }
0xe1: {  	[sflag:s25] =	ssyncadd.s32 @!p4 $0xFFFFF380;
	s25 =	sand.u32 $0x1000, s11;
	s11 =	smov.u32 s2  }
0xe2: {  	[tilespmem:s8], [sflag:$0x1] =	stream.indirect.gather [hbm4b:s29+s10], $0x80, s26, s10, $0xb8;
	[tilespmem:$0x1BC80] =	vst v63  }
0xe3: {  	p1 =	seq.s32 s1, $0x1;
	p2 =	seq.s32 s7, $0x1;
	_ =	swait.ge [sflag:s9], $0x1400  }
0xe4: {  	[dreg:$0x4] =	wrdreg s25;
	p5 =	por p2, p1;
	p1 =	seq.s32 s2, $0x0  }
0xe5: {  	[sflag:s9] =	ssyncset.done $0x0;
	s26 =	sld [smem:$0x7E3];
	s1 =	sshll.u32 @!p5 s15, $0xC  }
0xe6: {  	s14 =	smul.u32 @!p1 $0x29, s2;
	s22 =	sadd.s32 @!p1 $0xFFFFFFE8, s2;
	s19 =	sadd.s32 @!p1 $0xFFFFFFE6, s2  }
0xe7: {  	[sflag:s9] =	ssyncadd.s32 $0xFFFFEC00;
	s21 =	smul.u32 @!p1 $0x29, s20;
	p4 =	sgt.u32 @!p1 s20, $0x4C  }
0xe8: {  	s11 =	simm.s32 @p1 $0x0;
	p3 =	sgt.u32 @!p1 s19, $0x32;
	s8 =	sadd.s32 @!p5 $0x1000, s1  }
0xe9: {  	s1 =	sadd.s32 @!p1 $0x2, s2;
	s19 =	simm.s32 $0x28;
	s14 =	sshrl.u32 @!p1 s14, $0xA  }
0xea: {  	s0 =	simm.s32 @!p3 $0x0;
	s29 =	smul.u32 @!p1 $0x29, s1;
	p2 =	por !p3, p1  }
0xeb: {  	s9 =	sshrl.u32 @!p1 s21, $0xA;
	s14 =	sand.u32 @!p1 $0x3F, s14;
	s0 =	simm.s32 @p3 $0x1  }
0xec: {  	[smem:$0x7E1] =	sst s0;
	s0 =	simm.s32 @!p0 $0x0;
	s15 =	smul.u32 @!p1 $0x19, s14  }
0xed: {  	s21 =	sshrl.u32 @!p1 s29, $0xA;
	s14 =	smov.u32 s1;
	s0 =	simm.s32 @p0 $0x1  }
0xee: {  	s10 =	sand.u32 @!p1 $0x3F, s21;
	[smem:$0x7F5] =	sst s0;
	s0 =	simm.s32 @!p6 $0x0  }
0xef: {  	p0 =	sgt.u32 @!p1 s22, $0x4B;
	s3 =	sld [smem:$0x7E1];
	s0 =	simm.s32 @p6 $0x1  }
0xf0: {  	s15 =	ssub.s32 @!p1 s2, s15;
	[smem:$0x7F3] =	sst s0;
	s0 =	simm.s32 @!p4 $0x0  }
0xf1: {  	s10 =	smul.u32 @!p1 $0x19, s10;
	s21 =	sand.u32 @!p1 $0xFF, s15;
	s0 =	simm.s32 @p4 $0x1  }
0xf2: {  	p3 =	seq.s32 s3, $0x1;
	[smem:$0x7EA] =	sst s0;
	s0 =	simm.s32 @!p2 $0x0  }
0xf3: {  	s10 =	ssub.s32 @!p1 s1, s10;
	s3 =	sand.u32 $0xFF, s11;
	s0 =	simm.s32 @p2 $0x1  }
0xf4: {  	p3 =	por p3, p1;
	[smem:$0x7E9] =	sst s0;
	s0 =	simm.s32 @!p0 $0x0  }
0xf5: {  	s15 =	sand.u32 @!p3 $0xFF, s15;
	s0 =	simm.s32 @p0 $0x1;
	p0 =	por p4, p1  }
0xf6: {  	p2 =	seq.s32 s26, $0x1;
	[smem:$0x7EB] =	sst s0;
	s0 =	simm.s32 @!p0 $0x0  }
0xf7: {  	s7 =	simm.s32 @!p2 $0x5;
	s0 =	simm.s32 @p0 $0x1;
	p0 =	slt.u32 @!p0 s16, $0x7  }
0xf8: {  	[smem:$0x7E7] =	sst s0;
	s0 =	simm.s32 @!p0 $0x0;
	p2 =	por @!p1 p0, p4  }
0xf9: {  	s26 =	sld [smem:$0x7F5];
	s0 =	simm.s32 @p0 $0x1;
	s1 =	simm.s32 @!p2 $0x0  }
0xfa: {  	p0 =	por @!p1 !p0, p4;
	[smem:$0x7E8] =	sst s0;
	s1 =	simm.s32 @p2 $0x1  }
0xfb: {  	s0 =	sadd.s32 @!p5 s17, s8;
	[smem:$0x7E2] =	sst s1;
	s1 =	simm.s32 @!p0 $0x0  }
0xfc: {  	p2 =	seq.s32 s26, $0x1;
	s1 =	simm.s32 @p0 $0x1;
	p0 =	sne.s32 @!p6 s31, $0x0  }
0xfd: {  	s8 =	sand.u32 @!p5 $0x1000, s8;
	[smem:$0x7E6] =	sst s1;
	s1 =	simm.s32 @!p0 $0x0  }
0xfe: {  	s26 =	sld [smem:$0x7E1];
	s1 =	simm.s32 @p0 $0x1;
	p0 =	por p2, p6  }
0xff: {  	s0 =	sshrl.u32 @!p5 s0, $0x3;
	[smem:$0x7F4] =	sst s1;
	s11 =	simm.s32 @!p0 $0x0  }
0x100: {  	s1 =	sadd.s32 $0x1400, s18;
	s18 =	sld [smem:$0x7EB];
	s11 =	simm.s32 @p0 $0x1  }
0x101: {  	p0 =	sne.s32 @!p3 s15, $0x1;
	p3 =	seq.s32 s26, $0x1;
	s26 =	simm.s32 $0x5C00  }
0x102: {  	[spmem:s4] =	stream.indirect.scatter.add.f32 [tilespmem:s26], [sflag:$0x3], $0x80, s30, s19, $0xb8;
	[tilespmem:$0x1BC80] =	vst v63  }
0x103: {  	p2 =	por @!p1 p0, p3;
	p0 =	por @!p1 !p0, p3;
	p4 =	seq.s32 s18, $0x1  }
0x104: {  	s8 =	sadd.s32 @!p5 $0x1400, s8;
	s30 =	simm.s32 @!p0 $0x0;
	p6 =	por p4, p1  }
0x105: {  	[smem:$0x7F1] =	sst s11;
	s30 =	simm.s32 @p0 $0x1;
	s11 =	sand.u32 @!p6 $0xFF, s10  }
0x106: {  	s31 =	simm.s32 $0x2;
	[smem:$0x7E4] =	sst s30;
	p6 =	sne.s32 @!p6 s11, $0x0  }
0x107: {  	s0 =	sadd.s32 @!p5 s5, s0;
	_ =	swait.ge [sflag:s31], $0x1400;
	s11 =	simm.s32 @!p6 $0x0  }
0x108: {  	s15 =	sand.u32 $0x3F, s28;
	[sflag:s31] =	ssyncset.done $0x0;
	s11 =	simm.s32 @p6 $0x1  }
0x109: {  	s28 =	simm.s32 @!p5 $0x0;
	[sflag:s31] =	ssyncadd.s32 $0xFFFFEC00;
	[smem:$0x7EC] =	sst s11  }
0x10a: {  	[tilespmem:s8], [sflag:$0x5] =	stream.linear.gather @!p5 [hbm4b:s0+s28], $0xC80, $0x38;
	[tilespmem:$0x1BC80] =	vst v63  }
0x10b: {  	s8 =	sld [smem:$0x7E2]  }
0x10c: {  	s18 =	smul.u32 $0x19, s15;
	p2 =	por p2, p1;
	s11 =	sld [smem:$0x7E3]  }
0x10d: {  	s30 =	smul.u32 @!p2 $0xA4, s2  }
0x10e: {  	s18 =	ssub.s32 s6, s18;
	p5 =	por @!p1 p6, p4;
	p3 =	seq.s32 s8, $0x1  }
0x10f: {  	s6 =	simm.s32 @!p5 $0x0;
	p0 =	por p3, p1;
	p3 =	seq.s32 s11, $0x1  }
0x110: {  	s6 =	simm.s32 @p5 $0x1;
	_ =	swait.ge @!p3 [sflag:s7], $0xC80  }
0x111: {  	s0 =	sand.u32 @!p2 $0x3F000, s30;
	[smem:$0x7EE] =	sst s6  }
0x112: {  	s0 =	sadd.s32 @!p2 $0x1000, s0;
	s8 =	sld [smem:$0x7E4]  }
0x113: {  	[sflag:s7] =	ssyncset.done @!p3 $0x0;
	s6 =	sadd.s32 @!p2 s17, s0;
	s11 =	sld [smem:$0x7E5]  }
0x114: {  	[sflag:s7] =	ssyncadd.s32 @!p3 $0xFFFFF380;
	s7 =	sand.u32 @!p1 $0xFF, s10;
	s10 =	sld [smem:$0x7E6]  }
0x115: {  	s28 =	sand.u32 @!p2 $0x1000, s0;
	s0 =	sshrl.u32 @!p2 s6, $0x3;
	s6 =	rddreg [dreg:$0x5]  }
0x116: {  	p4 =	seq.s32 s8, $0x1;
	s8 =	rddreg [dreg:$0x6]  }
0x117: {  	p6 =	por !p4, p1;
	p4 =	seq.s32 s11, $0x1;
	p5 =	seq.s32 s10, $0x1  }
0x118: {  	[tilespmem:s8], [sflag:$0x2] =	stream.indirect.gather @!p4 [hbm4b:s12+s6], $0x80, s23, s6, $0xb8;
	[tilespmem:$0x1BC80] =	vst v63  }
0x119: {  	s9 =	sand.u32 @!p1 $0x3F, s9;
	p4 =	por !p5, p1  }
0x11a: {  	s25 =	simm.s32 @!p1 $0x3;
	s9 =	smul.u32 @!p1 $0x19, s9;
	s8 =	simm.s32 @!p4 $0x0  }
0x11b: {  	s14 =	simm.s32 @p1 $0x2;
	s22 =	simm.s32 @p1 $0xFFFFFFE8;
	s8 =	simm.s32 @p4 $0x1  }
0x11c: {  	s3 =	smul.u32 $0xA4, s3;
	[smem:$0x7F0] =	sst s8;
	s8 =	simm.s32 $0x4  }
0x11d: {  	s29 =	sand.u32 $0xFF, s14;
	s9 =	ssub.s32 @!p1 s20, s9;
	_ =	swait.ge [sflag:s8], $0x1400  }
0x11e: {  	s3 =	sand.u32 $0x1000, s3;
	s30 =	simm.s32 $0x1;
	s11 =	sld [smem:$0x7E7]  }
0x11f: {  	s0 =	sadd.s32 @!p2 s5, s0;
	s6 =	sand.u32 @!p0 $0xFF, s9;
	s23 =	sld [smem:$0x7E8]  }
0x120: {  	s10 =	sshll.u32 s15, $0xC;
	p3 =	sne.s32 @!p0 s6, $0x1;
	[sflag:s8] =	ssyncset.done $0x0  }
0x121: {  	s6 =	sand.u32 $0x1000, s10;
	[sflag:s8] =	ssyncadd.s32 $0xFFFFEC00;
	p5 =	seq.s32 s11, $0x1  }
0x122: {  	p0 =	seq.s32 s23, $0x1;
	s11 =	simm.s32 $0x7000;
	s23 =	sld [smem:$0x7E9]  }
0x123: {  	[spmem:s4] =	stream.indirect.scatter.add.f32 [tilespmem:s11], [sflag:$0x4], $0x80, s1, s19, $0xb8;
	[tilespmem:$0x1BC80] =	vst v63  }
0x124: {  	s10 =	sld [smem:$0x7EA];
	p4 =	por @!p5 p3, p0;
	s1 =	smov.u32 s21  }
0x125: {  	p0 =	por @!p5 !p3, p0;
	s11 =	smul.u32 $0xA4, s29;
	s29 =	smov.u32 s12  }
0x126: {  	s19 =	sld [smem:$0x7EB];
	s1 =	simm.s32 @!p6 $0x1;
	p3 =	seq.s32 s23, $0x1  }
0x127: {  	s23 =	sadd.s32 $0xFFFFFFE9, s2;
	s21 =	smov.u32 @p3 s1;
	p3 =	seq.s32 s10, $0x1  }
0x128: {  	p4 =	por @!p1 p4, p3;
	p5 =	por @!p1 !p0, p3;
	p0 =	sgt.u32 s22, $0x32  }
0x129: {  	p6 =	por p3, p3;
	s1 =	simm.s32 @!p4 $0x0;
	s8 =	simm.s32 @!p0 $0x0  }
0x12a: {  	s1 =	simm.s32 @p4 $0x1;
	s8 =	simm.s32 @p0 $0x1;
	p4 =	por !p6, p1  }
0x12b: {  	s21 =	simm.s32 @p1 $0x0;
	[smem:$0x7F9] =	sst s8;
	s8 =	simm.s32 @!p4 $0x0  }
0x12c: {  	s22 =	sld [smem:$0x7EC];
	s8 =	simm.s32 @p4 $0x1;
	p4 =	por !p5, p1  }
0x12d: {  	s21 =	sshll.u32 s21, $0x7;
	[smem:$0x7F2] =	sst s8;
	s8 =	simm.s32 @!p4 $0x0  }
0x12e: {  	p0 =	seq.s32 s19, $0x1;
	[smem:$0x7ED] =	sst s1;
	s8 =	simm.s32 @p4 $0x1  }
0x12f: {  	p6 =	sgt.u32 s23, $0x32;
	s3 =	sadd.s32 s21, s3;
	[smem:$0x7EF] =	sst s8  }
0x130: {  	p3 =	seq.s32 s22, $0x1;
	s22 =	sand.u32 @!p1 $0xFF, s9;
	_ =	swait.ge @!p1 [sflag:s25], $0x1400  }
0x131: {  	s1 =	sand.u32 $0x1000, s11;
	p3 =	por @!p1 !p3, p0;
	s10 =	sld [smem:$0x7ED]  }
0x132: {  	p3 =	por !p3, p1;
	s8 =	smov.u32 s7;
	s11 =	sld [smem:$0x7F9]  }
0x133: {  	s8 =	simm.s32 @!p3 $0x0;
	p3 =	por !p0, p1;
	s12 =	sld [smem:$0x7EE]  }
0x134: {  	s9 =	smul.u32 $0xA0, s14;
	s7 =	smov.u32 @p3 s8;
	[sflag:s25] =	ssyncset.done @!p1 $0x0  }
0x135: {  	s7 =	simm.s32 @p1 $0x2;
	p3 =	seq.s32 s10, $0x1;
	p0 =	seq.s32 s11, $0x1  }
0x136: {  	p4 =	seq.s32 s12, $0x1;
	p5 =	por p3, p1;
	p3 =	sne.s32 @!p0 s7, $0x1  }
0x137: {  	[sflag:s25] =	ssyncadd.s32 @!p1 $0xFFFFEC00;
	p4 =	por p4, p1;
	s10 =	simm.s32 @!p3 $0x0  }
0x138: {  	s8 =	smul.u32 @!p5 $0xA4, s20;
	s20 =	simm.s32 @!p2 $0x0;
	s10 =	simm.s32 @p3 $0x1  }
0x139: {  	s23 =	simm.s32 @!p4 $0x5;
	[smem:$0x7FA] =	sst s10;
	s10 =	sadd.s32 @!p2 $0x1400, s28  }
0x13a: {  	[tilespmem:s10], [sflag:$0x5] =	stream.linear.gather @!p2 [hbm4b:s0+s20], $0xC80, $0x38;
	[tilespmem:$0x1BC80] =	vst v63  }
0x13b: {  	s9 =	sshra.s32 s9, $0x2;
	s7 =	sshll.u32 s7, $0x7;
	_ =	swait.ge @!p4 [sflag:s23], $0xC80  }
0x13c: {  	s21 =	sadd.s32 s7, s1;
	s1 =	simm.s32 @!p6 $0x0;
	s19 =	sld [smem:$0x7EF]  }
0x13d: {  	s11 =	sand.u32 @!p6 $0xFF, s18;
	s1 =	simm.s32 @p6 $0x1;
	s20 =	sld [smem:$0x7F0]  }
0x13e: {  	s0 =	sand.u32 @!p5 $0x3F000, s8;
	s8 =	smov.u32 s22;
	s25 =	sld [smem:$0x7F1]  }
0x13f: {  	p2 =	sne.s32 @!p6 s11, $0x1;
	[sflag:s23] =	ssyncset.done @!p4 $0x0;
	p0 =	seq.s32 s19, $0x1  }
0x140: {  	[smem:$0x7FB] =	sst s1;
	s8 =	simm.s32 @p0 $0x1;
	p0 =	seq.s32 s20, $0x1  }
0x141: {  	s1 =	simm.s32 @!p2 $0x0;
	s8 =	smov.u32 @p0 s22;
	p0 =	seq.s32 s25, $0x1  }
0x142: {  	[sflag:s23] =	ssyncadd.s32 @!p4 $0xFFFFF380;
	s1 =	simm.s32 @p2 $0x1;
	s10 =	sand.u32 @!p0 $0xFF, s18  }
0x143: {  	[smem:$0x7FC] =	sst s1;
	p0 =	sne.s32 @!p0 s10, $0x0;
	s10 =	simm.s32 $0x28  }
0x144: {  	[tilespmem:s26], [sflag:$0x3] =	stream.indirect.gather [hbm4b:s29+s10], $0x80, s9, s10, $0xb8;
	[tilespmem:$0x1BC80] =	vst v63  }
0x145: {  	_ =	swait.ge [sflag:s30], $0x1400  }
0x146: {  	s0 =	sadd.s32 @!p5 $0x1000, s0;
	s23 =	sand.u32 $0xFF, s18;
	s26 =	sld [smem:$0x7F2]  }
0x147: {  	s20 =	sadd.s32 @!p5 s17, s0;
	s0 =	sand.u32 @!p5 $0x1000, s0;
	s19 =	sld [smem:$0x7F4]  }
0x148: {  	s1 =	sadd.s32 @!p5 $0x1400, s0;
	s0 =	sshll.u32 s23, $0x7;
	s23 =	simm.s32 @!p1 $0x4  }
0x149: {  	s7 =	sld [smem:$0x7F3];
	[sflag:s30] =	ssyncset.done $0x0;
	p2 =	seq.s32 s26, $0x1  }
0x14a: {  	[sflag:s30] =	ssyncadd.s32 $0xFFFFEC00;
	p3 =	seq.s32 s19, $0x1;
	s22 =	smov.u32 @p2 s8  }
0x14b: {  	s26 =	sadd.s32 $0x1400, s3;
	s8 =	simm.s32 $0x3400;
	s22 =	simm.s32 @p1 $0x1  }
0x14c: {  	[spmem:s4] =	stream.indirect.scatter.add.f32 [tilespmem:s8], [sflag:$0x1], $0x80, s26, s10, $0xb8;
	[tilespmem:$0x1BC80] =	vst v63  }
0x14d: {  	s19 =	rddreg [dreg:$0x4];
	s25 =	sshll.u32 s22, $0x7;
	_ =	swait.ge @!p1 [sflag:s23], $0x1400  }
0x14e: {  	s18 =	sadd.s32 s0, s6;
	s6 =	sadd.s32 s25, s19;
	s25 =	sld [smem:$0x7F5]  }
0x14f: {  	_ =	sdelay $0x1  }
0x150: {  	p6 =	seq.s32 s7, $0x1;
	s26 =	sld [smem:$0x7F6];
	p4 =	seq.s32 s25, $0x1  }
0x151: {  	p2 =	por p3, p6;
	p0 =	por @!p6 p0, p4  }
0x152: {  	p4 =	sgt.u32 @!p2 s14, $0x62;
	p2 =	por p0, p6  }
0x153: {  	p0 =	por @!p6 p4, p3;
	p4 =	por p6, p6;
	p6 =	seq.s32 s26, $0x1  }
.Ltmp2:
0x154: {  	_ = 	snop;
	(pc) =	sbr.rel @p6 .LBB2_6-.Ltmp2, $4  }
0x155: {  	_ = 	snop  }
0x156: {  	s24 =	sadd.s32 $0xA0, s24;
	s12 =	simm.s32 $0x5C00;
	s20 =	sshrl.u32 @!p5 s20, $0x3  }
0x157: {  	s28 =	smov.u32 s4;
	s11 =	simm.s32 $0x4800;
	s20 =	sadd.s32 @!p5 s5, s20  }
0x158: {  	s9 =	simm.s32 $0x3;
	s22 =	simm.s32 @!p5 $0x0;
	[sflag:s23] =	ssyncset.done @!p1 $0x0  }
0x159: {  	[sflag:s23] =	ssyncadd.s32 @!p1 $0xFFFFEC00;
	s0 =	simm.s32 @!p2 $0x5  }
0x15a: {  	[tilespmem:s1], [sflag:$0x5] =	stream.linear.gather @!p5 [hbm4b:s20+s22], $0xC80, $0x38;
	[tilespmem:$0x1BC80] =	vst v63  }
0x15b: {  	_ =	swait.ge @!p2 [sflag:s0], $0xC80  }
0x15c: {  	s20 =	sld [smem:$0x7F9]  }
0x15d: {  	[sflag:s0] =	ssyncset.done @!p2 $0x0;
	s22 =	sld [smem:$0x7FA]  }
0x15e: {  	s4 =	simm.s32 $0x7000;
	[sflag:s0] =	ssyncadd.s32 @!p2 $0xFFFFF380  }
0x15f: {  	[tilespmem:s4], [sflag:$0x4] =	stream.indirect.gather [hbm4b:s29+s10], $0x80, s24, s10, $0xb8;
	[tilespmem:$0x1BC80] =	vst v63  }
0x160: {  	p2 =	seq.s32 s20, $0x1;
	p3 =	seq.s32 s22, $0x1  }
0x161: {  	_ =	swait.ge [sflag:s31], $0x1400;
	p1 =	por p3, p2  }
0x162: {  	[sflag:s31] =	ssyncset.done $0x0;
	s0 =	sand.u32 @!p1 $0xFF, s14  }
0x163: {  	s23 =	sadd.s32 $0x1400, s6;
	[sflag:s31] =	ssyncadd.s32 $0xFFFFEC00;
	s0 =	smul.u32 @!p1 $0xA4, s0  }
0x164: {  	[spmem:s28] =	stream.indirect.scatter.add.f32 [tilespmem:s11], [sflag:$0x2], $0x80, s23, s10, $0xb8;
	[tilespmem:$0x1BC80] =	vst v63  }
0x165: {  	s0 =	sand.u32 @!p1 $0xF000, s0  }
0x166: {  	p0 =	por p0, p4;
	s0 =	sadd.s32 @!p1 $0x1000, s0  }
0x167: {  	s3 =	simm.s32 @!p1 $0x0;
	_ =	swait.ge [sflag:s30], $0x1400;
	s1 =	sadd.s32 @!p1 s17, s0  }
0x168: {  	[sflag:s30] =	ssyncset.done $0x0;
	s0 =	sand.u32 @!p1 $0x1000, s0;
	s1 =	sshrl.u32 @!p1 s1, $0x3  }
0x169: {  	[sflag:s30] =	ssyncadd.s32 $0xFFFFEC00;
	s0 =	sadd.s32 @!p1 $0x1400, s0;
	s1 =	sadd.s32 @!p1 s5, s1  }
0x16a: {  	[tilespmem:s0], [sflag:$0x5] =	stream.linear.gather @!p1 [hbm4b:s1+s3], $0xC80, $0x38;
	[tilespmem:$0x1BC80] =	vst v63  }
0x16b: {  	s0 =	simm.s32 @!p0 $0x5  }
0x16c: {  	_ =	swait.ge @!p0 [sflag:s0], $0xC80  }
0x16d: {  	s25 =	sadd.s32 $0x28, s24;
	s6 =	sld [smem:$0x7FB]  }
0x16e: {  	s26 =	sadd.s32 $0x5, s2;
	[sflag:s0] =	ssyncset.done @!p0 $0x0;
	s7 =	sld [smem:$0x7FC]  }
0x16f: {  	s13 =	smul.u32 $0x29, s26;
	s14 =	sadd.s32 $0x1400, s21;
	[sflag:s0] =	ssyncadd.s32 @!p0 $0xFFFFF380  }
0x170: {  	[tilespmem:s8], [sflag:$0x1] =	stream.indirect.gather [hbm4b:s29+s10], $0x80, s25, s10, $0xb8;
	[tilespmem:$0x1BC80] =	vst v63  }
0x171: {  	s1 =	sshrl.u32 s13, $0xA;
	p5 =	seq.s32 s6, $0x1;
	p6 =	seq.s32 s7, $0x1  }
0x172: {  	s1 =	sand.u32 $0x3F, s1;
	_ =	swait.ge [sflag:s9], $0x1400;
	p0 =	por p6, p5  }
0x173: {  	s1 =	smul.u32 $0x19, s1;
	[sflag:s9] =	ssyncset.done $0x0;
	s3 =	sshll.u32 @!p0 s15, $0xC  }
0x174: {  	[sflag:s9] =	ssyncadd.s32 $0xFFFFEC00;
	s7 =	simm.s32 @!p0 $0x0;
	s3 =	sadd.s32 @!p0 $0x1000, s3  }
0x175: {  	[spmem:s28] =	stream.indirect.scatter.add.f32 [tilespmem:s12], [sflag:$0x3], $0x80, s14, s10, $0xb8;
	[tilespmem:$0x1BC80] =	vst v63  }
0x176: {  	s15 =	sadd.s32 $0xFFFFFFEC, s2;
	s6 =	sadd.s32 @!p0 s17, s3;
	_ =	swait.ge [sflag:s31], $0x1400  }
0x177: {  	s3 =	sand.u32 @!p0 $0x1000, s3;
	s6 =	sshrl.u32 @!p0 s6, $0x3;
	[sflag:s31] =	ssyncset.done $0x0  }
0x178: {  	s3 =	sadd.s32 @!p0 $0x1400, s3;
	s6 =	sadd.s32 @!p0 s5, s6;
	[sflag:s31] =	ssyncadd.s32 $0xFFFFEC00  }
0x179: {  	[tilespmem:s3], [sflag:$0x5] =	stream.linear.gather @!p0 [hbm4b:s6+s7], $0xC80, $0x38;
	[tilespmem:$0x1BC80] =	vst v63  }
0x17a: {  	s0 =	ssub.s32 s26, s1;
	p0 =	sgt.u32 s15, $0x4B  }
0x17b: {  	s0 =	sand.u32 @!p0 $0xFF, s0  }
0x17c: {  	p1 =	sne.s32 @!p0 s0, $0x0  }
0x17d: {  	p0 =	por p1, p0  }
0x17e: {  	s0 =	simm.s32 @!p0 $0x5  }
0x17f: {  	_ =	swait.ge @!p0 [sflag:s0], $0xC80  }
0x180: {  	[sflag:s0] =	ssyncset.done @!p0 $0x0  }
0x181: {  	s16 =	simm.s32 $0x4;
	[sflag:s0] =	ssyncadd.s32 @!p0 $0xFFFFF380;
	p0 =	seq.s32 s2, $0x78  }
0x182: {  	s0 =	sadd.s32 @!p0 $0x50, s24;
	s1 =	simm.s32 @!p0 $0x28;
	s2 =	simm.s32 @!p0 $0x4800  }
0x183: {  	[tilespmem:s2], [sflag:$0x2] =	stream.indirect.gather @!p0 [hbm4b:s29+s1], $0x80, s0, s1, $0xb8;
	[tilespmem:$0x1BC80] =	vst v63  }
0x184: {  	_ =	swait.ge [sflag:s16], $0x1400  }
0x185: {  	[sflag:s16] =	ssyncset.done $0x0  }
0x186: {  	s19 =	sadd.s32 $0x1400, s18;
	[sflag:s16] =	ssyncadd.s32 $0xFFFFEC00  }
0x187: {  	[spmem:s28] =	stream.indirect.scatter.add.f32 [tilespmem:s4], [sflag:$0x4], $0x80, s19, s10, $0xb8;
	[tilespmem:$0x1BC80] =	vst v63  }
0x188: {  	_ =	swait.ge [sflag:s9], $0x1400  }
0x189: {  	[sflag:s9] =	ssyncset.done $0x0  }
0x18a: {  	[sflag:s9] =	ssyncadd.s32 $0xFFFFEC00  }
0x18b: {  	_ =	swait.ge [sflag:s30], $0x1400  }
0x18c: {  	[sflag:s30] =	ssyncset.done $0x0  }
0x18d: {  	s20 =	simm.s32 $0x2000;
	[sflag:s30] =	ssyncadd.s32 $0xFFFFEC00  }
0x18e: {  	[spmem:s28] =	stream.indirect.scatter.add.f32 [tilespmem:s8], [sflag:$0x1], $0x80, s20, s10, $0xb8;
	[tilespmem:$0x1BC80] =	vst v63  }
0x18f: {  	_ =	swait.ge [sflag:s16], $0x1400  }
0x190: {  	[sflag:s16] =	ssyncset.done $0x0  }
0x191: {  	[sflag:s16] =	ssyncadd.s32 $0xFFFFEC00  }
0x192: {  	_ =	swait.ge [sflag:s30], $0x1400  }
0x193: {  	[sflag:s30] =	ssyncset.done $0x0  }
0x194: {  	[sflag:s30] =	ssyncadd.s32 $0xFFFFEC00  }
0x195: {  	s21 =	stileid.u32;
	[bflag:$0x0] =	sbarrier.arrive $0xFFFF  }
0x196: {  	s7 =	simm.s32 $0x6;
	s0 =	sshll.u32 s21, $0x6;
	s12 =	rddreg [dreg:$0x8]  }
0x197: {  	s0 =	sor.u32 $0x1C06, s0;
	s23 =	rddreg [dreg:$0x15];
	s22 =	sshrl.u32 s12, $0x3  }
0x198: {  	[hbm:s23], [sflag:s0] =	dma.local [spmem:s22], $0x2700  }
0x199: {  	_ =	swait.ge [sflag:s7], $0x2700  }
0x19a: {  	s24 =	sld [smem:$0x7FD];
	_ =	sdelay $0x2  }
0x19b: {  	[sflag:s7] =	ssyncset.done $0x0;
	s6 =	rddreg [dreg:$0x1a];
	p1 =	seq.s32 s24, $0x1  }
0x19c: {  	s2 =	rddreg [dreg:$0x18];
	[sflag:s7] =	ssyncadd.s32 $0xFFFFD900;
	s1 =	sshrl.u32 @!p1 s6, $0x3  }
0x19d: {  	[hbm:s2], [sflag:s0] =	dma.local @!p1 [spmem:s1], $0x100  }
0x19e: {  	s0 =	simm.s32 @!p1 $0x6  }
0x19f: {  	_ =	swait.ge @!p1 [sflag:s0], $0x100  }
0x1a0: {  	s25 =	rddreg [dreg:$0x7]  }
0x1a1: {  	s26 =	rddreg [dreg:$0x19];
	s4 =	sadd.s32 $0x1, s25  }
0x1a2: {  	p0 =	sne.s32 s4, s26  }
.Ltmp3:
0x1a3: {  	_ = 	snop;
	(pc) =	sbr.rel @p0 .LBB2_1-.Ltmp3, $3  }
0x1a4: {  	_ =	sdelay $0x1  }
0x1a5: {  	[sflag:s0] =	ssyncset.done @!p1 $0x0  }
0x1a6: {  	[sflag:s0] =	ssyncadd.s32 @!p1 $0xFFFFFF00;
	s26 =	simm.s32 $0x5C00  }
0x1a7: {  	_ =	sfence.sel $0x180000  }
0x1a8: {  	[bflag:$0x0] =	sbarrier.arrive $0xFFFF  }
0x1a9: {  	_ =	strace $0x9000004A  }
0x1aa: {  	s0 =	stileid.u32;
	[bflag:$0x2] =	sbarrier.arrive $0xFFFF  }
0x1ab: {  	p0 =	sne.s32 s0, $0x0;
	s0 =	rddreg [dreg:$0x3]  }
0x1ac: {  	s0 =	sadd.s32 @!p0 $0x100000, s0  }
0x1ad: {  	[sflag:s0] =	ssyncadd.tile.s32 @!p0 $0x1;
	_ =	shalt  }
.Lfunc_end2:
_tile_overlayer_lowered:
.L_overlay_start_2:
0x1ae: {  	(tag) =	ssettag $0x2  }
0x1af: {  	s0 =	rddreg [dreg:$0x0];
	s2 =	stileid.u32  }
0x1b0: {  	s1 =	rddreg [dreg:$0x1];
	p0 =	sne.s32 s2, $0x0  }
0x1b1: {  	s3 =	rddreg [dreg:$0x2];
	[bflag:$0x3] =	sbarrier.arrive $0xFFFF;
	s2 =	simm.s32 @!p0 $0x1C06  }
0x1b2: {  	[timem:s3], [sflag:s2] =	dma.local @!p0 [hbm:s0], s1  }
0x1b3: {  	s0 =	simm.s32 @!p0 $0x6  }
0x1b4: {  	_ =	swait.ge @!p0 [sflag:s0], s1  }
0x1b5: {  	s1 =	ssub.s32 @!p0 $0x0, s1;
	[sflag:s0] =	ssyncset.done @!p0 $0x0  }
0x1b6: {  	[sflag:s0] =	ssyncadd.s32 @!p0 s1  }
0x1b7: {  	[bflag:$0x3] =	sbarrier.arrive $0xFFFF  }
0x1b8: {  	_ =	shalt  }

</sc_bundles>
